<compile_context>
chip_gen: v7x
topology: tpu7x:2x2x1
jax: 0.10.2.dev20260603
libtpu: 0.0.44.dev20260713+nightly
codegen_flags: <defaults>
</compile_context>

<pallas_src>
import functools
import math

import jax
import jax.numpy as jnp
from jax import lax
from jax.experimental import pallas as pl
from jax.experimental.pallas import tpu as pltpu
from jax.experimental.pallas import tpu_sc as plsc

NC = 2
NS = 16
NW = NC * NS
L = 16
CH = 128



def _tc_proj_body(x_ref, wq_ref, wk_ref, wv_ref, xq_ref, xk_ref, xv_ref):
    xb = x_ref[...]
    xq_ref[...] = jnp.dot(xb, wq_ref[...], preferred_element_type=jnp.float32)
    xk_ref[...] = jnp.dot(xb, wk_ref[...], preferred_element_type=jnp.float32)
    xv_ref[...] = jnp.dot(xb, wv_ref[...], preferred_element_type=jnp.float32)


def _tc_ew_body(e_ref, w_ref, ew_ref):
    ew_ref[...] = jnp.dot(e_ref[...], w_ref[...],
                          preferred_element_type=jnp.float32)


def _tc_ewp_body(e3_ref, w_ref, ewp_ref):
    parts = []
    for i in range(8):
        parts.append(jnp.dot(e3_ref[:, i, :], w_ref[...],
                             preferred_element_type=jnp.float32))
    ewp_ref[...] = jnp.concatenate(parts, axis=1)


def _layer_norm(v, g, b, eps=1e-5):
    m = jnp.mean(v, axis=-1, keepdims=True)
    var = jnp.mean((v - m) * (v - m), axis=-1, keepdims=True)
    return (v - m) / jnp.sqrt(var + eps) * g + b


def _tc_node_body(o0_ref, o1_ref, d0_ref, d1_ref, p_ref, x_ref, wo_ref,
                  bo_ref, g1_ref, b1_ref,
                  weu1_ref, weu2_ref, beu_ref, wf1_ref, bf1_ref, wf2_ref,
                  bf2_ref, g2_ref, b2_ref, xout_ref, a_ref, bbuf_ref):
    den = jnp.dot(d0_ref[...] + d1_ref[...], p_ref[...],
                  preferred_element_type=jnp.float32) + 1e-9
    agg = (o0_ref[...] + o1_ref[...]) / den
    out = jnp.dot(agg, wo_ref[...],
                  preferred_element_type=jnp.float32) + bo_ref[...]
    x1 = _layer_norm(x_ref[...] + out, g1_ref[...], b1_ref[...])
    a_ref[...] = jnp.dot(x1, weu1_ref[...], preferred_element_type=jnp.float32)
    bbuf_ref[...] = jnp.dot(x1, weu2_ref[...],
                            preferred_element_type=jnp.float32) + beu_ref[...]
    h = jnp.dot(x1, wf1_ref[...], preferred_element_type=jnp.float32) + bf1_ref[...]
    h = 0.5 * h * (1.0 + lax.erf(h * (1.0 / math.sqrt(2.0))))
    h = jnp.dot(h, wf2_ref[...], preferred_element_type=jnp.float32) + bf2_ref[...]
    xout_ref[...] = _layer_norm(x1 + h, g2_ref[...], b2_ref[...])


def _tc_eout_body(e_ref, g_ref, gw_ref, bw_ref, eout_ref):
    eout_ref[...] = _layer_norm(e_ref[...] + g_ref[...], gw_ref[...], bw_ref[...])



def _wid(cid, sid):
    return sid * NC + cid


def _node_split(n_nodes):
    rps8 = (n_nodes // NS) // 8 * 8
    tail = n_nodes - rps8 * NS
    return rps8, tail


def _sliced_copy(src_ref, dst_ref, sid, rps8, tail):
    nfull, rem = rps8 // CH, rps8 % CH

    @pl.loop(0, nfull)
    def _cp(t):
        rs = pl.ds(sid * rps8 + t * CH, CH)
        pltpu.sync_copy(src_ref.at[rs], dst_ref.at[rs])
    if rem:
        rs = pl.ds(sid * rps8 + nfull * CH, rem)
        pltpu.sync_copy(src_ref.at[rs], dst_ref.at[rs])
    if tail:
        @pl.when(sid == NS - 1)
        def _():
            ts = pl.ds(NS * rps8, tail)
            pltpu.sync_copy(src_ref.at[ts], dst_ref.at[ts])


def _zero_fill(zbuf_ref, dst_ref, sid, rps8, tail):
    zlen = zbuf_ref.shape[0]
    nfull, rem = rps8 // zlen, rps8 % zlen

    @pl.loop(0, nfull)
    def _cp(t):
        pltpu.sync_copy(zbuf_ref,
                        dst_ref.at[pl.ds(sid * rps8 + t * zlen, zlen)])
    if rem:
        pltpu.sync_copy(zbuf_ref.at[pl.ds(0, rem)],
                        dst_ref.at[pl.ds(sid * rps8 + nfull * zlen, rem)])
    if tail:
        @pl.when(sid == NS - 1)
        def _():
            pltpu.sync_copy(zbuf_ref.at[pl.ds(0, tail)],
                            dst_ref.at[pl.ds(NS * rps8, tail)])


def _idx_descs(src_hbm, dst_hbm, src_v, dst_v, s, base, ch, sem):
    return (pltpu.make_async_copy(src_hbm.at[pl.ds(base, ch)], src_v.at[s], sem),
            pltpu.make_async_copy(dst_hbm.at[pl.ds(base, ch)], dst_v.at[s], sem))


def _sc_attn_body(nch, ch, n_nodes, xq_hbm, xk_hbm, ew_hbm, src_hbm, dst_hbm,
                  aexp_hbm, d0_hbm, d1_hbm,
                  src_v, dst_v, q_v, k_v, ew_v, aexp_v, pad_v,
                  dsh, sem_i0, sem_i1, sem_g0, sem_g1, sem_w0, sem_w1):
    cid = lax.axis_index("c")
    sid = lax.axis_index("s")
    w = _wid(cid, sid)
    rps8, tail = _node_split(n_nodes)
    sem_i = (sem_i0, sem_i1)
    sem_g = (sem_g0, sem_g1)
    sem_w = (sem_w0, sem_w1)

    @pl.loop(0, ch)
    def _zb(i):
        for h in range(8):
            pad_v[i, pl.ds(h * 16, 16)] = jnp.zeros((16,), jnp.float32)
    _zero_fill(pad_v, dsh, sid, rps8, tail)
    plsc.subcore_barrier()

    lanes = lax.iota(jnp.int32, L)
    swap8 = jnp.bitwise_xor(lanes, 8)
    n_iters = (nch + NW - 1) // NW
    npair = (n_iters + 1) // 2

    @pl.loop(0, npair)
    def _pair(t):
        for s in (0, 1):
            c = w + NW * (2 * t + s)

            @pl.when(c < nch)
            def _(c=c, s=s):
                for d in _idx_descs(src_hbm, dst_hbm, src_v, dst_v, s,
                                    c * ch, ch, sem_i[s]):
                    d.start()
        for s in (0, 1):
            c = w + NW * (2 * t + s)
            cp = w + NW * (2 * (t - 1) + s)

            @pl.when(c < nch)
            def _(c=c, cp=cp, s=s, t=t):
                for d in _idx_descs(src_hbm, dst_hbm, src_v, dst_v, s,
                                    c * ch, ch, sem_i[s]):
                    d.wait()

                @pl.when(jnp.logical_and(t > 0, cp < nch))
                def _():
                    pltpu.make_async_copy(
                        aexp_v.at[s], aexp_hbm.at[pl.ds(cp * ch * L, ch * L)],
                        sem_w[s]).wait()
                pltpu.make_async_copy(xq_hbm.at[dst_v.at[s]], q_v.at[s],
                                      sem_g[s]).start()
                pltpu.make_async_copy(xk_hbm.at[src_v.at[s]], k_v.at[s],
                                      sem_g[s]).start()
                pltpu.make_async_copy(ew_hbm.at[pl.ds(c * (ch // 8), ch // 8)],
                                      ew_v.at[s], sem_g[s]).start()
        for s in (0, 1):
            c = w + NW * (2 * t + s)

            @pl.when(c < nch)
            def _(c=c, s=s):
                pltpu.make_async_copy(xq_hbm.at[dst_v.at[s]], q_v.at[s],
                                      sem_g[s]).wait()
                pltpu.make_async_copy(xk_hbm.at[src_v.at[s]], k_v.at[s],
                                      sem_g[s]).wait()
                pltpu.make_async_copy(ew_hbm.at[pl.ds(c * (ch // 8), ch // 8)],
                                      ew_v.at[s], sem_g[s]).wait()

                @pl.loop(0, ch)
                def _edge(i):
                    acc = q_v[s, i, pl.ds(0, 16)] * k_v[s, i, pl.ds(0, 16)]
                    for r in range(1, 8):
                        sl = pl.ds(r * 16, 16)
                        acc = acc + q_v[s, i, sl] * k_v[s, i, sl]
                    av = acc + jnp.take(acc, swap8)
                    ew16 = ew_v[s, i // 8, pl.ds((i % 8) * 16, 16)]
                    a = av * 0.25 + ew16
                    row = jnp.where(lanes < 8, jnp.exp(a), 0.0)
                    aexp_v[s, pl.ds(i * L, L)] = row
                    pad_v[i, pl.ds(0, L)] = row

                pltpu.sync_copy(pad_v, dsh.at[dst_v.at[s]], add=True)
                pltpu.make_async_copy(
                    aexp_v.at[s], aexp_hbm.at[pl.ds(c * ch * L, ch * L)],
                    sem_w[s]).start()

    for s in (0, 1):
        cl = w + NW * (2 * (npair - 1) + s)

        @pl.when(cl < nch)
        def _(cl=cl, s=s):
            pltpu.make_async_copy(
                aexp_v.at[s], aexp_hbm.at[pl.ds(cl * ch * L, ch * L)],
                sem_w[s]).wait()

    plsc.subcore_barrier()

    @pl.when(cid == 0)
    def _():
        _sliced_copy(dsh, d0_hbm, sid, rps8, tail)

    @pl.when(cid == 1)
    def _():
        _sliced_copy(dsh, d1_hbm, sid, rps8, tail)


def _sc_agg_body(nch, ch, n_nodes, xv_hbm, aexp_hbm, src_hbm, dst_hbm,
                 o0_hbm, o1_hbm,
                 src_v, dst_v, v_v, aexp_v,
                 osh, sem_i0, sem_i1, sem_g0, sem_g1):
    cid = lax.axis_index("c")
    sid = lax.axis_index("s")
    w = _wid(cid, sid)
    rps8, tail = _node_split(n_nodes)
    swap8 = jnp.bitwise_xor(lax.iota(jnp.int32, L), 8)
    sem_i = (sem_i0, sem_i1)
    sem_g = (sem_g0, sem_g1)

    @pl.loop(0, ch)
    def _zb(i):
        for h in range(8):
            v_v[0, i, pl.ds(h * 16, 16)] = jnp.zeros((16,), jnp.float32)
    _zero_fill(v_v.at[0], osh, sid, rps8, tail)
    plsc.subcore_barrier()

    n_iters = (nch + NW - 1) // NW
    npair = (n_iters + 1) // 2

    @pl.loop(0, npair)
    def _pair(t):
        for s in (0, 1):
            c = w + NW * (2 * t + s)

            @pl.when(c < nch)
            def _(c=c, s=s):
                for d in _idx_descs(src_hbm, dst_hbm, src_v, dst_v, s,
                                    c * ch, ch, sem_i[s]):
                    d.start()
        for s in (0, 1):
            c = w + NW * (2 * t + s)

            @pl.when(c < nch)
            def _(c=c, s=s):
                for d in _idx_descs(src_hbm, dst_hbm, src_v, dst_v, s,
                                    c * ch, ch, sem_i[s]):
                    d.wait()
                pltpu.make_async_copy(xv_hbm.at[src_v.at[s]], v_v.at[s],
                                      sem_g[s]).start()
                pltpu.make_async_copy(aexp_hbm.at[pl.ds(c * ch * L, ch * L)],
                                      aexp_v.at[s], sem_g[s]).start()
        for s in (0, 1):
            c = w + NW * (2 * t + s)

            @pl.when(c < nch)
            def _(c=c, s=s):
                pltpu.make_async_copy(xv_hbm.at[src_v.at[s]], v_v.at[s],
                                      sem_g[s]).wait()
                pltpu.make_async_copy(aexp_hbm.at[pl.ds(c * ch * L, ch * L)],
                                      aexp_v.at[s], sem_g[s]).wait()

                @pl.loop(0, ch)
                def _scale(i):
                    nr = aexp_v[s, pl.ds(i * L, L)]
                    mult = nr + jnp.take(nr, swap8)
                    for r in range(8):
                        sl = pl.ds(r * 16, 16)
                        v_v[s, i, sl] = v_v[s, i, sl] * mult

                pltpu.sync_copy(v_v.at[s], osh.at[dst_v.at[s]], add=True)

    plsc.subcore_barrier()

    @pl.when(cid == 0)
    def _():
        _sliced_copy(osh, o0_hbm, sid, rps8, tail)

    @pl.when(cid == 1)
    def _():
        _sliced_copy(osh, o1_hbm, sid, rps8, tail)


def _sc_eg_body(nch, ch, a_hbm, b_hbm, src_hbm, dst_hbm, g_hbm,
                src_v, dst_v, a_v, b_v,
                sem_i0, sem_i1, sem_g0, sem_g1, sem_w0, sem_w1):
    cid = lax.axis_index("c")
    sid = lax.axis_index("s")
    w = _wid(cid, sid)
    sem_i = (sem_i0, sem_i1)
    sem_g = (sem_g0, sem_g1)
    sem_w = (sem_w0, sem_w1)
    n_iters = (nch + NW - 1) // NW
    npair = (n_iters + 1) // 2

    @pl.loop(0, npair)
    def _pair(t):
        for s in (0, 1):
            c = w + NW * (2 * t + s)

            @pl.when(c < nch)
            def _(c=c, s=s):
                for d in _idx_descs(src_hbm, dst_hbm, src_v, dst_v, s,
                                    c * ch, ch, sem_i[s]):
                    d.start()
        for s in (0, 1):
            c = w + NW * (2 * t + s)
            cp = w + NW * (2 * (t - 1) + s)

            @pl.when(c < nch)
            def _(c=c, cp=cp, s=s, t=t):
                for d in _idx_descs(src_hbm, dst_hbm, src_v, dst_v, s,
                                    c * ch, ch, sem_i[s]):
                    d.wait()

                @pl.when(jnp.logical_and(t > 0, cp < nch))
                def _():
                    pltpu.make_async_copy(
                        a_v.at[s], g_hbm.at[pl.ds(cp * ch, ch)],
                        sem_w[s]).wait()
                pltpu.make_async_copy(a_hbm.at[src_v.at[s]], a_v.at[s],
                                      sem_g[s]).start()
                pltpu.make_async_copy(b_hbm.at[dst_v.at[s]], b_v.at[s],
                                      sem_g[s]).start()
        for s in (0, 1):
            c = w + NW * (2 * t + s)

            @pl.when(c < nch)
            def _(c=c, s=s):
                pltpu.make_async_copy(a_hbm.at[src_v.at[s]], a_v.at[s],
                                      sem_g[s]).wait()
                pltpu.make_async_copy(b_hbm.at[dst_v.at[s]], b_v.at[s],
                                      sem_g[s]).wait()

                @pl.loop(0, ch)
                def _edge(i):
                    for r in range(8):
                        sl = pl.ds(r * 16, 16)
                        a_v[s, i, sl] = a_v[s, i, sl] + b_v[s, i, sl]

                pltpu.make_async_copy(
                    a_v.at[s], g_hbm.at[pl.ds(c * ch, ch)], sem_w[s]).start()

    for s in (0, 1):
        cl = w + NW * (2 * (npair - 1) + s)

        @pl.when(cl < nch)
        def _(cl=cl, s=s):
            pltpu.make_async_copy(
                a_v.at[s], g_hbm.at[pl.ds(cl * ch, ch)], sem_w[s]).wait()



def kernel(x, e, edge_index, Wq, Wk, Wv, We_attn, Wo, bo, Weu, beu,
           g1, b1, ge_w, be_w, g2, b2, Wf1, bf1, Wf2, bf2):
    N, D = x.shape
    E = e.shape[0]
    f32 = jnp.float32
    mesh = plsc.VectorSubcoreMesh(core_axis_name="c", subcore_axis_name="s")

    perm = jnp.asarray([(j % 8) * 16 + j // 8 for j in range(D)], jnp.int32)
    BN = 2000
    xq, xk, xv = pl.pallas_call(
        _tc_proj_body,
        grid=(N // BN,),
        in_specs=[pl.BlockSpec((BN, D), lambda i: (i, 0))] +
                 [pl.BlockSpec((D, D), lambda i: (0, 0))] * 3,
        out_specs=[pl.BlockSpec((BN, D), lambda i: (i, 0))] * 3,
        out_shape=[jax.ShapeDtypeStruct((N, D), f32)] * 3,
    )(x, Wq[:, perm], Wk[:, perm], Wv[:, perm])

    BE = 4000
    wea16 = jnp.zeros((D, L), f32).at[:, :8].set(We_attn)
    e3 = jnp.reshape(e, (E // 8, 8, D))
    BEW = 1000
    ew = pl.pallas_call(
        _tc_ewp_body,
        grid=(E // 8 // BEW,),
        in_specs=[pl.BlockSpec((BEW, 8, D), lambda i: (i, 0, 0)),
                  pl.BlockSpec((D, L), lambda i: (0, 0))],
        out_specs=pl.BlockSpec((BEW, D), lambda i: (i, 0)),
        out_shape=jax.ShapeDtypeStruct((E // 8, D), f32),
    )(e3, wea16)

    CHA = 64
    attn_kernel = pl.kernel(
        functools.partial(_sc_attn_body, E // CHA, CHA, N),
        out_type=[jax.ShapeDtypeStruct((E * L,), f32),
                  jax.ShapeDtypeStruct((N, D), f32),
                  jax.ShapeDtypeStruct((N, D), f32)],
        mesh=mesh,
        compiler_params=pltpu.CompilerParams(needs_layout_passes=False),
        scratch_types=[
            pltpu.VMEM((2, CHA), jnp.int32),
            pltpu.VMEM((2, CHA), jnp.int32),
            pltpu.VMEM((2, CHA, D), f32),
            pltpu.VMEM((2, CHA, D), f32),
            pltpu.VMEM((2, CHA // 8, D), f32),
            pltpu.VMEM((2, CHA * L), f32),
            pltpu.VMEM((CHA, D), f32),
            pltpu.VMEM_SHARED((N, D), f32),
            pltpu.SemaphoreType.DMA,
            pltpu.SemaphoreType.DMA,
            pltpu.SemaphoreType.DMA,
            pltpu.SemaphoreType.DMA,
            pltpu.SemaphoreType.DMA,
            pltpu.SemaphoreType.DMA,
        ],
    )
    ei_src = edge_index[0]
    ei_dst = edge_index[1]
    aexp, den0, den1 = attn_kernel(xq, xk, ew, ei_src, ei_dst)

    CHG = 128
    agg_kernel = pl.kernel(
        functools.partial(_sc_agg_body, E // CHG, CHG, N),
        out_type=[jax.ShapeDtypeStruct((N, D), f32),
                  jax.ShapeDtypeStruct((N, D), f32)],
        mesh=mesh,
        compiler_params=pltpu.CompilerParams(needs_layout_passes=False),
        scratch_types=[
            pltpu.VMEM((2, CHG), jnp.int32),
            pltpu.VMEM((2, CHG), jnp.int32),
            pltpu.VMEM((2, CHG, D), f32),
            pltpu.VMEM((2, CHG * L), f32),
            pltpu.VMEM_SHARED((N, D), f32),
            pltpu.SemaphoreType.DMA,
            pltpu.SemaphoreType.DMA,
            pltpu.SemaphoreType.DMA,
            pltpu.SemaphoreType.DMA,
        ],
    )
    o0, o1 = agg_kernel(xv, aexp, ei_src, ei_dst)

    weu1 = Weu[:D]
    weu2 = Weu[D:]
    pexp = jnp.zeros((D, D), f32)
    for _h in range(8):
        pexp = pexp.at[_h, _h::8].set(1.0)
    vec = lambda: pl.BlockSpec((D,), lambda i: (0,))
    x_out, a_nodes, b_nodes = pl.pallas_call(
        _tc_node_body,
        grid=(N // BN,),
        in_specs=[pl.BlockSpec((BN, D), lambda i: (i, 0))] * 2 +
                 [pl.BlockSpec((BN, D), lambda i: (i, 0))] * 2 +
                 [pl.BlockSpec((D, D), lambda i: (0, 0))] +
                 [pl.BlockSpec((BN, D), lambda i: (i, 0))] +
                 [pl.BlockSpec((D, D), lambda i: (0, 0)), vec(), vec(), vec(),
                  pl.BlockSpec((D, D), lambda i: (0, 0)),
                  pl.BlockSpec((D, D), lambda i: (0, 0)), vec(),
                  pl.BlockSpec((D, 2 * D), lambda i: (0, 0)),
                  pl.BlockSpec((2 * D,), lambda i: (0,)),
                  pl.BlockSpec((2 * D, D), lambda i: (0, 0)),
                  vec(), vec(), vec()],
        out_specs=[pl.BlockSpec((BN, D), lambda i: (i, 0))] * 3,
        out_shape=[jax.ShapeDtypeStruct((N, D), f32)] * 3,
    )(o0, o1, den0, den1, pexp, x, Wo[perm, :], bo, g1, b1, weu1, weu2, beu,
      Wf1, bf1, Wf2, bf2, g2, b2)

    eg_kernel = pl.kernel(
        functools.partial(_sc_eg_body, E // CH, CH),
        out_type=jax.ShapeDtypeStruct((E, D), f32),
        mesh=mesh,
        compiler_params=pltpu.CompilerParams(needs_layout_passes=False),
        scratch_types=[
            pltpu.VMEM((2, CH), jnp.int32),
            pltpu.VMEM((2, CH), jnp.int32),
            pltpu.VMEM((2, CH, D), f32),
            pltpu.VMEM((2, CH, D), f32),
            pltpu.SemaphoreType.DMA,
            pltpu.SemaphoreType.DMA,
            pltpu.SemaphoreType.DMA,
            pltpu.SemaphoreType.DMA,
            pltpu.SemaphoreType.DMA,
            pltpu.SemaphoreType.DMA,
        ],
    )
    g_edges = eg_kernel(a_nodes, b_nodes, ei_src, ei_dst)

    e_out = pl.pallas_call(
        _tc_eout_body,
        grid=(E // BE,),
        in_specs=[pl.BlockSpec((BE, D), lambda i: (i, 0)),
                  pl.BlockSpec((BE, D), lambda i: (i, 0)), vec(), vec()],
        out_specs=pl.BlockSpec((BE, D), lambda i: (i, 0)),
        out_shape=jax.ShapeDtypeStruct((E, D), f32),
    )(e, g_edges, ge_w, be_w)

    return (x_out, e_out)

# --- scband reference (transcript-rebuilt; emitter-appended) ---
"""Pipeline reference for scband-gtlayer-34540126994678 (READ-ONLY COPY).

The authoritative reference and input builder live on the scoring server;
editing this copy changes nothing except your own understanding.
"""

import math
import jax, jax.numpy as jnp
import numpy as np

N, E, D_MODEL, H = 10000, 320000, 128, 8
D_HEAD = D_MODEL // H

def layer_norm(v, g, b, eps=1e-5):
    m = jnp.mean(v, axis=-1, keepdims=True)
    var = jnp.var(v, axis=-1, keepdims=True)
    return (v - m) / jnp.sqrt(var + eps) * g + b

def setup_inputs(seed: int = 0):
    key = jax.random.key(seed)
    ks = jax.random.split(key, 12)
    s = 0.05
    x = jax.random.normal(ks[0], (N, D_MODEL), dtype=jnp.float32)
    e = jax.random.normal(ks[1], (E, D_MODEL), dtype=jnp.float32)
    edge_index = jax.random.randint(ks[2], (2, E), 0, N, dtype=jnp.int32)
    Wq = jax.random.normal(ks[3], (D_MODEL, D_MODEL), jnp.float32) * s
    Wk = jax.random.normal(ks[4], (D_MODEL, D_MODEL), jnp.float32) * s
    Wv = jax.random.normal(ks[5], (D_MODEL, D_MODEL), jnp.float32) * s
    We_attn = jax.random.normal(ks[6], (D_MODEL, H), jnp.float32) * s
    Wo = jax.random.normal(ks[7], (D_MODEL, D_MODEL), jnp.float32) * s
    bo = jnp.zeros((D_MODEL,), jnp.float32)
    Weu = jax.random.normal(ks[8], (2 * D_MODEL, D_MODEL), jnp.float32) * s
    beu = jnp.zeros((D_MODEL,), jnp.float32)
    Wf1 = jax.random.normal(ks[9], (D_MODEL, 2 * D_MODEL), jnp.float32) * s
    bf1 = jnp.zeros((2 * D_MODEL,), jnp.float32)
    Wf2 = jax.random.normal(ks[10], (2 * D_MODEL, D_MODEL), jnp.float32) * s
    bf2 = jnp.zeros((D_MODEL,), jnp.float32)
    g1 = jnp.ones((D_MODEL,), jnp.float32); b1 = jnp.zeros((D_MODEL,), jnp.float32)
    ge_w = jnp.ones((D_MODEL,), jnp.float32); be_w = jnp.zeros((D_MODEL,), jnp.float32)
    g2 = jnp.ones((D_MODEL,), jnp.float32); b2 = jnp.zeros((D_MODEL,), jnp.float32)
    return {"x": x, "e": e, "edge_index": edge_index, "Wq": Wq, "Wk": Wk, "Wv": Wv,
            "We_attn": We_attn, "Wo": Wo, "bo": bo, "Weu": Weu, "beu": beu,
            "g1": g1, "b1": b1, "ge_w": ge_w, "be_w": be_w, "g2": g2, "b2": b2,
            "Wf1": Wf1, "bf1": bf1, "Wf2": Wf2, "bf2": bf2}

def reference(x, e, edge_index, Wq, Wk, Wv, We_attn, Wo, bo, Weu, beu,
              g1, b1, ge_w, be_w, g2, b2, Wf1, bf1, Wf2, bf2):
    src = edge_index[0]
    dst = edge_index[1]
    Q = (x[dst] @ Wq).reshape(E, H, D_HEAD)
    K = (x[src] @ Wk).reshape(E, H, D_HEAD)
    V = (x[src] @ Wv).reshape(E, H, D_HEAD)
    attn = jnp.sum(Q * K, axis=-1) / math.sqrt(D_HEAD)
    attn = attn + e @ We_attn
    attn_exp = jnp.exp(attn - jnp.max(attn, axis=0, keepdims=True))
    denom = jnp.zeros((N, H), jnp.float32).at[dst].add(attn_exp)
    attn_norm = attn_exp / (denom[dst] + 1e-9)
    agg = (attn_norm[..., None] * V).reshape(E, D_MODEL)
    out = jnp.zeros((N, D_MODEL), jnp.float32).at[dst].add(agg)
    out = out @ Wo + bo
    x1 = layer_norm(x + out, g1, b1)
    e_new = jnp.concatenate([x1[src], x1[dst]], axis=-1) @ Weu + beu
    e_out = layer_norm(e + e_new, ge_w, be_w)
    h = jax.nn.gelu(x1 @ Wf1 + bf1, approximate=False) @ Wf2 + bf2
    x_out = layer_norm(x1 + h, g2, b2)
    return (x_out, e_out)

if __name__ == "__main__":
    import jax
    _d = setup_inputs()
    print(jax.jit(kernel)(*tuple(_d.values())))

</pallas_src>

<mosaic_0001>
#map = affine_map<(d0, d1) -> (0, 0)>
#map1 = affine_map<(d0, d1) -> (0)>
module attributes {stable_mosaic.version = 14 : i64} {
  func.func @_sc_eg_body(%arg0: i32, %arg1: i32, %arg2: memref<10000x128xf32, #tpu.memory_space<hbm>>, %arg3: memref<10000x128xf32, #tpu.memory_space<hbm>>, %arg4: memref<320000xi32, #tpu.memory_space<hbm>>, %arg5: memref<320000xi32, #tpu.memory_space<hbm>>, %arg6: memref<320000x128xf32, #tpu.memory_space<hbm>>, %arg7: memref<2x128xi32, #tpu.memory_space<vmem>>, %arg8: memref<2x128xi32, #tpu.memory_space<vmem>>, %arg9: memref<2x128x128xf32, #tpu.memory_space<vmem>>, %arg10: memref<2x128x128xf32, #tpu.memory_space<vmem>>, %arg11: memref<!tpu.dma_semaphore, #tpu.memory_space<semaphore_mem>>, %arg12: memref<!tpu.dma_semaphore, #tpu.memory_space<semaphore_mem>>, %arg13: memref<!tpu.dma_semaphore, #tpu.memory_space<semaphore_mem>>, %arg14: memref<!tpu.dma_semaphore, #tpu.memory_space<semaphore_mem>>, %arg15: memref<!tpu.dma_semaphore, #tpu.memory_space<semaphore_mem>>, %arg16: memref<!tpu.dma_semaphore, #tpu.memory_space<semaphore_mem>>) attributes {dimension_semantics = [#tpu.dimension_semantics<core_parallel>, #tpu.dimension_semantics<subcore_parallel>], iteration_bounds = array<i64: 2, 16>, scalar_prefetch = 0 : i64, scratch_operands = 10 : i64, tpu.core_type = #tpu.core_type<sc_vector_subcore>, window_params = [{transform_indices = #map}, {transform_indices = #map}, {transform_indices = #map1}, {transform_indices = #map1}, {transform_indices = #map}]} {
    %mul3A = arith.constant 2 : i32
    %mul3A_0 = arith.muli %arg1, %mul3A : i32
    %add3A = arith.addi %mul3A_0, %arg0 : i32
    %scan3A = arith.constant 0 : i32
    %scan3A_1 = arith.constant 40 : i32
    %scan3A_2 = arith.addi %scan3A, %scan3A_1 : i32
    %scan3A_3 = arith.constant 1 : i32
    scf.for %scan3A_16 = %scan3A to %scan3A_2 step %scan3A_3  : i32 {
      %mul3A_17 = arith.constant 1 : i32
      %mul3A_18 = arith.muli %scan3A_16, %mul3A_17 : i32
      %add3A_19 = arith.constant 0 : i32
      %add3A_20 = arith.addi %add3A_19, %mul3A_18 : i32
      %mul3A_21 = arith.constant 2 : i32
      %mul3A_22 = arith.muli %mul3A_21, %add3A_20 : i32
      %add3A_23 = arith.constant 0 : i32
      %add3A_24 = arith.addi %mul3A_22, %add3A_23 : i32
      %mul3A_25 = arith.constant 32 : i32
      %mul3A_26 = arith.muli %mul3A_25, %add3A_24 : i32
      %add3A_27 = arith.addi %add3A, %mul3A_26 : i32
      %lt3A_28 = arith.constant 2500 : i32
      %lt3A_29 = arith.cmpi slt, %add3A_27, %lt3A_28 : i32
      %convert_element_type3A_30 = arith.extui %lt3A_29 : i1 to i32
      %cond3A_31 = arith.constant 0 : i32
      %cond3A_32 = arith.cmpi ne, %convert_element_type3A_30, %cond3A_31 : i32
      scf.if %cond3A_32 {
        %mul3A_110 = arith.constant 128 : i32
        %mul3A_111 = arith.muli %add3A_27, %mul3A_110 : i32
        %dma_start3A = arith.constant 0 : i32
        %dma_start3A_112 = arith.constant 0 : i32
        %dma_start3A_113 = tpu.memref_slice %arg7[%dma_start3A, %dma_start3A_112] : memref<2x128xi32, #tpu.memory_space<vmem>> -> memref<1x128xi32, #tpu.memory_space<vmem>>
        %dma_start3A_114 = tpu.memref_squeeze %dma_start3A_113 : memref<1x128xi32, #tpu.memory_space<vmem>> -> memref<128xi32, #tpu.memory_space<vmem>>
        %dma_start3A_115 = tpu.memref_slice %arg4[%mul3A_111] : memref<320000xi32, #tpu.memory_space<hbm>> -> memref<128xi32, #tpu.memory_space<hbm>>
        %dma_start3A_116 = arith.constant 0 : i32
        %dma_start3A_117 = tpu.memref_slice %arg7[%dma_start3A, %dma_start3A_116] : memref<2x128xi32, #tpu.memory_space<vmem>> -> memref<1x128xi32, #tpu.memory_space<vmem>>
        %dma_start3A_118 = tpu.memref_squeeze %dma_start3A_117 : memref<1x128xi32, #tpu.memory_space<vmem>> -> memref<128xi32, #tpu.memory_space<vmem>>
        %dma_start3A_119 = tpu.memref_slice %arg4[%mul3A_111] : memref<320000xi32, #tpu.memory_space<hbm>> -> memref<128xi32, #tpu.memory_space<hbm>>
        tpu.enqueue_dma source(%dma_start3A_119 : memref<128xi32, #tpu.memory_space<hbm>>) target(%dma_start3A_118 : memref<128xi32, #tpu.memory_space<vmem>>) target_semaphore(%arg11 : memref<!tpu.dma_semaphore, #tpu.memory_space<semaphore_mem>>)
        %dma_start3A_120 = arith.constant 0 : i32
        %dma_start3A_121 = arith.constant 0 : i32
        %dma_start3A_122 = tpu.memref_slice %arg8[%dma_start3A_120, %dma_start3A_121] : memref<2x128xi32, #tpu.memory_space<vmem>> -> memref<1x128xi32, #tpu.memory_space<vmem>>
        %dma_start3A_123 = tpu.memref_squeeze %dma_start3A_122 : memref<1x128xi32, #tpu.memory_space<vmem>> -> memref<128xi32, #tpu.memory_space<vmem>>
        %dma_start3A_124 = tpu.memref_slice %arg5[%mul3A_111] : memref<320000xi32, #tpu.memory_space<hbm>> -> memref<128xi32, #tpu.memory_space<hbm>>
        %dma_start3A_125 = arith.constant 0 : i32
        %dma_start3A_126 = tpu.memref_slice %arg8[%dma_start3A_120, %dma_start3A_125] : memref<2x128xi32, #tpu.memory_space<vmem>> -> memref<1x128xi32, #tpu.memory_space<vmem>>
        %dma_start3A_127 = tpu.memref_squeeze %dma_start3A_126 : memref<1x128xi32, #tpu.memory_space<vmem>> -> memref<128xi32, #tpu.memory_space<vmem>>
        %dma_start3A_128 = tpu.memref_slice %arg5[%mul3A_111] : memref<320000xi32, #tpu.memory_space<hbm>> -> memref<128xi32, #tpu.memory_space<hbm>>
        tpu.enqueue_dma source(%dma_start3A_128 : memref<128xi32, #tpu.memory_space<hbm>>) target(%dma_start3A_127 : memref<128xi32, #tpu.memory_space<vmem>>) target_semaphore(%arg11 : memref<!tpu.dma_semaphore, #tpu.memory_space<semaphore_mem>>)
      } else {
      }
      %mul3A_33 = arith.constant 2 : i32
      %mul3A_34 = arith.muli %mul3A_33, %add3A_20 : i32
      %add3A_35 = arith.constant 1 : i32
      %add3A_36 = arith.addi %mul3A_34, %add3A_35 : i32
      %mul3A_37 = arith.constant 32 : i32
      %mul3A_38 = arith.muli %mul3A_37, %add3A_36 : i32
      %add3A_39 = arith.addi %add3A, %mul3A_38 : i32
      %lt3A_40 = arith.constant 2500 : i32
      %lt3A_41 = arith.cmpi slt, %add3A_39, %lt3A_40 : i32
      %convert_element_type3A_42 = arith.extui %lt3A_41 : i1 to i32
      %cond3A_43 = arith.constant 0 : i32
      %cond3A_44 = arith.cmpi ne, %convert_element_type3A_42, %cond3A_43 : i32
      scf.if %cond3A_44 {
        %mul3A_110 = arith.constant 128 : i32
        %mul3A_111 = arith.muli %add3A_39, %mul3A_110 : i32
        %dma_start3A = arith.constant 1 : i32
        %dma_start3A_112 = arith.constant 0 : i32
        %dma_start3A_113 = tpu.memref_slice %arg7[%dma_start3A, %dma_start3A_112] : memref<2x128xi32, #tpu.memory_space<vmem>> -> memref<1x128xi32, #tpu.memory_space<vmem>>
        %dma_start3A_114 = tpu.memref_squeeze %dma_start3A_113 : memref<1x128xi32, #tpu.memory_space<vmem>> -> memref<128xi32, #tpu.memory_space<vmem>>
        %dma_start3A_115 = tpu.memref_slice %arg4[%mul3A_111] : memref<320000xi32, #tpu.memory_space<hbm>> -> memref<128xi32, #tpu.memory_space<hbm>>
        %dma_start3A_116 = arith.constant 0 : i32
        %dma_start3A_117 = tpu.memref_slice %arg7[%dma_start3A, %dma_start3A_116] : memref<2x128xi32, #tpu.memory_space<vmem>> -> memref<1x128xi32, #tpu.memory_space<vmem>>
        %dma_start3A_118 = tpu.memref_squeeze %dma_start3A_117 : memref<1x128xi32, #tpu.memory_space<vmem>> -> memref<128xi32, #tpu.memory_space<vmem>>
        %dma_start3A_119 = tpu.memref_slice %arg4[%mul3A_111] : memref<320000xi32, #tpu.memory_space<hbm>> -> memref<128xi32, #tpu.memory_space<hbm>>
        tpu.enqueue_dma source(%dma_start3A_119 : memref<128xi32, #tpu.memory_space<hbm>>) target(%dma_start3A_118 : memref<128xi32, #tpu.memory_space<vmem>>) target_semaphore(%arg12 : memref<!tpu.dma_semaphore, #tpu.memory_space<semaphore_mem>>)
        %dma_start3A_120 = arith.constant 1 : i32
        %dma_start3A_121 = arith.constant 0 : i32
        %dma_start3A_122 = tpu.memref_slice %arg8[%dma_start3A_120, %dma_start3A_121] : memref<2x128xi32, #tpu.memory_space<vmem>> -> memref<1x128xi32, #tpu.memory_space<vmem>>
        %dma_start3A_123 = tpu.memref_squeeze %dma_start3A_122 : memref<1x128xi32, #tpu.memory_space<vmem>> -> memref<128xi32, #tpu.memory_space<vmem>>
        %dma_start3A_124 = tpu.memref_slice %arg5[%mul3A_111] : memref<320000xi32, #tpu.memory_space<hbm>> -> memref<128xi32, #tpu.memory_space<hbm>>
        %dma_start3A_125 = arith.constant 0 : i32
        %dma_start3A_126 = tpu.memref_slice %arg8[%dma_start3A_120, %dma_start3A_125] : memref<2x128xi32, #tpu.memory_space<vmem>> -> memref<1x128xi32, #tpu.memory_space<vmem>>
        %dma_start3A_127 = tpu.memref_squeeze %dma_start3A_126 : memref<1x128xi32, #tpu.memory_space<vmem>> -> memref<128xi32, #tpu.memory_space<vmem>>
        %dma_start3A_128 = tpu.memref_slice %arg5[%mul3A_111] : memref<320000xi32, #tpu.memory_space<hbm>> -> memref<128xi32, #tpu.memory_space<hbm>>
        tpu.enqueue_dma source(%dma_start3A_128 : memref<128xi32, #tpu.memory_space<hbm>>) target(%dma_start3A_127 : memref<128xi32, #tpu.memory_space<vmem>>) target_semaphore(%arg12 : memref<!tpu.dma_semaphore, #tpu.memory_space<semaphore_mem>>)
      } else {
      }
      %mul3A_45 = arith.constant 2 : i32
      %mul3A_46 = arith.muli %mul3A_45, %add3A_20 : i32
      %add3A_47 = arith.constant 0 : i32
      %add3A_48 = arith.addi %mul3A_46, %add3A_47 : i32
      %mul3A_49 = arith.constant 32 : i32
      %mul3A_50 = arith.muli %mul3A_49, %add3A_48 : i32
      %add3A_51 = arith.addi %add3A, %mul3A_50 : i32
      %sub3A = arith.constant 1 : i32
      %sub3A_52 = arith.subi %add3A_20, %sub3A : i32
      %mul3A_53 = arith.constant 2 : i32
      %mul3A_54 = arith.muli %mul3A_53, %sub3A_52 : i32
      %add3A_55 = arith.constant 0 : i32
      %add3A_56 = arith.addi %mul3A_54, %add3A_55 : i32
      %mul3A_57 = arith.constant 32 : i32
      %mul3A_58 = arith.muli %mul3A_57, %add3A_56 : i32
      %add3A_59 = arith.addi %add3A, %mul3A_58 : i32
      %lt3A_60 = arith.constant 2500 : i32
      %lt3A_61 = arith.cmpi slt, %add3A_51, %lt3A_60 : i32
      %convert_element_type3A_62 = arith.extui %lt3A_61 : i1 to i32
      %cond3A_63 = arith.constant 0 : i32
      %cond3A_64 = arith.cmpi ne, %convert_element_type3A_62, %cond3A_63 : i32
      scf.if %cond3A_64 {
        %mul3A_110 = arith.constant 128 : i32
        %mul3A_111 = arith.muli %add3A_51, %mul3A_110 : i32
        %dma_wait3A = arith.constant 0 : i32
        %dma_wait3A_112 = arith.constant 0 : i32
        %dma_wait3A_113 = tpu.memref_slice %arg7[%dma_wait3A, %dma_wait3A_112] : memref<2x128xi32, #tpu.memory_space<vmem>> -> memref<1x128xi32, #tpu.memory_space<vmem>>
        %dma_wait3A_114 = tpu.memref_squeeze %dma_wait3A_113 : memref<1x128xi32, #tpu.memory_space<vmem>> -> memref<128xi32, #tpu.memory_space<vmem>>
        %dma_wait3A_115 = tpu.memref_slice %arg4[%mul3A_111] : memref<320000xi32, #tpu.memory_space<hbm>> -> memref<128xi32, #tpu.memory_space<hbm>>
        %dma_wait3A_116 = arith.constant 0 : i32
        %dma_wait3A_117 = tpu.memref_slice %arg7[%dma_wait3A, %dma_wait3A_116] : memref<2x128xi32, #tpu.memory_space<vmem>> -> memref<1x128xi32, #tpu.memory_space<vmem>>
        %dma_wait3A_118 = tpu.memref_squeeze %dma_wait3A_117 : memref<1x128xi32, #tpu.memory_space<vmem>> -> memref<128xi32, #tpu.memory_space<vmem>>
        %dma_wait3A_119 = tpu.memref_slice %arg4[%mul3A_111] : memref<320000xi32, #tpu.memory_space<hbm>> -> memref<128xi32, #tpu.memory_space<hbm>>
        tpu.wait_dma2 semaphore(%arg11 : memref<!tpu.dma_semaphore, #tpu.memory_space<semaphore_mem>>) src(%dma_wait3A_119 : memref<128xi32, #tpu.memory_space<hbm>>) dst(%dma_wait3A_118 : memref<128xi32, #tpu.memory_space<vmem>>)
        %dma_wait3A_120 = arith.constant 0 : i32
        %dma_wait3A_121 = arith.constant 0 : i32
        %dma_wait3A_122 = tpu.memref_slice %arg8[%dma_wait3A_120, %dma_wait3A_121] : memref<2x128xi32, #tpu.memory_space<vmem>> -> memref<1x128xi32, #tpu.memory_space<vmem>>
        %dma_wait3A_123 = tpu.memref_squeeze %dma_wait3A_122 : memref<1x128xi32, #tpu.memory_space<vmem>> -> memref<128xi32, #tpu.memory_space<vmem>>
        %dma_wait3A_124 = tpu.memref_slice %arg5[%mul3A_111] : memref<320000xi32, #tpu.memory_space<hbm>> -> memref<128xi32, #tpu.memory_space<hbm>>
        %dma_wait3A_125 = arith.constant 0 : i32
        %dma_wait3A_126 = tpu.memref_slice %arg8[%dma_wait3A_120, %dma_wait3A_125] : memref<2x128xi32, #tpu.memory_space<vmem>> -> memref<1x128xi32, #tpu.memory_space<vmem>>
        %dma_wait3A_127 = tpu.memref_squeeze %dma_wait3A_126 : memref<1x128xi32, #tpu.memory_space<vmem>> -> memref<128xi32, #tpu.memory_space<vmem>>
        %dma_wait3A_128 = tpu.memref_slice %arg5[%mul3A_111] : memref<320000xi32, #tpu.memory_space<hbm>> -> memref<128xi32, #tpu.memory_space<hbm>>
        tpu.wait_dma2 semaphore(%arg11 : memref<!tpu.dma_semaphore, #tpu.memory_space<semaphore_mem>>) src(%dma_wait3A_128 : memref<128xi32, #tpu.memory_space<hbm>>) dst(%dma_wait3A_127 : memref<128xi32, #tpu.memory_space<vmem>>)
        %gt3A = arith.constant 0 : i32
        %gt3A_129 = arith.cmpi sgt, %add3A_20, %gt3A : i32
        %lt3A_130 = arith.constant 2500 : i32
        %lt3A_131 = arith.cmpi slt, %add3A_59, %lt3A_130 : i32
        %and3A = arith.andi %gt3A_129, %lt3A_131 : i1
        %convert_element_type3A_132 = arith.extui %and3A : i1 to i32
        %cond3A_133 = arith.constant 0 : i32
        %cond3A_134 = arith.cmpi ne, %convert_element_type3A_132, %cond3A_133 : i32
        scf.if %cond3A_134 {
          %mul3A_158 = arith.constant 128 : i32
          %mul3A_159 = arith.muli %add3A_59, %mul3A_158 : i32
          %dma_wait3A_160 = arith.constant 0 : i32
          %dma_wait3A_161 = arith.constant 0 : i32
          %dma_wait3A_162 = arith.constant 0 : i32
          %dma_wait3A_163 = tpu.memref_slice %arg9[%dma_wait3A_160, %dma_wait3A_161, %dma_wait3A_162] : memref<2x128x128xf32, #tpu.memory_space<vmem>> -> memref<1x128x128xf32, #tpu.memory_space<vmem>>
          %dma_wait3A_164 = tpu.memref_squeeze %dma_wait3A_163 : memref<1x128x128xf32, #tpu.memory_space<vmem>> -> memref<128x128xf32, #tpu.memory_space<vmem>>
          %dma_wait3A_165 = arith.constant 0 : i32
          %dma_wait3A_166 = tpu.memref_slice %arg6[%mul3A_159, %dma_wait3A_165] : memref<320000x128xf32, #tpu.memory_space<hbm>> -> memref<128x128xf32, #tpu.memory_space<hbm>>
          %dma_wait3A_167 = arith.constant 0 : i32
          %dma_wait3A_168 = tpu.memref_slice %arg6[%mul3A_159, %dma_wait3A_167] : memref<320000x128xf32, #tpu.memory_space<hbm>> -> memref<128x128xf32, #tpu.memory_space<hbm>>
          %dma_wait3A_169 = arith.constant 0 : i32
          %dma_wait3A_170 = arith.constant 0 : i32
          %dma_wait3A_171 = tpu.memref_slice %arg9[%dma_wait3A_160, %dma_wait3A_169, %dma_wait3A_170] : memref<2x128x128xf32, #tpu.memory_space<vmem>> -> memref<1x128x128xf32, #tpu.memory_space<vmem>>
          %dma_wait3A_172 = tpu.memref_squeeze %dma_wait3A_171 : memref<1x128x128xf32, #tpu.memory_space<vmem>> -> memref<128x128xf32, #tpu.memory_space<vmem>>
          tpu.wait_dma2 semaphore(%arg15 : memref<!tpu.dma_semaphore, #tpu.memory_space<semaphore_mem>>) src(%dma_wait3A_172 : memref<128x128xf32, #tpu.memory_space<vmem>>) dst(%dma_wait3A_168 : memref<128x128xf32, #tpu.memory_space<hbm>>)
        } else {
        }
        %dma_start3A = arith.constant 0 : i32
        %dma_start3A_135 = arith.constant 0 : i32
        %dma_start3A_136 = arith.constant 0 : i32
        %dma_start3A_137 = arith.constant 0 : i32
        %dma_start3A_138 = tpu.memref_slice %arg9[%dma_start3A_135, %dma_start3A_136, %dma_start3A_137] : memref<2x128x128xf32, #tpu.memory_space<vmem>> -> memref<1x128x128xf32, #tpu.memory_space<vmem>>
        %dma_start3A_139 = tpu.memref_squeeze %dma_start3A_138 : memref<1x128x128xf32, #tpu.memory_space<vmem>> -> memref<128x128xf32, #tpu.memory_space<vmem>>
        %dma_start3A_140 = arith.constant 0 : i32
        %dma_start3A_141 = tpu.memref_slice %arg7[%dma_start3A, %dma_start3A_140] : memref<2x128xi32, #tpu.memory_space<vmem>> -> memref<1x128xi32, #tpu.memory_space<vmem>>
        %dma_start3A_142 = tpu.memref_squeeze %dma_start3A_141 : memref<1x128xi32, #tpu.memory_space<vmem>> -> memref<128xi32, #tpu.memory_space<vmem>>
        %dma_start3A_143 = arith.constant 0 : i32
        %dma_start3A_144 = arith.constant 0 : i32
        %dma_start3A_145 = tpu.memref_slice %arg2[%dma_start3A_143, %dma_start3A_144] : memref<10000x128xf32, #tpu.memory_space<hbm>> -> memref<10000x128xf32, #tpu.memory_space<hbm>>
        tpu.enqueue_indirect_dma source(%dma_start3A_145 : memref<10000x128xf32, #tpu.memory_space<hbm>>) target(%dma_start3A_139 : memref<128x128xf32, #tpu.memory_space<vmem>>) offsets(%dma_start3A_142 : memref<128xi32, #tpu.memory_space<vmem>>) semaphore(%arg13 : memref<!tpu.dma_semaphore, #tpu.memory_space<semaphore_mem>>)
        %dma_start3A_146 = arith.constant 0 : i32
        %dma_start3A_147 = arith.constant 0 : i32
        %dma_start3A_148 = arith.constant 0 : i32
        %dma_start3A_149 = arith.constant 0 : i32
        %dma_start3A_150 = tpu.memref_slice %arg10[%dma_start3A_147, %dma_start3A_148, %dma_start3A_149] : memref<2x128x128xf32, #tpu.memory_space<vmem>> -> memref<1x128x128xf32, #tpu.memory_space<vmem>>
        %dma_start3A_151 = tpu.memref_squeeze %dma_start3A_150 : memref<1x128x128xf32, #tpu.memory_space<vmem>> -> memref<128x128xf32, #tpu.memory_space<vmem>>
        %dma_start3A_152 = arith.constant 0 : i32
        %dma_start3A_153 = tpu.memref_slice %arg8[%dma_start3A_146, %dma_start3A_152] : memref<2x128xi32, #tpu.memory_space<vmem>> -> memref<1x128xi32, #tpu.memory_space<vmem>>
        %dma_start3A_154 = tpu.memref_squeeze %dma_start3A_153 : memref<1x128xi32, #tpu.memory_space<vmem>> -> memref<128xi32, #tpu.memory_space<vmem>>
        %dma_start3A_155 = arith.constant 0 : i32
        %dma_start3A_156 = arith.constant 0 : i32
        %dma_start3A_157 = tpu.memref_slice %arg3[%dma_start3A_155, %dma_start3A_156] : memref<10000x128xf32, #tpu.memory_space<hbm>> -> memref<10000x128xf32, #tpu.memory_space<hbm>>
        tpu.enqueue_indirect_dma source(%dma_start3A_157 : memref<10000x128xf32, #tpu.memory_space<hbm>>) target(%dma_start3A_151 : memref<128x128xf32, #tpu.memory_space<vmem>>) offsets(%dma_start3A_154 : memref<128xi32, #tpu.memory_space<vmem>>) semaphore(%arg13 : memref<!tpu.dma_semaphore, #tpu.memory_space<semaphore_mem>>)
      } else {
      }
      %mul3A_65 = arith.constant 2 : i32
      %mul3A_66 = arith.muli %mul3A_65, %add3A_20 : i32
      %add3A_67 = arith.constant 1 : i32
      %add3A_68 = arith.addi %mul3A_66, %add3A_67 : i32
      %mul3A_69 = arith.constant 32 : i32
      %mul3A_70 = arith.muli %mul3A_69, %add3A_68 : i32
      %add3A_71 = arith.addi %add3A, %mul3A_70 : i32
      %sub3A_72 = arith.constant 1 : i32
      %sub3A_73 = arith.subi %add3A_20, %sub3A_72 : i32
      %mul3A_74 = arith.constant 2 : i32
      %mul3A_75 = arith.muli %mul3A_74, %sub3A_73 : i32
      %add3A_76 = arith.constant 1 : i32
      %add3A_77 = arith.addi %mul3A_75, %add3A_76 : i32
      %mul3A_78 = arith.constant 32 : i32
      %mul3A_79 = arith.muli %mul3A_78, %add3A_77 : i32
      %add3A_80 = arith.addi %add3A, %mul3A_79 : i32
      %lt3A_81 = arith.constant 2500 : i32
      %lt3A_82 = arith.cmpi slt, %add3A_71, %lt3A_81 : i32
      %convert_element_type3A_83 = arith.extui %lt3A_82 : i1 to i32
      %cond3A_84 = arith.constant 0 : i32
      %cond3A_85 = arith.cmpi ne, %convert_element_type3A_83, %cond3A_84 : i32
      scf.if %cond3A_85 {
        %mul3A_110 = arith.constant 128 : i32
        %mul3A_111 = arith.muli %add3A_71, %mul3A_110 : i32
        %dma_wait3A = arith.constant 1 : i32
        %dma_wait3A_112 = arith.constant 0 : i32
        %dma_wait3A_113 = tpu.memref_slice %arg7[%dma_wait3A, %dma_wait3A_112] : memref<2x128xi32, #tpu.memory_space<vmem>> -> memref<1x128xi32, #tpu.memory_space<vmem>>
        %dma_wait3A_114 = tpu.memref_squeeze %dma_wait3A_113 : memref<1x128xi32, #tpu.memory_space<vmem>> -> memref<128xi32, #tpu.memory_space<vmem>>
        %dma_wait3A_115 = tpu.memref_slice %arg4[%mul3A_111] : memref<320000xi32, #tpu.memory_space<hbm>> -> memref<128xi32, #tpu.memory_space<hbm>>
        %dma_wait3A_116 = arith.constant 0 : i32
        %dma_wait3A_117 = tpu.memref_slice %arg7[%dma_wait3A, %dma_wait3A_116] : memref<2x128xi32, #tpu.memory_space<vmem>> -> memref<1x128xi32, #tpu.memory_space<vmem>>
        %dma_wait3A_118 = tpu.memref_squeeze %dma_wait3A_117 : memref<1x128xi32, #tpu.memory_space<vmem>> -> memref<128xi32, #tpu.memory_space<vmem>>
        %dma_wait3A_119 = tpu.memref_slice %arg4[%mul3A_111] : memref<320000xi32, #tpu.memory_space<hbm>> -> memref<128xi32, #tpu.memory_space<hbm>>
        tpu.wait_dma2 semaphore(%arg12 : memref<!tpu.dma_semaphore, #tpu.memory_space<semaphore_mem>>) src(%dma_wait3A_119 : memref<128xi32, #tpu.memory_space<hbm>>) dst(%dma_wait3A_118 : memref<128xi32, #tpu.memory_space<vmem>>)
        %dma_wait3A_120 = arith.constant 1 : i32
        %dma_wait3A_121 = arith.constant 0 : i32
        %dma_wait3A_122 = tpu.memref_slice %arg8[%dma_wait3A_120, %dma_wait3A_121] : memref<2x128xi32, #tpu.memory_space<vmem>> -> memref<1x128xi32, #tpu.memory_space<vmem>>
        %dma_wait3A_123 = tpu.memref_squeeze %dma_wait3A_122 : memref<1x128xi32, #tpu.memory_space<vmem>> -> memref<128xi32, #tpu.memory_space<vmem>>
        %dma_wait3A_124 = tpu.memref_slice %arg5[%mul3A_111] : memref<320000xi32, #tpu.memory_space<hbm>> -> memref<128xi32, #tpu.memory_space<hbm>>
        %dma_wait3A_125 = arith.constant 0 : i32
        %dma_wait3A_126 = tpu.memref_slice %arg8[%dma_wait3A_120, %dma_wait3A_125] : memref<2x128xi32, #tpu.memory_space<vmem>> -> memref<1x128xi32, #tpu.memory_space<vmem>>
        %dma_wait3A_127 = tpu.memref_squeeze %dma_wait3A_126 : memref<1x128xi32, #tpu.memory_space<vmem>> -> memref<128xi32, #tpu.memory_space<vmem>>
        %dma_wait3A_128 = tpu.memref_slice %arg5[%mul3A_111] : memref<320000xi32, #tpu.memory_space<hbm>> -> memref<128xi32, #tpu.memory_space<hbm>>
        tpu.wait_dma2 semaphore(%arg12 : memref<!tpu.dma_semaphore, #tpu.memory_space<semaphore_mem>>) src(%dma_wait3A_128 : memref<128xi32, #tpu.memory_space<hbm>>) dst(%dma_wait3A_127 : memref<128xi32, #tpu.memory_space<vmem>>)
        %gt3A = arith.constant 0 : i32
        %gt3A_129 = arith.cmpi sgt, %add3A_20, %gt3A : i32
        %lt3A_130 = arith.constant 2500 : i32
        %lt3A_131 = arith.cmpi slt, %add3A_80, %lt3A_130 : i32
        %and3A = arith.andi %gt3A_129, %lt3A_131 : i1
        %convert_element_type3A_132 = arith.extui %and3A : i1 to i32
        %cond3A_133 = arith.constant 0 : i32
        %cond3A_134 = arith.cmpi ne, %convert_element_type3A_132, %cond3A_133 : i32
        scf.if %cond3A_134 {
          %mul3A_158 = arith.constant 128 : i32
          %mul3A_159 = arith.muli %add3A_80, %mul3A_158 : i32
          %dma_wait3A_160 = arith.constant 1 : i32
          %dma_wait3A_161 = arith.constant 0 : i32
          %dma_wait3A_162 = arith.constant 0 : i32
          %dma_wait3A_163 = tpu.memref_slice %arg9[%dma_wait3A_160, %dma_wait3A_161, %dma_wait3A_162] : memref<2x128x128xf32, #tpu.memory_space<vmem>> -> memref<1x128x128xf32, #tpu.memory_space<vmem>>
          %dma_wait3A_164 = tpu.memref_squeeze %dma_wait3A_163 : memref<1x128x128xf32, #tpu.memory_space<vmem>> -> memref<128x128xf32, #tpu.memory_space<vmem>>
          %dma_wait3A_165 = arith.constant 0 : i32
          %dma_wait3A_166 = tpu.memref_slice %arg6[%mul3A_159, %dma_wait3A_165] : memref<320000x128xf32, #tpu.memory_space<hbm>> -> memref<128x128xf32, #tpu.memory_space<hbm>>
          %dma_wait3A_167 = arith.constant 0 : i32
          %dma_wait3A_168 = tpu.memref_slice %arg6[%mul3A_159, %dma_wait3A_167] : memref<320000x128xf32, #tpu.memory_space<hbm>> -> memref<128x128xf32, #tpu.memory_space<hbm>>
          %dma_wait3A_169 = arith.constant 0 : i32
          %dma_wait3A_170 = arith.constant 0 : i32
          %dma_wait3A_171 = tpu.memref_slice %arg9[%dma_wait3A_160, %dma_wait3A_169, %dma_wait3A_170] : memref<2x128x128xf32, #tpu.memory_space<vmem>> -> memref<1x128x128xf32, #tpu.memory_space<vmem>>
          %dma_wait3A_172 = tpu.memref_squeeze %dma_wait3A_171 : memref<1x128x128xf32, #tpu.memory_space<vmem>> -> memref<128x128xf32, #tpu.memory_space<vmem>>
          tpu.wait_dma2 semaphore(%arg16 : memref<!tpu.dma_semaphore, #tpu.memory_space<semaphore_mem>>) src(%dma_wait3A_172 : memref<128x128xf32, #tpu.memory_space<vmem>>) dst(%dma_wait3A_168 : memref<128x128xf32, #tpu.memory_space<hbm>>)
        } else {
        }
        %dma_start3A = arith.constant 1 : i32
        %dma_start3A_135 = arith.constant 1 : i32
        %dma_start3A_136 = arith.constant 0 : i32
        %dma_start3A_137 = arith.constant 0 : i32
        %dma_start3A_138 = tpu.memref_slice %arg9[%dma_start3A_135, %dma_start3A_136, %dma_start3A_137] : memref<2x128x128xf32, #tpu.memory_space<vmem>> -> memref<1x128x128xf32, #tpu.memory_space<vmem>>
        %dma_start3A_139 = tpu.memref_squeeze %dma_start3A_138 : memref<1x128x128xf32, #tpu.memory_space<vmem>> -> memref<128x128xf32, #tpu.memory_space<vmem>>
        %dma_start3A_140 = arith.constant 0 : i32
        %dma_start3A_141 = tpu.memref_slice %arg7[%dma_start3A, %dma_start3A_140] : memref<2x128xi32, #tpu.memory_space<vmem>> -> memref<1x128xi32, #tpu.memory_space<vmem>>
        %dma_start3A_142 = tpu.memref_squeeze %dma_start3A_141 : memref<1x128xi32, #tpu.memory_space<vmem>> -> memref<128xi32, #tpu.memory_space<vmem>>
        %dma_start3A_143 = arith.constant 0 : i32
        %dma_start3A_144 = arith.constant 0 : i32
        %dma_start3A_145 = tpu.memref_slice %arg2[%dma_start3A_143, %dma_start3A_144] : memref<10000x128xf32, #tpu.memory_space<hbm>> -> memref<10000x128xf32, #tpu.memory_space<hbm>>
        tpu.enqueue_indirect_dma source(%dma_start3A_145 : memref<10000x128xf32, #tpu.memory_space<hbm>>) target(%dma_start3A_139 : memref<128x128xf32, #tpu.memory_space<vmem>>) offsets(%dma_start3A_142 : memref<128xi32, #tpu.memory_space<vmem>>) semaphore(%arg14 : memref<!tpu.dma_semaphore, #tpu.memory_space<semaphore_mem>>)
        %dma_start3A_146 = arith.constant 1 : i32
        %dma_start3A_147 = arith.constant 1 : i32
        %dma_start3A_148 = arith.constant 0 : i32
        %dma_start3A_149 = arith.constant 0 : i32
        %dma_start3A_150 = tpu.memref_slice %arg10[%dma_start3A_147, %dma_start3A_148, %dma_start3A_149] : memref<2x128x128xf32, #tpu.memory_space<vmem>> -> memref<1x128x128xf32, #tpu.memory_space<vmem>>
        %dma_start3A_151 = tpu.memref_squeeze %dma_start3A_150 : memref<1x128x128xf32, #tpu.memory_space<vmem>> -> memref<128x128xf32, #tpu.memory_space<vmem>>
        %dma_start3A_152 = arith.constant 0 : i32
        %dma_start3A_153 = tpu.memref_slice %arg8[%dma_start3A_146, %dma_start3A_152] : memref<2x128xi32, #tpu.memory_space<vmem>> -> memref<1x128xi32, #tpu.memory_space<vmem>>
        %dma_start3A_154 = tpu.memref_squeeze %dma_start3A_153 : memref<1x128xi32, #tpu.memory_space<vmem>> -> memref<128xi32, #tpu.memory_space<vmem>>
        %dma_start3A_155 = arith.constant 0 : i32
        %dma_start3A_156 = arith.constant 0 : i32
        %dma_start3A_157 = tpu.memref_slice %arg3[%dma_start3A_155, %dma_start3A_156] : memref<10000x128xf32, #tpu.memory_space<hbm>> -> memref<10000x128xf32, #tpu.memory_space<hbm>>
        tpu.enqueue_indirect_dma source(%dma_start3A_157 : memref<10000x128xf32, #tpu.memory_space<hbm>>) target(%dma_start3A_151 : memref<128x128xf32, #tpu.memory_space<vmem>>) offsets(%dma_start3A_154 : memref<128xi32, #tpu.memory_space<vmem>>) semaphore(%arg14 : memref<!tpu.dma_semaphore, #tpu.memory_space<semaphore_mem>>)
      } else {
      }
      %mul3A_86 = arith.constant 2 : i32
      %mul3A_87 = arith.muli %mul3A_86, %add3A_20 : i32
      %add3A_88 = arith.constant 0 : i32
      %add3A_89 = arith.addi %mul3A_87, %add3A_88 : i32
      %mul3A_90 = arith.constant 32 : i32
      %mul3A_91 = arith.muli %mul3A_90, %add3A_89 : i32
      %add3A_92 = arith.addi %add3A, %mul3A_91 : i32
      %lt3A_93 = arith.constant 2500 : i32
      %lt3A_94 = arith.cmpi slt, %add3A_92, %lt3A_93 : i32
      %convert_element_type3A_95 = arith.extui %lt3A_94 : i1 to i32
      %cond3A_96 = arith.constant 0 : i32
      %cond3A_97 = arith.cmpi ne, %convert_element_type3A_95, %cond3A_96 : i32
      scf.if %cond3A_97 {
        %dma_wait3A = arith.constant 0 : i32
        %dma_wait3A_110 = arith.constant 0 : i32
        %dma_wait3A_111 = arith.constant 0 : i32
        %dma_wait3A_112 = arith.constant 0 : i32
        %dma_wait3A_113 = tpu.memref_slice %arg9[%dma_wait3A_110, %dma_wait3A_111, %dma_wait3A_112] : memref<2x128x128xf32, #tpu.memory_space<vmem>> -> memref<1x128x128xf32, #tpu.memory_space<vmem>>
        %dma_wait3A_114 = tpu.memref_squeeze %dma_wait3A_113 : memref<1x128x128xf32, #tpu.memory_space<vmem>> -> memref<128x128xf32, #tpu.memory_space<vmem>>
        %dma_wait3A_115 = arith.constant 0 : i32
        %dma_wait3A_116 = tpu.memref_slice %arg7[%dma_wait3A, %dma_wait3A_115] : memref<2x128xi32, #tpu.memory_space<vmem>> -> memref<1x128xi32, #tpu.memory_space<vmem>>
        %dma_wait3A_117 = tpu.memref_squeeze %dma_wait3A_116 : memref<1x128xi32, #tpu.memory_space<vmem>> -> memref<128xi32, #tpu.memory_space<vmem>>
        %dma_wait3A_118 = arith.constant 0 : i32
        %dma_wait3A_119 = arith.constant 0 : i32
        %dma_wait3A_120 = tpu.memref_slice %arg2[%dma_wait3A_118, %dma_wait3A_119] : memref<10000x128xf32, #tpu.memory_space<hbm>> -> memref<10000x128xf32, #tpu.memory_space<hbm>>
        tpu.wait_indirect_dma semaphore(%arg13 : memref<!tpu.dma_semaphore, #tpu.memory_space<semaphore_mem>>) src(%dma_wait3A_120 : memref<10000x128xf32, #tpu.memory_space<hbm>>) dst(%dma_wait3A_114 : memref<128x128xf32, #tpu.memory_space<vmem>>)
        %dma_wait3A_121 = arith.constant 0 : i32
        %dma_wait3A_122 = arith.constant 0 : i32
        %dma_wait3A_123 = arith.constant 0 : i32
        %dma_wait3A_124 = arith.constant 0 : i32
        %dma_wait3A_125 = tpu.memref_slice %arg10[%dma_wait3A_122, %dma_wait3A_123, %dma_wait3A_124] : memref<2x128x128xf32, #tpu.memory_space<vmem>> -> memref<1x128x128xf32, #tpu.memory_space<vmem>>
        %dma_wait3A_126 = tpu.memref_squeeze %dma_wait3A_125 : memref<1x128x128xf32, #tpu.memory_space<vmem>> -> memref<128x128xf32, #tpu.memory_space<vmem>>
        %dma_wait3A_127 = arith.constant 0 : i32
        %dma_wait3A_128 = tpu.memref_slice %arg8[%dma_wait3A_121, %dma_wait3A_127] : memref<2x128xi32, #tpu.memory_space<vmem>> -> memref<1x128xi32, #tpu.memory_space<vmem>>
        %dma_wait3A_129 = tpu.memref_squeeze %dma_wait3A_128 : memref<1x128xi32, #tpu.memory_space<vmem>> -> memref<128xi32, #tpu.memory_space<vmem>>
        %dma_wait3A_130 = arith.constant 0 : i32
        %dma_wait3A_131 = arith.constant 0 : i32
        %dma_wait3A_132 = tpu.memref_slice %arg3[%dma_wait3A_130, %dma_wait3A_131] : memref<10000x128xf32, #tpu.memory_space<hbm>> -> memref<10000x128xf32, #tpu.memory_space<hbm>>
        tpu.wait_indirect_dma semaphore(%arg13 : memref<!tpu.dma_semaphore, #tpu.memory_space<semaphore_mem>>) src(%dma_wait3A_132 : memref<10000x128xf32, #tpu.memory_space<hbm>>) dst(%dma_wait3A_126 : memref<128x128xf32, #tpu.memory_space<vmem>>)
        %scan3A_133 = arith.constant 0 : i32
        %scan3A_134 = arith.constant 128 : i32
        %scan3A_135 = arith.addi %scan3A_133, %scan3A_134 : i32
        %scan3A_136 = arith.constant 1 : i32
        scf.for %scan3A_152 = %scan3A_133 to %scan3A_135 step %scan3A_136  : i32 {
          %mul3A_153 = arith.constant 1 : i32
          %mul3A_154 = arith.muli %scan3A_152, %mul3A_153 : i32
          %add3A_155 = arith.constant 0 : i32
          %add3A_156 = arith.addi %add3A_155, %mul3A_154 : i32
          %get3A = arith.constant 0 : i32
          %get3A_157 = arith.index_cast %get3A : i32 to index
          %get3A_158 = arith.index_cast %add3A_156 : i32 to index
          %get3A_159 = arith.constant 0 : index
          %get3A_160 = tpu.vector_load %arg9[%get3A_157, %get3A_158, %get3A_159] {strides = array<i32>} : memref<2x128x128xf32, #tpu.memory_space<vmem>>, vector<16xf32>,
          %get3A_161 = arith.constant 0 : i32
          %get3A_162 = arith.index_cast %get3A_161 : i32 to index
          %get3A_163 = arith.index_cast %add3A_156 : i32 to index
          %get3A_164 = arith.constant 0 : index
          %get3A_165 = tpu.vector_load %arg10[%get3A_162, %get3A_163, %get3A_164] {strides = array<i32>} : memref<2x128x128xf32, #tpu.memory_space<vmem>>, vector<16xf32>,
          %add3A_166 = arith.addf %get3A_160, %get3A_165 : vector<16xf32>
          %swap3A = arith.constant 0 : i32
          %swap3A_167 = arith.index_cast %swap3A : i32 to index
          %swap3A_168 = arith.index_cast %add3A_156 : i32 to index
          %swap3A_169 = arith.constant 0 : index
          %swap3A_170 = tpu.vector_load %arg9[%swap3A_167, %swap3A_168, %swap3A_169] {strides = array<i32>} : memref<2x128x128xf32, #tpu.memory_space<vmem>>, vector<16xf32>,
          tpu.vector_store %arg9[%swap3A_167, %swap3A_168, %swap3A_169], %add3A_166 {strides = array<i32>} : memref<2x128x128xf32, #tpu.memory_space<vmem>>, vector<16xf32>,
          %get3A_171 = arith.constant 0 : i32
          %get3A_172 = arith.index_cast %get3A_171 : i32 to index
          %get3A_173 = arith.index_cast %add3A_156 : i32 to index
          %get3A_174 = arith.constant 16 : index
          %get3A_175 = tpu.vector_load %arg9[%get3A_172, %get3A_173, %get3A_174] {strides = array<i32>} : memref<2x128x128xf32, #tpu.memory_space<vmem>>, vector<16xf32>,
          %get3A_176 = arith.constant 0 : i32
          %get3A_177 = arith.index_cast %get3A_176 : i32 to index
          %get3A_178 = arith.index_cast %add3A_156 : i32 to index
          %get3A_179 = arith.constant 16 : index
          %get3A_180 = tpu.vector_load %arg10[%get3A_177, %get3A_178, %get3A_179] {strides = array<i32>} : memref<2x128x128xf32, #tpu.memory_space<vmem>>, vector<16xf32>,
          %add3A_181 = arith.addf %get3A_175, %get3A_180 : vector<16xf32>
          %swap3A_182 = arith.constant 0 : i32
          %swap3A_183 = arith.index_cast %swap3A_182 : i32 to index
          %swap3A_184 = arith.index_cast %add3A_156 : i32 to index
          %swap3A_185 = arith.constant 16 : index
          %swap3A_186 = tpu.vector_load %arg9[%swap3A_183, %swap3A_184, %swap3A_185] {strides = array<i32>} : memref<2x128x128xf32, #tpu.memory_space<vmem>>, vector<16xf32>,
          tpu.vector_store %arg9[%swap3A_183, %swap3A_184, %swap3A_185], %add3A_181 {strides = array<i32>} : memref<2x128x128xf32, #tpu.memory_space<vmem>>, vector<16xf32>,
          %get3A_187 = arith.constant 0 : i32
          %get3A_188 = arith.index_cast %get3A_187 : i32 to index
          %get3A_189 = arith.index_cast %add3A_156 : i32 to index
          %get3A_190 = arith.constant 32 : index
          %get3A_191 = tpu.vector_load %arg9[%get3A_188, %get3A_189, %get3A_190] {strides = array<i32>} : memref<2x128x128xf32, #tpu.memory_space<vmem>>, vector<16xf32>,
          %get3A_192 = arith.constant 0 : i32
          %get3A_193 = arith.index_cast %get3A_192 : i32 to index
          %get3A_194 = arith.index_cast %add3A_156 : i32 to index
          %get3A_195 = arith.constant 32 : index
          %get3A_196 = tpu.vector_load %arg10[%get3A_193, %get3A_194, %get3A_195] {strides = array<i32>} : memref<2x128x128xf32, #tpu.memory_space<vmem>>, vector<16xf32>,
          %add3A_197 = arith.addf %get3A_191, %get3A_196 : vector<16xf32>
          %swap3A_198 = arith.constant 0 : i32
          %swap3A_199 = arith.index_cast %swap3A_198 : i32 to index
          %swap3A_200 = arith.index_cast %add3A_156 : i32 to index
          %swap3A_201 = arith.constant 32 : index
          %swap3A_202 = tpu.vector_load %arg9[%swap3A_199, %swap3A_200, %swap3A_201] {strides = array<i32>} : memref<2x128x128xf32, #tpu.memory_space<vmem>>, vector<16xf32>,
          tpu.vector_store %arg9[%swap3A_199, %swap3A_200, %swap3A_201], %add3A_197 {strides = array<i32>} : memref<2x128x128xf32, #tpu.memory_space<vmem>>, vector<16xf32>,
          %get3A_203 = arith.constant 0 : i32
          %get3A_204 = arith.index_cast %get3A_203 : i32 to index
          %get3A_205 = arith.index_cast %add3A_156 : i32 to index
          %get3A_206 = arith.constant 48 : index
          %get3A_207 = tpu.vector_load %arg9[%get3A_204, %get3A_205, %get3A_206] {strides = array<i32>} : memref<2x128x128xf32, #tpu.memory_space<vmem>>, vector<16xf32>,
          %get3A_208 = arith.constant 0 : i32
          %get3A_209 = arith.index_cast %get3A_208 : i32 to index
          %get3A_210 = arith.index_cast %add3A_156 : i32 to index
          %get3A_211 = arith.constant 48 : index
          %get3A_212 = tpu.vector_load %arg10[%get3A_209, %get3A_210, %get3A_211] {strides = array<i32>} : memref<2x128x128xf32, #tpu.memory_space<vmem>>, vector<16xf32>,
          %add3A_213 = arith.addf %get3A_207, %get3A_212 : vector<16xf32>
          %swap3A_214 = arith.constant 0 : i32
          %swap3A_215 = arith.index_cast %swap3A_214 : i32 to index
          %swap3A_216 = arith.index_cast %add3A_156 : i32 to index
          %swap3A_217 = arith.constant 48 : index
          %swap3A_218 = tpu.vector_load %arg9[%swap3A_215, %swap3A_216, %swap3A_217] {strides = array<i32>} : memref<2x128x128xf32, #tpu.memory_space<vmem>>, vector<16xf32>,
          tpu.vector_store %arg9[%swap3A_215, %swap3A_216, %swap3A_217], %add3A_213 {strides = array<i32>} : memref<2x128x128xf32, #tpu.memory_space<vmem>>, vector<16xf32>,
          %get3A_219 = arith.constant 0 : i32
          %get3A_220 = arith.index_cast %get3A_219 : i32 to index
          %get3A_221 = arith.index_cast %add3A_156 : i32 to index
          %get3A_222 = arith.constant 64 : index
          %get3A_223 = tpu.vector_load %arg9[%get3A_220, %get3A_221, %get3A_222] {strides = array<i32>} : memref<2x128x128xf32, #tpu.memory_space<vmem>>, vector<16xf32>,
          %get3A_224 = arith.constant 0 : i32
          %get3A_225 = arith.index_cast %get3A_224 : i32 to index
          %get3A_226 = arith.index_cast %add3A_156 : i32 to index
          %get3A_227 = arith.constant 64 : index
          %get3A_228 = tpu.vector_load %arg10[%get3A_225, %get3A_226, %get3A_227] {strides = array<i32>} : memref<2x128x128xf32, #tpu.memory_space<vmem>>, vector<16xf32>,
          %add3A_229 = arith.addf %get3A_223, %get3A_228 : vector<16xf32>
          %swap3A_230 = arith.constant 0 : i32
          %swap3A_231 = arith.index_cast %swap3A_230 : i32 to index
          %swap3A_232 = arith.index_cast %add3A_156 : i32 to index
          %swap3A_233 = arith.constant 64 : index
          %swap3A_234 = tpu.vector_load %arg9[%swap3A_231, %swap3A_232, %swap3A_233] {strides = array<i32>} : memref<2x128x128xf32, #tpu.memory_space<vmem>>, vector<16xf32>,
          tpu.vector_store %arg9[%swap3A_231, %swap3A_232, %swap3A_233], %add3A_229 {strides = array<i32>} : memref<2x128x128xf32, #tpu.memory_space<vmem>>, vector<16xf32>,
          %get3A_235 = arith.constant 0 : i32
          %get3A_236 = arith.index_cast %get3A_235 : i32 to index
          %get3A_237 = arith.index_cast %add3A_156 : i32 to index
          %get3A_238 = arith.constant 80 : index
          %get3A_239 = tpu.vector_load %arg9[%get3A_236, %get3A_237, %get3A_238] {strides = array<i32>} : memref<2x128x128xf32, #tpu.memory_space<vmem>>, vector<16xf32>,
          %get3A_240 = arith.constant 0 : i32
          %get3A_241 = arith.index_cast %get3A_240 : i32 to index
          %get3A_242 = arith.index_cast %add3A_156 : i32 to index
          %get3A_243 = arith.constant 80 : index
          %get3A_244 = tpu.vector_load %arg10[%get3A_241, %get3A_242, %get3A_243] {strides = array<i32>} : memref<2x128x128xf32, #tpu.memory_space<vmem>>, vector<16xf32>,
          %add3A_245 = arith.addf %get3A_239, %get3A_244 : vector<16xf32>
          %swap3A_246 = arith.constant 0 : i32
          %swap3A_247 = arith.index_cast %swap3A_246 : i32 to index
          %swap3A_248 = arith.index_cast %add3A_156 : i32 to index
          %swap3A_249 = arith.constant 80 : index
          %swap3A_250 = tpu.vector_load %arg9[%swap3A_247, %swap3A_248, %swap3A_249] {strides = array<i32>} : memref<2x128x128xf32, #tpu.memory_space<vmem>>, vector<16xf32>,
          tpu.vector_store %arg9[%swap3A_247, %swap3A_248, %swap3A_249], %add3A_245 {strides = array<i32>} : memref<2x128x128xf32, #tpu.memory_space<vmem>>, vector<16xf32>,
          %get3A_251 = arith.constant 0 : i32
          %get3A_252 = arith.index_cast %get3A_251 : i32 to index
          %get3A_253 = arith.index_cast %add3A_156 : i32 to index
          %get3A_254 = arith.constant 96 : index
          %get3A_255 = tpu.vector_load %arg9[%get3A_252, %get3A_253, %get3A_254] {strides = array<i32>} : memref<2x128x128xf32, #tpu.memory_space<vmem>>, vector<16xf32>,
          %get3A_256 = arith.constant 0 : i32
          %get3A_257 = arith.index_cast %get3A_256 : i32 to index
          %get3A_258 = arith.index_cast %add3A_156 : i32 to index
          %get3A_259 = arith.constant 96 : index
          %get3A_260 = tpu.vector_load %arg10[%get3A_257, %get3A_258, %get3A_259] {strides = array<i32>} : memref<2x128x128xf32, #tpu.memory_space<vmem>>, vector<16xf32>,
          %add3A_261 = arith.addf %get3A_255, %get3A_260 : vector<16xf32>
          %swap3A_262 = arith.constant 0 : i32
          %swap3A_263 = arith.index_cast %swap3A_262 : i32 to index
          %swap3A_264 = arith.index_cast %add3A_156 : i32 to index
          %swap3A_265 = arith.constant 96 : index
          %swap3A_266 = tpu.vector_load %arg9[%swap3A_263, %swap3A_264, %swap3A_265] {strides = array<i32>} : memref<2x128x128xf32, #tpu.memory_space<vmem>>, vector<16xf32>,
          tpu.vector_store %arg9[%swap3A_263, %swap3A_264, %swap3A_265], %add3A_261 {strides = array<i32>} : memref<2x128x128xf32, #tpu.memory_space<vmem>>, vector<16xf32>,
          %get3A_267 = arith.constant 0 : i32
          %get3A_268 = arith.index_cast %get3A_267 : i32 to index
          %get3A_269 = arith.index_cast %add3A_156 : i32 to index
          %get3A_270 = arith.constant 112 : index
          %get3A_271 = tpu.vector_load %arg9[%get3A_268, %get3A_269, %get3A_270] {strides = array<i32>} : memref<2x128x128xf32, #tpu.memory_space<vmem>>, vector<16xf32>,
          %get3A_272 = arith.constant 0 : i32
          %get3A_273 = arith.index_cast %get3A_272 : i32 to index
          %get3A_274 = arith.index_cast %add3A_156 : i32 to index
          %get3A_275 = arith.constant 112 : index
          %get3A_276 = tpu.vector_load %arg10[%get3A_273, %get3A_274, %get3A_275] {strides = array<i32>} : memref<2x128x128xf32, #tpu.memory_space<vmem>>, vector<16xf32>,
          %add3A_277 = arith.addf %get3A_271, %get3A_276 : vector<16xf32>
          %swap3A_278 = arith.constant 0 : i32
          %swap3A_279 = arith.index_cast %swap3A_278 : i32 to index
          %swap3A_280 = arith.index_cast %add3A_156 : i32 to index
          %swap3A_281 = arith.constant 112 : index
          %swap3A_282 = tpu.vector_load %arg9[%swap3A_279, %swap3A_280, %swap3A_281] {strides = array<i32>} : memref<2x128x128xf32, #tpu.memory_space<vmem>>, vector<16xf32>,
          tpu.vector_store %arg9[%swap3A_279, %swap3A_280, %swap3A_281], %add3A_277 {strides = array<i32>} : memref<2x128x128xf32, #tpu.memory_space<vmem>>, vector<16xf32>,
        }
        %scan3A_137 = arith.constant 128 : i32
        %mul3A_138 = arith.constant 128 : i32
        %mul3A_139 = arith.muli %add3A_92, %mul3A_138 : i32
        %dma_start3A = arith.constant 0 : i32
        %dma_start3A_140 = arith.constant 0 : i32
        %dma_start3A_141 = arith.constant 0 : i32
        %dma_start3A_142 = tpu.memref_slice %arg9[%dma_start3A, %dma_start3A_140, %dma_start3A_141] : memref<2x128x128xf32, #tpu.memory_space<vmem>> -> memref<1x128x128xf32, #tpu.memory_space<vmem>>
        %dma_start3A_143 = tpu.memref_squeeze %dma_start3A_142 : memref<1x128x128xf32, #tpu.memory_space<vmem>> -> memref<128x128xf32, #tpu.memory_space<vmem>>
        %dma_start3A_144 = arith.constant 0 : i32
        %dma_start3A_145 = tpu.memref_slice %arg6[%mul3A_139, %dma_start3A_144] : memref<320000x128xf32, #tpu.memory_space<hbm>> -> memref<128x128xf32, #tpu.memory_space<hbm>>
        %dma_start3A_146 = arith.constant 0 : i32
        %dma_start3A_147 = tpu.memref_slice %arg6[%mul3A_139, %dma_start3A_146] : memref<320000x128xf32, #tpu.memory_space<hbm>> -> memref<128x128xf32, #tpu.memory_space<hbm>>
        %dma_start3A_148 = arith.constant 0 : i32
        %dma_start3A_149 = arith.constant 0 : i32
        %dma_start3A_150 = tpu.memref_slice %arg9[%dma_start3A, %dma_start3A_148, %dma_start3A_149] : memref<2x128x128xf32, #tpu.memory_space<vmem>> -> memref<1x128x128xf32, #tpu.memory_space<vmem>>
        %dma_start3A_151 = tpu.memref_squeeze %dma_start3A_150 : memref<1x128x128xf32, #tpu.memory_space<vmem>> -> memref<128x128xf32, #tpu.memory_space<vmem>>
        tpu.enqueue_dma source(%dma_start3A_151 : memref<128x128xf32, #tpu.memory_space<vmem>>) target(%dma_start3A_147 : memref<128x128xf32, #tpu.memory_space<hbm>>) target_semaphore(%arg15 : memref<!tpu.dma_semaphore, #tpu.memory_space<semaphore_mem>>)
      } else {
      }
      %mul3A_98 = arith.constant 2 : i32
      %mul3A_99 = arith.muli %mul3A_98, %add3A_20 : i32
      %add3A_100 = arith.constant 1 : i32
      %add3A_101 = arith.addi %mul3A_99, %add3A_100 : i32
      %mul3A_102 = arith.constant 32 : i32
      %mul3A_103 = arith.muli %mul3A_102, %add3A_101 : i32
      %add3A_104 = arith.addi %add3A, %mul3A_103 : i32
      %lt3A_105 = arith.constant 2500 : i32
      %lt3A_106 = arith.cmpi slt, %add3A_104, %lt3A_105 : i32
      %convert_element_type3A_107 = arith.extui %lt3A_106 : i1 to i32
      %cond3A_108 = arith.constant 0 : i32
      %cond3A_109 = arith.cmpi ne, %convert_element_type3A_107, %cond3A_108 : i32
      scf.if %cond3A_109 {
        %dma_wait3A = arith.constant 1 : i32
        %dma_wait3A_110 = arith.constant 1 : i32
        %dma_wait3A_111 = arith.constant 0 : i32
        %dma_wait3A_112 = arith.constant 0 : i32
        %dma_wait3A_113 = tpu.memref_slice %arg9[%dma_wait3A_110, %dma_wait3A_111, %dma_wait3A_112] : memref<2x128x128xf32, #tpu.memory_space<vmem>> -> memref<1x128x128xf32, #tpu.memory_space<vmem>>
        %dma_wait3A_114 = tpu.memref_squeeze %dma_wait3A_113 : memref<1x128x128xf32, #tpu.memory_space<vmem>> -> memref<128x128xf32, #tpu.memory_space<vmem>>
        %dma_wait3A_115 = arith.constant 0 : i32
        %dma_wait3A_116 = tpu.memref_slice %arg7[%dma_wait3A, %dma_wait3A_115] : memref<2x128xi32, #tpu.memory_space<vmem>> -> memref<1x128xi32, #tpu.memory_space<vmem>>
        %dma_wait3A_117 = tpu.memref_squeeze %dma_wait3A_116 : memref<1x128xi32, #tpu.memory_space<vmem>> -> memref<128xi32, #tpu.memory_space<vmem>>
        %dma_wait3A_118 = arith.constant 0 : i32
        %dma_wait3A_119 = arith.constant 0 : i32
        %dma_wait3A_120 = tpu.memref_slice %arg2[%dma_wait3A_118, %dma_wait3A_119] : memref<10000x128xf32, #tpu.memory_space<hbm>> -> memref<10000x128xf32, #tpu.memory_space<hbm>>
        tpu.wait_indirect_dma semaphore(%arg14 : memref<!tpu.dma_semaphore, #tpu.memory_space<semaphore_mem>>) src(%dma_wait3A_120 : memref<10000x128xf32, #tpu.memory_space<hbm>>) dst(%dma_wait3A_114 : memref<128x128xf32, #tpu.memory_space<vmem>>)
        %dma_wait3A_121 = arith.constant 1 : i32
        %dma_wait3A_122 = arith.constant 1 : i32
        %dma_wait3A_123 = arith.constant 0 : i32
        %dma_wait3A_124 = arith.constant 0 : i32
        %dma_wait3A_125 = tpu.memref_slice %arg10[%dma_wait3A_122, %dma_wait3A_123, %dma_wait3A_124] : memref<2x128x128xf32, #tpu.memory_space<vmem>> -> memref<1x128x128xf32, #tpu.memory_space<vmem>>
        %dma_wait3A_126 = tpu.memref_squeeze %dma_wait3A_125 : memref<1x128x128xf32, #tpu.memory_space<vmem>> -> memref<128x128xf32, #tpu.memory_space<vmem>>
        %dma_wait3A_127 = arith.constant 0 : i32
        %dma_wait3A_128 = tpu.memref_slice %arg8[%dma_wait3A_121, %dma_wait3A_127] : memref<2x128xi32, #tpu.memory_space<vmem>> -> memref<1x128xi32, #tpu.memory_space<vmem>>
        %dma_wait3A_129 = tpu.memref_squeeze %dma_wait3A_128 : memref<1x128xi32, #tpu.memory_space<vmem>> -> memref<128xi32, #tpu.memory_space<vmem>>
        %dma_wait3A_130 = arith.constant 0 : i32
        %dma_wait3A_131 = arith.constant 0 : i32
        %dma_wait3A_132 = tpu.memref_slice %arg3[%dma_wait3A_130, %dma_wait3A_131] : memref<10000x128xf32, #tpu.memory_space<hbm>> -> memref<10000x128xf32, #tpu.memory_space<hbm>>
        tpu.wait_indirect_dma semaphore(%arg14 : memref<!tpu.dma_semaphore, #tpu.memory_space<semaphore_mem>>) src(%dma_wait3A_132 : memref<10000x128xf32, #tpu.memory_space<hbm>>) dst(%dma_wait3A_126 : memref<128x128xf32, #tpu.memory_space<vmem>>)
        %scan3A_133 = arith.constant 0 : i32
        %scan3A_134 = arith.constant 128 : i32
        %scan3A_135 = arith.addi %scan3A_133, %scan3A_134 : i32
        %scan3A_136 = arith.constant 1 : i32
        scf.for %scan3A_152 = %scan3A_133 to %scan3A_135 step %scan3A_136  : i32 {
          %mul3A_153 = arith.constant 1 : i32
          %mul3A_154 = arith.muli %scan3A_152, %mul3A_153 : i32
          %add3A_155 = arith.constant 0 : i32
          %add3A_156 = arith.addi %add3A_155, %mul3A_154 : i32
          %get3A = arith.constant 1 : i32
          %get3A_157 = arith.index_cast %get3A : i32 to index
          %get3A_158 = arith.index_cast %add3A_156 : i32 to index
          %get3A_159 = arith.constant 0 : index
          %get3A_160 = tpu.vector_load %arg9[%get3A_157, %get3A_158, %get3A_159] {strides = array<i32>} : memref<2x128x128xf32, #tpu.memory_space<vmem>>, vector<16xf32>,
          %get3A_161 = arith.constant 1 : i32
          %get3A_162 = arith.index_cast %get3A_161 : i32 to index
          %get3A_163 = arith.index_cast %add3A_156 : i32 to index
          %get3A_164 = arith.constant 0 : index
          %get3A_165 = tpu.vector_load %arg10[%get3A_162, %get3A_163, %get3A_164] {strides = array<i32>} : memref<2x128x128xf32, #tpu.memory_space<vmem>>, vector<16xf32>,
          %add3A_166 = arith.addf %get3A_160, %get3A_165 : vector<16xf32>
          %swap3A = arith.constant 1 : i32
          %swap3A_167 = arith.index_cast %swap3A : i32 to index
          %swap3A_168 = arith.index_cast %add3A_156 : i32 to index
          %swap3A_169 = arith.constant 0 : index
          %swap3A_170 = tpu.vector_load %arg9[%swap3A_167, %swap3A_168, %swap3A_169] {strides = array<i32>} : memref<2x128x128xf32, #tpu.memory_space<vmem>>, vector<16xf32>,
          tpu.vector_store %arg9[%swap3A_167, %swap3A_168, %swap3A_169], %add3A_166 {strides = array<i32>} : memref<2x128x128xf32, #tpu.memory_space<vmem>>, vector<16xf32>,
          %get3A_171 = arith.constant 1 : i32
          %get3A_172 = arith.index_cast %get3A_171 : i32 to index
          %get3A_173 = arith.index_cast %add3A_156 : i32 to index
          %get3A_174 = arith.constant 16 : index
          %get3A_175 = tpu.vector_load %arg9[%get3A_172, %get3A_173, %get3A_174] {strides = array<i32>} : memref<2x128x128xf32, #tpu.memory_space<vmem>>, vector<16xf32>,
          %get3A_176 = arith.constant 1 : i32
          %get3A_177 = arith.index_cast %get3A_176 : i32 to index
          %get3A_178 = arith.index_cast %add3A_156 : i32 to index
          %get3A_179 = arith.constant 16 : index
          %get3A_180 = tpu.vector_load %arg10[%get3A_177, %get3A_178, %get3A_179] {strides = array<i32>} : memref<2x128x128xf32, #tpu.memory_space<vmem>>, vector<16xf32>,
          %add3A_181 = arith.addf %get3A_175, %get3A_180 : vector<16xf32>
          %swap3A_182 = arith.constant 1 : i32
          %swap3A_183 = arith.index_cast %swap3A_182 : i32 to index
          %swap3A_184 = arith.index_cast %add3A_156 : i32 to index
          %swap3A_185 = arith.constant 16 : index
          %swap3A_186 = tpu.vector_load %arg9[%swap3A_183, %swap3A_184, %swap3A_185] {strides = array<i32>} : memref<2x128x128xf32, #tpu.memory_space<vmem>>, vector<16xf32>,
          tpu.vector_store %arg9[%swap3A_183, %swap3A_184, %swap3A_185], %add3A_181 {strides = array<i32>} : memref<2x128x128xf32, #tpu.memory_space<vmem>>, vector<16xf32>,
          %get3A_187 = arith.constant 1 : i32
          %get3A_188 = arith.index_cast %get3A_187 : i32 to index
          %get3A_189 = arith.index_cast %add3A_156 : i32 to index
          %get3A_190 = arith.constant 32 : index
          %get3A_191 = tpu.vector_load %arg9[%get3A_188, %get3A_189, %get3A_190] {strides = array<i32>} : memref<2x128x128xf32, #tpu.memory_space<vmem>>, vector<16xf32>,
          %get3A_192 = arith.constant 1 : i32
          %get3A_193 = arith.index_cast %get3A_192 : i32 to index
          %get3A_194 = arith.index_cast %add3A_156 : i32 to index
          %get3A_195 = arith.constant 32 : index
          %get3A_196 = tpu.vector_load %arg10[%get3A_193, %get3A_194, %get3A_195] {strides = array<i32>} : memref<2x128x128xf32, #tpu.memory_space<vmem>>, vector<16xf32>,
          %add3A_197 = arith.addf %get3A_191, %get3A_196 : vector<16xf32>
          %swap3A_198 = arith.constant 1 : i32
          %swap3A_199 = arith.index_cast %swap3A_198 : i32 to index
          %swap3A_200 = arith.index_cast %add3A_156 : i32 to index
          %swap3A_201 = arith.constant 32 : index
          %swap3A_202 = tpu.vector_load %arg9[%swap3A_199, %swap3A_200, %swap3A_201] {strides = array<i32>} : memref<2x128x128xf32, #tpu.memory_space<vmem>>, vector<16xf32>,
          tpu.vector_store %arg9[%swap3A_199, %swap3A_200, %swap3A_201], %add3A_197 {strides = array<i32>} : memref<2x128x128xf32, #tpu.memory_space<vmem>>, vector<16xf32>,
          %get3A_203 = arith.constant 1 : i32
          %get3A_204 = arith.index_cast %get3A_203 : i32 to index
          %get3A_205 = arith.index_cast %add3A_156 : i32 to index
          %get3A_206 = arith.constant 48 : index
          %get3A_207 = tpu.vector_load %arg9[%get3A_204, %get3A_205, %get3A_206] {strides = array<i32>} : memref<2x128x128xf32, #tpu.memory_space<vmem>>, vector<16xf32>,
          %get3A_208 = arith.constant 1 : i32
          %get3A_209 = arith.index_cast %get3A_208 : i32 to index
          %get3A_210 = arith.index_cast %add3A_156 : i32 to index
          %get3A_211 = arith.constant 48 : index
          %get3A_212 = tpu.vector_load %arg10[%get3A_209, %get3A_210, %get3A_211] {strides = array<i32>} : memref<2x128x128xf32, #tpu.memory_space<vmem>>, vector<16xf32>,
          %add3A_213 = arith.addf %get3A_207, %get3A_212 : vector<16xf32>
          %swap3A_214 = arith.constant 1 : i32
          %swap3A_215 = arith.index_cast %swap3A_214 : i32 to index
          %swap3A_216 = arith.index_cast %add3A_156 : i32 to index
          %swap3A_217 = arith.constant 48 : index
          %swap3A_218 = tpu.vector_load %arg9[%swap3A_215, %swap3A_216, %swap3A_217] {strides = array<i32>} : memref<2x128x128xf32, #tpu.memory_space<vmem>>, vector<16xf32>,
          tpu.vector_store %arg9[%swap3A_215, %swap3A_216, %swap3A_217], %add3A_213 {strides = array<i32>} : memref<2x128x128xf32, #tpu.memory_space<vmem>>, vector<16xf32>,
          %get3A_219 = arith.constant 1 : i32
          %get3A_220 = arith.index_cast %get3A_219 : i32 to index
          %get3A_221 = arith.index_cast %add3A_156 : i32 to index
          %get3A_222 = arith.constant 64 : index
          %get3A_223 = tpu.vector_load %arg9[%get3A_220, %get3A_221, %get3A_222] {strides = array<i32>} : memref<2x128x128xf32, #tpu.memory_space<vmem>>, vector<16xf32>,
          %get3A_224 = arith.constant 1 : i32
          %get3A_225 = arith.index_cast %get3A_224 : i32 to index
          %get3A_226 = arith.index_cast %add3A_156 : i32 to index
          %get3A_227 = arith.constant 64 : index
          %get3A_228 = tpu.vector_load %arg10[%get3A_225, %get3A_226, %get3A_227] {strides = array<i32>} : memref<2x128x128xf32, #tpu.memory_space<vmem>>, vector<16xf32>,
          %add3A_229 = arith.addf %get3A_223, %get3A_228 : vector<16xf32>
          %swap3A_230 = arith.constant 1 : i32
          %swap3A_231 = arith.index_cast %swap3A_230 : i32 to index
          %swap3A_232 = arith.index_cast %add3A_156 : i32 to index
          %swap3A_233 = arith.constant 64 : index
          %swap3A_234 = tpu.vector_load %arg9[%swap3A_231, %swap3A_232, %swap3A_233] {strides = array<i32>} : memref<2x128x128xf32, #tpu.memory_space<vmem>>, vector<16xf32>,
          tpu.vector_store %arg9[%swap3A_231, %swap3A_232, %swap3A_233], %add3A_229 {strides = array<i32>} : memref<2x128x128xf32, #tpu.memory_space<vmem>>, vector<16xf32>,
          %get3A_235 = arith.constant 1 : i32
          %get3A_236 = arith.index_cast %get3A_235 : i32 to index
          %get3A_237 = arith.index_cast %add3A_156 : i32 to index
          %get3A_238 = arith.constant 80 : index
          %get3A_239 = tpu.vector_load %arg9[%get3A_236, %get3A_237, %get3A_238] {strides = array<i32>} : memref<2x128x128xf32, #tpu.memory_space<vmem>>, vector<16xf32>,
          %get3A_240 = arith.constant 1 : i32
          %get3A_241 = arith.index_cast %get3A_240 : i32 to index
          %get3A_242 = arith.index_cast %add3A_156 : i32 to index
          %get3A_243 = arith.constant 80 : index
          %get3A_244 = tpu.vector_load %arg10[%get3A_241, %get3A_242, %get3A_243] {strides = array<i32>} : memref<2x128x128xf32, #tpu.memory_space<vmem>>, vector<16xf32>,
          %add3A_245 = arith.addf %get3A_239, %get3A_244 : vector<16xf32>
          %swap3A_246 = arith.constant 1 : i32
          %swap3A_247 = arith.index_cast %swap3A_246 : i32 to index
          %swap3A_248 = arith.index_cast %add3A_156 : i32 to index
          %swap3A_249 = arith.constant 80 : index
          %swap3A_250 = tpu.vector_load %arg9[%swap3A_247, %swap3A_248, %swap3A_249] {strides = array<i32>} : memref<2x128x128xf32, #tpu.memory_space<vmem>>, vector<16xf32>,
          tpu.vector_store %arg9[%swap3A_247, %swap3A_248, %swap3A_249], %add3A_245 {strides = array<i32>} : memref<2x128x128xf32, #tpu.memory_space<vmem>>, vector<16xf32>,
          %get3A_251 = arith.constant 1 : i32
          %get3A_252 = arith.index_cast %get3A_251 : i32 to index
          %get3A_253 = arith.index_cast %add3A_156 : i32 to index
          %get3A_254 = arith.constant 96 : index
          %get3A_255 = tpu.vector_load %arg9[%get3A_252, %get3A_253, %get3A_254] {strides = array<i32>} : memref<2x128x128xf32, #tpu.memory_space<vmem>>, vector<16xf32>,
          %get3A_256 = arith.constant 1 : i32
          %get3A_257 = arith.index_cast %get3A_256 : i32 to index
          %get3A_258 = arith.index_cast %add3A_156 : i32 to index
          %get3A_259 = arith.constant 96 : index
          %get3A_260 = tpu.vector_load %arg10[%get3A_257, %get3A_258, %get3A_259] {strides = array<i32>} : memref<2x128x128xf32, #tpu.memory_space<vmem>>, vector<16xf32>,
          %add3A_261 = arith.addf %get3A_255, %get3A_260 : vector<16xf32>
          %swap3A_262 = arith.constant 1 : i32
          %swap3A_263 = arith.index_cast %swap3A_262 : i32 to index
          %swap3A_264 = arith.index_cast %add3A_156 : i32 to index
          %swap3A_265 = arith.constant 96 : index
          %swap3A_266 = tpu.vector_load %arg9[%swap3A_263, %swap3A_264, %swap3A_265] {strides = array<i32>} : memref<2x128x128xf32, #tpu.memory_space<vmem>>, vector<16xf32>,
          tpu.vector_store %arg9[%swap3A_263, %swap3A_264, %swap3A_265], %add3A_261 {strides = array<i32>} : memref<2x128x128xf32, #tpu.memory_space<vmem>>, vector<16xf32>,
          %get3A_267 = arith.constant 1 : i32
          %get3A_268 = arith.index_cast %get3A_267 : i32 to index
          %get3A_269 = arith.index_cast %add3A_156 : i32 to index
          %get3A_270 = arith.constant 112 : index
          %get3A_271 = tpu.vector_load %arg9[%get3A_268, %get3A_269, %get3A_270] {strides = array<i32>} : memref<2x128x128xf32, #tpu.memory_space<vmem>>, vector<16xf32>,
          %get3A_272 = arith.constant 1 : i32
          %get3A_273 = arith.index_cast %get3A_272 : i32 to index
          %get3A_274 = arith.index_cast %add3A_156 : i32 to index
          %get3A_275 = arith.constant 112 : index
          %get3A_276 = tpu.vector_load %arg10[%get3A_273, %get3A_274, %get3A_275] {strides = array<i32>} : memref<2x128x128xf32, #tpu.memory_space<vmem>>, vector<16xf32>,
          %add3A_277 = arith.addf %get3A_271, %get3A_276 : vector<16xf32>
          %swap3A_278 = arith.constant 1 : i32
          %swap3A_279 = arith.index_cast %swap3A_278 : i32 to index
          %swap3A_280 = arith.index_cast %add3A_156 : i32 to index
          %swap3A_281 = arith.constant 112 : index
          %swap3A_282 = tpu.vector_load %arg9[%swap3A_279, %swap3A_280, %swap3A_281] {strides = array<i32>} : memref<2x128x128xf32, #tpu.memory_space<vmem>>, vector<16xf32>,
          tpu.vector_store %arg9[%swap3A_279, %swap3A_280, %swap3A_281], %add3A_277 {strides = array<i32>} : memref<2x128x128xf32, #tpu.memory_space<vmem>>, vector<16xf32>,
        }
        %scan3A_137 = arith.constant 128 : i32
        %mul3A_138 = arith.constant 128 : i32
        %mul3A_139 = arith.muli %add3A_104, %mul3A_138 : i32
        %dma_start3A = arith.constant 1 : i32
        %dma_start3A_140 = arith.constant 0 : i32
        %dma_start3A_141 = arith.constant 0 : i32
        %dma_start3A_142 = tpu.memref_slice %arg9[%dma_start3A, %dma_start3A_140, %dma_start3A_141] : memref<2x128x128xf32, #tpu.memory_space<vmem>> -> memref<1x128x128xf32, #tpu.memory_space<vmem>>
        %dma_start3A_143 = tpu.memref_squeeze %dma_start3A_142 : memref<1x128x128xf32, #tpu.memory_space<vmem>> -> memref<128x128xf32, #tpu.memory_space<vmem>>
        %dma_start3A_144 = arith.constant 0 : i32
        %dma_start3A_145 = tpu.memref_slice %arg6[%mul3A_139, %dma_start3A_144] : memref<320000x128xf32, #tpu.memory_space<hbm>> -> memref<128x128xf32, #tpu.memory_space<hbm>>
        %dma_start3A_146 = arith.constant 0 : i32
        %dma_start3A_147 = tpu.memref_slice %arg6[%mul3A_139, %dma_start3A_146] : memref<320000x128xf32, #tpu.memory_space<hbm>> -> memref<128x128xf32, #tpu.memory_space<hbm>>
        %dma_start3A_148 = arith.constant 0 : i32
        %dma_start3A_149 = arith.constant 0 : i32
        %dma_start3A_150 = tpu.memref_slice %arg9[%dma_start3A, %dma_start3A_148, %dma_start3A_149] : memref<2x128x128xf32, #tpu.memory_space<vmem>> -> memref<1x128x128xf32, #tpu.memory_space<vmem>>
        %dma_start3A_151 = tpu.memref_squeeze %dma_start3A_150 : memref<1x128x128xf32, #tpu.memory_space<vmem>> -> memref<128x128xf32, #tpu.memory_space<vmem>>
        tpu.enqueue_dma source(%dma_start3A_151 : memref<128x128xf32, #tpu.memory_space<vmem>>) target(%dma_start3A_147 : memref<128x128xf32, #tpu.memory_space<hbm>>) target_semaphore(%arg16 : memref<!tpu.dma_semaphore, #tpu.memory_space<semaphore_mem>>)
      } else {
      }
    }
    %scan3A_4 = arith.constant 40 : i32
    %add3A_5 = arith.constant 2496 : i32
    %add3A_6 = arith.addi %add3A, %add3A_5 : i32
    %lt3A = arith.constant 2500 : i32
    %lt3A_7 = arith.cmpi slt, %add3A_6, %lt3A : i32
    %convert_element_type3A = arith.extui %lt3A_7 : i1 to i32
    %cond3A = arith.constant 0 : i32
    %cond3A_8 = arith.cmpi ne, %convert_element_type3A, %cond3A : i32
    scf.if %cond3A_8 {
      %mul3A_16 = arith.constant 128 : i32
      %mul3A_17 = arith.muli %add3A_6, %mul3A_16 : i32
      %dma_wait3A = arith.constant 0 : i32
      %dma_wait3A_18 = arith.constant 0 : i32
      %dma_wait3A_19 = arith.constant 0 : i32
      %dma_wait3A_20 = tpu.memref_slice %arg9[%dma_wait3A, %dma_wait3A_18, %dma_wait3A_19] : memref<2x128x128xf32, #tpu.memory_space<vmem>> -> memref<1x128x128xf32, #tpu.memory_space<vmem>>
      %dma_wait3A_21 = tpu.memref_squeeze %dma_wait3A_20 : memref<1x128x128xf32, #tpu.memory_space<vmem>> -> memref<128x128xf32, #tpu.memory_space<vmem>>
      %dma_wait3A_22 = arith.constant 0 : i32
      %dma_wait3A_23 = tpu.memref_slice %arg6[%mul3A_17, %dma_wait3A_22] : memref<320000x128xf32, #tpu.memory_space<hbm>> -> memref<128x128xf32, #tpu.memory_space<hbm>>
      %dma_wait3A_24 = arith.constant 0 : i32
      %dma_wait3A_25 = tpu.memref_slice %arg6[%mul3A_17, %dma_wait3A_24] : memref<320000x128xf32, #tpu.memory_space<hbm>> -> memref<128x128xf32, #tpu.memory_space<hbm>>
      %dma_wait3A_26 = arith.constant 0 : i32
      %dma_wait3A_27 = arith.constant 0 : i32
      %dma_wait3A_28 = tpu.memref_slice %arg9[%dma_wait3A, %dma_wait3A_26, %dma_wait3A_27] : memref<2x128x128xf32, #tpu.memory_space<vmem>> -> memref<1x128x128xf32, #tpu.memory_space<vmem>>
      %dma_wait3A_29 = tpu.memref_squeeze %dma_wait3A_28 : memref<1x128x128xf32, #tpu.memory_space<vmem>> -> memref<128x128xf32, #tpu.memory_space<vmem>>
      tpu.wait_dma2 semaphore(%arg15 : memref<!tpu.dma_semaphore, #tpu.memory_space<semaphore_mem>>) src(%dma_wait3A_29 : memref<128x128xf32, #tpu.memory_space<vmem>>) dst(%dma_wait3A_25 : memref<128x128xf32, #tpu.memory_space<hbm>>)
    } else {
    }
    %add3A_9 = arith.constant 2528 : i32
    %add3A_10 = arith.addi %add3A, %add3A_9 : i32
    %lt3A_11 = arith.constant 2500 : i32
    %lt3A_12 = arith.cmpi slt, %add3A_10, %lt3A_11 : i32
    %convert_element_type3A_13 = arith.extui %lt3A_12 : i1 to i32
    %cond3A_14 = arith.constant 0 : i32
    %cond3A_15 = arith.cmpi ne, %convert_element_type3A_13, %cond3A_14 : i32
    scf.if %cond3A_15 {
      %mul3A_16 = arith.constant 128 : i32
      %mul3A_17 = arith.muli %add3A_10, %mul3A_16 : i32
      %dma_wait3A = arith.constant 1 : i32
      %dma_wait3A_18 = arith.constant 0 : i32
      %dma_wait3A_19 = arith.constant 0 : i32
      %dma_wait3A_20 = tpu.memref_slice %arg9[%dma_wait3A, %dma_wait3A_18, %dma_wait3A_19] : memref<2x128x128xf32, #tpu.memory_space<vmem>> -> memref<1x128x128xf32, #tpu.memory_space<vmem>>
      %dma_wait3A_21 = tpu.memref_squeeze %dma_wait3A_20 : memref<1x128x128xf32, #tpu.memory_space<vmem>> -> memref<128x128xf32, #tpu.memory_space<vmem>>
      %dma_wait3A_22 = arith.constant 0 : i32
      %dma_wait3A_23 = tpu.memref_slice %arg6[%mul3A_17, %dma_wait3A_22] : memref<320000x128xf32, #tpu.memory_space<hbm>> -> memref<128x128xf32, #tpu.memory_space<hbm>>
      %dma_wait3A_24 = arith.constant 0 : i32
      %dma_wait3A_25 = tpu.memref_slice %arg6[%mul3A_17, %dma_wait3A_24] : memref<320000x128xf32, #tpu.memory_space<hbm>> -> memref<128x128xf32, #tpu.memory_space<hbm>>
      %dma_wait3A_26 = arith.constant 0 : i32
      %dma_wait3A_27 = arith.constant 0 : i32
      %dma_wait3A_28 = tpu.memref_slice %arg9[%dma_wait3A, %dma_wait3A_26, %dma_wait3A_27] : memref<2x128x128xf32, #tpu.memory_space<vmem>> -> memref<1x128x128xf32, #tpu.memory_space<vmem>>
      %dma_wait3A_29 = tpu.memref_squeeze %dma_wait3A_28 : memref<1x128x128xf32, #tpu.memory_space<vmem>> -> memref<128x128xf32, #tpu.memory_space<vmem>>
      tpu.wait_dma2 semaphore(%arg16 : memref<!tpu.dma_semaphore, #tpu.memory_space<semaphore_mem>>) src(%dma_wait3A_29 : memref<128x128xf32, #tpu.memory_space<vmem>>) dst(%dma_wait3A_25 : memref<128x128xf32, #tpu.memory_space<hbm>>)
    } else {
    }
    return
  }
}

#map = affine_map<(d0, d1) -> (0, 0)>
#map1 = affine_map<(d0, d1) -> (0)>
module attributes {stable_mosaic.version = 14 : i64} {
  func.func @_sc_agg_body(%arg0: i32, %arg1: i32, %arg2: memref<10000x128xf32, #tpu.memory_space<hbm>>, %arg3: memref<5120000xf32, #tpu.memory_space<hbm>>, %arg4: memref<320000xi32, #tpu.memory_space<hbm>>, %arg5: memref<320000xi32, #tpu.memory_space<hbm>>, %arg6: memref<10000x128xf32, #tpu.memory_space<hbm>>, %arg7: memref<10000x128xf32, #tpu.memory_space<hbm>>, %arg8: memref<2x128xi32, #tpu.memory_space<vmem>>, %arg9: memref<2x128xi32, #tpu.memory_space<vmem>>, %arg10: memref<2x128x128xf32, #tpu.memory_space<vmem>>, %arg11: memref<2x2048xf32, #tpu.memory_space<vmem>>, %arg12: memref<10000x128xf32, #tpu.memory_space<vmem_shared>>, %arg13: memref<!tpu.dma_semaphore, #tpu.memory_space<semaphore_mem>>, %arg14: memref<!tpu.dma_semaphore, #tpu.memory_space<semaphore_mem>>, %arg15: memref<!tpu.dma_semaphore, #tpu.memory_space<semaphore_mem>>, %arg16: memref<!tpu.dma_semaphore, #tpu.memory_space<semaphore_mem>>) attributes {dimension_semantics = [#tpu.dimension_semantics<core_parallel>, #tpu.dimension_semantics<subcore_parallel>], iteration_bounds = array<i64: 2, 16>, scalar_prefetch = 0 : i64, scratch_operands = 9 : i64, tpu.core_type = #tpu.core_type<sc_vector_subcore>, window_params = [{transform_indices = #map}, {transform_indices = #map1}, {transform_indices = #map1}, {transform_indices = #map1}, {transform_indices = #map}, {transform_indices = #map}]} {
    %mul3A = arith.constant 2 : i32
    %mul3A_0 = arith.muli %arg1, %mul3A : i32
    %add3A = arith.addi %mul3A_0, %arg0 : i32
    %iota3A = tpu.iota {dimensions = array<i32: 0>} : vector<16xi32>
    %xor3A = arith.constant 8 : i32
    %xor3A_1 = vector.broadcast %xor3A : i32 to vector<16xi32>
    %xor3A_2 = arith.xori %iota3A, %xor3A_1 : vector<16xi32>
    %scan3A = arith.constant 0 : i32
    %scan3A_3 = arith.constant 128 : i32
    %scan3A_4 = arith.addi %scan3A, %scan3A_3 : i32
    %scan3A_5 = arith.constant 1 : i32
    scf.for %scan3A_36 = %scan3A to %scan3A_4 step %scan3A_5  : i32 {
      %mul3A_37 = arith.constant 1 : i32
      %mul3A_38 = arith.muli %scan3A_36, %mul3A_37 : i32
      %add3A_39 = arith.constant 0 : i32
      %add3A_40 = arith.addi %add3A_39, %mul3A_38 : i32
      %broadcast_in_dim3A = arith.constant 0.000000e+00 : f32
      %broadcast_in_dim3A_41 = vector.broadcast %broadcast_in_dim3A : f32 to vector<16xf32>
      %swap3A = arith.constant 0 : i32
      %swap3A_42 = arith.index_cast %swap3A : i32 to index
      %swap3A_43 = arith.index_cast %add3A_40 : i32 to index
      %swap3A_44 = arith.constant 0 : index
      %swap3A_45 = tpu.vector_load %arg10[%swap3A_42, %swap3A_43, %swap3A_44] {strides = array<i32>} : memref<2x128x128xf32, #tpu.memory_space<vmem>>, vector<16xf32>,
      tpu.vector_store %arg10[%swap3A_42, %swap3A_43, %swap3A_44], %broadcast_in_dim3A_41 {strides = array<i32>} : memref<2x128x128xf32, #tpu.memory_space<vmem>>, vector<16xf32>,
      %broadcast_in_dim3A_46 = arith.constant 0.000000e+00 : f32
      %broadcast_in_dim3A_47 = vector.broadcast %broadcast_in_dim3A_46 : f32 to vector<16xf32>
      %swap3A_48 = arith.constant 0 : i32
      %swap3A_49 = arith.index_cast %swap3A_48 : i32 to index
      %swap3A_50 = arith.index_cast %add3A_40 : i32 to index
      %swap3A_51 = arith.constant 16 : index
      %swap3A_52 = tpu.vector_load %arg10[%swap3A_49, %swap3A_50, %swap3A_51] {strides = array<i32>} : memref<2x128x128xf32, #tpu.memory_space<vmem>>, vector<16xf32>,
      tpu.vector_store %arg10[%swap3A_49, %swap3A_50, %swap3A_51], %broadcast_in_dim3A_47 {strides = array<i32>} : memref<2x128x128xf32, #tpu.memory_space<vmem>>, vector<16xf32>,
      %broadcast_in_dim3A_53 = arith.constant 0.000000e+00 : f32
      %broadcast_in_dim3A_54 = vector.broadcast %broadcast_in_dim3A_53 : f32 to vector<16xf32>
      %swap3A_55 = arith.constant 0 : i32
      %swap3A_56 = arith.index_cast %swap3A_55 : i32 to index
      %swap3A_57 = arith.index_cast %add3A_40 : i32 to index
      %swap3A_58 = arith.constant 32 : index
      %swap3A_59 = tpu.vector_load %arg10[%swap3A_56, %swap3A_57, %swap3A_58] {strides = array<i32>} : memref<2x128x128xf32, #tpu.memory_space<vmem>>, vector<16xf32>,
      tpu.vector_store %arg10[%swap3A_56, %swap3A_57, %swap3A_58], %broadcast_in_dim3A_54 {strides = array<i32>} : memref<2x128x128xf32, #tpu.memory_space<vmem>>, vector<16xf32>,
      %broadcast_in_dim3A_60 = arith.constant 0.000000e+00 : f32
      %broadcast_in_dim3A_61 = vector.broadcast %broadcast_in_dim3A_60 : f32 to vector<16xf32>
      %swap3A_62 = arith.constant 0 : i32
      %swap3A_63 = arith.index_cast %swap3A_62 : i32 to index
      %swap3A_64 = arith.index_cast %add3A_40 : i32 to index
      %swap3A_65 = arith.constant 48 : index
      %swap3A_66 = tpu.vector_load %arg10[%swap3A_63, %swap3A_64, %swap3A_65] {strides = array<i32>} : memref<2x128x128xf32, #tpu.memory_space<vmem>>, vector<16xf32>,
      tpu.vector_store %arg10[%swap3A_63, %swap3A_64, %swap3A_65], %broadcast_in_dim3A_61 {strides = array<i32>} : memref<2x128x128xf32, #tpu.memory_space<vmem>>, vector<16xf32>,
      %broadcast_in_dim3A_67 = arith.constant 0.000000e+00 : f32
      %broadcast_in_dim3A_68 = vector.broadcast %broadcast_in_dim3A_67 : f32 to vector<16xf32>
      %swap3A_69 = arith.constant 0 : i32
      %swap3A_70 = arith.index_cast %swap3A_69 : i32 to index
      %swap3A_71 = arith.index_cast %add3A_40 : i32 to index
      %swap3A_72 = arith.constant 64 : index
      %swap3A_73 = tpu.vector_load %arg10[%swap3A_70, %swap3A_71, %swap3A_72] {strides = array<i32>} : memref<2x128x128xf32, #tpu.memory_space<vmem>>, vector<16xf32>,
      tpu.vector_store %arg10[%swap3A_70, %swap3A_71, %swap3A_72], %broadcast_in_dim3A_68 {strides = array<i32>} : memref<2x128x128xf32, #tpu.memory_space<vmem>>, vector<16xf32>,
      %broadcast_in_dim3A_74 = arith.constant 0.000000e+00 : f32
      %broadcast_in_dim3A_75 = vector.broadcast %broadcast_in_dim3A_74 : f32 to vector<16xf32>
      %swap3A_76 = arith.constant 0 : i32
      %swap3A_77 = arith.index_cast %swap3A_76 : i32 to index
      %swap3A_78 = arith.index_cast %add3A_40 : i32 to index
      %swap3A_79 = arith.constant 80 : index
      %swap3A_80 = tpu.vector_load %arg10[%swap3A_77, %swap3A_78, %swap3A_79] {strides = array<i32>} : memref<2x128x128xf32, #tpu.memory_space<vmem>>, vector<16xf32>,
      tpu.vector_store %arg10[%swap3A_77, %swap3A_78, %swap3A_79], %broadcast_in_dim3A_75 {strides = array<i32>} : memref<2x128x128xf32, #tpu.memory_space<vmem>>, vector<16xf32>,
      %broadcast_in_dim3A_81 = arith.constant 0.000000e+00 : f32
      %broadcast_in_dim3A_82 = vector.broadcast %broadcast_in_dim3A_81 : f32 to vector<16xf32>
      %swap3A_83 = arith.constant 0 : i32
      %swap3A_84 = arith.index_cast %swap3A_83 : i32 to index
      %swap3A_85 = arith.index_cast %add3A_40 : i32 to index
      %swap3A_86 = arith.constant 96 : index
      %swap3A_87 = tpu.vector_load %arg10[%swap3A_84, %swap3A_85, %swap3A_86] {strides = array<i32>} : memref<2x128x128xf32, #tpu.memory_space<vmem>>, vector<16xf32>,
      tpu.vector_store %arg10[%swap3A_84, %swap3A_85, %swap3A_86], %broadcast_in_dim3A_82 {strides = array<i32>} : memref<2x128x128xf32, #tpu.memory_space<vmem>>, vector<16xf32>,
      %broadcast_in_dim3A_88 = arith.constant 0.000000e+00 : f32
      %broadcast_in_dim3A_89 = vector.broadcast %broadcast_in_dim3A_88 : f32 to vector<16xf32>
      %swap3A_90 = arith.constant 0 : i32
      %swap3A_91 = arith.index_cast %swap3A_90 : i32 to index
      %swap3A_92 = arith.index_cast %add3A_40 : i32 to index
      %swap3A_93 = arith.constant 112 : index
      %swap3A_94 = tpu.vector_load %arg10[%swap3A_91, %swap3A_92, %swap3A_93] {strides = array<i32>} : memref<2x128x128xf32, #tpu.memory_space<vmem>>, vector<16xf32>,
      tpu.vector_store %arg10[%swap3A_91, %swap3A_92, %swap3A_93], %broadcast_in_dim3A_89 {strides = array<i32>} : memref<2x128x128xf32, #tpu.memory_space<vmem>>, vector<16xf32>,
    }
    %scan3A_6 = arith.constant 128 : i32
    %scan3A_7 = arith.constant 0 : i32
    %scan3A_8 = arith.constant 0 : i32
    %scan3A_9 = arith.constant 4 : i32
    %scan3A_10 = arith.addi %scan3A_8, %scan3A_9 : i32
    %scan3A_11 = arith.constant 1 : i32
    scf.for %scan3A_36 = %scan3A_8 to %scan3A_10 step %scan3A_11  : i32 {
      %mul3A_37 = arith.constant 1 : i32
      %mul3A_38 = arith.muli %scan3A_36, %mul3A_37 : i32
      %add3A_39 = arith.constant 0 : i32
      %add3A_40 = arith.addi %add3A_39, %mul3A_38 : i32
      %mul3A_41 = arith.constant 624 : i32
      %mul3A_42 = arith.muli %arg1, %mul3A_41 : i32
      %mul3A_43 = arith.constant 128 : i32
      %mul3A_44 = arith.muli %add3A_40, %mul3A_43 : i32
      %add3A_45 = arith.addi %mul3A_42, %mul3A_44 : i32
      "tpu.region"() ({
        %run_scoped3A_46 = tpu.sem_alloc : memref<!tpu.dma_semaphore, #tpu.memory_space<semaphore_mem>>
        %dma_start3A = arith.constant 0 : i32
        %dma_start3A_47 = arith.constant 0 : i32
        %dma_start3A_48 = tpu.memref_slice %arg10[%scan3A_7, %dma_start3A, %dma_start3A_47] : memref<2x128x128xf32, #tpu.memory_space<vmem>> -> memref<1x128x128xf32, #tpu.memory_space<vmem>>
        %dma_start3A_49 = tpu.memref_squeeze %dma_start3A_48 : memref<1x128x128xf32, #tpu.memory_space<vmem>> -> memref<128x128xf32, #tpu.memory_space<vmem>>
        %dma_start3A_50 = arith.constant 0 : i32
        %dma_start3A_51 = tpu.memref_slice %arg12[%add3A_45, %dma_start3A_50] : memref<10000x128xf32, #tpu.memory_space<vmem_shared>> -> memref<128x128xf32, #tpu.memory_space<vmem_shared>>
        %dma_start3A_52 = arith.constant 0 : i32
        %dma_start3A_53 = tpu.memref_slice %arg12[%add3A_45, %dma_start3A_52] : memref<10000x128xf32, #tpu.memory_space<vmem_shared>> -> memref<128x128xf32, #tpu.memory_space<vmem_shared>>
        %dma_start3A_54 = arith.constant 0 : i32
        %dma_start3A_55 = arith.constant 0 : i32
        %dma_start3A_56 = tpu.memref_slice %arg10[%scan3A_7, %dma_start3A_54, %dma_start3A_55] : memref<2x128x128xf32, #tpu.memory_space<vmem>> -> memref<1x128x128xf32, #tpu.memory_space<vmem>>
        %dma_start3A_57 = tpu.memref_squeeze %dma_start3A_56 : memref<1x128x128xf32, #tpu.memory_space<vmem>> -> memref<128x128xf32, #tpu.memory_space<vmem>>
        tpu.enqueue_dma source(%dma_start3A_57 : memref<128x128xf32, #tpu.memory_space<vmem>>) target(%dma_start3A_53 : memref<128x128xf32, #tpu.memory_space<vmem_shared>>) target_semaphore(%run_scoped3A_46 : memref<!tpu.dma_semaphore, #tpu.memory_space<semaphore_mem>>)
        %dma_wait3A = arith.constant 0 : i32
        %dma_wait3A_58 = arith.constant 0 : i32
        %dma_wait3A_59 = tpu.memref_slice %arg10[%scan3A_7, %dma_wait3A, %dma_wait3A_58] : memref<2x128x128xf32, #tpu.memory_space<vmem>> -> memref<1x128x128xf32, #tpu.memory_space<vmem>>
        %dma_wait3A_60 = tpu.memref_squeeze %dma_wait3A_59 : memref<1x128x128xf32, #tpu.memory_space<vmem>> -> memref<128x128xf32, #tpu.memory_space<vmem>>
        %dma_wait3A_61 = arith.constant 0 : i32
        %dma_wait3A_62 = tpu.memref_slice %arg12[%add3A_45, %dma_wait3A_61] : memref<10000x128xf32, #tpu.memory_space<vmem_shared>> -> memref<128x128xf32, #tpu.memory_space<vmem_shared>>
        %dma_wait3A_63 = arith.constant 0 : i32
        %dma_wait3A_64 = tpu.memref_slice %arg12[%add3A_45, %dma_wait3A_63] : memref<10000x128xf32, #tpu.memory_space<vmem_shared>> -> memref<128x128xf32, #tpu.memory_space<vmem_shared>>
        %dma_wait3A_65 = arith.constant 0 : i32
        %dma_wait3A_66 = arith.constant 0 : i32
        %dma_wait3A_67 = tpu.memref_slice %arg10[%scan3A_7, %dma_wait3A_65, %dma_wait3A_66] : memref<2x128x128xf32, #tpu.memory_space<vmem>> -> memref<1x128x128xf32, #tpu.memory_space<vmem>>
        %dma_wait3A_68 = tpu.memref_squeeze %dma_wait3A_67 : memref<1x128x128xf32, #tpu.memory_space<vmem>> -> memref<128x128xf32, #tpu.memory_space<vmem>>
        tpu.wait_dma2 semaphore(%run_scoped3A_46 : memref<!tpu.dma_semaphore, #tpu.memory_space<semaphore_mem>>) src(%dma_wait3A_68 : memref<128x128xf32, #tpu.memory_space<vmem>>) dst(%dma_wait3A_64 : memref<128x128xf32, #tpu.memory_space<vmem_shared>>)
        tpu.yield
      }) : () -> ()
    }
    %scan3A_12 = arith.constant 4 : i32
    %mul3A_13 = arith.constant 624 : i32
    %mul3A_14 = arith.muli %arg1, %mul3A_13 : i32
    %add3A_15 = arith.constant 512 : i32
    %add3A_16 = arith.addi %mul3A_14, %add3A_15 : i32
    %run_scoped3A = arith.constant 0 : i32
    "tpu.region"() ({
      %run_scoped3A_36 = tpu.sem_alloc : memref<!tpu.dma_semaphore, #tpu.memory_space<semaphore_mem>>
      %dma_start3A = arith.constant 0 : i32
      %dma_start3A_37 = arith.constant 0 : i32
      %dma_start3A_38 = tpu.memref_slice %arg10[%run_scoped3A, %dma_start3A, %dma_start3A_37] : memref<2x128x128xf32, #tpu.memory_space<vmem>> -> memref<1x128x128xf32, #tpu.memory_space<vmem>>
      %dma_start3A_39 = tpu.memref_squeeze %dma_start3A_38 : memref<1x128x128xf32, #tpu.memory_space<vmem>> -> memref<128x128xf32, #tpu.memory_space<vmem>>
      %dma_start3A_40 = arith.constant 0 : i32
      %dma_start3A_41 = arith.constant 0 : i32
      %dma_start3A_42 = tpu.memref_slice %dma_start3A_39[%dma_start3A_40, %dma_start3A_41] : memref<128x128xf32, #tpu.memory_space<vmem>> -> memref<112x128xf32, #tpu.memory_space<vmem>>
      %dma_start3A_43 = arith.constant 0 : i32
      %dma_start3A_44 = tpu.memref_slice %arg12[%add3A_16, %dma_start3A_43] : memref<10000x128xf32, #tpu.memory_space<vmem_shared>> -> memref<112x128xf32, #tpu.memory_space<vmem_shared>>
      %dma_start3A_45 = arith.constant 0 : i32
      %dma_start3A_46 = tpu.memref_slice %arg12[%add3A_16, %dma_start3A_45] : memref<10000x128xf32, #tpu.memory_space<vmem_shared>> -> memref<112x128xf32, #tpu.memory_space<vmem_shared>>
      %dma_start3A_47 = arith.constant 0 : i32
      %dma_start3A_48 = arith.constant 0 : i32
      %dma_start3A_49 = tpu.memref_slice %arg10[%run_scoped3A, %dma_start3A_47, %dma_start3A_48] : memref<2x128x128xf32, #tpu.memory_space<vmem>> -> memref<1x128x128xf32, #tpu.memory_space<vmem>>
      %dma_start3A_50 = tpu.memref_squeeze %dma_start3A_49 : memref<1x128x128xf32, #tpu.memory_space<vmem>> -> memref<128x128xf32, #tpu.memory_space<vmem>>
      %dma_start3A_51 = arith.constant 0 : i32
      %dma_start3A_52 = arith.constant 0 : i32
      %dma_start3A_53 = tpu.memref_slice %dma_start3A_50[%dma_start3A_51, %dma_start3A_52] : memref<128x128xf32, #tpu.memory_space<vmem>> -> memref<112x128xf32, #tpu.memory_space<vmem>>
      tpu.enqueue_dma source(%dma_start3A_53 : memref<112x128xf32, #tpu.memory_space<vmem>>) target(%dma_start3A_46 : memref<112x128xf32, #tpu.memory_space<vmem_shared>>) target_semaphore(%run_scoped3A_36 : memref<!tpu.dma_semaphore, #tpu.memory_space<semaphore_mem>>)
      %dma_wait3A = arith.constant 0 : i32
      %dma_wait3A_54 = arith.constant 0 : i32
      %dma_wait3A_55 = tpu.memref_slice %arg10[%run_scoped3A, %dma_wait3A, %dma_wait3A_54] : memref<2x128x128xf32, #tpu.memory_space<vmem>> -> memref<1x128x128xf32, #tpu.memory_space<vmem>>
      %dma_wait3A_56 = tpu.memref_squeeze %dma_wait3A_55 : memref<1x128x128xf32, #tpu.memory_space<vmem>> -> memref<128x128xf32, #tpu.memory_space<vmem>>
      %dma_wait3A_57 = arith.constant 0 : i32
      %dma_wait3A_58 = arith.constant 0 : i32
      %dma_wait3A_59 = tpu.memref_slice %dma_wait3A_56[%dma_wait3A_57, %dma_wait3A_58] : memref<128x128xf32, #tpu.memory_space<vmem>> -> memref<112x128xf32, #tpu.memory_space<vmem>>
      %dma_wait3A_60 = arith.constant 0 : i32
      %dma_wait3A_61 = tpu.memref_slice %arg12[%add3A_16, %dma_wait3A_60] : memref<10000x128xf32, #tpu.memory_space<vmem_shared>> -> memref<112x128xf32, #tpu.memory_space<vmem_shared>>
      %dma_wait3A_62 = arith.constant 0 : i32
      %dma_wait3A_63 = tpu.memref_slice %arg12[%add3A_16, %dma_wait3A_62] : memref<10000x128xf32, #tpu.memory_space<vmem_shared>> -> memref<112x128xf32, #tpu.memory_space<vmem_shared>>
      %dma_wait3A_64 = arith.constant 0 : i32
      %dma_wait3A_65 = arith.constant 0 : i32
      %dma_wait3A_66 = tpu.memref_slice %arg10[%run_scoped3A, %dma_wait3A_64, %dma_wait3A_65] : memref<2x128x128xf32, #tpu.memory_space<vmem>> -> memref<1x128x128xf32, #tpu.memory_space<vmem>>
      %dma_wait3A_67 = tpu.memref_squeeze %dma_wait3A_66 : memref<1x128x128xf32, #tpu.memory_space<vmem>> -> memref<128x128xf32, #tpu.memory_space<vmem>>
      %dma_wait3A_68 = arith.constant 0 : i32
      %dma_wait3A_69 = arith.constant 0 : i32
      %dma_wait3A_70 = tpu.memref_slice %dma_wait3A_67[%dma_wait3A_68, %dma_wait3A_69] : memref<128x128xf32, #tpu.memory_space<vmem>> -> memref<112x128xf32, #tpu.memory_space<vmem>>
      tpu.wait_dma2 semaphore(%run_scoped3A_36 : memref<!tpu.dma_semaphore, #tpu.memory_space<semaphore_mem>>) src(%dma_wait3A_70 : memref<112x128xf32, #tpu.memory_space<vmem>>) dst(%dma_wait3A_63 : memref<112x128xf32, #tpu.memory_space<vmem_shared>>)
      tpu.yield
    }) : () -> ()
    %eq3A = arith.constant 15 : i32
    %eq3A_17 = arith.cmpi eq, %arg1, %eq3A : i32
    %convert_element_type3A = arith.extui %eq3A_17 : i1 to i32
    %cond3A = arith.constant 0 : i32
    %cond3A_18 = arith.constant 0 : i32
    %cond3A_19 = arith.cmpi ne, %convert_element_type3A, %cond3A_18 : i32
    scf.if %cond3A_19 {
      "tpu.region"() ({
        %run_scoped3A_36 = tpu.sem_alloc : memref<!tpu.dma_semaphore, #tpu.memory_space<semaphore_mem>>
        %dma_start3A = arith.constant 0 : i32
        %dma_start3A_37 = arith.constant 0 : i32
        %dma_start3A_38 = tpu.memref_slice %arg10[%cond3A, %dma_start3A, %dma_start3A_37] : memref<2x128x128xf32, #tpu.memory_space<vmem>> -> memref<1x128x128xf32, #tpu.memory_space<vmem>>
        %dma_start3A_39 = tpu.memref_squeeze %dma_start3A_38 : memref<1x128x128xf32, #tpu.memory_space<vmem>> -> memref<128x128xf32, #tpu.memory_space<vmem>>
        %dma_start3A_40 = arith.constant 0 : i32
        %dma_start3A_41 = arith.constant 0 : i32
        %dma_start3A_42 = tpu.memref_slice %dma_start3A_39[%dma_start3A_40, %dma_start3A_41] : memref<128x128xf32, #tpu.memory_space<vmem>> -> memref<16x128xf32, #tpu.memory_space<vmem>>
        %dma_start3A_43 = arith.constant 9984 : i32
        %dma_start3A_44 = arith.constant 0 : i32
        %dma_start3A_45 = tpu.memref_slice %arg12[%dma_start3A_43, %dma_start3A_44] : memref<10000x128xf32, #tpu.memory_space<vmem_shared>> -> memref<16x128xf32, #tpu.memory_space<vmem_shared>>
        %dma_start3A_46 = arith.constant 9984 : i32
        %dma_start3A_47 = arith.constant 0 : i32
        %dma_start3A_48 = tpu.memref_slice %arg12[%dma_start3A_46, %dma_start3A_47] : memref<10000x128xf32, #tpu.memory_space<vmem_shared>> -> memref<16x128xf32, #tpu.memory_space<vmem_shared>>
        %dma_start3A_49 = arith.constant 0 : i32
        %dma_start3A_50 = arith.constant 0 : i32
        %dma_start3A_51 = tpu.memref_slice %arg10[%cond3A, %dma_start3A_49, %dma_start3A_50] : memref<2x128x128xf32, #tpu.memory_space<vmem>> -> memref<1x128x128xf32, #tpu.memory_space<vmem>>
        %dma_start3A_52 = tpu.memref_squeeze %dma_start3A_51 : memref<1x128x128xf32, #tpu.memory_space<vmem>> -> memref<128x128xf32, #tpu.memory_space<vmem>>
        %dma_start3A_53 = arith.constant 0 : i32
        %dma_start3A_54 = arith.constant 0 : i32
        %dma_start3A_55 = tpu.memref_slice %dma_start3A_52[%dma_start3A_53, %dma_start3A_54] : memref<128x128xf32, #tpu.memory_space<vmem>> -> memref<16x128xf32, #tpu.memory_space<vmem>>
        tpu.enqueue_dma source(%dma_start3A_55 : memref<16x128xf32, #tpu.memory_space<vmem>>) target(%dma_start3A_48 : memref<16x128xf32, #tpu.memory_space<vmem_shared>>) target_semaphore(%run_scoped3A_36 : memref<!tpu.dma_semaphore, #tpu.memory_space<semaphore_mem>>)
        %dma_wait3A = arith.constant 0 : i32
        %dma_wait3A_56 = arith.constant 0 : i32
        %dma_wait3A_57 = tpu.memref_slice %arg10[%cond3A, %dma_wait3A, %dma_wait3A_56] : memref<2x128x128xf32, #tpu.memory_space<vmem>> -> memref<1x128x128xf32, #tpu.memory_space<vmem>>
        %dma_wait3A_58 = tpu.memref_squeeze %dma_wait3A_57 : memref<1x128x128xf32, #tpu.memory_space<vmem>> -> memref<128x128xf32, #tpu.memory_space<vmem>>
        %dma_wait3A_59 = arith.constant 0 : i32
        %dma_wait3A_60 = arith.constant 0 : i32
        %dma_wait3A_61 = tpu.memref_slice %dma_wait3A_58[%dma_wait3A_59, %dma_wait3A_60] : memref<128x128xf32, #tpu.memory_space<vmem>> -> memref<16x128xf32, #tpu.memory_space<vmem>>
        %dma_wait3A_62 = arith.constant 9984 : i32
        %dma_wait3A_63 = arith.constant 0 : i32
        %dma_wait3A_64 = tpu.memref_slice %arg12[%dma_wait3A_62, %dma_wait3A_63] : memref<10000x128xf32, #tpu.memory_space<vmem_shared>> -> memref<16x128xf32, #tpu.memory_space<vmem_shared>>
        %dma_wait3A_65 = arith.constant 9984 : i32
        %dma_wait3A_66 = arith.constant 0 : i32
        %dma_wait3A_67 = tpu.memref_slice %arg12[%dma_wait3A_65, %dma_wait3A_66] : memref<10000x128xf32, #tpu.memory_space<vmem_shared>> -> memref<16x128xf32, #tpu.memory_space<vmem_shared>>
        %dma_wait3A_68 = arith.constant 0 : i32
        %dma_wait3A_69 = arith.constant 0 : i32
        %dma_wait3A_70 = tpu.memref_slice %arg10[%cond3A, %dma_wait3A_68, %dma_wait3A_69] : memref<2x128x128xf32, #tpu.memory_space<vmem>> -> memref<1x128x128xf32, #tpu.memory_space<vmem>>
        %dma_wait3A_71 = tpu.memref_squeeze %dma_wait3A_70 : memref<1x128x128xf32, #tpu.memory_space<vmem>> -> memref<128x128xf32, #tpu.memory_space<vmem>>
        %dma_wait3A_72 = arith.constant 0 : i32
        %dma_wait3A_73 = arith.constant 0 : i32
        %dma_wait3A_74 = tpu.memref_slice %dma_wait3A_71[%dma_wait3A_72, %dma_wait3A_73] : memref<128x128xf32, #tpu.memory_space<vmem>> -> memref<16x128xf32, #tpu.memory_space<vmem>>
        tpu.wait_dma2 semaphore(%run_scoped3A_36 : memref<!tpu.dma_semaphore, #tpu.memory_space<semaphore_mem>>) src(%dma_wait3A_74 : memref<16x128xf32, #tpu.memory_space<vmem>>) dst(%dma_wait3A_67 : memref<16x128xf32, #tpu.memory_space<vmem_shared>>)
        tpu.yield
      }) : () -> ()
    } else {
    }
    %barrier3A = arith.constant 0 : index
    tpu.barrier barrier_id(%barrier3A)
    %scan3A_20 = arith.constant 0 : i32
    %scan3A_21 = arith.constant 40 : i32
    %scan3A_22 = arith.addi %scan3A_20, %scan3A_21 : i32
    %scan3A_23 = arith.constant 1 : i32
    scf.for %scan3A_36 = %scan3A_20 to %scan3A_22 step %scan3A_23  : i32 {
      %mul3A_37 = arith.constant 1 : i32
      %mul3A_38 = arith.muli %scan3A_36, %mul3A_37 : i32
      %add3A_39 = arith.constant 0 : i32
      %add3A_40 = arith.addi %add3A_39, %mul3A_38 : i32
      %mul3A_41 = arith.constant 2 : i32
      %mul3A_42 = arith.muli %mul3A_41, %add3A_40 : i32
      %add3A_43 = arith.constant 0 : i32
      %add3A_44 = arith.addi %mul3A_42, %add3A_43 : i32
      %mul3A_45 = arith.constant 32 : i32
      %mul3A_46 = arith.muli %mul3A_45, %add3A_44 : i32
      %add3A_47 = arith.addi %add3A, %mul3A_46 : i32
      %lt3A = arith.constant 2500 : i32
      %lt3A_48 = arith.cmpi slt, %add3A_47, %lt3A : i32
      %convert_element_type3A_49 = arith.extui %lt3A_48 : i1 to i32
      %cond3A_50 = arith.constant 0 : i32
      %cond3A_51 = arith.cmpi ne, %convert_element_type3A_49, %cond3A_50 : i32
      scf.if %cond3A_51 {
        %mul3A_112 = arith.constant 128 : i32
        %mul3A_113 = arith.muli %add3A_47, %mul3A_112 : i32
        %dma_start3A = arith.constant 0 : i32
        %dma_start3A_114 = arith.constant 0 : i32
        %dma_start3A_115 = tpu.memref_slice %arg8[%dma_start3A, %dma_start3A_114] : memref<2x128xi32, #tpu.memory_space<vmem>> -> memref<1x128xi32, #tpu.memory_space<vmem>>
        %dma_start3A_116 = tpu.memref_squeeze %dma_start3A_115 : memref<1x128xi32, #tpu.memory_space<vmem>> -> memref<128xi32, #tpu.memory_space<vmem>>
        %dma_start3A_117 = tpu.memref_slice %arg4[%mul3A_113] : memref<320000xi32, #tpu.memory_space<hbm>> -> memref<128xi32, #tpu.memory_space<hbm>>
        %dma_start3A_118 = arith.constant 0 : i32
        %dma_start3A_119 = tpu.memref_slice %arg8[%dma_start3A, %dma_start3A_118] : memref<2x128xi32, #tpu.memory_space<vmem>> -> memref<1x128xi32, #tpu.memory_space<vmem>>
        %dma_start3A_120 = tpu.memref_squeeze %dma_start3A_119 : memref<1x128xi32, #tpu.memory_space<vmem>> -> memref<128xi32, #tpu.memory_space<vmem>>
        %dma_start3A_121 = tpu.memref_slice %arg4[%mul3A_113] : memref<320000xi32, #tpu.memory_space<hbm>> -> memref<128xi32, #tpu.memory_space<hbm>>
        tpu.enqueue_dma source(%dma_start3A_121 : memref<128xi32, #tpu.memory_space<hbm>>) target(%dma_start3A_120 : memref<128xi32, #tpu.memory_space<vmem>>) target_semaphore(%arg13 : memref<!tpu.dma_semaphore, #tpu.memory_space<semaphore_mem>>)
        %dma_start3A_122 = arith.constant 0 : i32
        %dma_start3A_123 = arith.constant 0 : i32
        %dma_start3A_124 = tpu.memref_slice %arg9[%dma_start3A_122, %dma_start3A_123] : memref<2x128xi32, #tpu.memory_space<vmem>> -> memref<1x128xi32, #tpu.memory_space<vmem>>
        %dma_start3A_125 = tpu.memref_squeeze %dma_start3A_124 : memref<1x128xi32, #tpu.memory_space<vmem>> -> memref<128xi32, #tpu.memory_space<vmem>>
        %dma_start3A_126 = tpu.memref_slice %arg5[%mul3A_113] : memref<320000xi32, #tpu.memory_space<hbm>> -> memref<128xi32, #tpu.memory_space<hbm>>
        %dma_start3A_127 = arith.constant 0 : i32
        %dma_start3A_128 = tpu.memref_slice %arg9[%dma_start3A_122, %dma_start3A_127] : memref<2x128xi32, #tpu.memory_space<vmem>> -> memref<1x128xi32, #tpu.memory_space<vmem>>
        %dma_start3A_129 = tpu.memref_squeeze %dma_start3A_128 : memref<1x128xi32, #tpu.memory_space<vmem>> -> memref<128xi32, #tpu.memory_space<vmem>>
        %dma_start3A_130 = tpu.memref_slice %arg5[%mul3A_113] : memref<320000xi32, #tpu.memory_space<hbm>> -> memref<128xi32, #tpu.memory_space<hbm>>
        tpu.enqueue_dma source(%dma_start3A_130 : memref<128xi32, #tpu.memory_space<hbm>>) target(%dma_start3A_129 : memref<128xi32, #tpu.memory_space<vmem>>) target_semaphore(%arg13 : memref<!tpu.dma_semaphore, #tpu.memory_space<semaphore_mem>>)
      } else {
      }
      %mul3A_52 = arith.constant 2 : i32
      %mul3A_53 = arith.muli %mul3A_52, %add3A_40 : i32
      %add3A_54 = arith.constant 1 : i32
      %add3A_55 = arith.addi %mul3A_53, %add3A_54 : i32
      %mul3A_56 = arith.constant 32 : i32
      %mul3A_57 = arith.muli %mul3A_56, %add3A_55 : i32
      %add3A_58 = arith.addi %add3A, %mul3A_57 : i32
      %lt3A_59 = arith.constant 2500 : i32
      %lt3A_60 = arith.cmpi slt, %add3A_58, %lt3A_59 : i32
      %convert_element_type3A_61 = arith.extui %lt3A_60 : i1 to i32
      %cond3A_62 = arith.constant 0 : i32
      %cond3A_63 = arith.cmpi ne, %convert_element_type3A_61, %cond3A_62 : i32
      scf.if %cond3A_63 {
        %mul3A_112 = arith.constant 128 : i32
        %mul3A_113 = arith.muli %add3A_58, %mul3A_112 : i32
        %dma_start3A = arith.constant 1 : i32
        %dma_start3A_114 = arith.constant 0 : i32
        %dma_start3A_115 = tpu.memref_slice %arg8[%dma_start3A, %dma_start3A_114] : memref<2x128xi32, #tpu.memory_space<vmem>> -> memref<1x128xi32, #tpu.memory_space<vmem>>
        %dma_start3A_116 = tpu.memref_squeeze %dma_start3A_115 : memref<1x128xi32, #tpu.memory_space<vmem>> -> memref<128xi32, #tpu.memory_space<vmem>>
        %dma_start3A_117 = tpu.memref_slice %arg4[%mul3A_113] : memref<320000xi32, #tpu.memory_space<hbm>> -> memref<128xi32, #tpu.memory_space<hbm>>
        %dma_start3A_118 = arith.constant 0 : i32
        %dma_start3A_119 = tpu.memref_slice %arg8[%dma_start3A, %dma_start3A_118] : memref<2x128xi32, #tpu.memory_space<vmem>> -> memref<1x128xi32, #tpu.memory_space<vmem>>
        %dma_start3A_120 = tpu.memref_squeeze %dma_start3A_119 : memref<1x128xi32, #tpu.memory_space<vmem>> -> memref<128xi32, #tpu.memory_space<vmem>>
        %dma_start3A_121 = tpu.memref_slice %arg4[%mul3A_113] : memref<320000xi32, #tpu.memory_space<hbm>> -> memref<128xi32, #tpu.memory_space<hbm>>
        tpu.enqueue_dma source(%dma_start3A_121 : memref<128xi32, #tpu.memory_space<hbm>>) target(%dma_start3A_120 : memref<128xi32, #tpu.memory_space<vmem>>) target_semaphore(%arg14 : memref<!tpu.dma_semaphore, #tpu.memory_space<semaphore_mem>>)
        %dma_start3A_122 = arith.constant 1 : i32
        %dma_start3A_123 = arith.constant 0 : i32
        %dma_start3A_124 = tpu.memref_slice %arg9[%dma_start3A_122, %dma_start3A_123] : memref<2x128xi32, #tpu.memory_space<vmem>> -> memref<1x128xi32, #tpu.memory_space<vmem>>
        %dma_start3A_125 = tpu.memref_squeeze %dma_start3A_124 : memref<1x128xi32, #tpu.memory_space<vmem>> -> memref<128xi32, #tpu.memory_space<vmem>>
        %dma_start3A_126 = tpu.memref_slice %arg5[%mul3A_113] : memref<320000xi32, #tpu.memory_space<hbm>> -> memref<128xi32, #tpu.memory_space<hbm>>
        %dma_start3A_127 = arith.constant 0 : i32
        %dma_start3A_128 = tpu.memref_slice %arg9[%dma_start3A_122, %dma_start3A_127] : memref<2x128xi32, #tpu.memory_space<vmem>> -> memref<1x128xi32, #tpu.memory_space<vmem>>
        %dma_start3A_129 = tpu.memref_squeeze %dma_start3A_128 : memref<1x128xi32, #tpu.memory_space<vmem>> -> memref<128xi32, #tpu.memory_space<vmem>>
        %dma_start3A_130 = tpu.memref_slice %arg5[%mul3A_113] : memref<320000xi32, #tpu.memory_space<hbm>> -> memref<128xi32, #tpu.memory_space<hbm>>
        tpu.enqueue_dma source(%dma_start3A_130 : memref<128xi32, #tpu.memory_space<hbm>>) target(%dma_start3A_129 : memref<128xi32, #tpu.memory_space<vmem>>) target_semaphore(%arg14 : memref<!tpu.dma_semaphore, #tpu.memory_space<semaphore_mem>>)
      } else {
      }
      %mul3A_64 = arith.constant 2 : i32
      %mul3A_65 = arith.muli %mul3A_64, %add3A_40 : i32
      %add3A_66 = arith.constant 0 : i32
      %add3A_67 = arith.addi %mul3A_65, %add3A_66 : i32
      %mul3A_68 = arith.constant 32 : i32
      %mul3A_69 = arith.muli %mul3A_68, %add3A_67 : i32
      %add3A_70 = arith.addi %add3A, %mul3A_69 : i32
      %lt3A_71 = arith.constant 2500 : i32
      %lt3A_72 = arith.cmpi slt, %add3A_70, %lt3A_71 : i32
      %convert_element_type3A_73 = arith.extui %lt3A_72 : i1 to i32
      %cond3A_74 = arith.constant 0 : i32
      %cond3A_75 = arith.cmpi ne, %convert_element_type3A_73, %cond3A_74 : i32
      scf.if %cond3A_75 {
        %mul3A_112 = arith.constant 128 : i32
        %mul3A_113 = arith.muli %add3A_70, %mul3A_112 : i32
        %dma_wait3A = arith.constant 0 : i32
        %dma_wait3A_114 = arith.constant 0 : i32
        %dma_wait3A_115 = tpu.memref_slice %arg8[%dma_wait3A, %dma_wait3A_114] : memref<2x128xi32, #tpu.memory_space<vmem>> -> memref<1x128xi32, #tpu.memory_space<vmem>>
        %dma_wait3A_116 = tpu.memref_squeeze %dma_wait3A_115 : memref<1x128xi32, #tpu.memory_space<vmem>> -> memref<128xi32, #tpu.memory_space<vmem>>
        %dma_wait3A_117 = tpu.memref_slice %arg4[%mul3A_113] : memref<320000xi32, #tpu.memory_space<hbm>> -> memref<128xi32, #tpu.memory_space<hbm>>
        %dma_wait3A_118 = arith.constant 0 : i32
        %dma_wait3A_119 = tpu.memref_slice %arg8[%dma_wait3A, %dma_wait3A_118] : memref<2x128xi32, #tpu.memory_space<vmem>> -> memref<1x128xi32, #tpu.memory_space<vmem>>
        %dma_wait3A_120 = tpu.memref_squeeze %dma_wait3A_119 : memref<1x128xi32, #tpu.memory_space<vmem>> -> memref<128xi32, #tpu.memory_space<vmem>>
        %dma_wait3A_121 = tpu.memref_slice %arg4[%mul3A_113] : memref<320000xi32, #tpu.memory_space<hbm>> -> memref<128xi32, #tpu.memory_space<hbm>>
        tpu.wait_dma2 semaphore(%arg13 : memref<!tpu.dma_semaphore, #tpu.memory_space<semaphore_mem>>) src(%dma_wait3A_121 : memref<128xi32, #tpu.memory_space<hbm>>) dst(%dma_wait3A_120 : memref<128xi32, #tpu.memory_space<vmem>>)
        %dma_wait3A_122 = arith.constant 0 : i32
        %dma_wait3A_123 = arith.constant 0 : i32
        %dma_wait3A_124 = tpu.memref_slice %arg9[%dma_wait3A_122, %dma_wait3A_123] : memref<2x128xi32, #tpu.memory_space<vmem>> -> memref<1x128xi32, #tpu.memory_space<vmem>>
        %dma_wait3A_125 = tpu.memref_squeeze %dma_wait3A_124 : memref<1x128xi32, #tpu.memory_space<vmem>> -> memref<128xi32, #tpu.memory_space<vmem>>
        %dma_wait3A_126 = tpu.memref_slice %arg5[%mul3A_113] : memref<320000xi32, #tpu.memory_space<hbm>> -> memref<128xi32, #tpu.memory_space<hbm>>
        %dma_wait3A_127 = arith.constant 0 : i32
        %dma_wait3A_128 = tpu.memref_slice %arg9[%dma_wait3A_122, %dma_wait3A_127] : memref<2x128xi32, #tpu.memory_space<vmem>> -> memref<1x128xi32, #tpu.memory_space<vmem>>
        %dma_wait3A_129 = tpu.memref_squeeze %dma_wait3A_128 : memref<1x128xi32, #tpu.memory_space<vmem>> -> memref<128xi32, #tpu.memory_space<vmem>>
        %dma_wait3A_130 = tpu.memref_slice %arg5[%mul3A_113] : memref<320000xi32, #tpu.memory_space<hbm>> -> memref<128xi32, #tpu.memory_space<hbm>>
        tpu.wait_dma2 semaphore(%arg13 : memref<!tpu.dma_semaphore, #tpu.memory_space<semaphore_mem>>) src(%dma_wait3A_130 : memref<128xi32, #tpu.memory_space<hbm>>) dst(%dma_wait3A_129 : memref<128xi32, #tpu.memory_space<vmem>>)
        %dma_start3A = arith.constant 0 : i32
        %dma_start3A_131 = arith.constant 0 : i32
        %dma_start3A_132 = arith.constant 0 : i32
        %dma_start3A_133 = arith.constant 0 : i32
        %dma_start3A_134 = tpu.memref_slice %arg10[%dma_start3A_131, %dma_start3A_132, %dma_start3A_133] : memref<2x128x128xf32, #tpu.memory_space<vmem>> -> memref<1x128x128xf32, #tpu.memory_space<vmem>>
        %dma_start3A_135 = tpu.memref_squeeze %dma_start3A_134 : memref<1x128x128xf32, #tpu.memory_space<vmem>> -> memref<128x128xf32, #tpu.memory_space<vmem>>
        %dma_start3A_136 = arith.constant 0 : i32
        %dma_start3A_137 = tpu.memref_slice %arg8[%dma_start3A, %dma_start3A_136] : memref<2x128xi32, #tpu.memory_space<vmem>> -> memref<1x128xi32, #tpu.memory_space<vmem>>
        %dma_start3A_138 = tpu.memref_squeeze %dma_start3A_137 : memref<1x128xi32, #tpu.memory_space<vmem>> -> memref<128xi32, #tpu.memory_space<vmem>>
        %dma_start3A_139 = arith.constant 0 : i32
        %dma_start3A_140 = arith.constant 0 : i32
        %dma_start3A_141 = tpu.memref_slice %arg2[%dma_start3A_139, %dma_start3A_140] : memref<10000x128xf32, #tpu.memory_space<hbm>> -> memref<10000x128xf32, #tpu.memory_space<hbm>>
        tpu.enqueue_indirect_dma source(%dma_start3A_141 : memref<10000x128xf32, #tpu.memory_space<hbm>>) target(%dma_start3A_135 : memref<128x128xf32, #tpu.memory_space<vmem>>) offsets(%dma_start3A_138 : memref<128xi32, #tpu.memory_space<vmem>>) semaphore(%arg15 : memref<!tpu.dma_semaphore, #tpu.memory_space<semaphore_mem>>)
        %mul3A_142 = arith.constant 128 : i32
        %mul3A_143 = arith.muli %add3A_70, %mul3A_142 : i32
        %mul3A_144 = arith.constant 16 : i32
        %mul3A_145 = arith.muli %mul3A_143, %mul3A_144 : i32
        %dma_start3A_146 = arith.constant 0 : i32
        %dma_start3A_147 = arith.constant 0 : i32
        %dma_start3A_148 = tpu.memref_slice %arg11[%dma_start3A_146, %dma_start3A_147] : memref<2x2048xf32, #tpu.memory_space<vmem>> -> memref<1x2048xf32, #tpu.memory_space<vmem>>
        %dma_start3A_149 = tpu.memref_squeeze %dma_start3A_148 : memref<1x2048xf32, #tpu.memory_space<vmem>> -> memref<2048xf32, #tpu.memory_space<vmem>>
        %dma_start3A_150 = tpu.memref_slice %arg3[%mul3A_145] : memref<5120000xf32, #tpu.memory_space<hbm>> -> memref<2048xf32, #tpu.memory_space<hbm>>
        %dma_start3A_151 = arith.constant 0 : i32
        %dma_start3A_152 = tpu.memref_slice %arg11[%dma_start3A_146, %dma_start3A_151] : memref<2x2048xf32, #tpu.memory_space<vmem>> -> memref<1x2048xf32, #tpu.memory_space<vmem>>
        %dma_start3A_153 = tpu.memref_squeeze %dma_start3A_152 : memref<1x2048xf32, #tpu.memory_space<vmem>> -> memref<2048xf32, #tpu.memory_space<vmem>>
        %dma_start3A_154 = tpu.memref_slice %arg3[%mul3A_145] : memref<5120000xf32, #tpu.memory_space<hbm>> -> memref<2048xf32, #tpu.memory_space<hbm>>
        tpu.enqueue_dma source(%dma_start3A_154 : memref<2048xf32, #tpu.memory_space<hbm>>) target(%dma_start3A_153 : memref<2048xf32, #tpu.memory_space<vmem>>) target_semaphore(%arg15 : memref<!tpu.dma_semaphore, #tpu.memory_space<semaphore_mem>>)
      } else {
      }
      %mul3A_76 = arith.constant 2 : i32
      %mul3A_77 = arith.muli %mul3A_76, %add3A_40 : i32
      %add3A_78 = arith.constant 1 : i32
      %add3A_79 = arith.addi %mul3A_77, %add3A_78 : i32
      %mul3A_80 = arith.constant 32 : i32
      %mul3A_81 = arith.muli %mul3A_80, %add3A_79 : i32
      %add3A_82 = arith.addi %add3A, %mul3A_81 : i32
      %lt3A_83 = arith.constant 2500 : i32
      %lt3A_84 = arith.cmpi slt, %add3A_82, %lt3A_83 : i32
      %convert_element_type3A_85 = arith.extui %lt3A_84 : i1 to i32
      %cond3A_86 = arith.constant 0 : i32
      %cond3A_87 = arith.cmpi ne, %convert_element_type3A_85, %cond3A_86 : i32
      scf.if %cond3A_87 {
        %mul3A_112 = arith.constant 128 : i32
        %mul3A_113 = arith.muli %add3A_82, %mul3A_112 : i32
        %dma_wait3A = arith.constant 1 : i32
        %dma_wait3A_114 = arith.constant 0 : i32
        %dma_wait3A_115 = tpu.memref_slice %arg8[%dma_wait3A, %dma_wait3A_114] : memref<2x128xi32, #tpu.memory_space<vmem>> -> memref<1x128xi32, #tpu.memory_space<vmem>>
        %dma_wait3A_116 = tpu.memref_squeeze %dma_wait3A_115 : memref<1x128xi32, #tpu.memory_space<vmem>> -> memref<128xi32, #tpu.memory_space<vmem>>
        %dma_wait3A_117 = tpu.memref_slice %arg4[%mul3A_113] : memref<320000xi32, #tpu.memory_space<hbm>> -> memref<128xi32, #tpu.memory_space<hbm>>
        %dma_wait3A_118 = arith.constant 0 : i32
        %dma_wait3A_119 = tpu.memref_slice %arg8[%dma_wait3A, %dma_wait3A_118] : memref<2x128xi32, #tpu.memory_space<vmem>> -> memref<1x128xi32, #tpu.memory_space<vmem>>
        %dma_wait3A_120 = tpu.memref_squeeze %dma_wait3A_119 : memref<1x128xi32, #tpu.memory_space<vmem>> -> memref<128xi32, #tpu.memory_space<vmem>>
        %dma_wait3A_121 = tpu.memref_slice %arg4[%mul3A_113] : memref<320000xi32, #tpu.memory_space<hbm>> -> memref<128xi32, #tpu.memory_space<hbm>>
        tpu.wait_dma2 semaphore(%arg14 : memref<!tpu.dma_semaphore, #tpu.memory_space<semaphore_mem>>) src(%dma_wait3A_121 : memref<128xi32, #tpu.memory_space<hbm>>) dst(%dma_wait3A_120 : memref<128xi32, #tpu.memory_space<vmem>>)
        %dma_wait3A_122 = arith.constant 1 : i32
        %dma_wait3A_123 = arith.constant 0 : i32
        %dma_wait3A_124 = tpu.memref_slice %arg9[%dma_wait3A_122, %dma_wait3A_123] : memref<2x128xi32, #tpu.memory_space<vmem>> -> memref<1x128xi32, #tpu.memory_space<vmem>>
        %dma_wait3A_125 = tpu.memref_squeeze %dma_wait3A_124 : memref<1x128xi32, #tpu.memory_space<vmem>> -> memref<128xi32, #tpu.memory_space<vmem>>
        %dma_wait3A_126 = tpu.memref_slice %arg5[%mul3A_113] : memref<320000xi32, #tpu.memory_space<hbm>> -> memref<128xi32, #tpu.memory_space<hbm>>
        %dma_wait3A_127 = arith.constant 0 : i32
        %dma_wait3A_128 = tpu.memref_slice %arg9[%dma_wait3A_122, %dma_wait3A_127] : memref<2x128xi32, #tpu.memory_space<vmem>> -> memref<1x128xi32, #tpu.memory_space<vmem>>
        %dma_wait3A_129 = tpu.memref_squeeze %dma_wait3A_128 : memref<1x128xi32, #tpu.memory_space<vmem>> -> memref<128xi32, #tpu.memory_space<vmem>>
        %dma_wait3A_130 = tpu.memref_slice %arg5[%mul3A_113] : memref<320000xi32, #tpu.memory_space<hbm>> -> memref<128xi32, #tpu.memory_space<hbm>>
        tpu.wait_dma2 semaphore(%arg14 : memref<!tpu.dma_semaphore, #tpu.memory_space<semaphore_mem>>) src(%dma_wait3A_130 : memref<128xi32, #tpu.memory_space<hbm>>) dst(%dma_wait3A_129 : memref<128xi32, #tpu.memory_space<vmem>>)
        %dma_start3A = arith.constant 1 : i32
        %dma_start3A_131 = arith.constant 1 : i32
        %dma_start3A_132 = arith.constant 0 : i32
        %dma_start3A_133 = arith.constant 0 : i32
        %dma_start3A_134 = tpu.memref_slice %arg10[%dma_start3A_131, %dma_start3A_132, %dma_start3A_133] : memref<2x128x128xf32, #tpu.memory_space<vmem>> -> memref<1x128x128xf32, #tpu.memory_space<vmem>>
        %dma_start3A_135 = tpu.memref_squeeze %dma_start3A_134 : memref<1x128x128xf32, #tpu.memory_space<vmem>> -> memref<128x128xf32, #tpu.memory_space<vmem>>
        %dma_start3A_136 = arith.constant 0 : i32
        %dma_start3A_137 = tpu.memref_slice %arg8[%dma_start3A, %dma_start3A_136] : memref<2x128xi32, #tpu.memory_space<vmem>> -> memref<1x128xi32, #tpu.memory_space<vmem>>
        %dma_start3A_138 = tpu.memref_squeeze %dma_start3A_137 : memref<1x128xi32, #tpu.memory_space<vmem>> -> memref<128xi32, #tpu.memory_space<vmem>>
        %dma_start3A_139 = arith.constant 0 : i32
        %dma_start3A_140 = arith.constant 0 : i32
        %dma_start3A_141 = tpu.memref_slice %arg2[%dma_start3A_139, %dma_start3A_140] : memref<10000x128xf32, #tpu.memory_space<hbm>> -> memref<10000x128xf32, #tpu.memory_space<hbm>>
        tpu.enqueue_indirect_dma source(%dma_start3A_141 : memref<10000x128xf32, #tpu.memory_space<hbm>>) target(%dma_start3A_135 : memref<128x128xf32, #tpu.memory_space<vmem>>) offsets(%dma_start3A_138 : memref<128xi32, #tpu.memory_space<vmem>>) semaphore(%arg16 : memref<!tpu.dma_semaphore, #tpu.memory_space<semaphore_mem>>)
        %mul3A_142 = arith.constant 128 : i32
        %mul3A_143 = arith.muli %add3A_82, %mul3A_142 : i32
        %mul3A_144 = arith.constant 16 : i32
        %mul3A_145 = arith.muli %mul3A_143, %mul3A_144 : i32
        %dma_start3A_146 = arith.constant 1 : i32
        %dma_start3A_147 = arith.constant 0 : i32
        %dma_start3A_148 = tpu.memref_slice %arg11[%dma_start3A_146, %dma_start3A_147] : memref<2x2048xf32, #tpu.memory_space<vmem>> -> memref<1x2048xf32, #tpu.memory_space<vmem>>
        %dma_start3A_149 = tpu.memref_squeeze %dma_start3A_148 : memref<1x2048xf32, #tpu.memory_space<vmem>> -> memref<2048xf32, #tpu.memory_space<vmem>>
        %dma_start3A_150 = tpu.memref_slice %arg3[%mul3A_145] : memref<5120000xf32, #tpu.memory_space<hbm>> -> memref<2048xf32, #tpu.memory_space<hbm>>
        %dma_start3A_151 = arith.constant 0 : i32
        %dma_start3A_152 = tpu.memref_slice %arg11[%dma_start3A_146, %dma_start3A_151] : memref<2x2048xf32, #tpu.memory_space<vmem>> -> memref<1x2048xf32, #tpu.memory_space<vmem>>
        %dma_start3A_153 = tpu.memref_squeeze %dma_start3A_152 : memref<1x2048xf32, #tpu.memory_space<vmem>> -> memref<2048xf32, #tpu.memory_space<vmem>>
        %dma_start3A_154 = tpu.memref_slice %arg3[%mul3A_145] : memref<5120000xf32, #tpu.memory_space<hbm>> -> memref<2048xf32, #tpu.memory_space<hbm>>
        tpu.enqueue_dma source(%dma_start3A_154 : memref<2048xf32, #tpu.memory_space<hbm>>) target(%dma_start3A_153 : memref<2048xf32, #tpu.memory_space<vmem>>) target_semaphore(%arg16 : memref<!tpu.dma_semaphore, #tpu.memory_space<semaphore_mem>>)
      } else {
      }
      %mul3A_88 = arith.constant 2 : i32
      %mul3A_89 = arith.muli %mul3A_88, %add3A_40 : i32
      %add3A_90 = arith.constant 0 : i32
      %add3A_91 = arith.addi %mul3A_89, %add3A_90 : i32
      %mul3A_92 = arith.constant 32 : i32
      %mul3A_93 = arith.muli %mul3A_92, %add3A_91 : i32
      %add3A_94 = arith.addi %add3A, %mul3A_93 : i32
      %lt3A_95 = arith.constant 2500 : i32
      %lt3A_96 = arith.cmpi slt, %add3A_94, %lt3A_95 : i32
      %convert_element_type3A_97 = arith.extui %lt3A_96 : i1 to i32
      %cond3A_98 = arith.constant 0 : i32
      %cond3A_99 = arith.cmpi ne, %convert_element_type3A_97, %cond3A_98 : i32
      scf.if %cond3A_99 {
        %dma_wait3A = arith.constant 0 : i32
        %dma_wait3A_112 = arith.constant 0 : i32
        %dma_wait3A_113 = arith.constant 0 : i32
        %dma_wait3A_114 = arith.constant 0 : i32
        %dma_wait3A_115 = tpu.memref_slice %arg10[%dma_wait3A_112, %dma_wait3A_113, %dma_wait3A_114] : memref<2x128x128xf32, #tpu.memory_space<vmem>> -> memref<1x128x128xf32, #tpu.memory_space<vmem>>
        %dma_wait3A_116 = tpu.memref_squeeze %dma_wait3A_115 : memref<1x128x128xf32, #tpu.memory_space<vmem>> -> memref<128x128xf32, #tpu.memory_space<vmem>>
        %dma_wait3A_117 = arith.constant 0 : i32
        %dma_wait3A_118 = tpu.memref_slice %arg8[%dma_wait3A, %dma_wait3A_117] : memref<2x128xi32, #tpu.memory_space<vmem>> -> memref<1x128xi32, #tpu.memory_space<vmem>>
        %dma_wait3A_119 = tpu.memref_squeeze %dma_wait3A_118 : memref<1x128xi32, #tpu.memory_space<vmem>> -> memref<128xi32, #tpu.memory_space<vmem>>
        %dma_wait3A_120 = arith.constant 0 : i32
        %dma_wait3A_121 = arith.constant 0 : i32
        %dma_wait3A_122 = tpu.memref_slice %arg2[%dma_wait3A_120, %dma_wait3A_121] : memref<10000x128xf32, #tpu.memory_space<hbm>> -> memref<10000x128xf32, #tpu.memory_space<hbm>>
        tpu.wait_indirect_dma semaphore(%arg15 : memref<!tpu.dma_semaphore, #tpu.memory_space<semaphore_mem>>) src(%dma_wait3A_122 : memref<10000x128xf32, #tpu.memory_space<hbm>>) dst(%dma_wait3A_116 : memref<128x128xf32, #tpu.memory_space<vmem>>)
        %mul3A_123 = arith.constant 128 : i32
        %mul3A_124 = arith.muli %add3A_94, %mul3A_123 : i32
        %mul3A_125 = arith.constant 16 : i32
        %mul3A_126 = arith.muli %mul3A_124, %mul3A_125 : i32
        %dma_wait3A_127 = arith.constant 0 : i32
        %dma_wait3A_128 = arith.constant 0 : i32
        %dma_wait3A_129 = tpu.memref_slice %arg11[%dma_wait3A_127, %dma_wait3A_128] : memref<2x2048xf32, #tpu.memory_space<vmem>> -> memref<1x2048xf32, #tpu.memory_space<vmem>>
        %dma_wait3A_130 = tpu.memref_squeeze %dma_wait3A_129 : memref<1x2048xf32, #tpu.memory_space<vmem>> -> memref<2048xf32, #tpu.memory_space<vmem>>
        %dma_wait3A_131 = tpu.memref_slice %arg3[%mul3A_126] : memref<5120000xf32, #tpu.memory_space<hbm>> -> memref<2048xf32, #tpu.memory_space<hbm>>
        %dma_wait3A_132 = arith.constant 0 : i32
        %dma_wait3A_133 = tpu.memref_slice %arg11[%dma_wait3A_127, %dma_wait3A_132] : memref<2x2048xf32, #tpu.memory_space<vmem>> -> memref<1x2048xf32, #tpu.memory_space<vmem>>
        %dma_wait3A_134 = tpu.memref_squeeze %dma_wait3A_133 : memref<1x2048xf32, #tpu.memory_space<vmem>> -> memref<2048xf32, #tpu.memory_space<vmem>>
        %dma_wait3A_135 = tpu.memref_slice %arg3[%mul3A_126] : memref<5120000xf32, #tpu.memory_space<hbm>> -> memref<2048xf32, #tpu.memory_space<hbm>>
        tpu.wait_dma2 semaphore(%arg15 : memref<!tpu.dma_semaphore, #tpu.memory_space<semaphore_mem>>) src(%dma_wait3A_135 : memref<2048xf32, #tpu.memory_space<hbm>>) dst(%dma_wait3A_134 : memref<2048xf32, #tpu.memory_space<vmem>>)
        %scan3A_136 = arith.constant 0 : i32
        %scan3A_137 = arith.constant 128 : i32
        %scan3A_138 = arith.addi %scan3A_136, %scan3A_137 : i32
        %scan3A_139 = arith.constant 1 : i32
        scf.for %scan3A_143 = %scan3A_136 to %scan3A_138 step %scan3A_139  : i32 {
          %mul3A_144 = arith.constant 1 : i32
          %mul3A_145 = arith.muli %scan3A_143, %mul3A_144 : i32
          %add3A_146 = arith.constant 0 : i32
          %add3A_147 = arith.addi %add3A_146, %mul3A_145 : i32
          %mul3A_148 = arith.constant 16 : i32
          %mul3A_149 = arith.muli %add3A_147, %mul3A_148 : i32
          %get3A = arith.constant 0 : i32
          %get3A_150 = arith.index_cast %get3A : i32 to index
          %get3A_151 = arith.index_cast %mul3A_149 : i32 to index
          %get3A_152 = tpu.vector_load %arg11[%get3A_150, %get3A_151] {strides = array<i32>} : memref<2x2048xf32, #tpu.memory_space<vmem>>, vector<16xf32>,
          %lt3A_153 = arith.constant 0 : i32
          %lt3A_154 = vector.broadcast %lt3A_153 : i32 to vector<16xi32>
          %lt3A_155 = arith.cmpi slt, %xor3A_2, %lt3A_154 : vector<16xi32>
          %add3A_156 = arith.constant 16 : i32
          %add3A_157 = vector.broadcast %add3A_156 : i32 to vector<16xi32>
          %add3A_158 = arith.addi %xor3A_2, %add3A_157 : vector<16xi32>
          %select_n3A = arith.select %lt3A_155, %add3A_158, %xor3A_2 : vector<16xi1>, vector<16xi32>
          %broadcast_in_dim3A = vector.shape_cast %select_n3A : vector<16xi32> to vector<16x1xi32>
          %gather3A = vector.shape_cast %broadcast_in_dim3A : vector<16x1xi32> to vector<16xi32>
          %gather3A_159 = tpu.dynamic_gather %get3A_152[%gather3A] in [0] : vector<16xf32>, vector<16xi32> -> vector<16xf32>
          %add3A_160 = arith.addf %get3A_152, %gather3A_159 : vector<16xf32>
          %get3A_161 = arith.constant 0 : i32
          %get3A_162 = arith.index_cast %get3A_161 : i32 to index
          %get3A_163 = arith.index_cast %add3A_147 : i32 to index
          %get3A_164 = arith.constant 0 : index
          %get3A_165 = tpu.vector_load %arg10[%get3A_162, %get3A_163, %get3A_164] {strides = array<i32>} : memref<2x128x128xf32, #tpu.memory_space<vmem>>, vector<16xf32>,
          %mul3A_166 = arith.mulf %get3A_165, %add3A_160 : vector<16xf32>
          %swap3A = arith.constant 0 : i32
          %swap3A_167 = arith.index_cast %swap3A : i32 to index
          %swap3A_168 = arith.index_cast %add3A_147 : i32 to index
          %swap3A_169 = arith.constant 0 : index
          %swap3A_170 = tpu.vector_load %arg10[%swap3A_167, %swap3A_168, %swap3A_169] {strides = array<i32>} : memref<2x128x128xf32, #tpu.memory_space<vmem>>, vector<16xf32>,
          tpu.vector_store %arg10[%swap3A_167, %swap3A_168, %swap3A_169], %mul3A_166 {strides = array<i32>} : memref<2x128x128xf32, #tpu.memory_space<vmem>>, vector<16xf32>,
          %get3A_171 = arith.constant 0 : i32
          %get3A_172 = arith.index_cast %get3A_171 : i32 to index
          %get3A_173 = arith.index_cast %add3A_147 : i32 to index
          %get3A_174 = arith.constant 16 : index
          %get3A_175 = tpu.vector_load %arg10[%get3A_172, %get3A_173, %get3A_174] {strides = array<i32>} : memref<2x128x128xf32, #tpu.memory_space<vmem>>, vector<16xf32>,
          %mul3A_176 = arith.mulf %get3A_175, %add3A_160 : vector<16xf32>
          %swap3A_177 = arith.constant 0 : i32
          %swap3A_178 = arith.index_cast %swap3A_177 : i32 to index
          %swap3A_179 = arith.index_cast %add3A_147 : i32 to index
          %swap3A_180 = arith.constant 16 : index
          %swap3A_181 = tpu.vector_load %arg10[%swap3A_178, %swap3A_179, %swap3A_180] {strides = array<i32>} : memref<2x128x128xf32, #tpu.memory_space<vmem>>, vector<16xf32>,
          tpu.vector_store %arg10[%swap3A_178, %swap3A_179, %swap3A_180], %mul3A_176 {strides = array<i32>} : memref<2x128x128xf32, #tpu.memory_space<vmem>>, vector<16xf32>,
          %get3A_182 = arith.constant 0 : i32
          %get3A_183 = arith.index_cast %get3A_182 : i32 to index
          %get3A_184 = arith.index_cast %add3A_147 : i32 to index
          %get3A_185 = arith.constant 32 : index
          %get3A_186 = tpu.vector_load %arg10[%get3A_183, %get3A_184, %get3A_185] {strides = array<i32>} : memref<2x128x128xf32, #tpu.memory_space<vmem>>, vector<16xf32>,
          %mul3A_187 = arith.mulf %get3A_186, %add3A_160 : vector<16xf32>
          %swap3A_188 = arith.constant 0 : i32
          %swap3A_189 = arith.index_cast %swap3A_188 : i32 to index
          %swap3A_190 = arith.index_cast %add3A_147 : i32 to index
          %swap3A_191 = arith.constant 32 : index
          %swap3A_192 = tpu.vector_load %arg10[%swap3A_189, %swap3A_190, %swap3A_191] {strides = array<i32>} : memref<2x128x128xf32, #tpu.memory_space<vmem>>, vector<16xf32>,
          tpu.vector_store %arg10[%swap3A_189, %swap3A_190, %swap3A_191], %mul3A_187 {strides = array<i32>} : memref<2x128x128xf32, #tpu.memory_space<vmem>>, vector<16xf32>,
          %get3A_193 = arith.constant 0 : i32
          %get3A_194 = arith.index_cast %get3A_193 : i32 to index
          %get3A_195 = arith.index_cast %add3A_147 : i32 to index
          %get3A_196 = arith.constant 48 : index
          %get3A_197 = tpu.vector_load %arg10[%get3A_194, %get3A_195, %get3A_196] {strides = array<i32>} : memref<2x128x128xf32, #tpu.memory_space<vmem>>, vector<16xf32>,
          %mul3A_198 = arith.mulf %get3A_197, %add3A_160 : vector<16xf32>
          %swap3A_199 = arith.constant 0 : i32
          %swap3A_200 = arith.index_cast %swap3A_199 : i32 to index
          %swap3A_201 = arith.index_cast %add3A_147 : i32 to index
          %swap3A_202 = arith.constant 48 : index
          %swap3A_203 = tpu.vector_load %arg10[%swap3A_200, %swap3A_201, %swap3A_202] {strides = array<i32>} : memref<2x128x128xf32, #tpu.memory_space<vmem>>, vector<16xf32>,
          tpu.vector_store %arg10[%swap3A_200, %swap3A_201, %swap3A_202], %mul3A_198 {strides = array<i32>} : memref<2x128x128xf32, #tpu.memory_space<vmem>>, vector<16xf32>,
          %get3A_204 = arith.constant 0 : i32
          %get3A_205 = arith.index_cast %get3A_204 : i32 to index
          %get3A_206 = arith.index_cast %add3A_147 : i32 to index
          %get3A_207 = arith.constant 64 : index
          %get3A_208 = tpu.vector_load %arg10[%get3A_205, %get3A_206, %get3A_207] {strides = array<i32>} : memref<2x128x128xf32, #tpu.memory_space<vmem>>, vector<16xf32>,
          %mul3A_209 = arith.mulf %get3A_208, %add3A_160 : vector<16xf32>
          %swap3A_210 = arith.constant 0 : i32
          %swap3A_211 = arith.index_cast %swap3A_210 : i32 to index
          %swap3A_212 = arith.index_cast %add3A_147 : i32 to index
          %swap3A_213 = arith.constant 64 : index
          %swap3A_214 = tpu.vector_load %arg10[%swap3A_211, %swap3A_212, %swap3A_213] {strides = array<i32>} : memref<2x128x128xf32, #tpu.memory_space<vmem>>, vector<16xf32>,
          tpu.vector_store %arg10[%swap3A_211, %swap3A_212, %swap3A_213], %mul3A_209 {strides = array<i32>} : memref<2x128x128xf32, #tpu.memory_space<vmem>>, vector<16xf32>,
          %get3A_215 = arith.constant 0 : i32
          %get3A_216 = arith.index_cast %get3A_215 : i32 to index
          %get3A_217 = arith.index_cast %add3A_147 : i32 to index
          %get3A_218 = arith.constant 80 : index
          %get3A_219 = tpu.vector_load %arg10[%get3A_216, %get3A_217, %get3A_218] {strides = array<i32>} : memref<2x128x128xf32, #tpu.memory_space<vmem>>, vector<16xf32>,
          %mul3A_220 = arith.mulf %get3A_219, %add3A_160 : vector<16xf32>
          %swap3A_221 = arith.constant 0 : i32
          %swap3A_222 = arith.index_cast %swap3A_221 : i32 to index
          %swap3A_223 = arith.index_cast %add3A_147 : i32 to index
          %swap3A_224 = arith.constant 80 : index
          %swap3A_225 = tpu.vector_load %arg10[%swap3A_222, %swap3A_223, %swap3A_224] {strides = array<i32>} : memref<2x128x128xf32, #tpu.memory_space<vmem>>, vector<16xf32>,
          tpu.vector_store %arg10[%swap3A_222, %swap3A_223, %swap3A_224], %mul3A_220 {strides = array<i32>} : memref<2x128x128xf32, #tpu.memory_space<vmem>>, vector<16xf32>,
          %get3A_226 = arith.constant 0 : i32
          %get3A_227 = arith.index_cast %get3A_226 : i32 to index
          %get3A_228 = arith.index_cast %add3A_147 : i32 to index
          %get3A_229 = arith.constant 96 : index
          %get3A_230 = tpu.vector_load %arg10[%get3A_227, %get3A_228, %get3A_229] {strides = array<i32>} : memref<2x128x128xf32, #tpu.memory_space<vmem>>, vector<16xf32>,
          %mul3A_231 = arith.mulf %get3A_230, %add3A_160 : vector<16xf32>
          %swap3A_232 = arith.constant 0 : i32
          %swap3A_233 = arith.index_cast %swap3A_232 : i32 to index
          %swap3A_234 = arith.index_cast %add3A_147 : i32 to index
          %swap3A_235 = arith.constant 96 : index
          %swap3A_236 = tpu.vector_load %arg10[%swap3A_233, %swap3A_234, %swap3A_235] {strides = array<i32>} : memref<2x128x128xf32, #tpu.memory_space<vmem>>, vector<16xf32>,
          tpu.vector_store %arg10[%swap3A_233, %swap3A_234, %swap3A_235], %mul3A_231 {strides = array<i32>} : memref<2x128x128xf32, #tpu.memory_space<vmem>>, vector<16xf32>,
          %get3A_237 = arith.constant 0 : i32
          %get3A_238 = arith.index_cast %get3A_237 : i32 to index
          %get3A_239 = arith.index_cast %add3A_147 : i32 to index
          %get3A_240 = arith.constant 112 : index
          %get3A_241 = tpu.vector_load %arg10[%get3A_238, %get3A_239, %get3A_240] {strides = array<i32>} : memref<2x128x128xf32, #tpu.memory_space<vmem>>, vector<16xf32>,
          %mul3A_242 = arith.mulf %get3A_241, %add3A_160 : vector<16xf32>
          %swap3A_243 = arith.constant 0 : i32
          %swap3A_244 = arith.index_cast %swap3A_243 : i32 to index
          %swap3A_245 = arith.index_cast %add3A_147 : i32 to index
          %swap3A_246 = arith.constant 112 : index
          %swap3A_247 = tpu.vector_load %arg10[%swap3A_244, %swap3A_245, %swap3A_246] {strides = array<i32>} : memref<2x128x128xf32, #tpu.memory_space<vmem>>, vector<16xf32>,
          tpu.vector_store %arg10[%swap3A_244, %swap3A_245, %swap3A_246], %mul3A_242 {strides = array<i32>} : memref<2x128x128xf32, #tpu.memory_space<vmem>>, vector<16xf32>,
        }
        %scan3A_140 = arith.constant 128 : i32
        %run_scoped3A_141 = arith.constant 0 : i32
        %run_scoped3A_142 = arith.constant 0 : i32
        "tpu.region"() ({
          %run_scoped3A_143 = tpu.sem_alloc : memref<!tpu.dma_semaphore, #tpu.memory_space<semaphore_mem>>
          %dma_start3A = arith.constant 0 : i32
          %dma_start3A_144 = arith.constant 0 : i32
          %dma_start3A_145 = tpu.memref_slice %arg10[%run_scoped3A_141, %dma_start3A, %dma_start3A_144] : memref<2x128x128xf32, #tpu.memory_space<vmem>> -> memref<1x128x128xf32, #tpu.memory_space<vmem>>
          %dma_start3A_146 = tpu.memref_squeeze %dma_start3A_145 : memref<1x128x128xf32, #tpu.memory_space<vmem>> -> memref<128x128xf32, #tpu.memory_space<vmem>>
          %dma_start3A_147 = arith.constant 0 : i32
          %dma_start3A_148 = tpu.memref_slice %arg9[%run_scoped3A_142, %dma_start3A_147] : memref<2x128xi32, #tpu.memory_space<vmem>> -> memref<1x128xi32, #tpu.memory_space<vmem>>
          %dma_start3A_149 = tpu.memref_squeeze %dma_start3A_148 : memref<1x128xi32, #tpu.memory_space<vmem>> -> memref<128xi32, #tpu.memory_space<vmem>>
          %dma_start3A_150 = arith.constant 0 : i32
          %dma_start3A_151 = arith.constant 0 : i32
          %dma_start3A_152 = tpu.memref_slice %arg12[%dma_start3A_150, %dma_start3A_151] : memref<10000x128xf32, #tpu.memory_space<vmem_shared>> -> memref<10000x128xf32, #tpu.memory_space<vmem_shared>>
          tpu.enqueue_indirect_dma source(%dma_start3A_146 : memref<128x128xf32, #tpu.memory_space<vmem>>) target(%dma_start3A_152 : memref<10000x128xf32, #tpu.memory_space<vmem_shared>>) offsets(%dma_start3A_149 : memref<128xi32, #tpu.memory_space<vmem>>) semaphore(%run_scoped3A_143 : memref<!tpu.dma_semaphore, #tpu.memory_space<semaphore_mem>>) {add = true}
          %dma_wait3A_153 = arith.constant 0 : i32
          %dma_wait3A_154 = arith.constant 0 : i32
          %dma_wait3A_155 = tpu.memref_slice %arg10[%run_scoped3A_141, %dma_wait3A_153, %dma_wait3A_154] : memref<2x128x128xf32, #tpu.memory_space<vmem>> -> memref<1x128x128xf32, #tpu.memory_space<vmem>>
          %dma_wait3A_156 = tpu.memref_squeeze %dma_wait3A_155 : memref<1x128x128xf32, #tpu.memory_space<vmem>> -> memref<128x128xf32, #tpu.memory_space<vmem>>
          %dma_wait3A_157 = arith.constant 0 : i32
          %dma_wait3A_158 = tpu.memref_slice %arg9[%run_scoped3A_142, %dma_wait3A_157] : memref<2x128xi32, #tpu.memory_space<vmem>> -> memref<1x128xi32, #tpu.memory_space<vmem>>
          %dma_wait3A_159 = tpu.memref_squeeze %dma_wait3A_158 : memref<1x128xi32, #tpu.memory_space<vmem>> -> memref<128xi32, #tpu.memory_space<vmem>>
          %dma_wait3A_160 = arith.constant 0 : i32
          %dma_wait3A_161 = arith.constant 0 : i32
          %dma_wait3A_162 = tpu.memref_slice %arg12[%dma_wait3A_160, %dma_wait3A_161] : memref<10000x128xf32, #tpu.memory_space<vmem_shared>> -> memref<10000x128xf32, #tpu.memory_space<vmem_shared>>
          tpu.wait_indirect_dma semaphore(%run_scoped3A_143 : memref<!tpu.dma_semaphore, #tpu.memory_space<semaphore_mem>>) src(%dma_wait3A_156 : memref<128x128xf32, #tpu.memory_space<vmem>>) dst(%dma_wait3A_162 : memref<10000x128xf32, #tpu.memory_space<vmem_shared>>)
          tpu.yield
        }) : () -> ()
      } else {
      }
      %mul3A_100 = arith.constant 2 : i32
      %mul3A_101 = arith.muli %mul3A_100, %add3A_40 : i32
      %add3A_102 = arith.constant 1 : i32
      %add3A_103 = arith.addi %mul3A_101, %add3A_102 : i32
      %mul3A_104 = arith.constant 32 : i32
      %mul3A_105 = arith.muli %mul3A_104, %add3A_103 : i32
      %add3A_106 = arith.addi %add3A, %mul3A_105 : i32
      %lt3A_107 = arith.constant 2500 : i32
      %lt3A_108 = arith.cmpi slt, %add3A_106, %lt3A_107 : i32
      %convert_element_type3A_109 = arith.extui %lt3A_108 : i1 to i32
      %cond3A_110 = arith.constant 0 : i32
      %cond3A_111 = arith.cmpi ne, %convert_element_type3A_109, %cond3A_110 : i32
      scf.if %cond3A_111 {
        %dma_wait3A = arith.constant 1 : i32
        %dma_wait3A_112 = arith.constant 1 : i32
        %dma_wait3A_113 = arith.constant 0 : i32
        %dma_wait3A_114 = arith.constant 0 : i32
        %dma_wait3A_115 = tpu.memref_slice %arg10[%dma_wait3A_112, %dma_wait3A_113, %dma_wait3A_114] : memref<2x128x128xf32, #tpu.memory_space<vmem>> -> memref<1x128x128xf32, #tpu.memory_space<vmem>>
        %dma_wait3A_116 = tpu.memref_squeeze %dma_wait3A_115 : memref<1x128x128xf32, #tpu.memory_space<vmem>> -> memref<128x128xf32, #tpu.memory_space<vmem>>
        %dma_wait3A_117 = arith.constant 0 : i32
        %dma_wait3A_118 = tpu.memref_slice %arg8[%dma_wait3A, %dma_wait3A_117] : memref<2x128xi32, #tpu.memory_space<vmem>> -> memref<1x128xi32, #tpu.memory_space<vmem>>
        %dma_wait3A_119 = tpu.memref_squeeze %dma_wait3A_118 : memref<1x128xi32, #tpu.memory_space<vmem>> -> memref<128xi32, #tpu.memory_space<vmem>>
        %dma_wait3A_120 = arith.constant 0 : i32
        %dma_wait3A_121 = arith.constant 0 : i32
        %dma_wait3A_122 = tpu.memref_slice %arg2[%dma_wait3A_120, %dma_wait3A_121] : memref<10000x128xf32, #tpu.memory_space<hbm>> -> memref<10000x128xf32, #tpu.memory_space<hbm>>
        tpu.wait_indirect_dma semaphore(%arg16 : memref<!tpu.dma_semaphore, #tpu.memory_space<semaphore_mem>>) src(%dma_wait3A_122 : memref<10000x128xf32, #tpu.memory_space<hbm>>) dst(%dma_wait3A_116 : memref<128x128xf32, #tpu.memory_space<vmem>>)
        %mul3A_123 = arith.constant 128 : i32
        %mul3A_124 = arith.muli %add3A_106, %mul3A_123 : i32
        %mul3A_125 = arith.constant 16 : i32
        %mul3A_126 = arith.muli %mul3A_124, %mul3A_125 : i32
        %dma_wait3A_127 = arith.constant 1 : i32
        %dma_wait3A_128 = arith.constant 0 : i32
        %dma_wait3A_129 = tpu.memref_slice %arg11[%dma_wait3A_127, %dma_wait3A_128] : memref<2x2048xf32, #tpu.memory_space<vmem>> -> memref<1x2048xf32, #tpu.memory_space<vmem>>
        %dma_wait3A_130 = tpu.memref_squeeze %dma_wait3A_129 : memref<1x2048xf32, #tpu.memory_space<vmem>> -> memref<2048xf32, #tpu.memory_space<vmem>>
        %dma_wait3A_131 = tpu.memref_slice %arg3[%mul3A_126] : memref<5120000xf32, #tpu.memory_space<hbm>> -> memref<2048xf32, #tpu.memory_space<hbm>>
        %dma_wait3A_132 = arith.constant 0 : i32
        %dma_wait3A_133 = tpu.memref_slice %arg11[%dma_wait3A_127, %dma_wait3A_132] : memref<2x2048xf32, #tpu.memory_space<vmem>> -> memref<1x2048xf32, #tpu.memory_space<vmem>>
        %dma_wait3A_134 = tpu.memref_squeeze %dma_wait3A_133 : memref<1x2048xf32, #tpu.memory_space<vmem>> -> memref<2048xf32, #tpu.memory_space<vmem>>
        %dma_wait3A_135 = tpu.memref_slice %arg3[%mul3A_126] : memref<5120000xf32, #tpu.memory_space<hbm>> -> memref<2048xf32, #tpu.memory_space<hbm>>
        tpu.wait_dma2 semaphore(%arg16 : memref<!tpu.dma_semaphore, #tpu.memory_space<semaphore_mem>>) src(%dma_wait3A_135 : memref<2048xf32, #tpu.memory_space<hbm>>) dst(%dma_wait3A_134 : memref<2048xf32, #tpu.memory_space<vmem>>)
        %scan3A_136 = arith.constant 0 : i32
        %scan3A_137 = arith.constant 128 : i32
        %scan3A_138 = arith.addi %scan3A_136, %scan3A_137 : i32
        %scan3A_139 = arith.constant 1 : i32
        scf.for %scan3A_143 = %scan3A_136 to %scan3A_138 step %scan3A_139  : i32 {
          %mul3A_144 = arith.constant 1 : i32
          %mul3A_145 = arith.muli %scan3A_143, %mul3A_144 : i32
          %add3A_146 = arith.constant 0 : i32
          %add3A_147 = arith.addi %add3A_146, %mul3A_145 : i32
          %mul3A_148 = arith.constant 16 : i32
          %mul3A_149 = arith.muli %add3A_147, %mul3A_148 : i32
          %get3A = arith.constant 1 : i32
          %get3A_150 = arith.index_cast %get3A : i32 to index
          %get3A_151 = arith.index_cast %mul3A_149 : i32 to index
          %get3A_152 = tpu.vector_load %arg11[%get3A_150, %get3A_151] {strides = array<i32>} : memref<2x2048xf32, #tpu.memory_space<vmem>>, vector<16xf32>,
          %lt3A_153 = arith.constant 0 : i32
          %lt3A_154 = vector.broadcast %lt3A_153 : i32 to vector<16xi32>
          %lt3A_155 = arith.cmpi slt, %xor3A_2, %lt3A_154 : vector<16xi32>
          %add3A_156 = arith.constant 16 : i32
          %add3A_157 = vector.broadcast %add3A_156 : i32 to vector<16xi32>
          %add3A_158 = arith.addi %xor3A_2, %add3A_157 : vector<16xi32>
          %select_n3A = arith.select %lt3A_155, %add3A_158, %xor3A_2 : vector<16xi1>, vector<16xi32>
          %broadcast_in_dim3A = vector.shape_cast %select_n3A : vector<16xi32> to vector<16x1xi32>
          %gather3A = vector.shape_cast %broadcast_in_dim3A : vector<16x1xi32> to vector<16xi32>
          %gather3A_159 = tpu.dynamic_gather %get3A_152[%gather3A] in [0] : vector<16xf32>, vector<16xi32> -> vector<16xf32>
          %add3A_160 = arith.addf %get3A_152, %gather3A_159 : vector<16xf32>
          %get3A_161 = arith.constant 1 : i32
          %get3A_162 = arith.index_cast %get3A_161 : i32 to index
          %get3A_163 = arith.index_cast %add3A_147 : i32 to index
          %get3A_164 = arith.constant 0 : index
          %get3A_165 = tpu.vector_load %arg10[%get3A_162, %get3A_163, %get3A_164] {strides = array<i32>} : memref<2x128x128xf32, #tpu.memory_space<vmem>>, vector<16xf32>,
          %mul3A_166 = arith.mulf %get3A_165, %add3A_160 : vector<16xf32>
          %swap3A = arith.constant 1 : i32
          %swap3A_167 = arith.index_cast %swap3A : i32 to index
          %swap3A_168 = arith.index_cast %add3A_147 : i32 to index
          %swap3A_169 = arith.constant 0 : index
          %swap3A_170 = tpu.vector_load %arg10[%swap3A_167, %swap3A_168, %swap3A_169] {strides = array<i32>} : memref<2x128x128xf32, #tpu.memory_space<vmem>>, vector<16xf32>,
          tpu.vector_store %arg10[%swap3A_167, %swap3A_168, %swap3A_169], %mul3A_166 {strides = array<i32>} : memref<2x128x128xf32, #tpu.memory_space<vmem>>, vector<16xf32>,
          %get3A_171 = arith.constant 1 : i32
          %get3A_172 = arith.index_cast %get3A_171 : i32 to index
          %get3A_173 = arith.index_cast %add3A_147 : i32 to index
          %get3A_174 = arith.constant 16 : index
          %get3A_175 = tpu.vector_load %arg10[%get3A_172, %get3A_173, %get3A_174] {strides = array<i32>} : memref<2x128x128xf32, #tpu.memory_space<vmem>>, vector<16xf32>,
          %mul3A_176 = arith.mulf %get3A_175, %add3A_160 : vector<16xf32>
          %swap3A_177 = arith.constant 1 : i32
          %swap3A_178 = arith.index_cast %swap3A_177 : i32 to index
          %swap3A_179 = arith.index_cast %add3A_147 : i32 to index
          %swap3A_180 = arith.constant 16 : index
          %swap3A_181 = tpu.vector_load %arg10[%swap3A_178, %swap3A_179, %swap3A_180] {strides = array<i32>} : memref<2x128x128xf32, #tpu.memory_space<vmem>>, vector<16xf32>,
          tpu.vector_store %arg10[%swap3A_178, %swap3A_179, %swap3A_180], %mul3A_176 {strides = array<i32>} : memref<2x128x128xf32, #tpu.memory_space<vmem>>, vector<16xf32>,
          %get3A_182 = arith.constant 1 : i32
          %get3A_183 = arith.index_cast %get3A_182 : i32 to index
          %get3A_184 = arith.index_cast %add3A_147 : i32 to index
          %get3A_185 = arith.constant 32 : index
          %get3A_186 = tpu.vector_load %arg10[%get3A_183, %get3A_184, %get3A_185] {strides = array<i32>} : memref<2x128x128xf32, #tpu.memory_space<vmem>>, vector<16xf32>,
          %mul3A_187 = arith.mulf %get3A_186, %add3A_160 : vector<16xf32>
          %swap3A_188 = arith.constant 1 : i32
          %swap3A_189 = arith.index_cast %swap3A_188 : i32 to index
          %swap3A_190 = arith.index_cast %add3A_147 : i32 to index
          %swap3A_191 = arith.constant 32 : index
          %swap3A_192 = tpu.vector_load %arg10[%swap3A_189, %swap3A_190, %swap3A_191] {strides = array<i32>} : memref<2x128x128xf32, #tpu.memory_space<vmem>>, vector<16xf32>,
          tpu.vector_store %arg10[%swap3A_189, %swap3A_190, %swap3A_191], %mul3A_187 {strides = array<i32>} : memref<2x128x128xf32, #tpu.memory_space<vmem>>, vector<16xf32>,
          %get3A_193 = arith.constant 1 : i32
          %get3A_194 = arith.index_cast %get3A_193 : i32 to index
          %get3A_195 = arith.index_cast %add3A_147 : i32 to index
          %get3A_196 = arith.constant 48 : index
          %get3A_197 = tpu.vector_load %arg10[%get3A_194, %get3A_195, %get3A_196] {strides = array<i32>} : memref<2x128x128xf32, #tpu.memory_space<vmem>>, vector<16xf32>,
          %mul3A_198 = arith.mulf %get3A_197, %add3A_160 : vector<16xf32>
          %swap3A_199 = arith.constant 1 : i32
          %swap3A_200 = arith.index_cast %swap3A_199 : i32 to index
          %swap3A_201 = arith.index_cast %add3A_147 : i32 to index
          %swap3A_202 = arith.constant 48 : index
          %swap3A_203 = tpu.vector_load %arg10[%swap3A_200, %swap3A_201, %swap3A_202] {strides = array<i32>} : memref<2x128x128xf32, #tpu.memory_space<vmem>>, vector<16xf32>,
          tpu.vector_store %arg10[%swap3A_200, %swap3A_201, %swap3A_202], %mul3A_198 {strides = array<i32>} : memref<2x128x128xf32, #tpu.memory_space<vmem>>, vector<16xf32>,
          %get3A_204 = arith.constant 1 : i32
          %get3A_205 = arith.index_cast %get3A_204 : i32 to index
          %get3A_206 = arith.index_cast %add3A_147 : i32 to index
          %get3A_207 = arith.constant 64 : index
          %get3A_208 = tpu.vector_load %arg10[%get3A_205, %get3A_206, %get3A_207] {strides = array<i32>} : memref<2x128x128xf32, #tpu.memory_space<vmem>>, vector<16xf32>,
          %mul3A_209 = arith.mulf %get3A_208, %add3A_160 : vector<16xf32>
          %swap3A_210 = arith.constant 1 : i32
          %swap3A_211 = arith.index_cast %swap3A_210 : i32 to index
          %swap3A_212 = arith.index_cast %add3A_147 : i32 to index
          %swap3A_213 = arith.constant 64 : index
          %swap3A_214 = tpu.vector_load %arg10[%swap3A_211, %swap3A_212, %swap3A_213] {strides = array<i32>} : memref<2x128x128xf32, #tpu.memory_space<vmem>>, vector<16xf32>,
          tpu.vector_store %arg10[%swap3A_211, %swap3A_212, %swap3A_213], %mul3A_209 {strides = array<i32>} : memref<2x128x128xf32, #tpu.memory_space<vmem>>, vector<16xf32>,
          %get3A_215 = arith.constant 1 : i32
          %get3A_216 = arith.index_cast %get3A_215 : i32 to index
          %get3A_217 = arith.index_cast %add3A_147 : i32 to index
          %get3A_218 = arith.constant 80 : index
          %get3A_219 = tpu.vector_load %arg10[%get3A_216, %get3A_217, %get3A_218] {strides = array<i32>} : memref<2x128x128xf32, #tpu.memory_space<vmem>>, vector<16xf32>,
          %mul3A_220 = arith.mulf %get3A_219, %add3A_160 : vector<16xf32>
          %swap3A_221 = arith.constant 1 : i32
          %swap3A_222 = arith.index_cast %swap3A_221 : i32 to index
          %swap3A_223 = arith.index_cast %add3A_147 : i32 to index
          %swap3A_224 = arith.constant 80 : index
          %swap3A_225 = tpu.vector_load %arg10[%swap3A_222, %swap3A_223, %swap3A_224] {strides = array<i32>} : memref<2x128x128xf32, #tpu.memory_space<vmem>>, vector<16xf32>,
          tpu.vector_store %arg10[%swap3A_222, %swap3A_223, %swap3A_224], %mul3A_220 {strides = array<i32>} : memref<2x128x128xf32, #tpu.memory_space<vmem>>, vector<16xf32>,
          %get3A_226 = arith.constant 1 : i32
          %get3A_227 = arith.index_cast %get3A_226 : i32 to index
          %get3A_228 = arith.index_cast %add3A_147 : i32 to index
          %get3A_229 = arith.constant 96 : index
          %get3A_230 = tpu.vector_load %arg10[%get3A_227, %get3A_228, %get3A_229] {strides = array<i32>} : memref<2x128x128xf32, #tpu.memory_space<vmem>>, vector<16xf32>,
          %mul3A_231 = arith.mulf %get3A_230, %add3A_160 : vector<16xf32>
          %swap3A_232 = arith.constant 1 : i32
          %swap3A_233 = arith.index_cast %swap3A_232 : i32 to index
          %swap3A_234 = arith.index_cast %add3A_147 : i32 to index
          %swap3A_235 = arith.constant 96 : index
          %swap3A_236 = tpu.vector_load %arg10[%swap3A_233, %swap3A_234, %swap3A_235] {strides = array<i32>} : memref<2x128x128xf32, #tpu.memory_space<vmem>>, vector<16xf32>,
          tpu.vector_store %arg10[%swap3A_233, %swap3A_234, %swap3A_235], %mul3A_231 {strides = array<i32>} : memref<2x128x128xf32, #tpu.memory_space<vmem>>, vector<16xf32>,
          %get3A_237 = arith.constant 1 : i32
          %get3A_238 = arith.index_cast %get3A_237 : i32 to index
          %get3A_239 = arith.index_cast %add3A_147 : i32 to index
          %get3A_240 = arith.constant 112 : index
          %get3A_241 = tpu.vector_load %arg10[%get3A_238, %get3A_239, %get3A_240] {strides = array<i32>} : memref<2x128x128xf32, #tpu.memory_space<vmem>>, vector<16xf32>,
          %mul3A_242 = arith.mulf %get3A_241, %add3A_160 : vector<16xf32>
          %swap3A_243 = arith.constant 1 : i32
          %swap3A_244 = arith.index_cast %swap3A_243 : i32 to index
          %swap3A_245 = arith.index_cast %add3A_147 : i32 to index
          %swap3A_246 = arith.constant 112 : index
          %swap3A_247 = tpu.vector_load %arg10[%swap3A_244, %swap3A_245, %swap3A_246] {strides = array<i32>} : memref<2x128x128xf32, #tpu.memory_space<vmem>>, vector<16xf32>,
          tpu.vector_store %arg10[%swap3A_244, %swap3A_245, %swap3A_246], %mul3A_242 {strides = array<i32>} : memref<2x128x128xf32, #tpu.memory_space<vmem>>, vector<16xf32>,
        }
        %scan3A_140 = arith.constant 128 : i32
        %run_scoped3A_141 = arith.constant 1 : i32
        %run_scoped3A_142 = arith.constant 1 : i32
        "tpu.region"() ({
          %run_scoped3A_143 = tpu.sem_alloc : memref<!tpu.dma_semaphore, #tpu.memory_space<semaphore_mem>>
          %dma_start3A = arith.constant 0 : i32
          %dma_start3A_144 = arith.constant 0 : i32
          %dma_start3A_145 = tpu.memref_slice %arg10[%run_scoped3A_141, %dma_start3A, %dma_start3A_144] : memref<2x128x128xf32, #tpu.memory_space<vmem>> -> memref<1x128x128xf32, #tpu.memory_space<vmem>>
          %dma_start3A_146 = tpu.memref_squeeze %dma_start3A_145 : memref<1x128x128xf32, #tpu.memory_space<vmem>> -> memref<128x128xf32, #tpu.memory_space<vmem>>
          %dma_start3A_147 = arith.constant 0 : i32
          %dma_start3A_148 = tpu.memref_slice %arg9[%run_scoped3A_142, %dma_start3A_147] : memref<2x128xi32, #tpu.memory_space<vmem>> -> memref<1x128xi32, #tpu.memory_space<vmem>>
          %dma_start3A_149 = tpu.memref_squeeze %dma_start3A_148 : memref<1x128xi32, #tpu.memory_space<vmem>> -> memref<128xi32, #tpu.memory_space<vmem>>
          %dma_start3A_150 = arith.constant 0 : i32
          %dma_start3A_151 = arith.constant 0 : i32
          %dma_start3A_152 = tpu.memref_slice %arg12[%dma_start3A_150, %dma_start3A_151] : memref<10000x128xf32, #tpu.memory_space<vmem_shared>> -> memref<10000x128xf32, #tpu.memory_space<vmem_shared>>
          tpu.enqueue_indirect_dma source(%dma_start3A_146 : memref<128x128xf32, #tpu.memory_space<vmem>>) target(%dma_start3A_152 : memref<10000x128xf32, #tpu.memory_space<vmem_shared>>) offsets(%dma_start3A_149 : memref<128xi32, #tpu.memory_space<vmem>>) semaphore(%run_scoped3A_143 : memref<!tpu.dma_semaphore, #tpu.memory_space<semaphore_mem>>) {add = true}
          %dma_wait3A_153 = arith.constant 0 : i32
          %dma_wait3A_154 = arith.constant 0 : i32
          %dma_wait3A_155 = tpu.memref_slice %arg10[%run_scoped3A_141, %dma_wait3A_153, %dma_wait3A_154] : memref<2x128x128xf32, #tpu.memory_space<vmem>> -> memref<1x128x128xf32, #tpu.memory_space<vmem>>
          %dma_wait3A_156 = tpu.memref_squeeze %dma_wait3A_155 : memref<1x128x128xf32, #tpu.memory_space<vmem>> -> memref<128x128xf32, #tpu.memory_space<vmem>>
          %dma_wait3A_157 = arith.constant 0 : i32
          %dma_wait3A_158 = tpu.memref_slice %arg9[%run_scoped3A_142, %dma_wait3A_157] : memref<2x128xi32, #tpu.memory_space<vmem>> -> memref<1x128xi32, #tpu.memory_space<vmem>>
          %dma_wait3A_159 = tpu.memref_squeeze %dma_wait3A_158 : memref<1x128xi32, #tpu.memory_space<vmem>> -> memref<128xi32, #tpu.memory_space<vmem>>
          %dma_wait3A_160 = arith.constant 0 : i32
          %dma_wait3A_161 = arith.constant 0 : i32
          %dma_wait3A_162 = tpu.memref_slice %arg12[%dma_wait3A_160, %dma_wait3A_161] : memref<10000x128xf32, #tpu.memory_space<vmem_shared>> -> memref<10000x128xf32, #tpu.memory_space<vmem_shared>>
          tpu.wait_indirect_dma semaphore(%run_scoped3A_143 : memref<!tpu.dma_semaphore, #tpu.memory_space<semaphore_mem>>) src(%dma_wait3A_156 : memref<128x128xf32, #tpu.memory_space<vmem>>) dst(%dma_wait3A_162 : memref<10000x128xf32, #tpu.memory_space<vmem_shared>>)
          tpu.yield
        }) : () -> ()
      } else {
      }
    }
    %scan3A_24 = arith.constant 40 : i32
    %barrier3A_25 = arith.constant 0 : index
    tpu.barrier barrier_id(%barrier3A_25)
    %eq3A_26 = arith.constant 0 : i32
    %eq3A_27 = arith.cmpi eq, %arg0, %eq3A_26 : i32
    %convert_element_type3A_28 = arith.extui %eq3A_27 : i1 to i32
    %cond3A_29 = arith.constant 0 : i32
    %cond3A_30 = arith.cmpi ne, %convert_element_type3A_28, %cond3A_29 : i32
    scf.if %cond3A_30 {
      %scan3A_36 = arith.constant 0 : i32
      %scan3A_37 = arith.constant 4 : i32
      %scan3A_38 = arith.addi %scan3A_36, %scan3A_37 : i32
      %scan3A_39 = arith.constant 1 : i32
      scf.for %scan3A_50 = %scan3A_36 to %scan3A_38 step %scan3A_39  : i32 {
        %mul3A_51 = arith.constant 1 : i32
        %mul3A_52 = arith.muli %scan3A_50, %mul3A_51 : i32
        %add3A_53 = arith.constant 0 : i32
        %add3A_54 = arith.addi %add3A_53, %mul3A_52 : i32
        %mul3A_55 = arith.constant 624 : i32
        %mul3A_56 = arith.muli %arg1, %mul3A_55 : i32
        %mul3A_57 = arith.constant 128 : i32
        %mul3A_58 = arith.muli %add3A_54, %mul3A_57 : i32
        %add3A_59 = arith.addi %mul3A_56, %mul3A_58 : i32
        "tpu.region"() ({
          %run_scoped3A_60 = tpu.sem_alloc : memref<!tpu.dma_semaphore, #tpu.memory_space<semaphore_mem>>
          %dma_start3A = arith.constant 0 : i32
          %dma_start3A_61 = tpu.memref_slice %arg6[%add3A_59, %dma_start3A] : memref<10000x128xf32, #tpu.memory_space<hbm>> -> memref<128x128xf32, #tpu.memory_space<hbm>>
          %dma_start3A_62 = arith.constant 0 : i32
          %dma_start3A_63 = tpu.memref_slice %arg12[%add3A_59, %dma_start3A_62] : memref<10000x128xf32, #tpu.memory_space<vmem_shared>> -> memref<128x128xf32, #tpu.memory_space<vmem_shared>>
          tpu.enqueue_dma source(%dma_start3A_63 : memref<128x128xf32, #tpu.memory_space<vmem_shared>>) target(%dma_start3A_61 : memref<128x128xf32, #tpu.memory_space<hbm>>) target_semaphore(%run_scoped3A_60 : memref<!tpu.dma_semaphore, #tpu.memory_space<semaphore_mem>>)
          %dma_wait3A = arith.constant 0 : i32
          %dma_wait3A_64 = tpu.memref_slice %arg6[%add3A_59, %dma_wait3A] : memref<10000x128xf32, #tpu.memory_space<hbm>> -> memref<128x128xf32, #tpu.memory_space<hbm>>
          %dma_wait3A_65 = arith.constant 0 : i32
          %dma_wait3A_66 = tpu.memref_slice %arg12[%add3A_59, %dma_wait3A_65] : memref<10000x128xf32, #tpu.memory_space<vmem_shared>> -> memref<128x128xf32, #tpu.memory_space<vmem_shared>>
          tpu.wait_dma2 semaphore(%run_scoped3A_60 : memref<!tpu.dma_semaphore, #tpu.memory_space<semaphore_mem>>) src(%dma_wait3A_66 : memref<128x128xf32, #tpu.memory_space<vmem_shared>>) dst(%dma_wait3A_64 : memref<128x128xf32, #tpu.memory_space<hbm>>)
          tpu.yield
        }) : () -> ()
      }
      %scan3A_40 = arith.constant 4 : i32
      %mul3A_41 = arith.constant 624 : i32
      %mul3A_42 = arith.muli %arg1, %mul3A_41 : i32
      %add3A_43 = arith.constant 512 : i32
      %add3A_44 = arith.addi %mul3A_42, %add3A_43 : i32
      "tpu.region"() ({
        %run_scoped3A_50 = tpu.sem_alloc : memref<!tpu.dma_semaphore, #tpu.memory_space<semaphore_mem>>
        %dma_start3A = arith.constant 0 : i32
        %dma_start3A_51 = tpu.memref_slice %arg6[%add3A_44, %dma_start3A] : memref<10000x128xf32, #tpu.memory_space<hbm>> -> memref<112x128xf32, #tpu.memory_space<hbm>>
        %dma_start3A_52 = arith.constant 0 : i32
        %dma_start3A_53 = tpu.memref_slice %arg12[%add3A_44, %dma_start3A_52] : memref<10000x128xf32, #tpu.memory_space<vmem_shared>> -> memref<112x128xf32, #tpu.memory_space<vmem_shared>>
        tpu.enqueue_dma source(%dma_start3A_53 : memref<112x128xf32, #tpu.memory_space<vmem_shared>>) target(%dma_start3A_51 : memref<112x128xf32, #tpu.memory_space<hbm>>) target_semaphore(%run_scoped3A_50 : memref<!tpu.dma_semaphore, #tpu.memory_space<semaphore_mem>>)
        %dma_wait3A = arith.constant 0 : i32
        %dma_wait3A_54 = tpu.memref_slice %arg6[%add3A_44, %dma_wait3A] : memref<10000x128xf32, #tpu.memory_space<hbm>> -> memref<112x128xf32, #tpu.memory_space<hbm>>
        %dma_wait3A_55 = arith.constant 0 : i32
        %dma_wait3A_56 = tpu.memref_slice %arg12[%add3A_44, %dma_wait3A_55] : memref<10000x128xf32, #tpu.memory_space<vmem_shared>> -> memref<112x128xf32, #tpu.memory_space<vmem_shared>>
        tpu.wait_dma2 semaphore(%run_scoped3A_50 : memref<!tpu.dma_semaphore, #tpu.memory_space<semaphore_mem>>) src(%dma_wait3A_56 : memref<112x128xf32, #tpu.memory_space<vmem_shared>>) dst(%dma_wait3A_54 : memref<112x128xf32, #tpu.memory_space<hbm>>)
        tpu.yield
      }) : () -> ()
      %eq3A_45 = arith.constant 15 : i32
      %eq3A_46 = arith.cmpi eq, %arg1, %eq3A_45 : i32
      %convert_element_type3A_47 = arith.extui %eq3A_46 : i1 to i32
      %cond3A_48 = arith.constant 0 : i32
      %cond3A_49 = arith.cmpi ne, %convert_element_type3A_47, %cond3A_48 : i32
      scf.if %cond3A_49 {
        "tpu.region"() ({
          %run_scoped3A_50 = tpu.sem_alloc : memref<!tpu.dma_semaphore, #tpu.memory_space<semaphore_mem>>
          %dma_start3A = arith.constant 9984 : i32
          %dma_start3A_51 = arith.constant 0 : i32
          %dma_start3A_52 = tpu.memref_slice %arg6[%dma_start3A, %dma_start3A_51] : memref<10000x128xf32, #tpu.memory_space<hbm>> -> memref<16x128xf32, #tpu.memory_space<hbm>>
          %dma_start3A_53 = arith.constant 9984 : i32
          %dma_start3A_54 = arith.constant 0 : i32
          %dma_start3A_55 = tpu.memref_slice %arg12[%dma_start3A_53, %dma_start3A_54] : memref<10000x128xf32, #tpu.memory_space<vmem_shared>> -> memref<16x128xf32, #tpu.memory_space<vmem_shared>>
          tpu.enqueue_dma source(%dma_start3A_55 : memref<16x128xf32, #tpu.memory_space<vmem_shared>>) target(%dma_start3A_52 : memref<16x128xf32, #tpu.memory_space<hbm>>) target_semaphore(%run_scoped3A_50 : memref<!tpu.dma_semaphore, #tpu.memory_space<semaphore_mem>>)
          %dma_wait3A = arith.constant 9984 : i32
          %dma_wait3A_56 = arith.constant 0 : i32
          %dma_wait3A_57 = tpu.memref_slice %arg6[%dma_wait3A, %dma_wait3A_56] : memref<10000x128xf32, #tpu.memory_space<hbm>> -> memref<16x128xf32, #tpu.memory_space<hbm>>
          %dma_wait3A_58 = arith.constant 9984 : i32
          %dma_wait3A_59 = arith.constant 0 : i32
          %dma_wait3A_60 = tpu.memref_slice %arg12[%dma_wait3A_58, %dma_wait3A_59] : memref<10000x128xf32, #tpu.memory_space<vmem_shared>> -> memref<16x128xf32, #tpu.memory_space<vmem_shared>>
          tpu.wait_dma2 semaphore(%run_scoped3A_50 : memref<!tpu.dma_semaphore, #tpu.memory_space<semaphore_mem>>) src(%dma_wait3A_60 : memref<16x128xf32, #tpu.memory_space<vmem_shared>>) dst(%dma_wait3A_57 : memref<16x128xf32, #tpu.memory_space<hbm>>)
          tpu.yield
        }) : () -> ()
      } else {
      }
    } else {
    }
    %eq3A_31 = arith.constant 1 : i32
    %eq3A_32 = arith.cmpi eq, %arg0, %eq3A_31 : i32
    %convert_element_type3A_33 = arith.extui %eq3A_32 : i1 to i32
    %cond3A_34 = arith.constant 0 : i32
    %cond3A_35 = arith.cmpi ne, %convert_element_type3A_33, %cond3A_34 : i32
    scf.if %cond3A_35 {
      %scan3A_36 = arith.constant 0 : i32
      %scan3A_37 = arith.constant 4 : i32
      %scan3A_38 = arith.addi %scan3A_36, %scan3A_37 : i32
      %scan3A_39 = arith.constant 1 : i32
      scf.for %scan3A_50 = %scan3A_36 to %scan3A_38 step %scan3A_39  : i32 {
        %mul3A_51 = arith.constant 1 : i32
        %mul3A_52 = arith.muli %scan3A_50, %mul3A_51 : i32
        %add3A_53 = arith.constant 0 : i32
        %add3A_54 = arith.addi %add3A_53, %mul3A_52 : i32
        %mul3A_55 = arith.constant 624 : i32
        %mul3A_56 = arith.muli %arg1, %mul3A_55 : i32
        %mul3A_57 = arith.constant 128 : i32
        %mul3A_58 = arith.muli %add3A_54, %mul3A_57 : i32
        %add3A_59 = arith.addi %mul3A_56, %mul3A_58 : i32
        "tpu.region"() ({
          %run_scoped3A_60 = tpu.sem_alloc : memref<!tpu.dma_semaphore, #tpu.memory_space<semaphore_mem>>
          %dma_start3A = arith.constant 0 : i32
          %dma_start3A_61 = tpu.memref_slice %arg7[%add3A_59, %dma_start3A] : memref<10000x128xf32, #tpu.memory_space<hbm>> -> memref<128x128xf32, #tpu.memory_space<hbm>>
          %dma_start3A_62 = arith.constant 0 : i32
          %dma_start3A_63 = tpu.memref_slice %arg12[%add3A_59, %dma_start3A_62] : memref<10000x128xf32, #tpu.memory_space<vmem_shared>> -> memref<128x128xf32, #tpu.memory_space<vmem_shared>>
          tpu.enqueue_dma source(%dma_start3A_63 : memref<128x128xf32, #tpu.memory_space<vmem_shared>>) target(%dma_start3A_61 : memref<128x128xf32, #tpu.memory_space<hbm>>) target_semaphore(%run_scoped3A_60 : memref<!tpu.dma_semaphore, #tpu.memory_space<semaphore_mem>>)
          %dma_wait3A = arith.constant 0 : i32
          %dma_wait3A_64 = tpu.memref_slice %arg7[%add3A_59, %dma_wait3A] : memref<10000x128xf32, #tpu.memory_space<hbm>> -> memref<128x128xf32, #tpu.memory_space<hbm>>
          %dma_wait3A_65 = arith.constant 0 : i32
          %dma_wait3A_66 = tpu.memref_slice %arg12[%add3A_59, %dma_wait3A_65] : memref<10000x128xf32, #tpu.memory_space<vmem_shared>> -> memref<128x128xf32, #tpu.memory_space<vmem_shared>>
          tpu.wait_dma2 semaphore(%run_scoped3A_60 : memref<!tpu.dma_semaphore, #tpu.memory_space<semaphore_mem>>) src(%dma_wait3A_66 : memref<128x128xf32, #tpu.memory_space<vmem_shared>>) dst(%dma_wait3A_64 : memref<128x128xf32, #tpu.memory_space<hbm>>)
          tpu.yield
        }) : () -> ()
      }
      %scan3A_40 = arith.constant 4 : i32
      %mul3A_41 = arith.constant 624 : i32
      %mul3A_42 = arith.muli %arg1, %mul3A_41 : i32
      %add3A_43 = arith.constant 512 : i32
      %add3A_44 = arith.addi %mul3A_42, %add3A_43 : i32
      "tpu.region"() ({
        %run_scoped3A_50 = tpu.sem_alloc : memref<!tpu.dma_semaphore, #tpu.memory_space<semaphore_mem>>
        %dma_start3A = arith.constant 0 : i32
        %dma_start3A_51 = tpu.memref_slice %arg7[%add3A_44, %dma_start3A] : memref<10000x128xf32, #tpu.memory_space<hbm>> -> memref<112x128xf32, #tpu.memory_space<hbm>>
        %dma_start3A_52 = arith.constant 0 : i32
        %dma_start3A_53 = tpu.memref_slice %arg12[%add3A_44, %dma_start3A_52] : memref<10000x128xf32, #tpu.memory_space<vmem_shared>> -> memref<112x128xf32, #tpu.memory_space<vmem_shared>>
        tpu.enqueue_dma source(%dma_start3A_53 : memref<112x128xf32, #tpu.memory_space<vmem_shared>>) target(%dma_start3A_51 : memref<112x128xf32, #tpu.memory_space<hbm>>) target_semaphore(%run_scoped3A_50 : memref<!tpu.dma_semaphore, #tpu.memory_space<semaphore_mem>>)
        %dma_wait3A = arith.constant 0 : i32
        %dma_wait3A_54 = tpu.memref_slice %arg7[%add3A_44, %dma_wait3A] : memref<10000x128xf32, #tpu.memory_space<hbm>> -> memref<112x128xf32, #tpu.memory_space<hbm>>
        %dma_wait3A_55 = arith.constant 0 : i32
        %dma_wait3A_56 = tpu.memref_slice %arg12[%add3A_44, %dma_wait3A_55] : memref<10000x128xf32, #tpu.memory_space<vmem_shared>> -> memref<112x128xf32, #tpu.memory_space<vmem_shared>>
        tpu.wait_dma2 semaphore(%run_scoped3A_50 : memref<!tpu.dma_semaphore, #tpu.memory_space<semaphore_mem>>) src(%dma_wait3A_56 : memref<112x128xf32, #tpu.memory_space<vmem_shared>>) dst(%dma_wait3A_54 : memref<112x128xf32, #tpu.memory_space<hbm>>)
        tpu.yield
      }) : () -> ()
      %eq3A_45 = arith.constant 15 : i32
      %eq3A_46 = arith.cmpi eq, %arg1, %eq3A_45 : i32
      %convert_element_type3A_47 = arith.extui %eq3A_46 : i1 to i32
      %cond3A_48 = arith.constant 0 : i32
      %cond3A_49 = arith.cmpi ne, %convert_element_type3A_47, %cond3A_48 : i32
      scf.if %cond3A_49 {
        "tpu.region"() ({
          %run_scoped3A_50 = tpu.sem_alloc : memref<!tpu.dma_semaphore, #tpu.memory_space<semaphore_mem>>
          %dma_start3A = arith.constant 9984 : i32
          %dma_start3A_51 = arith.constant 0 : i32
          %dma_start3A_52 = tpu.memref_slice %arg7[%dma_start3A, %dma_start3A_51] : memref<10000x128xf32, #tpu.memory_space<hbm>> -> memref<16x128xf32, #tpu.memory_space<hbm>>
          %dma_start3A_53 = arith.constant 9984 : i32
          %dma_start3A_54 = arith.constant 0 : i32
          %dma_start3A_55 = tpu.memref_slice %arg12[%dma_start3A_53, %dma_start3A_54] : memref<10000x128xf32, #tpu.memory_space<vmem_shared>> -> memref<16x128xf32, #tpu.memory_space<vmem_shared>>
          tpu.enqueue_dma source(%dma_start3A_55 : memref<16x128xf32, #tpu.memory_space<vmem_shared>>) target(%dma_start3A_52 : memref<16x128xf32, #tpu.memory_space<hbm>>) target_semaphore(%run_scoped3A_50 : memref<!tpu.dma_semaphore, #tpu.memory_space<semaphore_mem>>)
          %dma_wait3A = arith.constant 9984 : i32
          %dma_wait3A_56 = arith.constant 0 : i32
          %dma_wait3A_57 = tpu.memref_slice %arg7[%dma_wait3A, %dma_wait3A_56] : memref<10000x128xf32, #tpu.memory_space<hbm>> -> memref<16x128xf32, #tpu.memory_space<hbm>>
          %dma_wait3A_58 = arith.constant 9984 : i32
          %dma_wait3A_59 = arith.constant 0 : i32
          %dma_wait3A_60 = tpu.memref_slice %arg12[%dma_wait3A_58, %dma_wait3A_59] : memref<10000x128xf32, #tpu.memory_space<vmem_shared>> -> memref<16x128xf32, #tpu.memory_space<vmem_shared>>
          tpu.wait_dma2 semaphore(%run_scoped3A_50 : memref<!tpu.dma_semaphore, #tpu.memory_space<semaphore_mem>>) src(%dma_wait3A_60 : memref<16x128xf32, #tpu.memory_space<vmem_shared>>) dst(%dma_wait3A_57 : memref<16x128xf32, #tpu.memory_space<hbm>>)
          tpu.yield
        }) : () -> ()
      } else {
      }
    } else {
    }
    return
  }
}

#map = affine_map<(d0, d1) -> (0, 0)>
#map1 = affine_map<(d0, d1) -> (0)>
module attributes {stable_mosaic.version = 14 : i64} {
  func.func @_sc_attn_body(%arg0: i32, %arg1: i32, %arg2: memref<10000x128xf32, #tpu.memory_space<hbm>>, %arg3: memref<10000x128xf32, #tpu.memory_space<hbm>>, %arg4: memref<40000x128xf32, #tpu.memory_space<hbm>>, %arg5: memref<320000xi32, #tpu.memory_space<hbm>>, %arg6: memref<320000xi32, #tpu.memory_space<hbm>>, %arg7: memref<5120000xf32, #tpu.memory_space<hbm>>, %arg8: memref<10000x128xf32, #tpu.memory_space<hbm>>, %arg9: memref<10000x128xf32, #tpu.memory_space<hbm>>, %arg10: memref<2x64xi32, #tpu.memory_space<vmem>>, %arg11: memref<2x64xi32, #tpu.memory_space<vmem>>, %arg12: memref<2x64x128xf32, #tpu.memory_space<vmem>>, %arg13: memref<2x64x128xf32, #tpu.memory_space<vmem>>, %arg14: memref<2x8x128xf32, #tpu.memory_space<vmem>>, %arg15: memref<2x1024xf32, #tpu.memory_space<vmem>>, %arg16: memref<64x128xf32, #tpu.memory_space<vmem>>, %arg17: memref<10000x128xf32, #tpu.memory_space<vmem_shared>>, %arg18: memref<!tpu.dma_semaphore, #tpu.memory_space<semaphore_mem>>, %arg19: memref<!tpu.dma_semaphore, #tpu.memory_space<semaphore_mem>>, %arg20: memref<!tpu.dma_semaphore, #tpu.memory_space<semaphore_mem>>, %arg21: memref<!tpu.dma_semaphore, #tpu.memory_space<semaphore_mem>>, %arg22: memref<!tpu.dma_semaphore, #tpu.memory_space<semaphore_mem>>, %arg23: memref<!tpu.dma_semaphore, #tpu.memory_space<semaphore_mem>>) attributes {dimension_semantics = [#tpu.dimension_semantics<core_parallel>, #tpu.dimension_semantics<subcore_parallel>], iteration_bounds = array<i64: 2, 16>, scalar_prefetch = 0 : i64, scratch_operands = 14 : i64, tpu.core_type = #tpu.core_type<sc_vector_subcore>, window_params = [{transform_indices = #map}, {transform_indices = #map}, {transform_indices = #map}, {transform_indices = #map1}, {transform_indices = #map1}, {transform_indices = #map1}, {transform_indices = #map}, {transform_indices = #map}]} {
    %mul3A = arith.constant 2 : i32
    %mul3A_0 = arith.muli %arg1, %mul3A : i32
    %add3A = arith.addi %mul3A_0, %arg0 : i32
    %scan3A = arith.constant 0 : i32
    %scan3A_1 = arith.constant 64 : i32
    %scan3A_2 = arith.addi %scan3A, %scan3A_1 : i32
    %scan3A_3 = arith.constant 1 : i32
    scf.for %scan3A_47 = %scan3A to %scan3A_2 step %scan3A_3  : i32 {
      %mul3A_48 = arith.constant 1 : i32
      %mul3A_49 = arith.muli %scan3A_47, %mul3A_48 : i32
      %add3A_50 = arith.constant 0 : i32
      %add3A_51 = arith.addi %add3A_50, %mul3A_49 : i32
      %broadcast_in_dim3A = arith.constant 0.000000e+00 : f32
      %broadcast_in_dim3A_52 = vector.broadcast %broadcast_in_dim3A : f32 to vector<16xf32>
      %swap3A = arith.index_cast %add3A_51 : i32 to index
      %swap3A_53 = arith.constant 0 : index
      %swap3A_54 = tpu.vector_load %arg16[%swap3A, %swap3A_53] {strides = array<i32>} : memref<64x128xf32, #tpu.memory_space<vmem>>, vector<16xf32>,
      tpu.vector_store %arg16[%swap3A, %swap3A_53], %broadcast_in_dim3A_52 {strides = array<i32>} : memref<64x128xf32, #tpu.memory_space<vmem>>, vector<16xf32>,
      %broadcast_in_dim3A_55 = arith.constant 0.000000e+00 : f32
      %broadcast_in_dim3A_56 = vector.broadcast %broadcast_in_dim3A_55 : f32 to vector<16xf32>
      %swap3A_57 = arith.index_cast %add3A_51 : i32 to index
      %swap3A_58 = arith.constant 16 : index
      %swap3A_59 = tpu.vector_load %arg16[%swap3A_57, %swap3A_58] {strides = array<i32>} : memref<64x128xf32, #tpu.memory_space<vmem>>, vector<16xf32>,
      tpu.vector_store %arg16[%swap3A_57, %swap3A_58], %broadcast_in_dim3A_56 {strides = array<i32>} : memref<64x128xf32, #tpu.memory_space<vmem>>, vector<16xf32>,
      %broadcast_in_dim3A_60 = arith.constant 0.000000e+00 : f32
      %broadcast_in_dim3A_61 = vector.broadcast %broadcast_in_dim3A_60 : f32 to vector<16xf32>
      %swap3A_62 = arith.index_cast %add3A_51 : i32 to index
      %swap3A_63 = arith.constant 32 : index
      %swap3A_64 = tpu.vector_load %arg16[%swap3A_62, %swap3A_63] {strides = array<i32>} : memref<64x128xf32, #tpu.memory_space<vmem>>, vector<16xf32>,
      tpu.vector_store %arg16[%swap3A_62, %swap3A_63], %broadcast_in_dim3A_61 {strides = array<i32>} : memref<64x128xf32, #tpu.memory_space<vmem>>, vector<16xf32>,
      %broadcast_in_dim3A_65 = arith.constant 0.000000e+00 : f32
      %broadcast_in_dim3A_66 = vector.broadcast %broadcast_in_dim3A_65 : f32 to vector<16xf32>
      %swap3A_67 = arith.index_cast %add3A_51 : i32 to index
      %swap3A_68 = arith.constant 48 : index
      %swap3A_69 = tpu.vector_load %arg16[%swap3A_67, %swap3A_68] {strides = array<i32>} : memref<64x128xf32, #tpu.memory_space<vmem>>, vector<16xf32>,
      tpu.vector_store %arg16[%swap3A_67, %swap3A_68], %broadcast_in_dim3A_66 {strides = array<i32>} : memref<64x128xf32, #tpu.memory_space<vmem>>, vector<16xf32>,
      %broadcast_in_dim3A_70 = arith.constant 0.000000e+00 : f32
      %broadcast_in_dim3A_71 = vector.broadcast %broadcast_in_dim3A_70 : f32 to vector<16xf32>
      %swap3A_72 = arith.index_cast %add3A_51 : i32 to index
      %swap3A_73 = arith.constant 64 : index
      %swap3A_74 = tpu.vector_load %arg16[%swap3A_72, %swap3A_73] {strides = array<i32>} : memref<64x128xf32, #tpu.memory_space<vmem>>, vector<16xf32>,
      tpu.vector_store %arg16[%swap3A_72, %swap3A_73], %broadcast_in_dim3A_71 {strides = array<i32>} : memref<64x128xf32, #tpu.memory_space<vmem>>, vector<16xf32>,
      %broadcast_in_dim3A_75 = arith.constant 0.000000e+00 : f32
      %broadcast_in_dim3A_76 = vector.broadcast %broadcast_in_dim3A_75 : f32 to vector<16xf32>
      %swap3A_77 = arith.index_cast %add3A_51 : i32 to index
      %swap3A_78 = arith.constant 80 : index
      %swap3A_79 = tpu.vector_load %arg16[%swap3A_77, %swap3A_78] {strides = array<i32>} : memref<64x128xf32, #tpu.memory_space<vmem>>, vector<16xf32>,
      tpu.vector_store %arg16[%swap3A_77, %swap3A_78], %broadcast_in_dim3A_76 {strides = array<i32>} : memref<64x128xf32, #tpu.memory_space<vmem>>, vector<16xf32>,
      %broadcast_in_dim3A_80 = arith.constant 0.000000e+00 : f32
      %broadcast_in_dim3A_81 = vector.broadcast %broadcast_in_dim3A_80 : f32 to vector<16xf32>
      %swap3A_82 = arith.index_cast %add3A_51 : i32 to index
      %swap3A_83 = arith.constant 96 : index
      %swap3A_84 = tpu.vector_load %arg16[%swap3A_82, %swap3A_83] {strides = array<i32>} : memref<64x128xf32, #tpu.memory_space<vmem>>, vector<16xf32>,
      tpu.vector_store %arg16[%swap3A_82, %swap3A_83], %broadcast_in_dim3A_81 {strides = array<i32>} : memref<64x128xf32, #tpu.memory_space<vmem>>, vector<16xf32>,
      %broadcast_in_dim3A_85 = arith.constant 0.000000e+00 : f32
      %broadcast_in_dim3A_86 = vector.broadcast %broadcast_in_dim3A_85 : f32 to vector<16xf32>
      %swap3A_87 = arith.index_cast %add3A_51 : i32 to index
      %swap3A_88 = arith.constant 112 : index
      %swap3A_89 = tpu.vector_load %arg16[%swap3A_87, %swap3A_88] {strides = array<i32>} : memref<64x128xf32, #tpu.memory_space<vmem>>, vector<16xf32>,
      tpu.vector_store %arg16[%swap3A_87, %swap3A_88], %broadcast_in_dim3A_86 {strides = array<i32>} : memref<64x128xf32, #tpu.memory_space<vmem>>, vector<16xf32>,
    }
    %scan3A_4 = arith.constant 64 : i32
    %scan3A_5 = arith.constant 0 : i32
    %scan3A_6 = arith.constant 9 : i32
    %scan3A_7 = arith.addi %scan3A_5, %scan3A_6 : i32
    %scan3A_8 = arith.constant 1 : i32
    scf.for %scan3A_47 = %scan3A_5 to %scan3A_7 step %scan3A_8  : i32 {
      %mul3A_48 = arith.constant 1 : i32
      %mul3A_49 = arith.muli %scan3A_47, %mul3A_48 : i32
      %add3A_50 = arith.constant 0 : i32
      %add3A_51 = arith.addi %add3A_50, %mul3A_49 : i32
      %mul3A_52 = arith.constant 624 : i32
      %mul3A_53 = arith.muli %arg1, %mul3A_52 : i32
      %mul3A_54 = arith.constant 64 : i32
      %mul3A_55 = arith.muli %add3A_51, %mul3A_54 : i32
      %add3A_56 = arith.addi %mul3A_53, %mul3A_55 : i32
      "tpu.region"() ({
        %run_scoped3A = tpu.sem_alloc : memref<!tpu.dma_semaphore, #tpu.memory_space<semaphore_mem>>
        %dma_start3A = arith.constant 0 : i32
        %dma_start3A_57 = tpu.memref_slice %arg17[%add3A_56, %dma_start3A] : memref<10000x128xf32, #tpu.memory_space<vmem_shared>> -> memref<64x128xf32, #tpu.memory_space<vmem_shared>>
        %dma_start3A_58 = arith.constant 0 : i32
        %dma_start3A_59 = tpu.memref_slice %arg17[%add3A_56, %dma_start3A_58] : memref<10000x128xf32, #tpu.memory_space<vmem_shared>> -> memref<64x128xf32, #tpu.memory_space<vmem_shared>>
        tpu.enqueue_dma source(%arg16 : memref<64x128xf32, #tpu.memory_space<vmem>>) target(%dma_start3A_59 : memref<64x128xf32, #tpu.memory_space<vmem_shared>>) target_semaphore(%run_scoped3A : memref<!tpu.dma_semaphore, #tpu.memory_space<semaphore_mem>>)
        %dma_wait3A = arith.constant 0 : i32
        %dma_wait3A_60 = tpu.memref_slice %arg17[%add3A_56, %dma_wait3A] : memref<10000x128xf32, #tpu.memory_space<vmem_shared>> -> memref<64x128xf32, #tpu.memory_space<vmem_shared>>
        %dma_wait3A_61 = arith.constant 0 : i32
        %dma_wait3A_62 = tpu.memref_slice %arg17[%add3A_56, %dma_wait3A_61] : memref<10000x128xf32, #tpu.memory_space<vmem_shared>> -> memref<64x128xf32, #tpu.memory_space<vmem_shared>>
        tpu.wait_dma2 semaphore(%run_scoped3A : memref<!tpu.dma_semaphore, #tpu.memory_space<semaphore_mem>>) src(%arg16 : memref<64x128xf32, #tpu.memory_space<vmem>>) dst(%dma_wait3A_62 : memref<64x128xf32, #tpu.memory_space<vmem_shared>>)
        tpu.yield
      }) : () -> ()
    }
    %scan3A_9 = arith.constant 9 : i32
    %mul3A_10 = arith.constant 624 : i32
    %mul3A_11 = arith.muli %arg1, %mul3A_10 : i32
    %add3A_12 = arith.constant 576 : i32
    %add3A_13 = arith.addi %mul3A_11, %add3A_12 : i32
    "tpu.region"() ({
      %run_scoped3A = tpu.sem_alloc : memref<!tpu.dma_semaphore, #tpu.memory_space<semaphore_mem>>
      %dma_start3A = arith.constant 0 : i32
      %dma_start3A_47 = arith.constant 0 : i32
      %dma_start3A_48 = tpu.memref_slice %arg16[%dma_start3A, %dma_start3A_47] : memref<64x128xf32, #tpu.memory_space<vmem>> -> memref<48x128xf32, #tpu.memory_space<vmem>>
      %dma_start3A_49 = arith.constant 0 : i32
      %dma_start3A_50 = tpu.memref_slice %arg17[%add3A_13, %dma_start3A_49] : memref<10000x128xf32, #tpu.memory_space<vmem_shared>> -> memref<48x128xf32, #tpu.memory_space<vmem_shared>>
      %dma_start3A_51 = arith.constant 0 : i32
      %dma_start3A_52 = tpu.memref_slice %arg17[%add3A_13, %dma_start3A_51] : memref<10000x128xf32, #tpu.memory_space<vmem_shared>> -> memref<48x128xf32, #tpu.memory_space<vmem_shared>>
      %dma_start3A_53 = arith.constant 0 : i32
      %dma_start3A_54 = arith.constant 0 : i32
      %dma_start3A_55 = tpu.memref_slice %arg16[%dma_start3A_53, %dma_start3A_54] : memref<64x128xf32, #tpu.memory_space<vmem>> -> memref<48x128xf32, #tpu.memory_space<vmem>>
      tpu.enqueue_dma source(%dma_start3A_55 : memref<48x128xf32, #tpu.memory_space<vmem>>) target(%dma_start3A_52 : memref<48x128xf32, #tpu.memory_space<vmem_shared>>) target_semaphore(%run_scoped3A : memref<!tpu.dma_semaphore, #tpu.memory_space<semaphore_mem>>)
      %dma_wait3A = arith.constant 0 : i32
      %dma_wait3A_56 = arith.constant 0 : i32
      %dma_wait3A_57 = tpu.memref_slice %arg16[%dma_wait3A, %dma_wait3A_56] : memref<64x128xf32, #tpu.memory_space<vmem>> -> memref<48x128xf32, #tpu.memory_space<vmem>>
      %dma_wait3A_58 = arith.constant 0 : i32
      %dma_wait3A_59 = tpu.memref_slice %arg17[%add3A_13, %dma_wait3A_58] : memref<10000x128xf32, #tpu.memory_space<vmem_shared>> -> memref<48x128xf32, #tpu.memory_space<vmem_shared>>
      %dma_wait3A_60 = arith.constant 0 : i32
      %dma_wait3A_61 = tpu.memref_slice %arg17[%add3A_13, %dma_wait3A_60] : memref<10000x128xf32, #tpu.memory_space<vmem_shared>> -> memref<48x128xf32, #tpu.memory_space<vmem_shared>>
      %dma_wait3A_62 = arith.constant 0 : i32
      %dma_wait3A_63 = arith.constant 0 : i32
      %dma_wait3A_64 = tpu.memref_slice %arg16[%dma_wait3A_62, %dma_wait3A_63] : memref<64x128xf32, #tpu.memory_space<vmem>> -> memref<48x128xf32, #tpu.memory_space<vmem>>
      tpu.wait_dma2 semaphore(%run_scoped3A : memref<!tpu.dma_semaphore, #tpu.memory_space<semaphore_mem>>) src(%dma_wait3A_64 : memref<48x128xf32, #tpu.memory_space<vmem>>) dst(%dma_wait3A_61 : memref<48x128xf32, #tpu.memory_space<vmem_shared>>)
      tpu.yield
    }) : () -> ()
    %eq3A = arith.constant 15 : i32
    %eq3A_14 = arith.cmpi eq, %arg1, %eq3A : i32
    %convert_element_type3A = arith.extui %eq3A_14 : i1 to i32
    %cond3A = arith.constant 0 : i32
    %cond3A_15 = arith.cmpi ne, %convert_element_type3A, %cond3A : i32
    scf.if %cond3A_15 {
      "tpu.region"() ({
        %run_scoped3A = tpu.sem_alloc : memref<!tpu.dma_semaphore, #tpu.memory_space<semaphore_mem>>
        %dma_start3A = arith.constant 0 : i32
        %dma_start3A_47 = arith.constant 0 : i32
        %dma_start3A_48 = tpu.memref_slice %arg16[%dma_start3A, %dma_start3A_47] : memref<64x128xf32, #tpu.memory_space<vmem>> -> memref<16x128xf32, #tpu.memory_space<vmem>>
        %dma_start3A_49 = arith.constant 9984 : i32
        %dma_start3A_50 = arith.constant 0 : i32
        %dma_start3A_51 = tpu.memref_slice %arg17[%dma_start3A_49, %dma_start3A_50] : memref<10000x128xf32, #tpu.memory_space<vmem_shared>> -> memref<16x128xf32, #tpu.memory_space<vmem_shared>>
        %dma_start3A_52 = arith.constant 9984 : i32
        %dma_start3A_53 = arith.constant 0 : i32
        %dma_start3A_54 = tpu.memref_slice %arg17[%dma_start3A_52, %dma_start3A_53] : memref<10000x128xf32, #tpu.memory_space<vmem_shared>> -> memref<16x128xf32, #tpu.memory_space<vmem_shared>>
        %dma_start3A_55 = arith.constant 0 : i32
        %dma_start3A_56 = arith.constant 0 : i32
        %dma_start3A_57 = tpu.memref_slice %arg16[%dma_start3A_55, %dma_start3A_56] : memref<64x128xf32, #tpu.memory_space<vmem>> -> memref<16x128xf32, #tpu.memory_space<vmem>>
        tpu.enqueue_dma source(%dma_start3A_57 : memref<16x128xf32, #tpu.memory_space<vmem>>) target(%dma_start3A_54 : memref<16x128xf32, #tpu.memory_space<vmem_shared>>) target_semaphore(%run_scoped3A : memref<!tpu.dma_semaphore, #tpu.memory_space<semaphore_mem>>)
        %dma_wait3A = arith.constant 0 : i32
        %dma_wait3A_58 = arith.constant 0 : i32
        %dma_wait3A_59 = tpu.memref_slice %arg16[%dma_wait3A, %dma_wait3A_58] : memref<64x128xf32, #tpu.memory_space<vmem>> -> memref<16x128xf32, #tpu.memory_space<vmem>>
        %dma_wait3A_60 = arith.constant 9984 : i32
        %dma_wait3A_61 = arith.constant 0 : i32
        %dma_wait3A_62 = tpu.memref_slice %arg17[%dma_wait3A_60, %dma_wait3A_61] : memref<10000x128xf32, #tpu.memory_space<vmem_shared>> -> memref<16x128xf32, #tpu.memory_space<vmem_shared>>
        %dma_wait3A_63 = arith.constant 9984 : i32
        %dma_wait3A_64 = arith.constant 0 : i32
        %dma_wait3A_65 = tpu.memref_slice %arg17[%dma_wait3A_63, %dma_wait3A_64] : memref<10000x128xf32, #tpu.memory_space<vmem_shared>> -> memref<16x128xf32, #tpu.memory_space<vmem_shared>>
        %dma_wait3A_66 = arith.constant 0 : i32
        %dma_wait3A_67 = arith.constant 0 : i32
        %dma_wait3A_68 = tpu.memref_slice %arg16[%dma_wait3A_66, %dma_wait3A_67] : memref<64x128xf32, #tpu.memory_space<vmem>> -> memref<16x128xf32, #tpu.memory_space<vmem>>
        tpu.wait_dma2 semaphore(%run_scoped3A : memref<!tpu.dma_semaphore, #tpu.memory_space<semaphore_mem>>) src(%dma_wait3A_68 : memref<16x128xf32, #tpu.memory_space<vmem>>) dst(%dma_wait3A_65 : memref<16x128xf32, #tpu.memory_space<vmem_shared>>)
        tpu.yield
      }) : () -> ()
    } else {
    }
    %barrier3A = arith.constant 0 : index
    tpu.barrier barrier_id(%barrier3A)
    %iota3A = tpu.iota {dimensions = array<i32: 0>} : vector<16xi32>
    %xor3A = arith.constant 8 : i32
    %xor3A_16 = vector.broadcast %xor3A : i32 to vector<16xi32>
    %xor3A_17 = arith.xori %iota3A, %xor3A_16 : vector<16xi32>
    %scan3A_18 = arith.constant 0 : i32
    %scan3A_19 = arith.constant 79 : i32
    %scan3A_20 = arith.addi %scan3A_18, %scan3A_19 : i32
    %scan3A_21 = arith.constant 1 : i32
    scf.for %scan3A_47 = %scan3A_18 to %scan3A_20 step %scan3A_21  : i32 {
      %mul3A_48 = arith.constant 1 : i32
      %mul3A_49 = arith.muli %scan3A_47, %mul3A_48 : i32
      %add3A_50 = arith.constant 0 : i32
      %add3A_51 = arith.addi %add3A_50, %mul3A_49 : i32
      %mul3A_52 = arith.constant 2 : i32
      %mul3A_53 = arith.muli %mul3A_52, %add3A_51 : i32
      %add3A_54 = arith.constant 0 : i32
      %add3A_55 = arith.addi %mul3A_53, %add3A_54 : i32
      %mul3A_56 = arith.constant 32 : i32
      %mul3A_57 = arith.muli %mul3A_56, %add3A_55 : i32
      %add3A_58 = arith.addi %add3A, %mul3A_57 : i32
      %lt3A_59 = arith.constant 5000 : i32
      %lt3A_60 = arith.cmpi slt, %add3A_58, %lt3A_59 : i32
      %convert_element_type3A_61 = arith.extui %lt3A_60 : i1 to i32
      %cond3A_62 = arith.constant 0 : i32
      %cond3A_63 = arith.cmpi ne, %convert_element_type3A_61, %cond3A_62 : i32
      scf.if %cond3A_63 {
        %mul3A_141 = arith.constant 64 : i32
        %mul3A_142 = arith.muli %add3A_58, %mul3A_141 : i32
        %dma_start3A = arith.constant 0 : i32
        %dma_start3A_143 = arith.constant 0 : i32
        %dma_start3A_144 = tpu.memref_slice %arg10[%dma_start3A, %dma_start3A_143] : memref<2x64xi32, #tpu.memory_space<vmem>> -> memref<1x64xi32, #tpu.memory_space<vmem>>
        %dma_start3A_145 = tpu.memref_squeeze %dma_start3A_144 : memref<1x64xi32, #tpu.memory_space<vmem>> -> memref<64xi32, #tpu.memory_space<vmem>>
        %dma_start3A_146 = tpu.memref_slice %arg5[%mul3A_142] : memref<320000xi32, #tpu.memory_space<hbm>> -> memref<64xi32, #tpu.memory_space<hbm>>
        %dma_start3A_147 = arith.constant 0 : i32
        %dma_start3A_148 = tpu.memref_slice %arg10[%dma_start3A, %dma_start3A_147] : memref<2x64xi32, #tpu.memory_space<vmem>> -> memref<1x64xi32, #tpu.memory_space<vmem>>
        %dma_start3A_149 = tpu.memref_squeeze %dma_start3A_148 : memref<1x64xi32, #tpu.memory_space<vmem>> -> memref<64xi32, #tpu.memory_space<vmem>>
        %dma_start3A_150 = tpu.memref_slice %arg5[%mul3A_142] : memref<320000xi32, #tpu.memory_space<hbm>> -> memref<64xi32, #tpu.memory_space<hbm>>
        tpu.enqueue_dma source(%dma_start3A_150 : memref<64xi32, #tpu.memory_space<hbm>>) target(%dma_start3A_149 : memref<64xi32, #tpu.memory_space<vmem>>) target_semaphore(%arg18 : memref<!tpu.dma_semaphore, #tpu.memory_space<semaphore_mem>>)
        %dma_start3A_151 = arith.constant 0 : i32
        %dma_start3A_152 = arith.constant 0 : i32
        %dma_start3A_153 = tpu.memref_slice %arg11[%dma_start3A_151, %dma_start3A_152] : memref<2x64xi32, #tpu.memory_space<vmem>> -> memref<1x64xi32, #tpu.memory_space<vmem>>
        %dma_start3A_154 = tpu.memref_squeeze %dma_start3A_153 : memref<1x64xi32, #tpu.memory_space<vmem>> -> memref<64xi32, #tpu.memory_space<vmem>>
        %dma_start3A_155 = tpu.memref_slice %arg6[%mul3A_142] : memref<320000xi32, #tpu.memory_space<hbm>> -> memref<64xi32, #tpu.memory_space<hbm>>
        %dma_start3A_156 = arith.constant 0 : i32
        %dma_start3A_157 = tpu.memref_slice %arg11[%dma_start3A_151, %dma_start3A_156] : memref<2x64xi32, #tpu.memory_space<vmem>> -> memref<1x64xi32, #tpu.memory_space<vmem>>
        %dma_start3A_158 = tpu.memref_squeeze %dma_start3A_157 : memref<1x64xi32, #tpu.memory_space<vmem>> -> memref<64xi32, #tpu.memory_space<vmem>>
        %dma_start3A_159 = tpu.memref_slice %arg6[%mul3A_142] : memref<320000xi32, #tpu.memory_space<hbm>> -> memref<64xi32, #tpu.memory_space<hbm>>
        tpu.enqueue_dma source(%dma_start3A_159 : memref<64xi32, #tpu.memory_space<hbm>>) target(%dma_start3A_158 : memref<64xi32, #tpu.memory_space<vmem>>) target_semaphore(%arg18 : memref<!tpu.dma_semaphore, #tpu.memory_space<semaphore_mem>>)
      } else {
      }
      %mul3A_64 = arith.constant 2 : i32
      %mul3A_65 = arith.muli %mul3A_64, %add3A_51 : i32
      %add3A_66 = arith.constant 1 : i32
      %add3A_67 = arith.addi %mul3A_65, %add3A_66 : i32
      %mul3A_68 = arith.constant 32 : i32
      %mul3A_69 = arith.muli %mul3A_68, %add3A_67 : i32
      %add3A_70 = arith.addi %add3A, %mul3A_69 : i32
      %lt3A_71 = arith.constant 5000 : i32
      %lt3A_72 = arith.cmpi slt, %add3A_70, %lt3A_71 : i32
      %convert_element_type3A_73 = arith.extui %lt3A_72 : i1 to i32
      %cond3A_74 = arith.constant 0 : i32
      %cond3A_75 = arith.cmpi ne, %convert_element_type3A_73, %cond3A_74 : i32
      scf.if %cond3A_75 {
        %mul3A_141 = arith.constant 64 : i32
        %mul3A_142 = arith.muli %add3A_70, %mul3A_141 : i32
        %dma_start3A = arith.constant 1 : i32
        %dma_start3A_143 = arith.constant 0 : i32
        %dma_start3A_144 = tpu.memref_slice %arg10[%dma_start3A, %dma_start3A_143] : memref<2x64xi32, #tpu.memory_space<vmem>> -> memref<1x64xi32, #tpu.memory_space<vmem>>
        %dma_start3A_145 = tpu.memref_squeeze %dma_start3A_144 : memref<1x64xi32, #tpu.memory_space<vmem>> -> memref<64xi32, #tpu.memory_space<vmem>>
        %dma_start3A_146 = tpu.memref_slice %arg5[%mul3A_142] : memref<320000xi32, #tpu.memory_space<hbm>> -> memref<64xi32, #tpu.memory_space<hbm>>
        %dma_start3A_147 = arith.constant 0 : i32
        %dma_start3A_148 = tpu.memref_slice %arg10[%dma_start3A, %dma_start3A_147] : memref<2x64xi32, #tpu.memory_space<vmem>> -> memref<1x64xi32, #tpu.memory_space<vmem>>
        %dma_start3A_149 = tpu.memref_squeeze %dma_start3A_148 : memref<1x64xi32, #tpu.memory_space<vmem>> -> memref<64xi32, #tpu.memory_space<vmem>>
        %dma_start3A_150 = tpu.memref_slice %arg5[%mul3A_142] : memref<320000xi32, #tpu.memory_space<hbm>> -> memref<64xi32, #tpu.memory_space<hbm>>
        tpu.enqueue_dma source(%dma_start3A_150 : memref<64xi32, #tpu.memory_space<hbm>>) target(%dma_start3A_149 : memref<64xi32, #tpu.memory_space<vmem>>) target_semaphore(%arg19 : memref<!tpu.dma_semaphore, #tpu.memory_space<semaphore_mem>>)
        %dma_start3A_151 = arith.constant 1 : i32
        %dma_start3A_152 = arith.constant 0 : i32
        %dma_start3A_153 = tpu.memref_slice %arg11[%dma_start3A_151, %dma_start3A_152] : memref<2x64xi32, #tpu.memory_space<vmem>> -> memref<1x64xi32, #tpu.memory_space<vmem>>
        %dma_start3A_154 = tpu.memref_squeeze %dma_start3A_153 : memref<1x64xi32, #tpu.memory_space<vmem>> -> memref<64xi32, #tpu.memory_space<vmem>>
        %dma_start3A_155 = tpu.memref_slice %arg6[%mul3A_142] : memref<320000xi32, #tpu.memory_space<hbm>> -> memref<64xi32, #tpu.memory_space<hbm>>
        %dma_start3A_156 = arith.constant 0 : i32
        %dma_start3A_157 = tpu.memref_slice %arg11[%dma_start3A_151, %dma_start3A_156] : memref<2x64xi32, #tpu.memory_space<vmem>> -> memref<1x64xi32, #tpu.memory_space<vmem>>
        %dma_start3A_158 = tpu.memref_squeeze %dma_start3A_157 : memref<1x64xi32, #tpu.memory_space<vmem>> -> memref<64xi32, #tpu.memory_space<vmem>>
        %dma_start3A_159 = tpu.memref_slice %arg6[%mul3A_142] : memref<320000xi32, #tpu.memory_space<hbm>> -> memref<64xi32, #tpu.memory_space<hbm>>
        tpu.enqueue_dma source(%dma_start3A_159 : memref<64xi32, #tpu.memory_space<hbm>>) target(%dma_start3A_158 : memref<64xi32, #tpu.memory_space<vmem>>) target_semaphore(%arg19 : memref<!tpu.dma_semaphore, #tpu.memory_space<semaphore_mem>>)
      } else {
      }
      %mul3A_76 = arith.constant 2 : i32
      %mul3A_77 = arith.muli %mul3A_76, %add3A_51 : i32
      %add3A_78 = arith.constant 0 : i32
      %add3A_79 = arith.addi %mul3A_77, %add3A_78 : i32
      %mul3A_80 = arith.constant 32 : i32
      %mul3A_81 = arith.muli %mul3A_80, %add3A_79 : i32
      %add3A_82 = arith.addi %add3A, %mul3A_81 : i32
      %sub3A = arith.constant 1 : i32
      %sub3A_83 = arith.subi %add3A_51, %sub3A : i32
      %mul3A_84 = arith.constant 2 : i32
      %mul3A_85 = arith.muli %mul3A_84, %sub3A_83 : i32
      %add3A_86 = arith.constant 0 : i32
      %add3A_87 = arith.addi %mul3A_85, %add3A_86 : i32
      %mul3A_88 = arith.constant 32 : i32
      %mul3A_89 = arith.muli %mul3A_88, %add3A_87 : i32
      %add3A_90 = arith.addi %add3A, %mul3A_89 : i32
      %lt3A_91 = arith.constant 5000 : i32
      %lt3A_92 = arith.cmpi slt, %add3A_82, %lt3A_91 : i32
      %convert_element_type3A_93 = arith.extui %lt3A_92 : i1 to i32
      %cond3A_94 = arith.constant 0 : i32
      %cond3A_95 = arith.cmpi ne, %convert_element_type3A_93, %cond3A_94 : i32
      scf.if %cond3A_95 {
        %mul3A_141 = arith.constant 64 : i32
        %mul3A_142 = arith.muli %add3A_82, %mul3A_141 : i32
        %dma_wait3A = arith.constant 0 : i32
        %dma_wait3A_143 = arith.constant 0 : i32
        %dma_wait3A_144 = tpu.memref_slice %arg10[%dma_wait3A, %dma_wait3A_143] : memref<2x64xi32, #tpu.memory_space<vmem>> -> memref<1x64xi32, #tpu.memory_space<vmem>>
        %dma_wait3A_145 = tpu.memref_squeeze %dma_wait3A_144 : memref<1x64xi32, #tpu.memory_space<vmem>> -> memref<64xi32, #tpu.memory_space<vmem>>
        %dma_wait3A_146 = tpu.memref_slice %arg5[%mul3A_142] : memref<320000xi32, #tpu.memory_space<hbm>> -> memref<64xi32, #tpu.memory_space<hbm>>
        %dma_wait3A_147 = arith.constant 0 : i32
        %dma_wait3A_148 = tpu.memref_slice %arg10[%dma_wait3A, %dma_wait3A_147] : memref<2x64xi32, #tpu.memory_space<vmem>> -> memref<1x64xi32, #tpu.memory_space<vmem>>
        %dma_wait3A_149 = tpu.memref_squeeze %dma_wait3A_148 : memref<1x64xi32, #tpu.memory_space<vmem>> -> memref<64xi32, #tpu.memory_space<vmem>>
        %dma_wait3A_150 = tpu.memref_slice %arg5[%mul3A_142] : memref<320000xi32, #tpu.memory_space<hbm>> -> memref<64xi32, #tpu.memory_space<hbm>>
        tpu.wait_dma2 semaphore(%arg18 : memref<!tpu.dma_semaphore, #tpu.memory_space<semaphore_mem>>) src(%dma_wait3A_150 : memref<64xi32, #tpu.memory_space<hbm>>) dst(%dma_wait3A_149 : memref<64xi32, #tpu.memory_space<vmem>>)
        %dma_wait3A_151 = arith.constant 0 : i32
        %dma_wait3A_152 = arith.constant 0 : i32
        %dma_wait3A_153 = tpu.memref_slice %arg11[%dma_wait3A_151, %dma_wait3A_152] : memref<2x64xi32, #tpu.memory_space<vmem>> -> memref<1x64xi32, #tpu.memory_space<vmem>>
        %dma_wait3A_154 = tpu.memref_squeeze %dma_wait3A_153 : memref<1x64xi32, #tpu.memory_space<vmem>> -> memref<64xi32, #tpu.memory_space<vmem>>
        %dma_wait3A_155 = tpu.memref_slice %arg6[%mul3A_142] : memref<320000xi32, #tpu.memory_space<hbm>> -> memref<64xi32, #tpu.memory_space<hbm>>
        %dma_wait3A_156 = arith.constant 0 : i32
        %dma_wait3A_157 = tpu.memref_slice %arg11[%dma_wait3A_151, %dma_wait3A_156] : memref<2x64xi32, #tpu.memory_space<vmem>> -> memref<1x64xi32, #tpu.memory_space<vmem>>
        %dma_wait3A_158 = tpu.memref_squeeze %dma_wait3A_157 : memref<1x64xi32, #tpu.memory_space<vmem>> -> memref<64xi32, #tpu.memory_space<vmem>>
        %dma_wait3A_159 = tpu.memref_slice %arg6[%mul3A_142] : memref<320000xi32, #tpu.memory_space<hbm>> -> memref<64xi32, #tpu.memory_space<hbm>>
        tpu.wait_dma2 semaphore(%arg18 : memref<!tpu.dma_semaphore, #tpu.memory_space<semaphore_mem>>) src(%dma_wait3A_159 : memref<64xi32, #tpu.memory_space<hbm>>) dst(%dma_wait3A_158 : memref<64xi32, #tpu.memory_space<vmem>>)
        %gt3A = arith.constant 0 : i32
        %gt3A_160 = arith.cmpi sgt, %add3A_51, %gt3A : i32
        %lt3A_161 = arith.constant 5000 : i32
        %lt3A_162 = arith.cmpi slt, %add3A_90, %lt3A_161 : i32
        %and3A = arith.andi %gt3A_160, %lt3A_162 : i1
        %convert_element_type3A_163 = arith.extui %and3A : i1 to i32
        %cond3A_164 = arith.constant 0 : i32
        %cond3A_165 = arith.cmpi ne, %convert_element_type3A_163, %cond3A_164 : i32
        scf.if %cond3A_165 {
          %mul3A_204 = arith.constant 64 : i32
          %mul3A_205 = arith.muli %add3A_90, %mul3A_204 : i32
          %mul3A_206 = arith.constant 16 : i32
          %mul3A_207 = arith.muli %mul3A_205, %mul3A_206 : i32
          %dma_wait3A_208 = arith.constant 0 : i32
          %dma_wait3A_209 = arith.constant 0 : i32
          %dma_wait3A_210 = tpu.memref_slice %arg15[%dma_wait3A_208, %dma_wait3A_209] : memref<2x1024xf32, #tpu.memory_space<vmem>> -> memref<1x1024xf32, #tpu.memory_space<vmem>>
          %dma_wait3A_211 = tpu.memref_squeeze %dma_wait3A_210 : memref<1x1024xf32, #tpu.memory_space<vmem>> -> memref<1024xf32, #tpu.memory_space<vmem>>
          %dma_wait3A_212 = tpu.memref_slice %arg7[%mul3A_207] : memref<5120000xf32, #tpu.memory_space<hbm>> -> memref<1024xf32, #tpu.memory_space<hbm>>
          %dma_wait3A_213 = tpu.memref_slice %arg7[%mul3A_207] : memref<5120000xf32, #tpu.memory_space<hbm>> -> memref<1024xf32, #tpu.memory_space<hbm>>
          %dma_wait3A_214 = arith.constant 0 : i32
          %dma_wait3A_215 = tpu.memref_slice %arg15[%dma_wait3A_208, %dma_wait3A_214] : memref<2x1024xf32, #tpu.memory_space<vmem>> -> memref<1x1024xf32, #tpu.memory_space<vmem>>
          %dma_wait3A_216 = tpu.memref_squeeze %dma_wait3A_215 : memref<1x1024xf32, #tpu.memory_space<vmem>> -> memref<1024xf32, #tpu.memory_space<vmem>>
          tpu.wait_dma2 semaphore(%arg22 : memref<!tpu.dma_semaphore, #tpu.memory_space<semaphore_mem>>) src(%dma_wait3A_216 : memref<1024xf32, #tpu.memory_space<vmem>>) dst(%dma_wait3A_213 : memref<1024xf32, #tpu.memory_space<hbm>>)
        } else {
        }
        %dma_start3A = arith.constant 0 : i32
        %dma_start3A_166 = arith.constant 0 : i32
        %dma_start3A_167 = arith.constant 0 : i32
        %dma_start3A_168 = arith.constant 0 : i32
        %dma_start3A_169 = tpu.memref_slice %arg12[%dma_start3A_166, %dma_start3A_167, %dma_start3A_168] : memref<2x64x128xf32, #tpu.memory_space<vmem>> -> memref<1x64x128xf32, #tpu.memory_space<vmem>>
        %dma_start3A_170 = tpu.memref_squeeze %dma_start3A_169 : memref<1x64x128xf32, #tpu.memory_space<vmem>> -> memref<64x128xf32, #tpu.memory_space<vmem>>
        %dma_start3A_171 = arith.constant 0 : i32
        %dma_start3A_172 = tpu.memref_slice %arg11[%dma_start3A, %dma_start3A_171] : memref<2x64xi32, #tpu.memory_space<vmem>> -> memref<1x64xi32, #tpu.memory_space<vmem>>
        %dma_start3A_173 = tpu.memref_squeeze %dma_start3A_172 : memref<1x64xi32, #tpu.memory_space<vmem>> -> memref<64xi32, #tpu.memory_space<vmem>>
        %dma_start3A_174 = arith.constant 0 : i32
        %dma_start3A_175 = arith.constant 0 : i32
        %dma_start3A_176 = tpu.memref_slice %arg2[%dma_start3A_174, %dma_start3A_175] : memref<10000x128xf32, #tpu.memory_space<hbm>> -> memref<10000x128xf32, #tpu.memory_space<hbm>>
        tpu.enqueue_indirect_dma source(%dma_start3A_176 : memref<10000x128xf32, #tpu.memory_space<hbm>>) target(%dma_start3A_170 : memref<64x128xf32, #tpu.memory_space<vmem>>) offsets(%dma_start3A_173 : memref<64xi32, #tpu.memory_space<vmem>>) semaphore(%arg20 : memref<!tpu.dma_semaphore, #tpu.memory_space<semaphore_mem>>)
        %dma_start3A_177 = arith.constant 0 : i32
        %dma_start3A_178 = arith.constant 0 : i32
        %dma_start3A_179 = arith.constant 0 : i32
        %dma_start3A_180 = arith.constant 0 : i32
        %dma_start3A_181 = tpu.memref_slice %arg13[%dma_start3A_178, %dma_start3A_179, %dma_start3A_180] : memref<2x64x128xf32, #tpu.memory_space<vmem>> -> memref<1x64x128xf32, #tpu.memory_space<vmem>>
        %dma_start3A_182 = tpu.memref_squeeze %dma_start3A_181 : memref<1x64x128xf32, #tpu.memory_space<vmem>> -> memref<64x128xf32, #tpu.memory_space<vmem>>
        %dma_start3A_183 = arith.constant 0 : i32
        %dma_start3A_184 = tpu.memref_slice %arg10[%dma_start3A_177, %dma_start3A_183] : memref<2x64xi32, #tpu.memory_space<vmem>> -> memref<1x64xi32, #tpu.memory_space<vmem>>
        %dma_start3A_185 = tpu.memref_squeeze %dma_start3A_184 : memref<1x64xi32, #tpu.memory_space<vmem>> -> memref<64xi32, #tpu.memory_space<vmem>>
        %dma_start3A_186 = arith.constant 0 : i32
        %dma_start3A_187 = arith.constant 0 : i32
        %dma_start3A_188 = tpu.memref_slice %arg3[%dma_start3A_186, %dma_start3A_187] : memref<10000x128xf32, #tpu.memory_space<hbm>> -> memref<10000x128xf32, #tpu.memory_space<hbm>>
        tpu.enqueue_indirect_dma source(%dma_start3A_188 : memref<10000x128xf32, #tpu.memory_space<hbm>>) target(%dma_start3A_182 : memref<64x128xf32, #tpu.memory_space<vmem>>) offsets(%dma_start3A_185 : memref<64xi32, #tpu.memory_space<vmem>>) semaphore(%arg20 : memref<!tpu.dma_semaphore, #tpu.memory_space<semaphore_mem>>)
        %mul3A_189 = arith.constant 8 : i32
        %mul3A_190 = arith.muli %add3A_82, %mul3A_189 : i32
        %dma_start3A_191 = arith.constant 0 : i32
        %dma_start3A_192 = arith.constant 0 : i32
        %dma_start3A_193 = arith.constant 0 : i32
        %dma_start3A_194 = tpu.memref_slice %arg14[%dma_start3A_191, %dma_start3A_192, %dma_start3A_193] : memref<2x8x128xf32, #tpu.memory_space<vmem>> -> memref<1x8x128xf32, #tpu.memory_space<vmem>>
        %dma_start3A_195 = tpu.memref_squeeze %dma_start3A_194 : memref<1x8x128xf32, #tpu.memory_space<vmem>> -> memref<8x128xf32, #tpu.memory_space<vmem>>
        %dma_start3A_196 = arith.constant 0 : i32
        %dma_start3A_197 = tpu.memref_slice %arg4[%mul3A_190, %dma_start3A_196] : memref<40000x128xf32, #tpu.memory_space<hbm>> -> memref<8x128xf32, #tpu.memory_space<hbm>>
        %dma_start3A_198 = arith.constant 0 : i32
        %dma_start3A_199 = arith.constant 0 : i32
        %dma_start3A_200 = tpu.memref_slice %arg14[%dma_start3A_191, %dma_start3A_198, %dma_start3A_199] : memref<2x8x128xf32, #tpu.memory_space<vmem>> -> memref<1x8x128xf32, #tpu.memory_space<vmem>>
        %dma_start3A_201 = tpu.memref_squeeze %dma_start3A_200 : memref<1x8x128xf32, #tpu.memory_space<vmem>> -> memref<8x128xf32, #tpu.memory_space<vmem>>
        %dma_start3A_202 = arith.constant 0 : i32
        %dma_start3A_203 = tpu.memref_slice %arg4[%mul3A_190, %dma_start3A_202] : memref<40000x128xf32, #tpu.memory_space<hbm>> -> memref<8x128xf32, #tpu.memory_space<hbm>>
        tpu.enqueue_dma source(%dma_start3A_203 : memref<8x128xf32, #tpu.memory_space<hbm>>) target(%dma_start3A_201 : memref<8x128xf32, #tpu.memory_space<vmem>>) target_semaphore(%arg20 : memref<!tpu.dma_semaphore, #tpu.memory_space<semaphore_mem>>)
      } else {
      }
      %mul3A_96 = arith.constant 2 : i32
      %mul3A_97 = arith.muli %mul3A_96, %add3A_51 : i32
      %add3A_98 = arith.constant 1 : i32
      %add3A_99 = arith.addi %mul3A_97, %add3A_98 : i32
      %mul3A_100 = arith.constant 32 : i32
      %mul3A_101 = arith.muli %mul3A_100, %add3A_99 : i32
      %add3A_102 = arith.addi %add3A, %mul3A_101 : i32
      %sub3A_103 = arith.constant 1 : i32
      %sub3A_104 = arith.subi %add3A_51, %sub3A_103 : i32
      %mul3A_105 = arith.constant 2 : i32
      %mul3A_106 = arith.muli %mul3A_105, %sub3A_104 : i32
      %add3A_107 = arith.constant 1 : i32
      %add3A_108 = arith.addi %mul3A_106, %add3A_107 : i32
      %mul3A_109 = arith.constant 32 : i32
      %mul3A_110 = arith.muli %mul3A_109, %add3A_108 : i32
      %add3A_111 = arith.addi %add3A, %mul3A_110 : i32
      %lt3A_112 = arith.constant 5000 : i32
      %lt3A_113 = arith.cmpi slt, %add3A_102, %lt3A_112 : i32
      %convert_element_type3A_114 = arith.extui %lt3A_113 : i1 to i32
      %cond3A_115 = arith.constant 0 : i32
      %cond3A_116 = arith.cmpi ne, %convert_element_type3A_114, %cond3A_115 : i32
      scf.if %cond3A_116 {
        %mul3A_141 = arith.constant 64 : i32
        %mul3A_142 = arith.muli %add3A_102, %mul3A_141 : i32
        %dma_wait3A = arith.constant 1 : i32
        %dma_wait3A_143 = arith.constant 0 : i32
        %dma_wait3A_144 = tpu.memref_slice %arg10[%dma_wait3A, %dma_wait3A_143] : memref<2x64xi32, #tpu.memory_space<vmem>> -> memref<1x64xi32, #tpu.memory_space<vmem>>
        %dma_wait3A_145 = tpu.memref_squeeze %dma_wait3A_144 : memref<1x64xi32, #tpu.memory_space<vmem>> -> memref<64xi32, #tpu.memory_space<vmem>>
        %dma_wait3A_146 = tpu.memref_slice %arg5[%mul3A_142] : memref<320000xi32, #tpu.memory_space<hbm>> -> memref<64xi32, #tpu.memory_space<hbm>>
        %dma_wait3A_147 = arith.constant 0 : i32
        %dma_wait3A_148 = tpu.memref_slice %arg10[%dma_wait3A, %dma_wait3A_147] : memref<2x64xi32, #tpu.memory_space<vmem>> -> memref<1x64xi32, #tpu.memory_space<vmem>>
        %dma_wait3A_149 = tpu.memref_squeeze %dma_wait3A_148 : memref<1x64xi32, #tpu.memory_space<vmem>> -> memref<64xi32, #tpu.memory_space<vmem>>
        %dma_wait3A_150 = tpu.memref_slice %arg5[%mul3A_142] : memref<320000xi32, #tpu.memory_space<hbm>> -> memref<64xi32, #tpu.memory_space<hbm>>
        tpu.wait_dma2 semaphore(%arg19 : memref<!tpu.dma_semaphore, #tpu.memory_space<semaphore_mem>>) src(%dma_wait3A_150 : memref<64xi32, #tpu.memory_space<hbm>>) dst(%dma_wait3A_149 : memref<64xi32, #tpu.memory_space<vmem>>)
        %dma_wait3A_151 = arith.constant 1 : i32
        %dma_wait3A_152 = arith.constant 0 : i32
        %dma_wait3A_153 = tpu.memref_slice %arg11[%dma_wait3A_151, %dma_wait3A_152] : memref<2x64xi32, #tpu.memory_space<vmem>> -> memref<1x64xi32, #tpu.memory_space<vmem>>
        %dma_wait3A_154 = tpu.memref_squeeze %dma_wait3A_153 : memref<1x64xi32, #tpu.memory_space<vmem>> -> memref<64xi32, #tpu.memory_space<vmem>>
        %dma_wait3A_155 = tpu.memref_slice %arg6[%mul3A_142] : memref<320000xi32, #tpu.memory_space<hbm>> -> memref<64xi32, #tpu.memory_space<hbm>>
        %dma_wait3A_156 = arith.constant 0 : i32
        %dma_wait3A_157 = tpu.memref_slice %arg11[%dma_wait3A_151, %dma_wait3A_156] : memref<2x64xi32, #tpu.memory_space<vmem>> -> memref<1x64xi32, #tpu.memory_space<vmem>>
        %dma_wait3A_158 = tpu.memref_squeeze %dma_wait3A_157 : memref<1x64xi32, #tpu.memory_space<vmem>> -> memref<64xi32, #tpu.memory_space<vmem>>
        %dma_wait3A_159 = tpu.memref_slice %arg6[%mul3A_142] : memref<320000xi32, #tpu.memory_space<hbm>> -> memref<64xi32, #tpu.memory_space<hbm>>
        tpu.wait_dma2 semaphore(%arg19 : memref<!tpu.dma_semaphore, #tpu.memory_space<semaphore_mem>>) src(%dma_wait3A_159 : memref<64xi32, #tpu.memory_space<hbm>>) dst(%dma_wait3A_158 : memref<64xi32, #tpu.memory_space<vmem>>)
        %gt3A = arith.constant 0 : i32
        %gt3A_160 = arith.cmpi sgt, %add3A_51, %gt3A : i32
        %lt3A_161 = arith.constant 5000 : i32
        %lt3A_162 = arith.cmpi slt, %add3A_111, %lt3A_161 : i32
        %and3A = arith.andi %gt3A_160, %lt3A_162 : i1
        %convert_element_type3A_163 = arith.extui %and3A : i1 to i32
        %cond3A_164 = arith.constant 0 : i32
        %cond3A_165 = arith.cmpi ne, %convert_element_type3A_163, %cond3A_164 : i32
        scf.if %cond3A_165 {
          %mul3A_204 = arith.constant 64 : i32
          %mul3A_205 = arith.muli %add3A_111, %mul3A_204 : i32
          %mul3A_206 = arith.constant 16 : i32
          %mul3A_207 = arith.muli %mul3A_205, %mul3A_206 : i32
          %dma_wait3A_208 = arith.constant 1 : i32
          %dma_wait3A_209 = arith.constant 0 : i32
          %dma_wait3A_210 = tpu.memref_slice %arg15[%dma_wait3A_208, %dma_wait3A_209] : memref<2x1024xf32, #tpu.memory_space<vmem>> -> memref<1x1024xf32, #tpu.memory_space<vmem>>
          %dma_wait3A_211 = tpu.memref_squeeze %dma_wait3A_210 : memref<1x1024xf32, #tpu.memory_space<vmem>> -> memref<1024xf32, #tpu.memory_space<vmem>>
          %dma_wait3A_212 = tpu.memref_slice %arg7[%mul3A_207] : memref<5120000xf32, #tpu.memory_space<hbm>> -> memref<1024xf32, #tpu.memory_space<hbm>>
          %dma_wait3A_213 = tpu.memref_slice %arg7[%mul3A_207] : memref<5120000xf32, #tpu.memory_space<hbm>> -> memref<1024xf32, #tpu.memory_space<hbm>>
          %dma_wait3A_214 = arith.constant 0 : i32
          %dma_wait3A_215 = tpu.memref_slice %arg15[%dma_wait3A_208, %dma_wait3A_214] : memref<2x1024xf32, #tpu.memory_space<vmem>> -> memref<1x1024xf32, #tpu.memory_space<vmem>>
          %dma_wait3A_216 = tpu.memref_squeeze %dma_wait3A_215 : memref<1x1024xf32, #tpu.memory_space<vmem>> -> memref<1024xf32, #tpu.memory_space<vmem>>
          tpu.wait_dma2 semaphore(%arg23 : memref<!tpu.dma_semaphore, #tpu.memory_space<semaphore_mem>>) src(%dma_wait3A_216 : memref<1024xf32, #tpu.memory_space<vmem>>) dst(%dma_wait3A_213 : memref<1024xf32, #tpu.memory_space<hbm>>)
        } else {
        }
        %dma_start3A = arith.constant 1 : i32
        %dma_start3A_166 = arith.constant 1 : i32
        %dma_start3A_167 = arith.constant 0 : i32
        %dma_start3A_168 = arith.constant 0 : i32
        %dma_start3A_169 = tpu.memref_slice %arg12[%dma_start3A_166, %dma_start3A_167, %dma_start3A_168] : memref<2x64x128xf32, #tpu.memory_space<vmem>> -> memref<1x64x128xf32, #tpu.memory_space<vmem>>
        %dma_start3A_170 = tpu.memref_squeeze %dma_start3A_169 : memref<1x64x128xf32, #tpu.memory_space<vmem>> -> memref<64x128xf32, #tpu.memory_space<vmem>>
        %dma_start3A_171 = arith.constant 0 : i32
        %dma_start3A_172 = tpu.memref_slice %arg11[%dma_start3A, %dma_start3A_171] : memref<2x64xi32, #tpu.memory_space<vmem>> -> memref<1x64xi32, #tpu.memory_space<vmem>>
        %dma_start3A_173 = tpu.memref_squeeze %dma_start3A_172 : memref<1x64xi32, #tpu.memory_space<vmem>> -> memref<64xi32, #tpu.memory_space<vmem>>
        %dma_start3A_174 = arith.constant 0 : i32
        %dma_start3A_175 = arith.constant 0 : i32
        %dma_start3A_176 = tpu.memref_slice %arg2[%dma_start3A_174, %dma_start3A_175] : memref<10000x128xf32, #tpu.memory_space<hbm>> -> memref<10000x128xf32, #tpu.memory_space<hbm>>
        tpu.enqueue_indirect_dma source(%dma_start3A_176 : memref<10000x128xf32, #tpu.memory_space<hbm>>) target(%dma_start3A_170 : memref<64x128xf32, #tpu.memory_space<vmem>>) offsets(%dma_start3A_173 : memref<64xi32, #tpu.memory_space<vmem>>) semaphore(%arg21 : memref<!tpu.dma_semaphore, #tpu.memory_space<semaphore_mem>>)
        %dma_start3A_177 = arith.constant 1 : i32
        %dma_start3A_178 = arith.constant 1 : i32
        %dma_start3A_179 = arith.constant 0 : i32
        %dma_start3A_180 = arith.constant 0 : i32
        %dma_start3A_181 = tpu.memref_slice %arg13[%dma_start3A_178, %dma_start3A_179, %dma_start3A_180] : memref<2x64x128xf32, #tpu.memory_space<vmem>> -> memref<1x64x128xf32, #tpu.memory_space<vmem>>
        %dma_start3A_182 = tpu.memref_squeeze %dma_start3A_181 : memref<1x64x128xf32, #tpu.memory_space<vmem>> -> memref<64x128xf32, #tpu.memory_space<vmem>>
        %dma_start3A_183 = arith.constant 0 : i32
        %dma_start3A_184 = tpu.memref_slice %arg10[%dma_start3A_177, %dma_start3A_183] : memref<2x64xi32, #tpu.memory_space<vmem>> -> memref<1x64xi32, #tpu.memory_space<vmem>>
        %dma_start3A_185 = tpu.memref_squeeze %dma_start3A_184 : memref<1x64xi32, #tpu.memory_space<vmem>> -> memref<64xi32, #tpu.memory_space<vmem>>
        %dma_start3A_186 = arith.constant 0 : i32
        %dma_start3A_187 = arith.constant 0 : i32
        %dma_start3A_188 = tpu.memref_slice %arg3[%dma_start3A_186, %dma_start3A_187] : memref<10000x128xf32, #tpu.memory_space<hbm>> -> memref<10000x128xf32, #tpu.memory_space<hbm>>
        tpu.enqueue_indirect_dma source(%dma_start3A_188 : memref<10000x128xf32, #tpu.memory_space<hbm>>) target(%dma_start3A_182 : memref<64x128xf32, #tpu.memory_space<vmem>>) offsets(%dma_start3A_185 : memref<64xi32, #tpu.memory_space<vmem>>) semaphore(%arg21 : memref<!tpu.dma_semaphore, #tpu.memory_space<semaphore_mem>>)
        %mul3A_189 = arith.constant 8 : i32
        %mul3A_190 = arith.muli %add3A_102, %mul3A_189 : i32
        %dma_start3A_191 = arith.constant 1 : i32
        %dma_start3A_192 = arith.constant 0 : i32
        %dma_start3A_193 = arith.constant 0 : i32
        %dma_start3A_194 = tpu.memref_slice %arg14[%dma_start3A_191, %dma_start3A_192, %dma_start3A_193] : memref<2x8x128xf32, #tpu.memory_space<vmem>> -> memref<1x8x128xf32, #tpu.memory_space<vmem>>
        %dma_start3A_195 = tpu.memref_squeeze %dma_start3A_194 : memref<1x8x128xf32, #tpu.memory_space<vmem>> -> memref<8x128xf32, #tpu.memory_space<vmem>>
        %dma_start3A_196 = arith.constant 0 : i32
        %dma_start3A_197 = tpu.memref_slice %arg4[%mul3A_190, %dma_start3A_196] : memref<40000x128xf32, #tpu.memory_space<hbm>> -> memref<8x128xf32, #tpu.memory_space<hbm>>
        %dma_start3A_198 = arith.constant 0 : i32
        %dma_start3A_199 = arith.constant 0 : i32
        %dma_start3A_200 = tpu.memref_slice %arg14[%dma_start3A_191, %dma_start3A_198, %dma_start3A_199] : memref<2x8x128xf32, #tpu.memory_space<vmem>> -> memref<1x8x128xf32, #tpu.memory_space<vmem>>
        %dma_start3A_201 = tpu.memref_squeeze %dma_start3A_200 : memref<1x8x128xf32, #tpu.memory_space<vmem>> -> memref<8x128xf32, #tpu.memory_space<vmem>>
        %dma_start3A_202 = arith.constant 0 : i32
        %dma_start3A_203 = tpu.memref_slice %arg4[%mul3A_190, %dma_start3A_202] : memref<40000x128xf32, #tpu.memory_space<hbm>> -> memref<8x128xf32, #tpu.memory_space<hbm>>
        tpu.enqueue_dma source(%dma_start3A_203 : memref<8x128xf32, #tpu.memory_space<hbm>>) target(%dma_start3A_201 : memref<8x128xf32, #tpu.memory_space<vmem>>) target_semaphore(%arg21 : memref<!tpu.dma_semaphore, #tpu.memory_space<semaphore_mem>>)
      } else {
      }
      %mul3A_117 = arith.constant 2 : i32
      %mul3A_118 = arith.muli %mul3A_117, %add3A_51 : i32
      %add3A_119 = arith.constant 0 : i32
      %add3A_120 = arith.addi %mul3A_118, %add3A_119 : i32
      %mul3A_121 = arith.constant 32 : i32
      %mul3A_122 = arith.muli %mul3A_121, %add3A_120 : i32
      %add3A_123 = arith.addi %add3A, %mul3A_122 : i32
      %lt3A_124 = arith.constant 5000 : i32
      %lt3A_125 = arith.cmpi slt, %add3A_123, %lt3A_124 : i32
      %convert_element_type3A_126 = arith.extui %lt3A_125 : i1 to i32
      %cond3A_127 = arith.constant 0 : i32
      %cond3A_128 = arith.cmpi ne, %convert_element_type3A_126, %cond3A_127 : i32
      scf.if %cond3A_128 {
        %dma_wait3A = arith.constant 0 : i32
        %dma_wait3A_141 = arith.constant 0 : i32
        %dma_wait3A_142 = arith.constant 0 : i32
        %dma_wait3A_143 = arith.constant 0 : i32
        %dma_wait3A_144 = tpu.memref_slice %arg12[%dma_wait3A_141, %dma_wait3A_142, %dma_wait3A_143] : memref<2x64x128xf32, #tpu.memory_space<vmem>> -> memref<1x64x128xf32, #tpu.memory_space<vmem>>
        %dma_wait3A_145 = tpu.memref_squeeze %dma_wait3A_144 : memref<1x64x128xf32, #tpu.memory_space<vmem>> -> memref<64x128xf32, #tpu.memory_space<vmem>>
        %dma_wait3A_146 = arith.constant 0 : i32
        %dma_wait3A_147 = tpu.memref_slice %arg11[%dma_wait3A, %dma_wait3A_146] : memref<2x64xi32, #tpu.memory_space<vmem>> -> memref<1x64xi32, #tpu.memory_space<vmem>>
        %dma_wait3A_148 = tpu.memref_squeeze %dma_wait3A_147 : memref<1x64xi32, #tpu.memory_space<vmem>> -> memref<64xi32, #tpu.memory_space<vmem>>
        %dma_wait3A_149 = arith.constant 0 : i32
        %dma_wait3A_150 = arith.constant 0 : i32
        %dma_wait3A_151 = tpu.memref_slice %arg2[%dma_wait3A_149, %dma_wait3A_150] : memref<10000x128xf32, #tpu.memory_space<hbm>> -> memref<10000x128xf32, #tpu.memory_space<hbm>>
        tpu.wait_indirect_dma semaphore(%arg20 : memref<!tpu.dma_semaphore, #tpu.memory_space<semaphore_mem>>) src(%dma_wait3A_151 : memref<10000x128xf32, #tpu.memory_space<hbm>>) dst(%dma_wait3A_145 : memref<64x128xf32, #tpu.memory_space<vmem>>)
        %dma_wait3A_152 = arith.constant 0 : i32
        %dma_wait3A_153 = arith.constant 0 : i32
        %dma_wait3A_154 = arith.constant 0 : i32
        %dma_wait3A_155 = arith.constant 0 : i32
        %dma_wait3A_156 = tpu.memref_slice %arg13[%dma_wait3A_153, %dma_wait3A_154, %dma_wait3A_155] : memref<2x64x128xf32, #tpu.memory_space<vmem>> -> memref<1x64x128xf32, #tpu.memory_space<vmem>>
        %dma_wait3A_157 = tpu.memref_squeeze %dma_wait3A_156 : memref<1x64x128xf32, #tpu.memory_space<vmem>> -> memref<64x128xf32, #tpu.memory_space<vmem>>
        %dma_wait3A_158 = arith.constant 0 : i32
        %dma_wait3A_159 = tpu.memref_slice %arg10[%dma_wait3A_152, %dma_wait3A_158] : memref<2x64xi32, #tpu.memory_space<vmem>> -> memref<1x64xi32, #tpu.memory_space<vmem>>
        %dma_wait3A_160 = tpu.memref_squeeze %dma_wait3A_159 : memref<1x64xi32, #tpu.memory_space<vmem>> -> memref<64xi32, #tpu.memory_space<vmem>>
        %dma_wait3A_161 = arith.constant 0 : i32
        %dma_wait3A_162 = arith.constant 0 : i32
        %dma_wait3A_163 = tpu.memref_slice %arg3[%dma_wait3A_161, %dma_wait3A_162] : memref<10000x128xf32, #tpu.memory_space<hbm>> -> memref<10000x128xf32, #tpu.memory_space<hbm>>
        tpu.wait_indirect_dma semaphore(%arg20 : memref<!tpu.dma_semaphore, #tpu.memory_space<semaphore_mem>>) src(%dma_wait3A_163 : memref<10000x128xf32, #tpu.memory_space<hbm>>) dst(%dma_wait3A_157 : memref<64x128xf32, #tpu.memory_space<vmem>>)
        %mul3A_164 = arith.constant 8 : i32
        %mul3A_165 = arith.muli %add3A_123, %mul3A_164 : i32
        %dma_wait3A_166 = arith.constant 0 : i32
        %dma_wait3A_167 = arith.constant 0 : i32
        %dma_wait3A_168 = arith.constant 0 : i32
        %dma_wait3A_169 = tpu.memref_slice %arg14[%dma_wait3A_166, %dma_wait3A_167, %dma_wait3A_168] : memref<2x8x128xf32, #tpu.memory_space<vmem>> -> memref<1x8x128xf32, #tpu.memory_space<vmem>>
        %dma_wait3A_170 = tpu.memref_squeeze %dma_wait3A_169 : memref<1x8x128xf32, #tpu.memory_space<vmem>> -> memref<8x128xf32, #tpu.memory_space<vmem>>
        %dma_wait3A_171 = arith.constant 0 : i32
        %dma_wait3A_172 = tpu.memref_slice %arg4[%mul3A_165, %dma_wait3A_171] : memref<40000x128xf32, #tpu.memory_space<hbm>> -> memref<8x128xf32, #tpu.memory_space<hbm>>
        %dma_wait3A_173 = arith.constant 0 : i32
        %dma_wait3A_174 = arith.constant 0 : i32
        %dma_wait3A_175 = tpu.memref_slice %arg14[%dma_wait3A_166, %dma_wait3A_173, %dma_wait3A_174] : memref<2x8x128xf32, #tpu.memory_space<vmem>> -> memref<1x8x128xf32, #tpu.memory_space<vmem>>
        %dma_wait3A_176 = tpu.memref_squeeze %dma_wait3A_175 : memref<1x8x128xf32, #tpu.memory_space<vmem>> -> memref<8x128xf32, #tpu.memory_space<vmem>>
        %dma_wait3A_177 = arith.constant 0 : i32
        %dma_wait3A_178 = tpu.memref_slice %arg4[%mul3A_165, %dma_wait3A_177] : memref<40000x128xf32, #tpu.memory_space<hbm>> -> memref<8x128xf32, #tpu.memory_space<hbm>>
        tpu.wait_dma2 semaphore(%arg20 : memref<!tpu.dma_semaphore, #tpu.memory_space<semaphore_mem>>) src(%dma_wait3A_178 : memref<8x128xf32, #tpu.memory_space<hbm>>) dst(%dma_wait3A_176 : memref<8x128xf32, #tpu.memory_space<vmem>>)
        %scan3A_179 = arith.constant 0 : i32
        %scan3A_180 = arith.constant 64 : i32
        %scan3A_181 = arith.addi %scan3A_179, %scan3A_180 : i32
        %scan3A_182 = arith.constant 1 : i32
        scf.for %scan3A_196 = %scan3A_179 to %scan3A_181 step %scan3A_182  : i32 {
          %mul3A_197 = arith.constant 1 : i32
          %mul3A_198 = arith.muli %scan3A_196, %mul3A_197 : i32
          %add3A_199 = arith.constant 0 : i32
          %add3A_200 = arith.addi %add3A_199, %mul3A_198 : i32
          %get3A = arith.constant 0 : i32
          %get3A_201 = arith.index_cast %get3A : i32 to index
          %get3A_202 = arith.index_cast %add3A_200 : i32 to index
          %get3A_203 = arith.constant 0 : index
          %get3A_204 = tpu.vector_load %arg12[%get3A_201, %get3A_202, %get3A_203] {strides = array<i32>} : memref<2x64x128xf32, #tpu.memory_space<vmem>>, vector<16xf32>,
          %get3A_205 = arith.constant 0 : i32
          %get3A_206 = arith.index_cast %get3A_205 : i32 to index
          %get3A_207 = arith.index_cast %add3A_200 : i32 to index
          %get3A_208 = arith.constant 0 : index
          %get3A_209 = tpu.vector_load %arg13[%get3A_206, %get3A_207, %get3A_208] {strides = array<i32>} : memref<2x64x128xf32, #tpu.memory_space<vmem>>, vector<16xf32>,
          %mul3A_210 = arith.mulf %get3A_204, %get3A_209 : vector<16xf32>
          %get3A_211 = arith.constant 0 : i32
          %get3A_212 = arith.index_cast %get3A_211 : i32 to index
          %get3A_213 = arith.index_cast %add3A_200 : i32 to index
          %get3A_214 = arith.constant 16 : index
          %get3A_215 = tpu.vector_load %arg12[%get3A_212, %get3A_213, %get3A_214] {strides = array<i32>} : memref<2x64x128xf32, #tpu.memory_space<vmem>>, vector<16xf32>,
          %get3A_216 = arith.constant 0 : i32
          %get3A_217 = arith.index_cast %get3A_216 : i32 to index
          %get3A_218 = arith.index_cast %add3A_200 : i32 to index
          %get3A_219 = arith.constant 16 : index
          %get3A_220 = tpu.vector_load %arg13[%get3A_217, %get3A_218, %get3A_219] {strides = array<i32>} : memref<2x64x128xf32, #tpu.memory_space<vmem>>, vector<16xf32>,
          %mul3A_221 = arith.mulf %get3A_215, %get3A_220 : vector<16xf32>
          %add3A_222 = arith.addf %mul3A_210, %mul3A_221 : vector<16xf32>
          %get3A_223 = arith.constant 0 : i32
          %get3A_224 = arith.index_cast %get3A_223 : i32 to index
          %get3A_225 = arith.index_cast %add3A_200 : i32 to index
          %get3A_226 = arith.constant 32 : index
          %get3A_227 = tpu.vector_load %arg12[%get3A_224, %get3A_225, %get3A_226] {strides = array<i32>} : memref<2x64x128xf32, #tpu.memory_space<vmem>>, vector<16xf32>,
          %get3A_228 = arith.constant 0 : i32
          %get3A_229 = arith.index_cast %get3A_228 : i32 to index
          %get3A_230 = arith.index_cast %add3A_200 : i32 to index
          %get3A_231 = arith.constant 32 : index
          %get3A_232 = tpu.vector_load %arg13[%get3A_229, %get3A_230, %get3A_231] {strides = array<i32>} : memref<2x64x128xf32, #tpu.memory_space<vmem>>, vector<16xf32>,
          %mul3A_233 = arith.mulf %get3A_227, %get3A_232 : vector<16xf32>
          %add3A_234 = arith.addf %add3A_222, %mul3A_233 : vector<16xf32>
          %get3A_235 = arith.constant 0 : i32
          %get3A_236 = arith.index_cast %get3A_235 : i32 to index
          %get3A_237 = arith.index_cast %add3A_200 : i32 to index
          %get3A_238 = arith.constant 48 : index
          %get3A_239 = tpu.vector_load %arg12[%get3A_236, %get3A_237, %get3A_238] {strides = array<i32>} : memref<2x64x128xf32, #tpu.memory_space<vmem>>, vector<16xf32>,
          %get3A_240 = arith.constant 0 : i32
          %get3A_241 = arith.index_cast %get3A_240 : i32 to index
          %get3A_242 = arith.index_cast %add3A_200 : i32 to index
          %get3A_243 = arith.constant 48 : index
          %get3A_244 = tpu.vector_load %arg13[%get3A_241, %get3A_242, %get3A_243] {strides = array<i32>} : memref<2x64x128xf32, #tpu.memory_space<vmem>>, vector<16xf32>,
          %mul3A_245 = arith.mulf %get3A_239, %get3A_244 : vector<16xf32>
          %add3A_246 = arith.addf %add3A_234, %mul3A_245 : vector<16xf32>
          %get3A_247 = arith.constant 0 : i32
          %get3A_248 = arith.index_cast %get3A_247 : i32 to index
          %get3A_249 = arith.index_cast %add3A_200 : i32 to index
          %get3A_250 = arith.constant 64 : index
          %get3A_251 = tpu.vector_load %arg12[%get3A_248, %get3A_249, %get3A_250] {strides = array<i32>} : memref<2x64x128xf32, #tpu.memory_space<vmem>>, vector<16xf32>,
          %get3A_252 = arith.constant 0 : i32
          %get3A_253 = arith.index_cast %get3A_252 : i32 to index
          %get3A_254 = arith.index_cast %add3A_200 : i32 to index
          %get3A_255 = arith.constant 64 : index
          %get3A_256 = tpu.vector_load %arg13[%get3A_253, %get3A_254, %get3A_255] {strides = array<i32>} : memref<2x64x128xf32, #tpu.memory_space<vmem>>, vector<16xf32>,
          %mul3A_257 = arith.mulf %get3A_251, %get3A_256 : vector<16xf32>
          %add3A_258 = arith.addf %add3A_246, %mul3A_257 : vector<16xf32>
          %get3A_259 = arith.constant 0 : i32
          %get3A_260 = arith.index_cast %get3A_259 : i32 to index
          %get3A_261 = arith.index_cast %add3A_200 : i32 to index
          %get3A_262 = arith.constant 80 : index
          %get3A_263 = tpu.vector_load %arg12[%get3A_260, %get3A_261, %get3A_262] {strides = array<i32>} : memref<2x64x128xf32, #tpu.memory_space<vmem>>, vector<16xf32>,
          %get3A_264 = arith.constant 0 : i32
          %get3A_265 = arith.index_cast %get3A_264 : i32 to index
          %get3A_266 = arith.index_cast %add3A_200 : i32 to index
          %get3A_267 = arith.constant 80 : index
          %get3A_268 = tpu.vector_load %arg13[%get3A_265, %get3A_266, %get3A_267] {strides = array<i32>} : memref<2x64x128xf32, #tpu.memory_space<vmem>>, vector<16xf32>,
          %mul3A_269 = arith.mulf %get3A_263, %get3A_268 : vector<16xf32>
          %add3A_270 = arith.addf %add3A_258, %mul3A_269 : vector<16xf32>
          %get3A_271 = arith.constant 0 : i32
          %get3A_272 = arith.index_cast %get3A_271 : i32 to index
          %get3A_273 = arith.index_cast %add3A_200 : i32 to index
          %get3A_274 = arith.constant 96 : index
          %get3A_275 = tpu.vector_load %arg12[%get3A_272, %get3A_273, %get3A_274] {strides = array<i32>} : memref<2x64x128xf32, #tpu.memory_space<vmem>>, vector<16xf32>,
          %get3A_276 = arith.constant 0 : i32
          %get3A_277 = arith.index_cast %get3A_276 : i32 to index
          %get3A_278 = arith.index_cast %add3A_200 : i32 to index
          %get3A_279 = arith.constant 96 : index
          %get3A_280 = tpu.vector_load %arg13[%get3A_277, %get3A_278, %get3A_279] {strides = array<i32>} : memref<2x64x128xf32, #tpu.memory_space<vmem>>, vector<16xf32>,
          %mul3A_281 = arith.mulf %get3A_275, %get3A_280 : vector<16xf32>
          %add3A_282 = arith.addf %add3A_270, %mul3A_281 : vector<16xf32>
          %get3A_283 = arith.constant 0 : i32
          %get3A_284 = arith.index_cast %get3A_283 : i32 to index
          %get3A_285 = arith.index_cast %add3A_200 : i32 to index
          %get3A_286 = arith.constant 112 : index
          %get3A_287 = tpu.vector_load %arg12[%get3A_284, %get3A_285, %get3A_286] {strides = array<i32>} : memref<2x64x128xf32, #tpu.memory_space<vmem>>, vector<16xf32>,
          %get3A_288 = arith.constant 0 : i32
          %get3A_289 = arith.index_cast %get3A_288 : i32 to index
          %get3A_290 = arith.index_cast %add3A_200 : i32 to index
          %get3A_291 = arith.constant 112 : index
          %get3A_292 = tpu.vector_load %arg13[%get3A_289, %get3A_290, %get3A_291] {strides = array<i32>} : memref<2x64x128xf32, #tpu.memory_space<vmem>>, vector<16xf32>,
          %mul3A_293 = arith.mulf %get3A_287, %get3A_292 : vector<16xf32>
          %add3A_294 = arith.addf %add3A_282, %mul3A_293 : vector<16xf32>
          %lt3A_295 = arith.constant 0 : i32
          %lt3A_296 = vector.broadcast %lt3A_295 : i32 to vector<16xi32>
          %lt3A_297 = arith.cmpi slt, %xor3A_17, %lt3A_296 : vector<16xi32>
          %add3A_298 = arith.constant 16 : i32
          %add3A_299 = vector.broadcast %add3A_298 : i32 to vector<16xi32>
          %add3A_300 = arith.addi %xor3A_17, %add3A_299 : vector<16xi32>
          %select_n3A = arith.select %lt3A_297, %add3A_300, %xor3A_17 : vector<16xi1>, vector<16xi32>
          %broadcast_in_dim3A = vector.shape_cast %select_n3A : vector<16xi32> to vector<16x1xi32>
          %gather3A = vector.shape_cast %broadcast_in_dim3A : vector<16x1xi32> to vector<16xi32>
          %gather3A_301 = tpu.dynamic_gather %add3A_294[%gather3A] in [0] : vector<16xf32>, vector<16xi32> -> vector<16xf32>
          %add3A_302 = arith.addf %add3A_294, %gather3A_301 : vector<16xf32>
          %jit3A = arith.constant 8 : i32
          %div3A = arith.divsi %add3A_200, %jit3A : i32
          %sign3A = arith.constant 0 : i32
          %sign3A_303 = arith.cmpi sgt, %add3A_200, %sign3A : i32
          %sign3A_304 = arith.extui %sign3A_303 : i1 to i32
          %sign3A_305 = arith.constant 0 : i32
          %sign3A_306 = arith.cmpi slt, %add3A_200, %sign3A_305 : i32
          %sign3A_307 = arith.extui %sign3A_306 : i1 to i32
          %sign3A_308 = arith.subi %sign3A_304, %sign3A_307 : i32
          %sign3A_309 = arith.constant 0 : i32
          %sign3A_310 = arith.cmpi sgt, %jit3A, %sign3A_309 : i32
          %sign3A_311 = arith.extui %sign3A_310 : i1 to i32
          %sign3A_312 = arith.constant 0 : i32
          %sign3A_313 = arith.cmpi slt, %jit3A, %sign3A_312 : i32
          %sign3A_314 = arith.extui %sign3A_313 : i1 to i32
          %sign3A_315 = arith.subi %sign3A_311, %sign3A_314 : i32
          %ne3A = arith.cmpi ne, %sign3A_308, %sign3A_315 : i32
          %rem3A = arith.remsi %add3A_200, %jit3A : i32
          %ne3A_316 = arith.constant 0 : i32
          %ne3A_317 = arith.cmpi ne, %rem3A, %ne3A_316 : i32
          %and3A = arith.andi %ne3A, %ne3A_317 : i1
          %sub3A_318 = arith.constant 1 : i32
          %sub3A_319 = arith.subi %div3A, %sub3A_318 : i32
          %select_n3A_320 = arith.select %and3A, %sub3A_319, %div3A : i32
          %jit3A_321 = arith.constant 8 : i32
          %eq3A_322 = arith.constant 0 : i32
          %eq3A_323 = arith.cmpi eq, %jit3A_321, %eq3A_322 : i32
          %jit3A_324 = arith.constant 1 : i32
          %select_n3A_325 = arith.select %eq3A_323, %jit3A_324, %jit3A_321 : i32
          %rem3A_326 = arith.remsi %add3A_200, %select_n3A_325 : i32
          %ne3A_327 = arith.constant 0 : i32
          %ne3A_328 = arith.cmpi ne, %rem3A_326, %ne3A_327 : i32
          %lt3A_329 = arith.constant 0 : i32
          %lt3A_330 = arith.cmpi slt, %rem3A_326, %lt3A_329 : i32
          %lt3A_331 = arith.constant 0 : i32
          %lt3A_332 = arith.cmpi slt, %select_n3A_325, %lt3A_331 : i32
          %ne3A_333 = arith.xori %lt3A_330, %lt3A_332 : i1
          %and3A_334 = arith.andi %ne3A_333, %ne3A_328 : i1
          %add3A_335 = arith.addi %rem3A_326, %select_n3A_325 : i32
          %select_n3A_336 = arith.select %and3A_334, %add3A_335, %rem3A_326 : i32
          %mul3A_337 = arith.constant 16 : i32
          %mul3A_338 = arith.muli %select_n3A_336, %mul3A_337 : i32
          %get3A_339 = arith.constant 0 : i32
          %get3A_340 = arith.index_cast %get3A_339 : i32 to index
          %get3A_341 = arith.index_cast %select_n3A_320 : i32 to index
          %get3A_342 = arith.index_cast %mul3A_338 : i32 to index
          %get3A_343 = tpu.vector_load %arg14[%get3A_340, %get3A_341, %get3A_342] {strides = array<i32>} : memref<2x8x128xf32, #tpu.memory_space<vmem>>, vector<16xf32>,
          %mul3A_344 = arith.constant 2.500000e-01 : f32
          %mul3A_345 = vector.broadcast %mul3A_344 : f32 to vector<16xf32>
          %mul3A_346 = arith.mulf %add3A_302, %mul3A_345 : vector<16xf32>
          %add3A_347 = arith.addf %mul3A_346, %get3A_343 : vector<16xf32>
          %lt3A_348 = arith.constant 8 : i32
          %lt3A_349 = vector.broadcast %lt3A_348 : i32 to vector<16xi32>
          %lt3A_350 = arith.cmpi slt, %iota3A, %lt3A_349 : vector<16xi32>
          %exp3A = math.exp %add3A_347 : vector<16xf32>
          %jit3A_351 = arith.constant 0.000000e+00 : f32
          %broadcast_in_dim3A_352 = vector.broadcast %jit3A_351 : f32 to vector<16xf32>
          %select_n3A_353 = arith.select %lt3A_350, %exp3A, %broadcast_in_dim3A_352 : vector<16xi1>, vector<16xf32>
          %mul3A_354 = arith.constant 16 : i32
          %mul3A_355 = arith.muli %add3A_200, %mul3A_354 : i32
          %swap3A = arith.constant 0 : i32
          %swap3A_356 = arith.index_cast %swap3A : i32 to index
          %swap3A_357 = arith.index_cast %mul3A_355 : i32 to index
          %swap3A_358 = tpu.vector_load %arg15[%swap3A_356, %swap3A_357] {strides = array<i32>} : memref<2x1024xf32, #tpu.memory_space<vmem>>, vector<16xf32>,
          tpu.vector_store %arg15[%swap3A_356, %swap3A_357], %select_n3A_353 {strides = array<i32>} : memref<2x1024xf32, #tpu.memory_space<vmem>>, vector<16xf32>,
          %swap3A_359 = arith.index_cast %add3A_200 : i32 to index
          %swap3A_360 = arith.constant 0 : index
          %swap3A_361 = tpu.vector_load %arg16[%swap3A_359, %swap3A_360] {strides = array<i32>} : memref<64x128xf32, #tpu.memory_space<vmem>>, vector<16xf32>,
          tpu.vector_store %arg16[%swap3A_359, %swap3A_360], %select_n3A_353 {strides = array<i32>} : memref<64x128xf32, #tpu.memory_space<vmem>>, vector<16xf32>,
        }
        %scan3A_183 = arith.constant 64 : i32
        %run_scoped3A = arith.constant 0 : i32
        "tpu.region"() ({
          %run_scoped3A_196 = tpu.sem_alloc : memref<!tpu.dma_semaphore, #tpu.memory_space<semaphore_mem>>
          %dma_start3A_197 = arith.constant 0 : i32
          %dma_start3A_198 = tpu.memref_slice %arg11[%run_scoped3A, %dma_start3A_197] : memref<2x64xi32, #tpu.memory_space<vmem>> -> memref<1x64xi32, #tpu.memory_space<vmem>>
          %dma_start3A_199 = tpu.memref_squeeze %dma_start3A_198 : memref<1x64xi32, #tpu.memory_space<vmem>> -> memref<64xi32, #tpu.memory_space<vmem>>
          %dma_start3A_200 = arith.constant 0 : i32
          %dma_start3A_201 = arith.constant 0 : i32
          %dma_start3A_202 = tpu.memref_slice %arg17[%dma_start3A_200, %dma_start3A_201] : memref<10000x128xf32, #tpu.memory_space<vmem_shared>> -> memref<10000x128xf32, #tpu.memory_space<vmem_shared>>
          tpu.enqueue_indirect_dma source(%arg16 : memref<64x128xf32, #tpu.memory_space<vmem>>) target(%dma_start3A_202 : memref<10000x128xf32, #tpu.memory_space<vmem_shared>>) offsets(%dma_start3A_199 : memref<64xi32, #tpu.memory_space<vmem>>) semaphore(%run_scoped3A_196 : memref<!tpu.dma_semaphore, #tpu.memory_space<semaphore_mem>>) {add = true}
          %dma_wait3A_203 = arith.constant 0 : i32
          %dma_wait3A_204 = tpu.memref_slice %arg11[%run_scoped3A, %dma_wait3A_203] : memref<2x64xi32, #tpu.memory_space<vmem>> -> memref<1x64xi32, #tpu.memory_space<vmem>>
          %dma_wait3A_205 = tpu.memref_squeeze %dma_wait3A_204 : memref<1x64xi32, #tpu.memory_space<vmem>> -> memref<64xi32, #tpu.memory_space<vmem>>
          %dma_wait3A_206 = arith.constant 0 : i32
          %dma_wait3A_207 = arith.constant 0 : i32
          %dma_wait3A_208 = tpu.memref_slice %arg17[%dma_wait3A_206, %dma_wait3A_207] : memref<10000x128xf32, #tpu.memory_space<vmem_shared>> -> memref<10000x128xf32, #tpu.memory_space<vmem_shared>>
          tpu.wait_indirect_dma semaphore(%run_scoped3A_196 : memref<!tpu.dma_semaphore, #tpu.memory_space<semaphore_mem>>) src(%arg16 : memref<64x128xf32, #tpu.memory_space<vmem>>) dst(%dma_wait3A_208 : memref<10000x128xf32, #tpu.memory_space<vmem_shared>>)
          tpu.yield
        }) : () -> ()
        %mul3A_184 = arith.constant 64 : i32
        %mul3A_185 = arith.muli %add3A_123, %mul3A_184 : i32
        %mul3A_186 = arith.constant 16 : i32
        %mul3A_187 = arith.muli %mul3A_185, %mul3A_186 : i32
        %dma_start3A = arith.constant 0 : i32
        %dma_start3A_188 = arith.constant 0 : i32
        %dma_start3A_189 = tpu.memref_slice %arg15[%dma_start3A, %dma_start3A_188] : memref<2x1024xf32, #tpu.memory_space<vmem>> -> memref<1x1024xf32, #tpu.memory_space<vmem>>
        %dma_start3A_190 = tpu.memref_squeeze %dma_start3A_189 : memref<1x1024xf32, #tpu.memory_space<vmem>> -> memref<1024xf32, #tpu.memory_space<vmem>>
        %dma_start3A_191 = tpu.memref_slice %arg7[%mul3A_187] : memref<5120000xf32, #tpu.memory_space<hbm>> -> memref<1024xf32, #tpu.memory_space<hbm>>
        %dma_start3A_192 = tpu.memref_slice %arg7[%mul3A_187] : memref<5120000xf32, #tpu.memory_space<hbm>> -> memref<1024xf32, #tpu.memory_space<hbm>>
        %dma_start3A_193 = arith.constant 0 : i32
        %dma_start3A_194 = tpu.memref_slice %arg15[%dma_start3A, %dma_start3A_193] : memref<2x1024xf32, #tpu.memory_space<vmem>> -> memref<1x1024xf32, #tpu.memory_space<vmem>>
        %dma_start3A_195 = tpu.memref_squeeze %dma_start3A_194 : memref<1x1024xf32, #tpu.memory_space<vmem>> -> memref<1024xf32, #tpu.memory_space<vmem>>
        tpu.enqueue_dma source(%dma_start3A_195 : memref<1024xf32, #tpu.memory_space<vmem>>) target(%dma_start3A_192 : memref<1024xf32, #tpu.memory_space<hbm>>) target_semaphore(%arg22 : memref<!tpu.dma_semaphore, #tpu.memory_space<semaphore_mem>>)
      } else {
      }
      %mul3A_129 = arith.constant 2 : i32
      %mul3A_130 = arith.muli %mul3A_129, %add3A_51 : i32
      %add3A_131 = arith.constant 1 : i32
      %add3A_132 = arith.addi %mul3A_130, %add3A_131 : i32
      %mul3A_133 = arith.constant 32 : i32
      %mul3A_134 = arith.muli %mul3A_133, %add3A_132 : i32
      %add3A_135 = arith.addi %add3A, %mul3A_134 : i32
      %lt3A_136 = arith.constant 5000 : i32
      %lt3A_137 = arith.cmpi slt, %add3A_135, %lt3A_136 : i32
      %convert_element_type3A_138 = arith.extui %lt3A_137 : i1 to i32
      %cond3A_139 = arith.constant 0 : i32
      %cond3A_140 = arith.cmpi ne, %convert_element_type3A_138, %cond3A_139 : i32
      scf.if %cond3A_140 {
        %dma_wait3A = arith.constant 1 : i32
        %dma_wait3A_141 = arith.constant 1 : i32
        %dma_wait3A_142 = arith.constant 0 : i32
        %dma_wait3A_143 = arith.constant 0 : i32
        %dma_wait3A_144 = tpu.memref_slice %arg12[%dma_wait3A_141, %dma_wait3A_142, %dma_wait3A_143] : memref<2x64x128xf32, #tpu.memory_space<vmem>> -> memref<1x64x128xf32, #tpu.memory_space<vmem>>
        %dma_wait3A_145 = tpu.memref_squeeze %dma_wait3A_144 : memref<1x64x128xf32, #tpu.memory_space<vmem>> -> memref<64x128xf32, #tpu.memory_space<vmem>>
        %dma_wait3A_146 = arith.constant 0 : i32
        %dma_wait3A_147 = tpu.memref_slice %arg11[%dma_wait3A, %dma_wait3A_146] : memref<2x64xi32, #tpu.memory_space<vmem>> -> memref<1x64xi32, #tpu.memory_space<vmem>>
        %dma_wait3A_148 = tpu.memref_squeeze %dma_wait3A_147 : memref<1x64xi32, #tpu.memory_space<vmem>> -> memref<64xi32, #tpu.memory_space<vmem>>
        %dma_wait3A_149 = arith.constant 0 : i32
        %dma_wait3A_150 = arith.constant 0 : i32
        %dma_wait3A_151 = tpu.memref_slice %arg2[%dma_wait3A_149, %dma_wait3A_150] : memref<10000x128xf32, #tpu.memory_space<hbm>> -> memref<10000x128xf32, #tpu.memory_space<hbm>>
        tpu.wait_indirect_dma semaphore(%arg21 : memref<!tpu.dma_semaphore, #tpu.memory_space<semaphore_mem>>) src(%dma_wait3A_151 : memref<10000x128xf32, #tpu.memory_space<hbm>>) dst(%dma_wait3A_145 : memref<64x128xf32, #tpu.memory_space<vmem>>)
        %dma_wait3A_152 = arith.constant 1 : i32
        %dma_wait3A_153 = arith.constant 1 : i32
        %dma_wait3A_154 = arith.constant 0 : i32
        %dma_wait3A_155 = arith.constant 0 : i32
        %dma_wait3A_156 = tpu.memref_slice %arg13[%dma_wait3A_153, %dma_wait3A_154, %dma_wait3A_155] : memref<2x64x128xf32, #tpu.memory_space<vmem>> -> memref<1x64x128xf32, #tpu.memory_space<vmem>>
        %dma_wait3A_157 = tpu.memref_squeeze %dma_wait3A_156 : memref<1x64x128xf32, #tpu.memory_space<vmem>> -> memref<64x128xf32, #tpu.memory_space<vmem>>
        %dma_wait3A_158 = arith.constant 0 : i32
        %dma_wait3A_159 = tpu.memref_slice %arg10[%dma_wait3A_152, %dma_wait3A_158] : memref<2x64xi32, #tpu.memory_space<vmem>> -> memref<1x64xi32, #tpu.memory_space<vmem>>
        %dma_wait3A_160 = tpu.memref_squeeze %dma_wait3A_159 : memref<1x64xi32, #tpu.memory_space<vmem>> -> memref<64xi32, #tpu.memory_space<vmem>>
        %dma_wait3A_161 = arith.constant 0 : i32
        %dma_wait3A_162 = arith.constant 0 : i32
        %dma_wait3A_163 = tpu.memref_slice %arg3[%dma_wait3A_161, %dma_wait3A_162] : memref<10000x128xf32, #tpu.memory_space<hbm>> -> memref<10000x128xf32, #tpu.memory_space<hbm>>
        tpu.wait_indirect_dma semaphore(%arg21 : memref<!tpu.dma_semaphore, #tpu.memory_space<semaphore_mem>>) src(%dma_wait3A_163 : memref<10000x128xf32, #tpu.memory_space<hbm>>) dst(%dma_wait3A_157 : memref<64x128xf32, #tpu.memory_space<vmem>>)
        %mul3A_164 = arith.constant 8 : i32
        %mul3A_165 = arith.muli %add3A_135, %mul3A_164 : i32
        %dma_wait3A_166 = arith.constant 1 : i32
        %dma_wait3A_167 = arith.constant 0 : i32
        %dma_wait3A_168 = arith.constant 0 : i32
        %dma_wait3A_169 = tpu.memref_slice %arg14[%dma_wait3A_166, %dma_wait3A_167, %dma_wait3A_168] : memref<2x8x128xf32, #tpu.memory_space<vmem>> -> memref<1x8x128xf32, #tpu.memory_space<vmem>>
        %dma_wait3A_170 = tpu.memref_squeeze %dma_wait3A_169 : memref<1x8x128xf32, #tpu.memory_space<vmem>> -> memref<8x128xf32, #tpu.memory_space<vmem>>
        %dma_wait3A_171 = arith.constant 0 : i32
        %dma_wait3A_172 = tpu.memref_slice %arg4[%mul3A_165, %dma_wait3A_171] : memref<40000x128xf32, #tpu.memory_space<hbm>> -> memref<8x128xf32, #tpu.memory_space<hbm>>
        %dma_wait3A_173 = arith.constant 0 : i32
        %dma_wait3A_174 = arith.constant 0 : i32
        %dma_wait3A_175 = tpu.memref_slice %arg14[%dma_wait3A_166, %dma_wait3A_173, %dma_wait3A_174] : memref<2x8x128xf32, #tpu.memory_space<vmem>> -> memref<1x8x128xf32, #tpu.memory_space<vmem>>
        %dma_wait3A_176 = tpu.memref_squeeze %dma_wait3A_175 : memref<1x8x128xf32, #tpu.memory_space<vmem>> -> memref<8x128xf32, #tpu.memory_space<vmem>>
        %dma_wait3A_177 = arith.constant 0 : i32
        %dma_wait3A_178 = tpu.memref_slice %arg4[%mul3A_165, %dma_wait3A_177] : memref<40000x128xf32, #tpu.memory_space<hbm>> -> memref<8x128xf32, #tpu.memory_space<hbm>>
        tpu.wait_dma2 semaphore(%arg21 : memref<!tpu.dma_semaphore, #tpu.memory_space<semaphore_mem>>) src(%dma_wait3A_178 : memref<8x128xf32, #tpu.memory_space<hbm>>) dst(%dma_wait3A_176 : memref<8x128xf32, #tpu.memory_space<vmem>>)
        %scan3A_179 = arith.constant 0 : i32
        %scan3A_180 = arith.constant 64 : i32
        %scan3A_181 = arith.addi %scan3A_179, %scan3A_180 : i32
        %scan3A_182 = arith.constant 1 : i32
        scf.for %scan3A_196 = %scan3A_179 to %scan3A_181 step %scan3A_182  : i32 {
          %mul3A_197 = arith.constant 1 : i32
          %mul3A_198 = arith.muli %scan3A_196, %mul3A_197 : i32
          %add3A_199 = arith.constant 0 : i32
          %add3A_200 = arith.addi %add3A_199, %mul3A_198 : i32
          %get3A = arith.constant 1 : i32
          %get3A_201 = arith.index_cast %get3A : i32 to index
          %get3A_202 = arith.index_cast %add3A_200 : i32 to index
          %get3A_203 = arith.constant 0 : index
          %get3A_204 = tpu.vector_load %arg12[%get3A_201, %get3A_202, %get3A_203] {strides = array<i32>} : memref<2x64x128xf32, #tpu.memory_space<vmem>>, vector<16xf32>,
          %get3A_205 = arith.constant 1 : i32
          %get3A_206 = arith.index_cast %get3A_205 : i32 to index
          %get3A_207 = arith.index_cast %add3A_200 : i32 to index
          %get3A_208 = arith.constant 0 : index
          %get3A_209 = tpu.vector_load %arg13[%get3A_206, %get3A_207, %get3A_208] {strides = array<i32>} : memref<2x64x128xf32, #tpu.memory_space<vmem>>, vector<16xf32>,
          %mul3A_210 = arith.mulf %get3A_204, %get3A_209 : vector<16xf32>
          %get3A_211 = arith.constant 1 : i32
          %get3A_212 = arith.index_cast %get3A_211 : i32 to index
          %get3A_213 = arith.index_cast %add3A_200 : i32 to index
          %get3A_214 = arith.constant 16 : index
          %get3A_215 = tpu.vector_load %arg12[%get3A_212, %get3A_213, %get3A_214] {strides = array<i32>} : memref<2x64x128xf32, #tpu.memory_space<vmem>>, vector<16xf32>,
          %get3A_216 = arith.constant 1 : i32
          %get3A_217 = arith.index_cast %get3A_216 : i32 to index
          %get3A_218 = arith.index_cast %add3A_200 : i32 to index
          %get3A_219 = arith.constant 16 : index
          %get3A_220 = tpu.vector_load %arg13[%get3A_217, %get3A_218, %get3A_219] {strides = array<i32>} : memref<2x64x128xf32, #tpu.memory_space<vmem>>, vector<16xf32>,
          %mul3A_221 = arith.mulf %get3A_215, %get3A_220 : vector<16xf32>
          %add3A_222 = arith.addf %mul3A_210, %mul3A_221 : vector<16xf32>
          %get3A_223 = arith.constant 1 : i32
          %get3A_224 = arith.index_cast %get3A_223 : i32 to index
          %get3A_225 = arith.index_cast %add3A_200 : i32 to index
          %get3A_226 = arith.constant 32 : index
          %get3A_227 = tpu.vector_load %arg12[%get3A_224, %get3A_225, %get3A_226] {strides = array<i32>} : memref<2x64x128xf32, #tpu.memory_space<vmem>>, vector<16xf32>,
          %get3A_228 = arith.constant 1 : i32
          %get3A_229 = arith.index_cast %get3A_228 : i32 to index
          %get3A_230 = arith.index_cast %add3A_200 : i32 to index
          %get3A_231 = arith.constant 32 : index
          %get3A_232 = tpu.vector_load %arg13[%get3A_229, %get3A_230, %get3A_231] {strides = array<i32>} : memref<2x64x128xf32, #tpu.memory_space<vmem>>, vector<16xf32>,
          %mul3A_233 = arith.mulf %get3A_227, %get3A_232 : vector<16xf32>
          %add3A_234 = arith.addf %add3A_222, %mul3A_233 : vector<16xf32>
          %get3A_235 = arith.constant 1 : i32
          %get3A_236 = arith.index_cast %get3A_235 : i32 to index
          %get3A_237 = arith.index_cast %add3A_200 : i32 to index
          %get3A_238 = arith.constant 48 : index
          %get3A_239 = tpu.vector_load %arg12[%get3A_236, %get3A_237, %get3A_238] {strides = array<i32>} : memref<2x64x128xf32, #tpu.memory_space<vmem>>, vector<16xf32>,
          %get3A_240 = arith.constant 1 : i32
          %get3A_241 = arith.index_cast %get3A_240 : i32 to index
          %get3A_242 = arith.index_cast %add3A_200 : i32 to index
          %get3A_243 = arith.constant 48 : index
          %get3A_244 = tpu.vector_load %arg13[%get3A_241, %get3A_242, %get3A_243] {strides = array<i32>} : memref<2x64x128xf32, #tpu.memory_space<vmem>>, vector<16xf32>,
          %mul3A_245 = arith.mulf %get3A_239, %get3A_244 : vector<16xf32>
          %add3A_246 = arith.addf %add3A_234, %mul3A_245 : vector<16xf32>
          %get3A_247 = arith.constant 1 : i32
          %get3A_248 = arith.index_cast %get3A_247 : i32 to index
          %get3A_249 = arith.index_cast %add3A_200 : i32 to index
          %get3A_250 = arith.constant 64 : index
          %get3A_251 = tpu.vector_load %arg12[%get3A_248, %get3A_249, %get3A_250] {strides = array<i32>} : memref<2x64x128xf32, #tpu.memory_space<vmem>>, vector<16xf32>,
          %get3A_252 = arith.constant 1 : i32
          %get3A_253 = arith.index_cast %get3A_252 : i32 to index
          %get3A_254 = arith.index_cast %add3A_200 : i32 to index
          %get3A_255 = arith.constant 64 : index
          %get3A_256 = tpu.vector_load %arg13[%get3A_253, %get3A_254, %get3A_255] {strides = array<i32>} : memref<2x64x128xf32, #tpu.memory_space<vmem>>, vector<16xf32>,
          %mul3A_257 = arith.mulf %get3A_251, %get3A_256 : vector<16xf32>
          %add3A_258 = arith.addf %add3A_246, %mul3A_257 : vector<16xf32>
          %get3A_259 = arith.constant 1 : i32
          %get3A_260 = arith.index_cast %get3A_259 : i32 to index
          %get3A_261 = arith.index_cast %add3A_200 : i32 to index
          %get3A_262 = arith.constant 80 : index
          %get3A_263 = tpu.vector_load %arg12[%get3A_260, %get3A_261, %get3A_262] {strides = array<i32>} : memref<2x64x128xf32, #tpu.memory_space<vmem>>, vector<16xf32>,
          %get3A_264 = arith.constant 1 : i32
          %get3A_265 = arith.index_cast %get3A_264 : i32 to index
          %get3A_266 = arith.index_cast %add3A_200 : i32 to index
          %get3A_267 = arith.constant 80 : index
          %get3A_268 = tpu.vector_load %arg13[%get3A_265, %get3A_266, %get3A_267] {strides = array<i32>} : memref<2x64x128xf32, #tpu.memory_space<vmem>>, vector<16xf32>,
          %mul3A_269 = arith.mulf %get3A_263, %get3A_268 : vector<16xf32>
          %add3A_270 = arith.addf %add3A_258, %mul3A_269 : vector<16xf32>
          %get3A_271 = arith.constant 1 : i32
          %get3A_272 = arith.index_cast %get3A_271 : i32 to index
          %get3A_273 = arith.index_cast %add3A_200 : i32 to index
          %get3A_274 = arith.constant 96 : index
          %get3A_275 = tpu.vector_load %arg12[%get3A_272, %get3A_273, %get3A_274] {strides = array<i32>} : memref<2x64x128xf32, #tpu.memory_space<vmem>>, vector<16xf32>,
          %get3A_276 = arith.constant 1 : i32
          %get3A_277 = arith.index_cast %get3A_276 : i32 to index
          %get3A_278 = arith.index_cast %add3A_200 : i32 to index
          %get3A_279 = arith.constant 96 : index
          %get3A_280 = tpu.vector_load %arg13[%get3A_277, %get3A_278, %get3A_279] {strides = array<i32>} : memref<2x64x128xf32, #tpu.memory_space<vmem>>, vector<16xf32>,
          %mul3A_281 = arith.mulf %get3A_275, %get3A_280 : vector<16xf32>
          %add3A_282 = arith.addf %add3A_270, %mul3A_281 : vector<16xf32>
          %get3A_283 = arith.constant 1 : i32
          %get3A_284 = arith.index_cast %get3A_283 : i32 to index
          %get3A_285 = arith.index_cast %add3A_200 : i32 to index
          %get3A_286 = arith.constant 112 : index
          %get3A_287 = tpu.vector_load %arg12[%get3A_284, %get3A_285, %get3A_286] {strides = array<i32>} : memref<2x64x128xf32, #tpu.memory_space<vmem>>, vector<16xf32>,
          %get3A_288 = arith.constant 1 : i32
          %get3A_289 = arith.index_cast %get3A_288 : i32 to index
          %get3A_290 = arith.index_cast %add3A_200 : i32 to index
          %get3A_291 = arith.constant 112 : index
          %get3A_292 = tpu.vector_load %arg13[%get3A_289, %get3A_290, %get3A_291] {strides = array<i32>} : memref<2x64x128xf32, #tpu.memory_space<vmem>>, vector<16xf32>,
          %mul3A_293 = arith.mulf %get3A_287, %get3A_292 : vector<16xf32>
          %add3A_294 = arith.addf %add3A_282, %mul3A_293 : vector<16xf32>
          %lt3A_295 = arith.constant 0 : i32
          %lt3A_296 = vector.broadcast %lt3A_295 : i32 to vector<16xi32>
          %lt3A_297 = arith.cmpi slt, %xor3A_17, %lt3A_296 : vector<16xi32>
          %add3A_298 = arith.constant 16 : i32
          %add3A_299 = vector.broadcast %add3A_298 : i32 to vector<16xi32>
          %add3A_300 = arith.addi %xor3A_17, %add3A_299 : vector<16xi32>
          %select_n3A = arith.select %lt3A_297, %add3A_300, %xor3A_17 : vector<16xi1>, vector<16xi32>
          %broadcast_in_dim3A = vector.shape_cast %select_n3A : vector<16xi32> to vector<16x1xi32>
          %gather3A = vector.shape_cast %broadcast_in_dim3A : vector<16x1xi32> to vector<16xi32>
          %gather3A_301 = tpu.dynamic_gather %add3A_294[%gather3A] in [0] : vector<16xf32>, vector<16xi32> -> vector<16xf32>
          %add3A_302 = arith.addf %add3A_294, %gather3A_301 : vector<16xf32>
          %jit3A = arith.constant 8 : i32
          %div3A = arith.divsi %add3A_200, %jit3A : i32
          %sign3A = arith.constant 0 : i32
          %sign3A_303 = arith.cmpi sgt, %add3A_200, %sign3A : i32
          %sign3A_304 = arith.extui %sign3A_303 : i1 to i32
          %sign3A_305 = arith.constant 0 : i32
          %sign3A_306 = arith.cmpi slt, %add3A_200, %sign3A_305 : i32
          %sign3A_307 = arith.extui %sign3A_306 : i1 to i32
          %sign3A_308 = arith.subi %sign3A_304, %sign3A_307 : i32
          %sign3A_309 = arith.constant 0 : i32
          %sign3A_310 = arith.cmpi sgt, %jit3A, %sign3A_309 : i32
          %sign3A_311 = arith.extui %sign3A_310 : i1 to i32
          %sign3A_312 = arith.constant 0 : i32
          %sign3A_313 = arith.cmpi slt, %jit3A, %sign3A_312 : i32
          %sign3A_314 = arith.extui %sign3A_313 : i1 to i32
          %sign3A_315 = arith.subi %sign3A_311, %sign3A_314 : i32
          %ne3A = arith.cmpi ne, %sign3A_308, %sign3A_315 : i32
          %rem3A = arith.remsi %add3A_200, %jit3A : i32
          %ne3A_316 = arith.constant 0 : i32
          %ne3A_317 = arith.cmpi ne, %rem3A, %ne3A_316 : i32
          %and3A = arith.andi %ne3A, %ne3A_317 : i1
          %sub3A_318 = arith.constant 1 : i32
          %sub3A_319 = arith.subi %div3A, %sub3A_318 : i32
          %select_n3A_320 = arith.select %and3A, %sub3A_319, %div3A : i32
          %jit3A_321 = arith.constant 8 : i32
          %eq3A_322 = arith.constant 0 : i32
          %eq3A_323 = arith.cmpi eq, %jit3A_321, %eq3A_322 : i32
          %jit3A_324 = arith.constant 1 : i32
          %select_n3A_325 = arith.select %eq3A_323, %jit3A_324, %jit3A_321 : i32
          %rem3A_326 = arith.remsi %add3A_200, %select_n3A_325 : i32
          %ne3A_327 = arith.constant 0 : i32
          %ne3A_328 = arith.cmpi ne, %rem3A_326, %ne3A_327 : i32
          %lt3A_329 = arith.constant 0 : i32
          %lt3A_330 = arith.cmpi slt, %rem3A_326, %lt3A_329 : i32
          %lt3A_331 = arith.constant 0 : i32
          %lt3A_332 = arith.cmpi slt, %select_n3A_325, %lt3A_331 : i32
          %ne3A_333 = arith.xori %lt3A_330, %lt3A_332 : i1
          %and3A_334 = arith.andi %ne3A_333, %ne3A_328 : i1
          %add3A_335 = arith.addi %rem3A_326, %select_n3A_325 : i32
          %select_n3A_336 = arith.select %and3A_334, %add3A_335, %rem3A_326 : i32
          %mul3A_337 = arith.constant 16 : i32
          %mul3A_338 = arith.muli %select_n3A_336, %mul3A_337 : i32
          %get3A_339 = arith.constant 1 : i32
          %get3A_340 = arith.index_cast %get3A_339 : i32 to index
          %get3A_341 = arith.index_cast %select_n3A_320 : i32 to index
          %get3A_342 = arith.index_cast %mul3A_338 : i32 to index
          %get3A_343 = tpu.vector_load %arg14[%get3A_340, %get3A_341, %get3A_342] {strides = array<i32>} : memref<2x8x128xf32, #tpu.memory_space<vmem>>, vector<16xf32>,
          %mul3A_344 = arith.constant 2.500000e-01 : f32
          %mul3A_345 = vector.broadcast %mul3A_344 : f32 to vector<16xf32>
          %mul3A_346 = arith.mulf %add3A_302, %mul3A_345 : vector<16xf32>
          %add3A_347 = arith.addf %mul3A_346, %get3A_343 : vector<16xf32>
          %lt3A_348 = arith.constant 8 : i32
          %lt3A_349 = vector.broadcast %lt3A_348 : i32 to vector<16xi32>
          %lt3A_350 = arith.cmpi slt, %iota3A, %lt3A_349 : vector<16xi32>
          %exp3A = math.exp %add3A_347 : vector<16xf32>
          %jit3A_351 = arith.constant 0.000000e+00 : f32
          %broadcast_in_dim3A_352 = vector.broadcast %jit3A_351 : f32 to vector<16xf32>
          %select_n3A_353 = arith.select %lt3A_350, %exp3A, %broadcast_in_dim3A_352 : vector<16xi1>, vector<16xf32>
          %mul3A_354 = arith.constant 16 : i32
          %mul3A_355 = arith.muli %add3A_200, %mul3A_354 : i32
          %swap3A = arith.constant 1 : i32
          %swap3A_356 = arith.index_cast %swap3A : i32 to index
          %swap3A_357 = arith.index_cast %mul3A_355 : i32 to index
          %swap3A_358 = tpu.vector_load %arg15[%swap3A_356, %swap3A_357] {strides = array<i32>} : memref<2x1024xf32, #tpu.memory_space<vmem>>, vector<16xf32>,
          tpu.vector_store %arg15[%swap3A_356, %swap3A_357], %select_n3A_353 {strides = array<i32>} : memref<2x1024xf32, #tpu.memory_space<vmem>>, vector<16xf32>,
          %swap3A_359 = arith.index_cast %add3A_200 : i32 to index
          %swap3A_360 = arith.constant 0 : index
          %swap3A_361 = tpu.vector_load %arg16[%swap3A_359, %swap3A_360] {strides = array<i32>} : memref<64x128xf32, #tpu.memory_space<vmem>>, vector<16xf32>,
          tpu.vector_store %arg16[%swap3A_359, %swap3A_360], %select_n3A_353 {strides = array<i32>} : memref<64x128xf32, #tpu.memory_space<vmem>>, vector<16xf32>,
        }
        %scan3A_183 = arith.constant 64 : i32
        %run_scoped3A = arith.constant 1 : i32
        "tpu.region"() ({
          %run_scoped3A_196 = tpu.sem_alloc : memref<!tpu.dma_semaphore, #tpu.memory_space<semaphore_mem>>
          %dma_start3A_197 = arith.constant 0 : i32
          %dma_start3A_198 = tpu.memref_slice %arg11[%run_scoped3A, %dma_start3A_197] : memref<2x64xi32, #tpu.memory_space<vmem>> -> memref<1x64xi32, #tpu.memory_space<vmem>>
          %dma_start3A_199 = tpu.memref_squeeze %dma_start3A_198 : memref<1x64xi32, #tpu.memory_space<vmem>> -> memref<64xi32, #tpu.memory_space<vmem>>
          %dma_start3A_200 = arith.constant 0 : i32
          %dma_start3A_201 = arith.constant 0 : i32
          %dma_start3A_202 = tpu.memref_slice %arg17[%dma_start3A_200, %dma_start3A_201] : memref<10000x128xf32, #tpu.memory_space<vmem_shared>> -> memref<10000x128xf32, #tpu.memory_space<vmem_shared>>
          tpu.enqueue_indirect_dma source(%arg16 : memref<64x128xf32, #tpu.memory_space<vmem>>) target(%dma_start3A_202 : memref<10000x128xf32, #tpu.memory_space<vmem_shared>>) offsets(%dma_start3A_199 : memref<64xi32, #tpu.memory_space<vmem>>) semaphore(%run_scoped3A_196 : memref<!tpu.dma_semaphore, #tpu.memory_space<semaphore_mem>>) {add = true}
          %dma_wait3A_203 = arith.constant 0 : i32
          %dma_wait3A_204 = tpu.memref_slice %arg11[%run_scoped3A, %dma_wait3A_203] : memref<2x64xi32, #tpu.memory_space<vmem>> -> memref<1x64xi32, #tpu.memory_space<vmem>>
          %dma_wait3A_205 = tpu.memref_squeeze %dma_wait3A_204 : memref<1x64xi32, #tpu.memory_space<vmem>> -> memref<64xi32, #tpu.memory_space<vmem>>
          %dma_wait3A_206 = arith.constant 0 : i32
          %dma_wait3A_207 = arith.constant 0 : i32
          %dma_wait3A_208 = tpu.memref_slice %arg17[%dma_wait3A_206, %dma_wait3A_207] : memref<10000x128xf32, #tpu.memory_space<vmem_shared>> -> memref<10000x128xf32, #tpu.memory_space<vmem_shared>>
          tpu.wait_indirect_dma semaphore(%run_scoped3A_196 : memref<!tpu.dma_semaphore, #tpu.memory_space<semaphore_mem>>) src(%arg16 : memref<64x128xf32, #tpu.memory_space<vmem>>) dst(%dma_wait3A_208 : memref<10000x128xf32, #tpu.memory_space<vmem_shared>>)
          tpu.yield
        }) : () -> ()
        %mul3A_184 = arith.constant 64 : i32
        %mul3A_185 = arith.muli %add3A_135, %mul3A_184 : i32
        %mul3A_186 = arith.constant 16 : i32
        %mul3A_187 = arith.muli %mul3A_185, %mul3A_186 : i32
        %dma_start3A = arith.constant 1 : i32
        %dma_start3A_188 = arith.constant 0 : i32
        %dma_start3A_189 = tpu.memref_slice %arg15[%dma_start3A, %dma_start3A_188] : memref<2x1024xf32, #tpu.memory_space<vmem>> -> memref<1x1024xf32, #tpu.memory_space<vmem>>
        %dma_start3A_190 = tpu.memref_squeeze %dma_start3A_189 : memref<1x1024xf32, #tpu.memory_space<vmem>> -> memref<1024xf32, #tpu.memory_space<vmem>>
        %dma_start3A_191 = tpu.memref_slice %arg7[%mul3A_187] : memref<5120000xf32, #tpu.memory_space<hbm>> -> memref<1024xf32, #tpu.memory_space<hbm>>
        %dma_start3A_192 = tpu.memref_slice %arg7[%mul3A_187] : memref<5120000xf32, #tpu.memory_space<hbm>> -> memref<1024xf32, #tpu.memory_space<hbm>>
        %dma_start3A_193 = arith.constant 0 : i32
        %dma_start3A_194 = tpu.memref_slice %arg15[%dma_start3A, %dma_start3A_193] : memref<2x1024xf32, #tpu.memory_space<vmem>> -> memref<1x1024xf32, #tpu.memory_space<vmem>>
        %dma_start3A_195 = tpu.memref_squeeze %dma_start3A_194 : memref<1x1024xf32, #tpu.memory_space<vmem>> -> memref<1024xf32, #tpu.memory_space<vmem>>
        tpu.enqueue_dma source(%dma_start3A_195 : memref<1024xf32, #tpu.memory_space<vmem>>) target(%dma_start3A_192 : memref<1024xf32, #tpu.memory_space<hbm>>) target_semaphore(%arg23 : memref<!tpu.dma_semaphore, #tpu.memory_space<semaphore_mem>>)
      } else {
      }
    }
    %scan3A_22 = arith.constant 79 : i32
    %add3A_23 = arith.constant 4992 : i32
    %add3A_24 = arith.addi %add3A, %add3A_23 : i32
    %lt3A = arith.constant 5000 : i32
    %lt3A_25 = arith.cmpi slt, %add3A_24, %lt3A : i32
    %convert_element_type3A_26 = arith.extui %lt3A_25 : i1 to i32
    %cond3A_27 = arith.constant 0 : i32
    %cond3A_28 = arith.cmpi ne, %convert_element_type3A_26, %cond3A_27 : i32
    scf.if %cond3A_28 {
      %mul3A_47 = arith.constant 64 : i32
      %mul3A_48 = arith.muli %add3A_24, %mul3A_47 : i32
      %mul3A_49 = arith.constant 16 : i32
      %mul3A_50 = arith.muli %mul3A_48, %mul3A_49 : i32
      %dma_wait3A = arith.constant 0 : i32
      %dma_wait3A_51 = arith.constant 0 : i32
      %dma_wait3A_52 = tpu.memref_slice %arg15[%dma_wait3A, %dma_wait3A_51] : memref<2x1024xf32, #tpu.memory_space<vmem>> -> memref<1x1024xf32, #tpu.memory_space<vmem>>
      %dma_wait3A_53 = tpu.memref_squeeze %dma_wait3A_52 : memref<1x1024xf32, #tpu.memory_space<vmem>> -> memref<1024xf32, #tpu.memory_space<vmem>>
      %dma_wait3A_54 = tpu.memref_slice %arg7[%mul3A_50] : memref<5120000xf32, #tpu.memory_space<hbm>> -> memref<1024xf32, #tpu.memory_space<hbm>>
      %dma_wait3A_55 = tpu.memref_slice %arg7[%mul3A_50] : memref<5120000xf32, #tpu.memory_space<hbm>> -> memref<1024xf32, #tpu.memory_space<hbm>>
      %dma_wait3A_56 = arith.constant 0 : i32
      %dma_wait3A_57 = tpu.memref_slice %arg15[%dma_wait3A, %dma_wait3A_56] : memref<2x1024xf32, #tpu.memory_space<vmem>> -> memref<1x1024xf32, #tpu.memory_space<vmem>>
      %dma_wait3A_58 = tpu.memref_squeeze %dma_wait3A_57 : memref<1x1024xf32, #tpu.memory_space<vmem>> -> memref<1024xf32, #tpu.memory_space<vmem>>
      tpu.wait_dma2 semaphore(%arg22 : memref<!tpu.dma_semaphore, #tpu.memory_space<semaphore_mem>>) src(%dma_wait3A_58 : memref<1024xf32, #tpu.memory_space<vmem>>) dst(%dma_wait3A_55 : memref<1024xf32, #tpu.memory_space<hbm>>)
    } else {
    }
    %add3A_29 = arith.constant 5024 : i32
    %add3A_30 = arith.addi %add3A, %add3A_29 : i32
    %lt3A_31 = arith.constant 5000 : i32
    %lt3A_32 = arith.cmpi slt, %add3A_30, %lt3A_31 : i32
    %convert_element_type3A_33 = arith.extui %lt3A_32 : i1 to i32
    %cond3A_34 = arith.constant 0 : i32
    %cond3A_35 = arith.cmpi ne, %convert_element_type3A_33, %cond3A_34 : i32
    scf.if %cond3A_35 {
      %mul3A_47 = arith.constant 64 : i32
      %mul3A_48 = arith.muli %add3A_30, %mul3A_47 : i32
      %mul3A_49 = arith.constant 16 : i32
      %mul3A_50 = arith.muli %mul3A_48, %mul3A_49 : i32
      %dma_wait3A = arith.constant 1 : i32
      %dma_wait3A_51 = arith.constant 0 : i32
      %dma_wait3A_52 = tpu.memref_slice %arg15[%dma_wait3A, %dma_wait3A_51] : memref<2x1024xf32, #tpu.memory_space<vmem>> -> memref<1x1024xf32, #tpu.memory_space<vmem>>
      %dma_wait3A_53 = tpu.memref_squeeze %dma_wait3A_52 : memref<1x1024xf32, #tpu.memory_space<vmem>> -> memref<1024xf32, #tpu.memory_space<vmem>>
      %dma_wait3A_54 = tpu.memref_slice %arg7[%mul3A_50] : memref<5120000xf32, #tpu.memory_space<hbm>> -> memref<1024xf32, #tpu.memory_space<hbm>>
      %dma_wait3A_55 = tpu.memref_slice %arg7[%mul3A_50] : memref<5120000xf32, #tpu.memory_space<hbm>> -> memref<1024xf32, #tpu.memory_space<hbm>>
      %dma_wait3A_56 = arith.constant 0 : i32
      %dma_wait3A_57 = tpu.memref_slice %arg15[%dma_wait3A, %dma_wait3A_56] : memref<2x1024xf32, #tpu.memory_space<vmem>> -> memref<1x1024xf32, #tpu.memory_space<vmem>>
      %dma_wait3A_58 = tpu.memref_squeeze %dma_wait3A_57 : memref<1x1024xf32, #tpu.memory_space<vmem>> -> memref<1024xf32, #tpu.memory_space<vmem>>
      tpu.wait_dma2 semaphore(%arg23 : memref<!tpu.dma_semaphore, #tpu.memory_space<semaphore_mem>>) src(%dma_wait3A_58 : memref<1024xf32, #tpu.memory_space<vmem>>) dst(%dma_wait3A_55 : memref<1024xf32, #tpu.memory_space<hbm>>)
    } else {
    }
    %barrier3A_36 = arith.constant 0 : index
    tpu.barrier barrier_id(%barrier3A_36)
    %eq3A_37 = arith.constant 0 : i32
    %eq3A_38 = arith.cmpi eq, %arg0, %eq3A_37 : i32
    %convert_element_type3A_39 = arith.extui %eq3A_38 : i1 to i32
    %cond3A_40 = arith.constant 0 : i32
    %cond3A_41 = arith.cmpi ne, %convert_element_type3A_39, %cond3A_40 : i32
    scf.if %cond3A_41 {
      %scan3A_47 = arith.constant 0 : i32
      %scan3A_48 = arith.constant 4 : i32
      %scan3A_49 = arith.addi %scan3A_47, %scan3A_48 : i32
      %scan3A_50 = arith.constant 1 : i32
      scf.for %scan3A_61 = %scan3A_47 to %scan3A_49 step %scan3A_50  : i32 {
        %mul3A_62 = arith.constant 1 : i32
        %mul3A_63 = arith.muli %scan3A_61, %mul3A_62 : i32
        %add3A_64 = arith.constant 0 : i32
        %add3A_65 = arith.addi %add3A_64, %mul3A_63 : i32
        %mul3A_66 = arith.constant 624 : i32
        %mul3A_67 = arith.muli %arg1, %mul3A_66 : i32
        %mul3A_68 = arith.constant 128 : i32
        %mul3A_69 = arith.muli %add3A_65, %mul3A_68 : i32
        %add3A_70 = arith.addi %mul3A_67, %mul3A_69 : i32
        "tpu.region"() ({
          %run_scoped3A = tpu.sem_alloc : memref<!tpu.dma_semaphore, #tpu.memory_space<semaphore_mem>>
          %dma_start3A = arith.constant 0 : i32
          %dma_start3A_71 = tpu.memref_slice %arg8[%add3A_70, %dma_start3A] : memref<10000x128xf32, #tpu.memory_space<hbm>> -> memref<128x128xf32, #tpu.memory_space<hbm>>
          %dma_start3A_72 = arith.constant 0 : i32
          %dma_start3A_73 = tpu.memref_slice %arg17[%add3A_70, %dma_start3A_72] : memref<10000x128xf32, #tpu.memory_space<vmem_shared>> -> memref<128x128xf32, #tpu.memory_space<vmem_shared>>
          tpu.enqueue_dma source(%dma_start3A_73 : memref<128x128xf32, #tpu.memory_space<vmem_shared>>) target(%dma_start3A_71 : memref<128x128xf32, #tpu.memory_space<hbm>>) target_semaphore(%run_scoped3A : memref<!tpu.dma_semaphore, #tpu.memory_space<semaphore_mem>>)
          %dma_wait3A = arith.constant 0 : i32
          %dma_wait3A_74 = tpu.memref_slice %arg8[%add3A_70, %dma_wait3A] : memref<10000x128xf32, #tpu.memory_space<hbm>> -> memref<128x128xf32, #tpu.memory_space<hbm>>
          %dma_wait3A_75 = arith.constant 0 : i32
          %dma_wait3A_76 = tpu.memref_slice %arg17[%add3A_70, %dma_wait3A_75] : memref<10000x128xf32, #tpu.memory_space<vmem_shared>> -> memref<128x128xf32, #tpu.memory_space<vmem_shared>>
          tpu.wait_dma2 semaphore(%run_scoped3A : memref<!tpu.dma_semaphore, #tpu.memory_space<semaphore_mem>>) src(%dma_wait3A_76 : memref<128x128xf32, #tpu.memory_space<vmem_shared>>) dst(%dma_wait3A_74 : memref<128x128xf32, #tpu.memory_space<hbm>>)
          tpu.yield
        }) : () -> ()
      }
      %scan3A_51 = arith.constant 4 : i32
      %mul3A_52 = arith.constant 624 : i32
      %mul3A_53 = arith.muli %arg1, %mul3A_52 : i32
      %add3A_54 = arith.constant 512 : i32
      %add3A_55 = arith.addi %mul3A_53, %add3A_54 : i32
      "tpu.region"() ({
        %run_scoped3A = tpu.sem_alloc : memref<!tpu.dma_semaphore, #tpu.memory_space<semaphore_mem>>
        %dma_start3A = arith.constant 0 : i32
        %dma_start3A_61 = tpu.memref_slice %arg8[%add3A_55, %dma_start3A] : memref<10000x128xf32, #tpu.memory_space<hbm>> -> memref<112x128xf32, #tpu.memory_space<hbm>>
        %dma_start3A_62 = arith.constant 0 : i32
        %dma_start3A_63 = tpu.memref_slice %arg17[%add3A_55, %dma_start3A_62] : memref<10000x128xf32, #tpu.memory_space<vmem_shared>> -> memref<112x128xf32, #tpu.memory_space<vmem_shared>>
        tpu.enqueue_dma source(%dma_start3A_63 : memref<112x128xf32, #tpu.memory_space<vmem_shared>>) target(%dma_start3A_61 : memref<112x128xf32, #tpu.memory_space<hbm>>) target_semaphore(%run_scoped3A : memref<!tpu.dma_semaphore, #tpu.memory_space<semaphore_mem>>)
        %dma_wait3A = arith.constant 0 : i32
        %dma_wait3A_64 = tpu.memref_slice %arg8[%add3A_55, %dma_wait3A] : memref<10000x128xf32, #tpu.memory_space<hbm>> -> memref<112x128xf32, #tpu.memory_space<hbm>>
        %dma_wait3A_65 = arith.constant 0 : i32
        %dma_wait3A_66 = tpu.memref_slice %arg17[%add3A_55, %dma_wait3A_65] : memref<10000x128xf32, #tpu.memory_space<vmem_shared>> -> memref<112x128xf32, #tpu.memory_space<vmem_shared>>
        tpu.wait_dma2 semaphore(%run_scoped3A : memref<!tpu.dma_semaphore, #tpu.memory_space<semaphore_mem>>) src(%dma_wait3A_66 : memref<112x128xf32, #tpu.memory_space<vmem_shared>>) dst(%dma_wait3A_64 : memref<112x128xf32, #tpu.memory_space<hbm>>)
        tpu.yield
      }) : () -> ()
      %eq3A_56 = arith.constant 15 : i32
      %eq3A_57 = arith.cmpi eq, %arg1, %eq3A_56 : i32
      %convert_element_type3A_58 = arith.extui %eq3A_57 : i1 to i32
      %cond3A_59 = arith.constant 0 : i32
      %cond3A_60 = arith.cmpi ne, %convert_element_type3A_58, %cond3A_59 : i32
      scf.if %cond3A_60 {
        "tpu.region"() ({
          %run_scoped3A = tpu.sem_alloc : memref<!tpu.dma_semaphore, #tpu.memory_space<semaphore_mem>>
          %dma_start3A = arith.constant 9984 : i32
          %dma_start3A_61 = arith.constant 0 : i32
          %dma_start3A_62 = tpu.memref_slice %arg8[%dma_start3A, %dma_start3A_61] : memref<10000x128xf32, #tpu.memory_space<hbm>> -> memref<16x128xf32, #tpu.memory_space<hbm>>
          %dma_start3A_63 = arith.constant 9984 : i32
          %dma_start3A_64 = arith.constant 0 : i32
          %dma_start3A_65 = tpu.memref_slice %arg17[%dma_start3A_63, %dma_start3A_64] : memref<10000x128xf32, #tpu.memory_space<vmem_shared>> -> memref<16x128xf32, #tpu.memory_space<vmem_shared>>
          tpu.enqueue_dma source(%dma_start3A_65 : memref<16x128xf32, #tpu.memory_space<vmem_shared>>) target(%dma_start3A_62 : memref<16x128xf32, #tpu.memory_space<hbm>>) target_semaphore(%run_scoped3A : memref<!tpu.dma_semaphore, #tpu.memory_space<semaphore_mem>>)
          %dma_wait3A = arith.constant 9984 : i32
          %dma_wait3A_66 = arith.constant 0 : i32
          %dma_wait3A_67 = tpu.memref_slice %arg8[%dma_wait3A, %dma_wait3A_66] : memref<10000x128xf32, #tpu.memory_space<hbm>> -> memref<16x128xf32, #tpu.memory_space<hbm>>
          %dma_wait3A_68 = arith.constant 9984 : i32
          %dma_wait3A_69 = arith.constant 0 : i32
          %dma_wait3A_70 = tpu.memref_slice %arg17[%dma_wait3A_68, %dma_wait3A_69] : memref<10000x128xf32, #tpu.memory_space<vmem_shared>> -> memref<16x128xf32, #tpu.memory_space<vmem_shared>>
          tpu.wait_dma2 semaphore(%run_scoped3A : memref<!tpu.dma_semaphore, #tpu.memory_space<semaphore_mem>>) src(%dma_wait3A_70 : memref<16x128xf32, #tpu.memory_space<vmem_shared>>) dst(%dma_wait3A_67 : memref<16x128xf32, #tpu.memory_space<hbm>>)
          tpu.yield
        }) : () -> ()
      } else {
      }
    } else {
    }
    %eq3A_42 = arith.constant 1 : i32
    %eq3A_43 = arith.cmpi eq, %arg0, %eq3A_42 : i32
    %convert_element_type3A_44 = arith.extui %eq3A_43 : i1 to i32
    %cond3A_45 = arith.constant 0 : i32
    %cond3A_46 = arith.cmpi ne, %convert_element_type3A_44, %cond3A_45 : i32
    scf.if %cond3A_46 {
      %scan3A_47 = arith.constant 0 : i32
      %scan3A_48 = arith.constant 4 : i32
      %scan3A_49 = arith.addi %scan3A_47, %scan3A_48 : i32
      %scan3A_50 = arith.constant 1 : i32
      scf.for %scan3A_61 = %scan3A_47 to %scan3A_49 step %scan3A_50  : i32 {
        %mul3A_62 = arith.constant 1 : i32
        %mul3A_63 = arith.muli %scan3A_61, %mul3A_62 : i32
        %add3A_64 = arith.constant 0 : i32
        %add3A_65 = arith.addi %add3A_64, %mul3A_63 : i32
        %mul3A_66 = arith.constant 624 : i32
        %mul3A_67 = arith.muli %arg1, %mul3A_66 : i32
        %mul3A_68 = arith.constant 128 : i32
        %mul3A_69 = arith.muli %add3A_65, %mul3A_68 : i32
        %add3A_70 = arith.addi %mul3A_67, %mul3A_69 : i32
        "tpu.region"() ({
          %run_scoped3A = tpu.sem_alloc : memref<!tpu.dma_semaphore, #tpu.memory_space<semaphore_mem>>
          %dma_start3A = arith.constant 0 : i32
          %dma_start3A_71 = tpu.memref_slice %arg9[%add3A_70, %dma_start3A] : memref<10000x128xf32, #tpu.memory_space<hbm>> -> memref<128x128xf32, #tpu.memory_space<hbm>>
          %dma_start3A_72 = arith.constant 0 : i32
          %dma_start3A_73 = tpu.memref_slice %arg17[%add3A_70, %dma_start3A_72] : memref<10000x128xf32, #tpu.memory_space<vmem_shared>> -> memref<128x128xf32, #tpu.memory_space<vmem_shared>>
          tpu.enqueue_dma source(%dma_start3A_73 : memref<128x128xf32, #tpu.memory_space<vmem_shared>>) target(%dma_start3A_71 : memref<128x128xf32, #tpu.memory_space<hbm>>) target_semaphore(%run_scoped3A : memref<!tpu.dma_semaphore, #tpu.memory_space<semaphore_mem>>)
          %dma_wait3A = arith.constant 0 : i32
          %dma_wait3A_74 = tpu.memref_slice %arg9[%add3A_70, %dma_wait3A] : memref<10000x128xf32, #tpu.memory_space<hbm>> -> memref<128x128xf32, #tpu.memory_space<hbm>>
          %dma_wait3A_75 = arith.constant 0 : i32
          %dma_wait3A_76 = tpu.memref_slice %arg17[%add3A_70, %dma_wait3A_75] : memref<10000x128xf32, #tpu.memory_space<vmem_shared>> -> memref<128x128xf32, #tpu.memory_space<vmem_shared>>
          tpu.wait_dma2 semaphore(%run_scoped3A : memref<!tpu.dma_semaphore, #tpu.memory_space<semaphore_mem>>) src(%dma_wait3A_76 : memref<128x128xf32, #tpu.memory_space<vmem_shared>>) dst(%dma_wait3A_74 : memref<128x128xf32, #tpu.memory_space<hbm>>)
          tpu.yield
        }) : () -> ()
      }
      %scan3A_51 = arith.constant 4 : i32
      %mul3A_52 = arith.constant 624 : i32
      %mul3A_53 = arith.muli %arg1, %mul3A_52 : i32
      %add3A_54 = arith.constant 512 : i32
      %add3A_55 = arith.addi %mul3A_53, %add3A_54 : i32
      "tpu.region"() ({
        %run_scoped3A = tpu.sem_alloc : memref<!tpu.dma_semaphore, #tpu.memory_space<semaphore_mem>>
        %dma_start3A = arith.constant 0 : i32
        %dma_start3A_61 = tpu.memref_slice %arg9[%add3A_55, %dma_start3A] : memref<10000x128xf32, #tpu.memory_space<hbm>> -> memref<112x128xf32, #tpu.memory_space<hbm>>
        %dma_start3A_62 = arith.constant 0 : i32
        %dma_start3A_63 = tpu.memref_slice %arg17[%add3A_55, %dma_start3A_62] : memref<10000x128xf32, #tpu.memory_space<vmem_shared>> -> memref<112x128xf32, #tpu.memory_space<vmem_shared>>
        tpu.enqueue_dma source(%dma_start3A_63 : memref<112x128xf32, #tpu.memory_space<vmem_shared>>) target(%dma_start3A_61 : memref<112x128xf32, #tpu.memory_space<hbm>>) target_semaphore(%run_scoped3A : memref<!tpu.dma_semaphore, #tpu.memory_space<semaphore_mem>>)
        %dma_wait3A = arith.constant 0 : i32
        %dma_wait3A_64 = tpu.memref_slice %arg9[%add3A_55, %dma_wait3A] : memref<10000x128xf32, #tpu.memory_space<hbm>> -> memref<112x128xf32, #tpu.memory_space<hbm>>
        %dma_wait3A_65 = arith.constant 0 : i32
        %dma_wait3A_66 = tpu.memref_slice %arg17[%add3A_55, %dma_wait3A_65] : memref<10000x128xf32, #tpu.memory_space<vmem_shared>> -> memref<112x128xf32, #tpu.memory_space<vmem_shared>>
        tpu.wait_dma2 semaphore(%run_scoped3A : memref<!tpu.dma_semaphore, #tpu.memory_space<semaphore_mem>>) src(%dma_wait3A_66 : memref<112x128xf32, #tpu.memory_space<vmem_shared>>) dst(%dma_wait3A_64 : memref<112x128xf32, #tpu.memory_space<hbm>>)
        tpu.yield
      }) : () -> ()
      %eq3A_56 = arith.constant 15 : i32
      %eq3A_57 = arith.cmpi eq, %arg1, %eq3A_56 : i32
      %convert_element_type3A_58 = arith.extui %eq3A_57 : i1 to i32
      %cond3A_59 = arith.constant 0 : i32
      %cond3A_60 = arith.cmpi ne, %convert_element_type3A_58, %cond3A_59 : i32
      scf.if %cond3A_60 {
        "tpu.region"() ({
          %run_scoped3A = tpu.sem_alloc : memref<!tpu.dma_semaphore, #tpu.memory_space<semaphore_mem>>
          %dma_start3A = arith.constant 9984 : i32
          %dma_start3A_61 = arith.constant 0 : i32
          %dma_start3A_62 = tpu.memref_slice %arg9[%dma_start3A, %dma_start3A_61] : memref<10000x128xf32, #tpu.memory_space<hbm>> -> memref<16x128xf32, #tpu.memory_space<hbm>>
          %dma_start3A_63 = arith.constant 9984 : i32
          %dma_start3A_64 = arith.constant 0 : i32
          %dma_start3A_65 = tpu.memref_slice %arg17[%dma_start3A_63, %dma_start3A_64] : memref<10000x128xf32, #tpu.memory_space<vmem_shared>> -> memref<16x128xf32, #tpu.memory_space<vmem_shared>>
          tpu.enqueue_dma source(%dma_start3A_65 : memref<16x128xf32, #tpu.memory_space<vmem_shared>>) target(%dma_start3A_62 : memref<16x128xf32, #tpu.memory_space<hbm>>) target_semaphore(%run_scoped3A : memref<!tpu.dma_semaphore, #tpu.memory_space<semaphore_mem>>)
          %dma_wait3A = arith.constant 9984 : i32
          %dma_wait3A_66 = arith.constant 0 : i32
          %dma_wait3A_67 = tpu.memref_slice %arg9[%dma_wait3A, %dma_wait3A_66] : memref<10000x128xf32, #tpu.memory_space<hbm>> -> memref<16x128xf32, #tpu.memory_space<hbm>>
          %dma_wait3A_68 = arith.constant 9984 : i32
          %dma_wait3A_69 = arith.constant 0 : i32
          %dma_wait3A_70 = tpu.memref_slice %arg17[%dma_wait3A_68, %dma_wait3A_69] : memref<10000x128xf32, #tpu.memory_space<vmem_shared>> -> memref<16x128xf32, #tpu.memory_space<vmem_shared>>
          tpu.wait_dma2 semaphore(%run_scoped3A : memref<!tpu.dma_semaphore, #tpu.memory_space<semaphore_mem>>) src(%dma_wait3A_70 : memref<16x128xf32, #tpu.memory_space<vmem_shared>>) dst(%dma_wait3A_67 : memref<16x128xf32, #tpu.memory_space<hbm>>)
          tpu.yield
        }) : () -> ()
      } else {
      }
    } else {
    }
    return
  }
}

module attributes {stable_mosaic.version = 14 : i64} {
  func.func @_tc_proj_body(%arg0: i32, %arg1: memref<2000x128xf32, #tpu.memory_space<vmem>>, %arg2: memref<128x128xf32, #tpu.memory_space<vmem>>, %arg3: memref<128x128xf32, #tpu.memory_space<vmem>>, %arg4: memref<128x128xf32, #tpu.memory_space<vmem>>, %arg5: memref<2000x128xf32, #tpu.memory_space<vmem>>, %arg6: memref<2000x128xf32, #tpu.memory_space<vmem>>, %arg7: memref<2000x128xf32, #tpu.memory_space<vmem>>) attributes {dimension_semantics = [#tpu.dimension_semantics<arbitrary>], iteration_bounds = array<i64: 5>, scalar_prefetch = 0 : i64, scratch_operands = 0 : i64, tpu.core_type = #tpu.core_type<tc>, window_params = [{transform_indices = @transform_0, window_bounds = array<i64: 2000, 128>}, {pipeline_mode = #tpu.pipeline_mode<synchronous>, transform_indices = @transform_1, window_bounds = array<i64: 128, 128>}, {pipeline_mode = #tpu.pipeline_mode<synchronous>, transform_indices = @transform_2, window_bounds = array<i64: 128, 128>}, {pipeline_mode = #tpu.pipeline_mode<synchronous>, transform_indices = @transform_3, window_bounds = array<i64: 128, 128>}, {transform_indices = @transform_4, window_bounds = array<i64: 2000, 128>}, {transform_indices = @transform_5, window_bounds = array<i64: 2000, 128>}, {transform_indices = @transform_6, window_bounds = array<i64: 2000, 128>}]} {
    %get3A = arith.constant 0 : index
    %get3A_0 = arith.constant 0 : index
    %get3A_1 = vector.load %arg1[%get3A, %get3A_0] : memref<2000x128xf32, #tpu.memory_space<vmem>>, vector<2000x128xf32>
    %get3A_2 = arith.constant 0 : index
    %get3A_3 = arith.constant 0 : index
    %get3A_4 = vector.load %arg2[%get3A_2, %get3A_3] : memref<128x128xf32, #tpu.memory_space<vmem>>, vector<128x128xf32>
    %dot_general3A = arith.constant dense<0.000000e+00> : vector<2000x128xf32>
    %dot_general3A_5 = tpu.matmul %get3A_1, %get3A_4, %dot_general3A {dimension_numbers = #tpu.dot_dimension_numbers<[1], [0], [0], [1], [0, 0, 1, 1], [], []>, transpose_lhs_hint = false} : vector<2000x128xf32>, vector<128x128xf32>, vector<2000x128xf32> -> vector<2000x128xf32>
    %swap3A = arith.constant 0 : index
    %swap3A_6 = arith.constant 0 : index
    %swap3A_7 = vector.load %arg5[%swap3A, %swap3A_6] : memref<2000x128xf32, #tpu.memory_space<vmem>>, vector<2000x128xf32>
    tpu.vector_store %arg5[%swap3A, %swap3A_6], %dot_general3A_5 {strides = array<i32>} : memref<2000x128xf32, #tpu.memory_space<vmem>>, vector<2000x128xf32>,
    %get3A_8 = arith.constant 0 : index
    %get3A_9 = arith.constant 0 : index
    %get3A_10 = vector.load %arg3[%get3A_8, %get3A_9] : memref<128x128xf32, #tpu.memory_space<vmem>>, vector<128x128xf32>
    %dot_general3A_11 = arith.constant dense<0.000000e+00> : vector<2000x128xf32>
    %dot_general3A_12 = tpu.matmul %get3A_1, %get3A_10, %dot_general3A_11 {dimension_numbers = #tpu.dot_dimension_numbers<[1], [0], [0], [1], [0, 0, 1, 1], [], []>, transpose_lhs_hint = false} : vector<2000x128xf32>, vector<128x128xf32>, vector<2000x128xf32> -> vector<2000x128xf32>
    %swap3A_13 = arith.constant 0 : index
    %swap3A_14 = arith.constant 0 : index
    %swap3A_15 = vector.load %arg6[%swap3A_13, %swap3A_14] : memref<2000x128xf32, #tpu.memory_space<vmem>>, vector<2000x128xf32>
    tpu.vector_store %arg6[%swap3A_13, %swap3A_14], %dot_general3A_12 {strides = array<i32>} : memref<2000x128xf32, #tpu.memory_space<vmem>>, vector<2000x128xf32>,
    %get3A_16 = arith.constant 0 : index
    %get3A_17 = arith.constant 0 : index
    %get3A_18 = vector.load %arg4[%get3A_16, %get3A_17] : memref<128x128xf32, #tpu.memory_space<vmem>>, vector<128x128xf32>
    %dot_general3A_19 = arith.constant dense<0.000000e+00> : vector<2000x128xf32>
    %dot_general3A_20 = tpu.matmul %get3A_1, %get3A_18, %dot_general3A_19 {dimension_numbers = #tpu.dot_dimension_numbers<[1], [0], [0], [1], [0, 0, 1, 1], [], []>, transpose_lhs_hint = false} : vector<2000x128xf32>, vector<128x128xf32>, vector<2000x128xf32> -> vector<2000x128xf32>
    %swap3A_21 = arith.constant 0 : index
    %swap3A_22 = arith.constant 0 : index
    %swap3A_23 = vector.load %arg7[%swap3A_21, %swap3A_22] : memref<2000x128xf32, #tpu.memory_space<vmem>>, vector<2000x128xf32>
    tpu.vector_store %arg7[%swap3A_21, %swap3A_22], %dot_general3A_20 {strides = array<i32>} : memref<2000x128xf32, #tpu.memory_space<vmem>>, vector<2000x128xf32>,
    return
  }
  func.func @transform_0(%arg0: i32) -> (i32, i32) {
    %c0_i32 = arith.constant 0 : i32
    %c0_i32_0 = arith.constant 0 : i32
    return %arg0, %c0_i32 : i32, i32
  }
  func.func @transform_1(%arg0: i32) -> (i32, i32) {
    %c0_i32 = arith.constant 0 : i32
    %c0_i32_0 = arith.constant 0 : i32
    %c0_i32_1 = arith.constant 0 : i32
    return %c0_i32, %c0_i32_0 : i32, i32
  }
  func.func @transform_2(%arg0: i32) -> (i32, i32) {
    %c0_i32 = arith.constant 0 : i32
    %c0_i32_0 = arith.constant 0 : i32
    %c0_i32_1 = arith.constant 0 : i32
    return %c0_i32, %c0_i32_0 : i32, i32
  }
  func.func @transform_3(%arg0: i32) -> (i32, i32) {
    %c0_i32 = arith.constant 0 : i32
    %c0_i32_0 = arith.constant 0 : i32
    %c0_i32_1 = arith.constant 0 : i32
    return %c0_i32, %c0_i32_0 : i32, i32
  }
  func.func @transform_4(%arg0: i32) -> (i32, i32) {
    %c0_i32 = arith.constant 0 : i32
    %c0_i32_0 = arith.constant 0 : i32
    return %arg0, %c0_i32 : i32, i32
  }
  func.func @transform_5(%arg0: i32) -> (i32, i32) {
    %c0_i32 = arith.constant 0 : i32
    %c0_i32_0 = arith.constant 0 : i32
    return %arg0, %c0_i32 : i32, i32
  }
  func.func @transform_6(%arg0: i32) -> (i32, i32) {
    %c0_i32 = arith.constant 0 : i32
    %c0_i32_0 = arith.constant 0 : i32
    return %arg0, %c0_i32 : i32, i32
  }
}

module attributes {stable_mosaic.version = 14 : i64} {
  func.func @_tc_ewp_body(%arg0: i32, %arg1: memref<1000x8x128xf32, #tpu.memory_space<vmem>>, %arg2: memref<128x16xf32, #tpu.memory_space<vmem>>, %arg3: memref<1000x128xf32, #tpu.memory_space<vmem>>) attributes {dimension_semantics = [#tpu.dimension_semantics<arbitrary>], iteration_bounds = array<i64: 40>, scalar_prefetch = 0 : i64, scratch_operands = 0 : i64, tpu.core_type = #tpu.core_type<tc>, window_params = [{transform_indices = @transform_0, window_bounds = array<i64: 1000, 8, 128>}, {pipeline_mode = #tpu.pipeline_mode<synchronous>, transform_indices = @transform_1, window_bounds = array<i64: 128, 16>}, {transform_indices = @transform_2, window_bounds = array<i64: 1000, 128>}]} {
    %get3A = arith.constant 0 : index
    %get3A_0 = arith.constant 0 : index
    %get3A_1 = arith.constant 0 : index
    %get3A_2 = vector.load %arg1[%get3A, %get3A_0, %get3A_1] : memref<1000x8x128xf32, #tpu.memory_space<vmem>>, vector<1000x1x128xf32>
    %get3A_3 = vector.shape_cast %get3A_2 : vector<1000x1x128xf32> to vector<1000x128xf32>
    %get3A_4 = arith.constant 0 : index
    %get3A_5 = arith.constant 0 : index
    %get3A_6 = vector.load %arg2[%get3A_4, %get3A_5] : memref<128x16xf32, #tpu.memory_space<vmem>>, vector<128x16xf32>
    %dot_general3A = arith.constant dense<0.000000e+00> : vector<1000x16xf32>
    %dot_general3A_7 = tpu.matmul %get3A_3, %get3A_6, %dot_general3A {dimension_numbers = #tpu.dot_dimension_numbers<[1], [0], [0], [1], [0, 0, 1, 1], [], []>, transpose_lhs_hint = false} : vector<1000x128xf32>, vector<128x16xf32>, vector<1000x16xf32> -> vector<1000x16xf32>
    %get3A_8 = arith.constant 0 : index
    %get3A_9 = arith.constant 1 : index
    %get3A_10 = arith.constant 0 : index
    %get3A_11 = vector.load %arg1[%get3A_8, %get3A_9, %get3A_10] : memref<1000x8x128xf32, #tpu.memory_space<vmem>>, vector<1000x1x128xf32>
    %get3A_12 = vector.shape_cast %get3A_11 : vector<1000x1x128xf32> to vector<1000x128xf32>
    %get3A_13 = arith.constant 0 : index
    %get3A_14 = arith.constant 0 : index
    %get3A_15 = vector.load %arg2[%get3A_13, %get3A_14] : memref<128x16xf32, #tpu.memory_space<vmem>>, vector<128x16xf32>
    %dot_general3A_16 = arith.constant dense<0.000000e+00> : vector<1000x16xf32>
    %dot_general3A_17 = tpu.matmul %get3A_12, %get3A_15, %dot_general3A_16 {dimension_numbers = #tpu.dot_dimension_numbers<[1], [0], [0], [1], [0, 0, 1, 1], [], []>, transpose_lhs_hint = false} : vector<1000x128xf32>, vector<128x16xf32>, vector<1000x16xf32> -> vector<1000x16xf32>
    %get3A_18 = arith.constant 0 : index
    %get3A_19 = arith.constant 2 : index
    %get3A_20 = arith.constant 0 : index
    %get3A_21 = vector.load %arg1[%get3A_18, %get3A_19, %get3A_20] : memref<1000x8x128xf32, #tpu.memory_space<vmem>>, vector<1000x1x128xf32>
    %get3A_22 = vector.shape_cast %get3A_21 : vector<1000x1x128xf32> to vector<1000x128xf32>
    %get3A_23 = arith.constant 0 : index
    %get3A_24 = arith.constant 0 : index
    %get3A_25 = vector.load %arg2[%get3A_23, %get3A_24] : memref<128x16xf32, #tpu.memory_space<vmem>>, vector<128x16xf32>
    %dot_general3A_26 = arith.constant dense<0.000000e+00> : vector<1000x16xf32>
    %dot_general3A_27 = tpu.matmul %get3A_22, %get3A_25, %dot_general3A_26 {dimension_numbers = #tpu.dot_dimension_numbers<[1], [0], [0], [1], [0, 0, 1, 1], [], []>, transpose_lhs_hint = false} : vector<1000x128xf32>, vector<128x16xf32>, vector<1000x16xf32> -> vector<1000x16xf32>
    %get3A_28 = arith.constant 0 : index
    %get3A_29 = arith.constant 3 : index
    %get3A_30 = arith.constant 0 : index
    %get3A_31 = vector.load %arg1[%get3A_28, %get3A_29, %get3A_30] : memref<1000x8x128xf32, #tpu.memory_space<vmem>>, vector<1000x1x128xf32>
    %get3A_32 = vector.shape_cast %get3A_31 : vector<1000x1x128xf32> to vector<1000x128xf32>
    %get3A_33 = arith.constant 0 : index
    %get3A_34 = arith.constant 0 : index
    %get3A_35 = vector.load %arg2[%get3A_33, %get3A_34] : memref<128x16xf32, #tpu.memory_space<vmem>>, vector<128x16xf32>
    %dot_general3A_36 = arith.constant dense<0.000000e+00> : vector<1000x16xf32>
    %dot_general3A_37 = tpu.matmul %get3A_32, %get3A_35, %dot_general3A_36 {dimension_numbers = #tpu.dot_dimension_numbers<[1], [0], [0], [1], [0, 0, 1, 1], [], []>, transpose_lhs_hint = false} : vector<1000x128xf32>, vector<128x16xf32>, vector<1000x16xf32> -> vector<1000x16xf32>
    %get3A_38 = arith.constant 0 : index
    %get3A_39 = arith.constant 4 : index
    %get3A_40 = arith.constant 0 : index
    %get3A_41 = vector.load %arg1[%get3A_38, %get3A_39, %get3A_40] : memref<1000x8x128xf32, #tpu.memory_space<vmem>>, vector<1000x1x128xf32>
    %get3A_42 = vector.shape_cast %get3A_41 : vector<1000x1x128xf32> to vector<1000x128xf32>
    %get3A_43 = arith.constant 0 : index
    %get3A_44 = arith.constant 0 : index
    %get3A_45 = vector.load %arg2[%get3A_43, %get3A_44] : memref<128x16xf32, #tpu.memory_space<vmem>>, vector<128x16xf32>
    %dot_general3A_46 = arith.constant dense<0.000000e+00> : vector<1000x16xf32>
    %dot_general3A_47 = tpu.matmul %get3A_42, %get3A_45, %dot_general3A_46 {dimension_numbers = #tpu.dot_dimension_numbers<[1], [0], [0], [1], [0, 0, 1, 1], [], []>, transpose_lhs_hint = false} : vector<1000x128xf32>, vector<128x16xf32>, vector<1000x16xf32> -> vector<1000x16xf32>
    %get3A_48 = arith.constant 0 : index
    %get3A_49 = arith.constant 5 : index
    %get3A_50 = arith.constant 0 : index
    %get3A_51 = vector.load %arg1[%get3A_48, %get3A_49, %get3A_50] : memref<1000x8x128xf32, #tpu.memory_space<vmem>>, vector<1000x1x128xf32>
    %get3A_52 = vector.shape_cast %get3A_51 : vector<1000x1x128xf32> to vector<1000x128xf32>
    %get3A_53 = arith.constant 0 : index
    %get3A_54 = arith.constant 0 : index
    %get3A_55 = vector.load %arg2[%get3A_53, %get3A_54] : memref<128x16xf32, #tpu.memory_space<vmem>>, vector<128x16xf32>
    %dot_general3A_56 = arith.constant dense<0.000000e+00> : vector<1000x16xf32>
    %dot_general3A_57 = tpu.matmul %get3A_52, %get3A_55, %dot_general3A_56 {dimension_numbers = #tpu.dot_dimension_numbers<[1], [0], [0], [1], [0, 0, 1, 1], [], []>, transpose_lhs_hint = false} : vector<1000x128xf32>, vector<128x16xf32>, vector<1000x16xf32> -> vector<1000x16xf32>
    %get3A_58 = arith.constant 0 : index
    %get3A_59 = arith.constant 6 : index
    %get3A_60 = arith.constant 0 : index
    %get3A_61 = vector.load %arg1[%get3A_58, %get3A_59, %get3A_60] : memref<1000x8x128xf32, #tpu.memory_space<vmem>>, vector<1000x1x128xf32>
    %get3A_62 = vector.shape_cast %get3A_61 : vector<1000x1x128xf32> to vector<1000x128xf32>
    %get3A_63 = arith.constant 0 : index
    %get3A_64 = arith.constant 0 : index
    %get3A_65 = vector.load %arg2[%get3A_63, %get3A_64] : memref<128x16xf32, #tpu.memory_space<vmem>>, vector<128x16xf32>
    %dot_general3A_66 = arith.constant dense<0.000000e+00> : vector<1000x16xf32>
    %dot_general3A_67 = tpu.matmul %get3A_62, %get3A_65, %dot_general3A_66 {dimension_numbers = #tpu.dot_dimension_numbers<[1], [0], [0], [1], [0, 0, 1, 1], [], []>, transpose_lhs_hint = false} : vector<1000x128xf32>, vector<128x16xf32>, vector<1000x16xf32> -> vector<1000x16xf32>
    %get3A_68 = arith.constant 0 : index
    %get3A_69 = arith.constant 7 : index
    %get3A_70 = arith.constant 0 : index
    %get3A_71 = vector.load %arg1[%get3A_68, %get3A_69, %get3A_70] : memref<1000x8x128xf32, #tpu.memory_space<vmem>>, vector<1000x1x128xf32>
    %get3A_72 = vector.shape_cast %get3A_71 : vector<1000x1x128xf32> to vector<1000x128xf32>
    %get3A_73 = arith.constant 0 : index
    %get3A_74 = arith.constant 0 : index
    %get3A_75 = vector.load %arg2[%get3A_73, %get3A_74] : memref<128x16xf32, #tpu.memory_space<vmem>>, vector<128x16xf32>
    %dot_general3A_76 = arith.constant dense<0.000000e+00> : vector<1000x16xf32>
    %dot_general3A_77 = tpu.matmul %get3A_72, %get3A_75, %dot_general3A_76 {dimension_numbers = #tpu.dot_dimension_numbers<[1], [0], [0], [1], [0, 0, 1, 1], [], []>, transpose_lhs_hint = false} : vector<1000x128xf32>, vector<128x16xf32>, vector<1000x16xf32> -> vector<1000x16xf32>
    %concatenate3A = tpu.concatenate %dot_general3A_7, %dot_general3A_17, %dot_general3A_27, %dot_general3A_37, %dot_general3A_47, %dot_general3A_57, %dot_general3A_67, %dot_general3A_77 in 1 : vector<1000x16xf32>, vector<1000x16xf32>, vector<1000x16xf32>, vector<1000x16xf32>, vector<1000x16xf32>, vector<1000x16xf32>, vector<1000x16xf32>, vector<1000x16xf32> -> vector<1000x128xf32>
    %swap3A = arith.constant 0 : index
    %swap3A_78 = arith.constant 0 : index
    %swap3A_79 = vector.load %arg3[%swap3A, %swap3A_78] : memref<1000x128xf32, #tpu.memory_space<vmem>>, vector<1000x128xf32>
    tpu.vector_store %arg3[%swap3A, %swap3A_78], %concatenate3A {strides = array<i32>} : memref<1000x128xf32, #tpu.memory_space<vmem>>, vector<1000x128xf32>,
    return
  }
  func.func @transform_0(%arg0: i32) -> (i32, i32, i32) {
    %c0_i32 = arith.constant 0 : i32
    %c0_i32_0 = arith.constant 0 : i32
    %c0_i32_1 = arith.constant 0 : i32
    return %arg0, %c0_i32, %c0_i32_0 : i32, i32, i32
  }
  func.func @transform_1(%arg0: i32) -> (i32, i32) {
    %c0_i32 = arith.constant 0 : i32
    %c0_i32_0 = arith.constant 0 : i32
    %c0_i32_1 = arith.constant 0 : i32
    return %c0_i32, %c0_i32_0 : i32, i32
  }
  func.func @transform_2(%arg0: i32) -> (i32, i32) {
    %c0_i32 = arith.constant 0 : i32
    %c0_i32_0 = arith.constant 0 : i32
    return %arg0, %c0_i32 : i32, i32
  }
}

module attributes {stable_mosaic.version = 14 : i64} {
  func.func @_tc_node_body(%arg0: i32, %arg1: memref<2000x128xf32, #tpu.memory_space<vmem>>, %arg2: memref<2000x128xf32, #tpu.memory_space<vmem>>, %arg3: memref<2000x128xf32, #tpu.memory_space<vmem>>, %arg4: memref<2000x128xf32, #tpu.memory_space<vmem>>, %arg5: memref<128x128xf32, #tpu.memory_space<vmem>>, %arg6: memref<2000x128xf32, #tpu.memory_space<vmem>>, %arg7: memref<128x128xf32, #tpu.memory_space<vmem>>, %arg8: memref<128xf32, #tpu.memory_space<vmem>>, %arg9: memref<128xf32, #tpu.memory_space<vmem>>, %arg10: memref<128xf32, #tpu.memory_space<vmem>>, %arg11: memref<128x128xf32, #tpu.memory_space<vmem>>, %arg12: memref<128x128xf32, #tpu.memory_space<vmem>>, %arg13: memref<128xf32, #tpu.memory_space<vmem>>, %arg14: memref<128x256xf32, #tpu.memory_space<vmem>>, %arg15: memref<256xf32, #tpu.memory_space<vmem>>, %arg16: memref<256x128xf32, #tpu.memory_space<vmem>>, %arg17: memref<128xf32, #tpu.memory_space<vmem>>, %arg18: memref<128xf32, #tpu.memory_space<vmem>>, %arg19: memref<128xf32, #tpu.memory_space<vmem>>, %arg20: memref<2000x128xf32, #tpu.memory_space<vmem>>, %arg21: memref<2000x128xf32, #tpu.memory_space<vmem>>, %arg22: memref<2000x128xf32, #tpu.memory_space<vmem>>) attributes {dimension_semantics = [#tpu.dimension_semantics<arbitrary>], iteration_bounds = array<i64: 5>, scalar_prefetch = 0 : i64, scratch_operands = 0 : i64, tpu.core_type = #tpu.core_type<tc>, window_params = [{transform_indices = @transform_0, window_bounds = array<i64: 2000, 128>}, {transform_indices = @transform_1, window_bounds = array<i64: 2000, 128>}, {transform_indices = @transform_2, window_bounds = array<i64: 2000, 128>}, {transform_indices = @transform_3, window_bounds = array<i64: 2000, 128>}, {pipeline_mode = #tpu.pipeline_mode<synchronous>, transform_indices = @transform_4, window_bounds = array<i64: 128, 128>}, {transform_indices = @transform_5, window_bounds = array<i64: 2000, 128>}, {pipeline_mode = #tpu.pipeline_mode<synchronous>, transform_indices = @transform_6, window_bounds = array<i64: 128, 128>}, {pipeline_mode = #tpu.pipeline_mode<synchronous>, transform_indices = @transform_7, window_bounds = array<i64: 128>}, {pipeline_mode = #tpu.pipeline_mode<synchronous>, transform_indices = @transform_8, window_bounds = array<i64: 128>}, {pipeline_mode = #tpu.pipeline_mode<synchronous>, transform_indices = @transform_9, window_bounds = array<i64: 128>}, {pipeline_mode = #tpu.pipeline_mode<synchronous>, transform_indices = @transform_10, window_bounds = array<i64: 128, 128>}, {pipeline_mode = #tpu.pipeline_mode<synchronous>, transform_indices = @transform_11, window_bounds = array<i64: 128, 128>}, {pipeline_mode = #tpu.pipeline_mode<synchronous>, transform_indices = @transform_12, window_bounds = array<i64: 128>}, {pipeline_mode = #tpu.pipeline_mode<synchronous>, transform_indices = @transform_13, window_bounds = array<i64: 128, 256>}, {pipeline_mode = #tpu.pipeline_mode<synchronous>, transform_indices = @transform_14, window_bounds = array<i64: 256>}, {pipeline_mode = #tpu.pipeline_mode<synchronous>, transform_indices = @transform_15, window_bounds = array<i64: 256, 128>}, {pipeline_mode = #tpu.pipeline_mode<synchronous>, transform_indices = @transform_16, window_bounds = array<i64: 128>}, {pipeline_mode = #tpu.pipeline_mode<synchronous>, transform_indices = @transform_17, window_bounds = array<i64: 128>}, {pipeline_mode = #tpu.pipeline_mode<synchronous>, transform_indices = @transform_18, window_bounds = array<i64: 128>}, {transform_indices = @transform_19, window_bounds = array<i64: 2000, 128>}, {transform_indices = @transform_20, window_bounds = array<i64: 2000, 128>}, {transform_indices = @transform_21, window_bounds = array<i64: 2000, 128>}]} {
    %get3A = arith.constant 0 : index
    %get3A_0 = arith.constant 0 : index
    %get3A_1 = vector.load %arg3[%get3A, %get3A_0] : memref<2000x128xf32, #tpu.memory_space<vmem>>, vector<2000x128xf32>
    %get3A_2 = arith.constant 0 : index
    %get3A_3 = arith.constant 0 : index
    %get3A_4 = vector.load %arg4[%get3A_2, %get3A_3] : memref<2000x128xf32, #tpu.memory_space<vmem>>, vector<2000x128xf32>
    %add3A = arith.addf %get3A_1, %get3A_4 : vector<2000x128xf32>
    %get3A_5 = arith.constant 0 : index
    %get3A_6 = arith.constant 0 : index
    %get3A_7 = vector.load %arg5[%get3A_5, %get3A_6] : memref<128x128xf32, #tpu.memory_space<vmem>>, vector<128x128xf32>
    %dot_general3A = arith.constant dense<0.000000e+00> : vector<2000x128xf32>
    %dot_general3A_8 = tpu.matmul %add3A, %get3A_7, %dot_general3A {dimension_numbers = #tpu.dot_dimension_numbers<[1], [0], [0], [1], [0, 0, 1, 1], [], []>, transpose_lhs_hint = false} : vector<2000x128xf32>, vector<128x128xf32>, vector<2000x128xf32> -> vector<2000x128xf32>
    %add3A_9 = arith.constant 9.99999971E-10 : f32
    %add3A_10 = vector.broadcast %add3A_9 : f32 to vector<2000x128xf32>
    %add3A_11 = arith.addf %dot_general3A_8, %add3A_10 : vector<2000x128xf32>
    %get3A_12 = arith.constant 0 : index
    %get3A_13 = arith.constant 0 : index
    %get3A_14 = vector.load %arg1[%get3A_12, %get3A_13] : memref<2000x128xf32, #tpu.memory_space<vmem>>, vector<2000x128xf32>
    %get3A_15 = arith.constant 0 : index
    %get3A_16 = arith.constant 0 : index
    %get3A_17 = vector.load %arg2[%get3A_15, %get3A_16] : memref<2000x128xf32, #tpu.memory_space<vmem>>, vector<2000x128xf32>
    %add3A_18 = arith.addf %get3A_14, %get3A_17 : vector<2000x128xf32>
    %div3A = arith.divf %add3A_18, %add3A_11 : vector<2000x128xf32>
    %get3A_19 = arith.constant 0 : index
    %get3A_20 = arith.constant 0 : index
    %get3A_21 = vector.load %arg7[%get3A_19, %get3A_20] : memref<128x128xf32, #tpu.memory_space<vmem>>, vector<128x128xf32>
    %dot_general3A_22 = arith.constant dense<0.000000e+00> : vector<2000x128xf32>
    %dot_general3A_23 = tpu.matmul %div3A, %get3A_21, %dot_general3A_22 {dimension_numbers = #tpu.dot_dimension_numbers<[1], [0], [0], [1], [0, 0, 1, 1], [], []>, transpose_lhs_hint = false} : vector<2000x128xf32>, vector<128x128xf32>, vector<2000x128xf32> -> vector<2000x128xf32>
    %get3A_24 = arith.constant 0 : index
    %get3A_25 = vector.load %arg8[%get3A_24] : memref<128xf32, #tpu.memory_space<vmem>>, vector<128xf32>
    %broadcast_in_dim3A = vector.shape_cast %get3A_25 : vector<128xf32> to vector<1x128xf32>
    %add3A_26 = vector.broadcast %broadcast_in_dim3A : vector<1x128xf32> to vector<2000x128xf32>
    %add3A_27 = arith.addf %dot_general3A_23, %add3A_26 : vector<2000x128xf32>
    %get3A_28 = arith.constant 0 : index
    %get3A_29 = arith.constant 0 : index
    %get3A_30 = vector.load %arg6[%get3A_28, %get3A_29] : memref<2000x128xf32, #tpu.memory_space<vmem>>, vector<2000x128xf32>
    %add3A_31 = arith.addf %get3A_30, %add3A_27 : vector<2000x128xf32>
    %get3A_32 = arith.constant 0 : index
    %get3A_33 = vector.load %arg9[%get3A_32] : memref<128xf32, #tpu.memory_space<vmem>>, vector<128xf32>
    %get3A_34 = arith.constant 0 : index
    %get3A_35 = vector.load %arg10[%get3A_34] : memref<128xf32, #tpu.memory_space<vmem>>, vector<128xf32>
    %reduce_sum3A = arith.constant dense<0.000000e+00> : vector<2000xf32>
    %reduce_sum3A_36 = vector.multi_reduction <add>, %add3A_31, %reduce_sum3A [1] : vector<2000x128xf32> to vector<2000xf32>
    %broadcast_in_dim3A_37 = vector.shape_cast %reduce_sum3A_36 : vector<2000xf32> to vector<2000x1xf32>
    %div3A_38 = arith.constant 1.280000e+02 : f32
    %div3A_39 = vector.broadcast %div3A_38 : f32 to vector<2000x1xf32>
    %div3A_40 = arith.divf %broadcast_in_dim3A_37, %div3A_39 : vector<2000x1xf32>
    %sub3A = vector.broadcast %div3A_40 : vector<2000x1xf32> to vector<2000x128xf32>
    %sub3A_41 = arith.subf %add3A_31, %sub3A : vector<2000x128xf32>
    %sub3A_42 = vector.broadcast %div3A_40 : vector<2000x1xf32> to vector<2000x128xf32>
    %sub3A_43 = arith.subf %add3A_31, %sub3A_42 : vector<2000x128xf32>
    %mul3A = arith.mulf %sub3A_41, %sub3A_43 : vector<2000x128xf32>
    %reduce_sum3A_44 = arith.constant dense<0.000000e+00> : vector<2000xf32>
    %reduce_sum3A_45 = vector.multi_reduction <add>, %mul3A, %reduce_sum3A_44 [1] : vector<2000x128xf32> to vector<2000xf32>
    %broadcast_in_dim3A_46 = vector.shape_cast %reduce_sum3A_45 : vector<2000xf32> to vector<2000x1xf32>
    %div3A_47 = arith.constant 1.280000e+02 : f32
    %div3A_48 = vector.broadcast %div3A_47 : f32 to vector<2000x1xf32>
    %div3A_49 = arith.divf %broadcast_in_dim3A_46, %div3A_48 : vector<2000x1xf32>
    %sub3A_50 = vector.broadcast %div3A_40 : vector<2000x1xf32> to vector<2000x128xf32>
    %sub3A_51 = arith.subf %add3A_31, %sub3A_50 : vector<2000x128xf32>
    %add3A_52 = arith.constant 9.99999974E-6 : f32
    %add3A_53 = vector.broadcast %add3A_52 : f32 to vector<2000x1xf32>
    %add3A_54 = arith.addf %div3A_49, %add3A_53 : vector<2000x1xf32>
    %sqrt3A = math.sqrt %add3A_54 : vector<2000x1xf32>
    %div3A_55 = vector.broadcast %sqrt3A : vector<2000x1xf32> to vector<2000x128xf32>
    %div3A_56 = arith.divf %sub3A_51, %div3A_55 : vector<2000x128xf32>
    %broadcast_in_dim3A_57 = vector.shape_cast %get3A_33 : vector<128xf32> to vector<1x128xf32>
    %mul3A_58 = vector.broadcast %broadcast_in_dim3A_57 : vector<1x128xf32> to vector<2000x128xf32>
    %mul3A_59 = arith.mulf %div3A_56, %mul3A_58 : vector<2000x128xf32>
    %broadcast_in_dim3A_60 = vector.shape_cast %get3A_35 : vector<128xf32> to vector<1x128xf32>
    %add3A_61 = vector.broadcast %broadcast_in_dim3A_60 : vector<1x128xf32> to vector<2000x128xf32>
    %add3A_62 = arith.addf %mul3A_59, %add3A_61 : vector<2000x128xf32>
    %get3A_63 = arith.constant 0 : index
    %get3A_64 = arith.constant 0 : index
    %get3A_65 = vector.load %arg11[%get3A_63, %get3A_64] : memref<128x128xf32, #tpu.memory_space<vmem>>, vector<128x128xf32>
    %dot_general3A_66 = arith.constant dense<0.000000e+00> : vector<2000x128xf32>
    %dot_general3A_67 = tpu.matmul %add3A_62, %get3A_65, %dot_general3A_66 {dimension_numbers = #tpu.dot_dimension_numbers<[1], [0], [0], [1], [0, 0, 1, 1], [], []>, transpose_lhs_hint = false} : vector<2000x128xf32>, vector<128x128xf32>, vector<2000x128xf32> -> vector<2000x128xf32>
    %swap3A = arith.constant 0 : index
    %swap3A_68 = arith.constant 0 : index
    %swap3A_69 = vector.load %arg21[%swap3A, %swap3A_68] : memref<2000x128xf32, #tpu.memory_space<vmem>>, vector<2000x128xf32>
    tpu.vector_store %arg21[%swap3A, %swap3A_68], %dot_general3A_67 {strides = array<i32>} : memref<2000x128xf32, #tpu.memory_space<vmem>>, vector<2000x128xf32>,
    %get3A_70 = arith.constant 0 : index
    %get3A_71 = arith.constant 0 : index
    %get3A_72 = vector.load %arg12[%get3A_70, %get3A_71] : memref<128x128xf32, #tpu.memory_space<vmem>>, vector<128x128xf32>
    %dot_general3A_73 = arith.constant dense<0.000000e+00> : vector<2000x128xf32>
    %dot_general3A_74 = tpu.matmul %add3A_62, %get3A_72, %dot_general3A_73 {dimension_numbers = #tpu.dot_dimension_numbers<[1], [0], [0], [1], [0, 0, 1, 1], [], []>, transpose_lhs_hint = false} : vector<2000x128xf32>, vector<128x128xf32>, vector<2000x128xf32> -> vector<2000x128xf32>
    %get3A_75 = arith.constant 0 : index
    %get3A_76 = vector.load %arg13[%get3A_75] : memref<128xf32, #tpu.memory_space<vmem>>, vector<128xf32>
    %broadcast_in_dim3A_77 = vector.shape_cast %get3A_76 : vector<128xf32> to vector<1x128xf32>
    %add3A_78 = vector.broadcast %broadcast_in_dim3A_77 : vector<1x128xf32> to vector<2000x128xf32>
    %add3A_79 = arith.addf %dot_general3A_74, %add3A_78 : vector<2000x128xf32>
    %swap3A_80 = arith.constant 0 : index
    %swap3A_81 = arith.constant 0 : index
    %swap3A_82 = vector.load %arg22[%swap3A_80, %swap3A_81] : memref<2000x128xf32, #tpu.memory_space<vmem>>, vector<2000x128xf32>
    tpu.vector_store %arg22[%swap3A_80, %swap3A_81], %add3A_79 {strides = array<i32>} : memref<2000x128xf32, #tpu.memory_space<vmem>>, vector<2000x128xf32>,
    %get3A_83 = arith.constant 0 : index
    %get3A_84 = arith.constant 0 : index
    %get3A_85 = vector.load %arg14[%get3A_83, %get3A_84] : memref<128x256xf32, #tpu.memory_space<vmem>>, vector<128x256xf32>
    %dot_general3A_86 = arith.constant dense<0.000000e+00> : vector<2000x256xf32>
    %dot_general3A_87 = tpu.matmul %add3A_62, %get3A_85, %dot_general3A_86 {dimension_numbers = #tpu.dot_dimension_numbers<[1], [0], [0], [1], [0, 0, 1, 1], [], []>, transpose_lhs_hint = false} : vector<2000x128xf32>, vector<128x256xf32>, vector<2000x256xf32> -> vector<2000x256xf32>
    %get3A_88 = arith.constant 0 : index
    %get3A_89 = vector.load %arg15[%get3A_88] : memref<256xf32, #tpu.memory_space<vmem>>, vector<256xf32>
    %broadcast_in_dim3A_90 = vector.shape_cast %get3A_89 : vector<256xf32> to vector<1x256xf32>
    %add3A_91 = vector.broadcast %broadcast_in_dim3A_90 : vector<1x256xf32> to vector<2000x256xf32>
    %add3A_92 = arith.addf %dot_general3A_87, %add3A_91 : vector<2000x256xf32>
    %mul3A_93 = arith.constant 5.000000e-01 : f32
    %mul3A_94 = vector.broadcast %mul3A_93 : f32 to vector<2000x256xf32>
    %mul3A_95 = arith.mulf %mul3A_94, %add3A_92 : vector<2000x256xf32>
    %mul3A_96 = arith.constant 0.707106769 : f32
    %mul3A_97 = vector.broadcast %mul3A_96 : f32 to vector<2000x256xf32>
    %mul3A_98 = arith.mulf %add3A_92, %mul3A_97 : vector<2000x256xf32>
    %erf3A = math.erf %mul3A_98 : vector<2000x256xf32>
    %add3A_99 = arith.constant 1.000000e+00 : f32
    %add3A_100 = vector.broadcast %add3A_99 : f32 to vector<2000x256xf32>
    %add3A_101 = arith.addf %add3A_100, %erf3A : vector<2000x256xf32>
    %mul3A_102 = arith.mulf %mul3A_95, %add3A_101 : vector<2000x256xf32>
    %get3A_103 = arith.constant 0 : index
    %get3A_104 = arith.constant 0 : index
    %get3A_105 = vector.load %arg16[%get3A_103, %get3A_104] : memref<256x128xf32, #tpu.memory_space<vmem>>, vector<256x128xf32>
    %dot_general3A_106 = arith.constant dense<0.000000e+00> : vector<2000x128xf32>
    %dot_general3A_107 = tpu.matmul %mul3A_102, %get3A_105, %dot_general3A_106 {dimension_numbers = #tpu.dot_dimension_numbers<[1], [0], [0], [1], [0, 0, 1, 1], [], []>, transpose_lhs_hint = false} : vector<2000x256xf32>, vector<256x128xf32>, vector<2000x128xf32> -> vector<2000x128xf32>
    %get3A_108 = arith.constant 0 : index
    %get3A_109 = vector.load %arg17[%get3A_108] : memref<128xf32, #tpu.memory_space<vmem>>, vector<128xf32>
    %broadcast_in_dim3A_110 = vector.shape_cast %get3A_109 : vector<128xf32> to vector<1x128xf32>
    %add3A_111 = vector.broadcast %broadcast_in_dim3A_110 : vector<1x128xf32> to vector<2000x128xf32>
    %add3A_112 = arith.addf %dot_general3A_107, %add3A_111 : vector<2000x128xf32>
    %add3A_113 = arith.addf %add3A_62, %add3A_112 : vector<2000x128xf32>
    %get3A_114 = arith.constant 0 : index
    %get3A_115 = vector.load %arg18[%get3A_114] : memref<128xf32, #tpu.memory_space<vmem>>, vector<128xf32>
    %get3A_116 = arith.constant 0 : index
    %get3A_117 = vector.load %arg19[%get3A_116] : memref<128xf32, #tpu.memory_space<vmem>>, vector<128xf32>
    %reduce_sum3A_118 = arith.constant dense<0.000000e+00> : vector<2000xf32>
    %reduce_sum3A_119 = vector.multi_reduction <add>, %add3A_113, %reduce_sum3A_118 [1] : vector<2000x128xf32> to vector<2000xf32>
    %broadcast_in_dim3A_120 = vector.shape_cast %reduce_sum3A_119 : vector<2000xf32> to vector<2000x1xf32>
    %div3A_121 = arith.constant 1.280000e+02 : f32
    %div3A_122 = vector.broadcast %div3A_121 : f32 to vector<2000x1xf32>
    %div3A_123 = arith.divf %broadcast_in_dim3A_120, %div3A_122 : vector<2000x1xf32>
    %sub3A_124 = vector.broadcast %div3A_123 : vector<2000x1xf32> to vector<2000x128xf32>
    %sub3A_125 = arith.subf %add3A_113, %sub3A_124 : vector<2000x128xf32>
    %sub3A_126 = vector.broadcast %div3A_123 : vector<2000x1xf32> to vector<2000x128xf32>
    %sub3A_127 = arith.subf %add3A_113, %sub3A_126 : vector<2000x128xf32>
    %mul3A_128 = arith.mulf %sub3A_125, %sub3A_127 : vector<2000x128xf32>
    %reduce_sum3A_129 = arith.constant dense<0.000000e+00> : vector<2000xf32>
    %reduce_sum3A_130 = vector.multi_reduction <add>, %mul3A_128, %reduce_sum3A_129 [1] : vector<2000x128xf32> to vector<2000xf32>
    %broadcast_in_dim3A_131 = vector.shape_cast %reduce_sum3A_130 : vector<2000xf32> to vector<2000x1xf32>
    %div3A_132 = arith.constant 1.280000e+02 : f32
    %div3A_133 = vector.broadcast %div3A_132 : f32 to vector<2000x1xf32>
    %div3A_134 = arith.divf %broadcast_in_dim3A_131, %div3A_133 : vector<2000x1xf32>
    %sub3A_135 = vector.broadcast %div3A_123 : vector<2000x1xf32> to vector<2000x128xf32>
    %sub3A_136 = arith.subf %add3A_113, %sub3A_135 : vector<2000x128xf32>
    %add3A_137 = arith.constant 9.99999974E-6 : f32
    %add3A_138 = vector.broadcast %add3A_137 : f32 to vector<2000x1xf32>
    %add3A_139 = arith.addf %div3A_134, %add3A_138 : vector<2000x1xf32>
    %sqrt3A_140 = math.sqrt %add3A_139 : vector<2000x1xf32>
    %div3A_141 = vector.broadcast %sqrt3A_140 : vector<2000x1xf32> to vector<2000x128xf32>
    %div3A_142 = arith.divf %sub3A_136, %div3A_141 : vector<2000x128xf32>
    %broadcast_in_dim3A_143 = vector.shape_cast %get3A_115 : vector<128xf32> to vector<1x128xf32>
    %mul3A_144 = vector.broadcast %broadcast_in_dim3A_143 : vector<1x128xf32> to vector<2000x128xf32>
    %mul3A_145 = arith.mulf %div3A_142, %mul3A_144 : vector<2000x128xf32>
    %broadcast_in_dim3A_146 = vector.shape_cast %get3A_117 : vector<128xf32> to vector<1x128xf32>
    %add3A_147 = vector.broadcast %broadcast_in_dim3A_146 : vector<1x128xf32> to vector<2000x128xf32>
    %add3A_148 = arith.addf %mul3A_145, %add3A_147 : vector<2000x128xf32>
    %swap3A_149 = arith.constant 0 : index
    %swap3A_150 = arith.constant 0 : index
    %swap3A_151 = vector.load %arg20[%swap3A_149, %swap3A_150] : memref<2000x128xf32, #tpu.memory_space<vmem>>, vector<2000x128xf32>
    tpu.vector_store %arg20[%swap3A_149, %swap3A_150], %add3A_148 {strides = array<i32>} : memref<2000x128xf32, #tpu.memory_space<vmem>>, vector<2000x128xf32>,
    return
  }
  func.func @transform_0(%arg0: i32) -> (i32, i32) {
    %c0_i32 = arith.constant 0 : i32
    %c0_i32_0 = arith.constant 0 : i32
    return %arg0, %c0_i32 : i32, i32
  }
  func.func @transform_1(%arg0: i32) -> (i32, i32) {
    %c0_i32 = arith.constant 0 : i32
    %c0_i32_0 = arith.constant 0 : i32
    return %arg0, %c0_i32 : i32, i32
  }
  func.func @transform_2(%arg0: i32) -> (i32, i32) {
    %c0_i32 = arith.constant 0 : i32
    %c0_i32_0 = arith.constant 0 : i32
    return %arg0, %c0_i32 : i32, i32
  }
  func.func @transform_3(%arg0: i32) -> (i32, i32) {
    %c0_i32 = arith.constant 0 : i32
    %c0_i32_0 = arith.constant 0 : i32
    return %arg0, %c0_i32 : i32, i32
  }
  func.func @transform_4(%arg0: i32) -> (i32, i32) {
    %c0_i32 = arith.constant 0 : i32
    %c0_i32_0 = arith.constant 0 : i32
    %c0_i32_1 = arith.constant 0 : i32
    return %c0_i32, %c0_i32_0 : i32, i32
  }
  func.func @transform_5(%arg0: i32) -> (i32, i32) {
    %c0_i32 = arith.constant 0 : i32
    %c0_i32_0 = arith.constant 0 : i32
    return %arg0, %c0_i32 : i32, i32
  }
  func.func @transform_6(%arg0: i32) -> (i32, i32) {
    %c0_i32 = arith.constant 0 : i32
    %c0_i32_0 = arith.constant 0 : i32
    %c0_i32_1 = arith.constant 0 : i32
    return %c0_i32, %c0_i32_0 : i32, i32
  }
  func.func @transform_7(%arg0: i32) -> i32 {
    %c0_i32 = arith.constant 0 : i32
    %c0_i32_0 = arith.constant 0 : i32
    return %c0_i32 : i32
  }
  func.func @transform_8(%arg0: i32) -> i32 {
    %c0_i32 = arith.constant 0 : i32
    %c0_i32_0 = arith.constant 0 : i32
    return %c0_i32 : i32
  }
  func.func @transform_9(%arg0: i32) -> i32 {
    %c0_i32 = arith.constant 0 : i32
    %c0_i32_0 = arith.constant 0 : i32
    return %c0_i32 : i32
  }
  func.func @transform_10(%arg0: i32) -> (i32, i32) {
    %c0_i32 = arith.constant 0 : i32
    %c0_i32_0 = arith.constant 0 : i32
    %c0_i32_1 = arith.constant 0 : i32
    return %c0_i32, %c0_i32_0 : i32, i32
  }
  func.func @transform_11(%arg0: i32) -> (i32, i32) {
    %c0_i32 = arith.constant 0 : i32
    %c0_i32_0 = arith.constant 0 : i32
    %c0_i32_1 = arith.constant 0 : i32
    return %c0_i32, %c0_i32_0 : i32, i32
  }
  func.func @transform_12(%arg0: i32) -> i32 {
    %c0_i32 = arith.constant 0 : i32
    %c0_i32_0 = arith.constant 0 : i32
    return %c0_i32 : i32
  }
  func.func @transform_13(%arg0: i32) -> (i32, i32) {
    %c0_i32 = arith.constant 0 : i32
    %c0_i32_0 = arith.constant 0 : i32
    %c0_i32_1 = arith.constant 0 : i32
    return %c0_i32, %c0_i32_0 : i32, i32
  }
  func.func @transform_14(%arg0: i32) -> i32 {
    %c0_i32 = arith.constant 0 : i32
    %c0_i32_0 = arith.constant 0 : i32
    return %c0_i32 : i32
  }
  func.func @transform_15(%arg0: i32) -> (i32, i32) {
    %c0_i32 = arith.constant 0 : i32
    %c0_i32_0 = arith.constant 0 : i32
    %c0_i32_1 = arith.constant 0 : i32
    return %c0_i32, %c0_i32_0 : i32, i32
  }
  func.func @transform_16(%arg0: i32) -> i32 {
    %c0_i32 = arith.constant 0 : i32
    %c0_i32_0 = arith.constant 0 : i32
    return %c0_i32 : i32
  }
  func.func @transform_17(%arg0: i32) -> i32 {
    %c0_i32 = arith.constant 0 : i32
    %c0_i32_0 = arith.constant 0 : i32
    return %c0_i32 : i32
  }
  func.func @transform_18(%arg0: i32) -> i32 {
    %c0_i32 = arith.constant 0 : i32
    %c0_i32_0 = arith.constant 0 : i32
    return %c0_i32 : i32
  }
  func.func @transform_19(%arg0: i32) -> (i32, i32) {
    %c0_i32 = arith.constant 0 : i32
    %c0_i32_0 = arith.constant 0 : i32
    return %arg0, %c0_i32 : i32, i32
  }
  func.func @transform_20(%arg0: i32) -> (i32, i32) {
    %c0_i32 = arith.constant 0 : i32
    %c0_i32_0 = arith.constant 0 : i32
    return %arg0, %c0_i32 : i32, i32
  }
  func.func @transform_21(%arg0: i32) -> (i32, i32) {
    %c0_i32 = arith.constant 0 : i32
    %c0_i32_0 = arith.constant 0 : i32
    return %arg0, %c0_i32 : i32, i32
  }
}

module attributes {stable_mosaic.version = 14 : i64} {
  func.func @_tc_eout_body(%arg0: i32, %arg1: memref<4000x128xf32, #tpu.memory_space<vmem>>, %arg2: memref<4000x128xf32, #tpu.memory_space<vmem>>, %arg3: memref<128xf32, #tpu.memory_space<vmem>>, %arg4: memref<128xf32, #tpu.memory_space<vmem>>, %arg5: memref<4000x128xf32, #tpu.memory_space<vmem>>) attributes {dimension_semantics = [#tpu.dimension_semantics<arbitrary>], iteration_bounds = array<i64: 80>, scalar_prefetch = 0 : i64, scratch_operands = 0 : i64, tpu.core_type = #tpu.core_type<tc>, window_params = [{transform_indices = @transform_0, window_bounds = array<i64: 4000, 128>}, {transform_indices = @transform_1, window_bounds = array<i64: 4000, 128>}, {pipeline_mode = #tpu.pipeline_mode<synchronous>, transform_indices = @transform_2, window_bounds = array<i64: 128>}, {pipeline_mode = #tpu.pipeline_mode<synchronous>, transform_indices = @transform_3, window_bounds = array<i64: 128>}, {transform_indices = @transform_4, window_bounds = array<i64: 4000, 128>}]} {
    %get3A = arith.constant 0 : index
    %get3A_0 = arith.constant 0 : index
    %get3A_1 = vector.load %arg1[%get3A, %get3A_0] : memref<4000x128xf32, #tpu.memory_space<vmem>>, vector<4000x128xf32>
    %get3A_2 = arith.constant 0 : index
    %get3A_3 = arith.constant 0 : index
    %get3A_4 = vector.load %arg2[%get3A_2, %get3A_3] : memref<4000x128xf32, #tpu.memory_space<vmem>>, vector<4000x128xf32>
    %add3A = arith.addf %get3A_1, %get3A_4 : vector<4000x128xf32>
    %get3A_5 = arith.constant 0 : index
    %get3A_6 = vector.load %arg3[%get3A_5] : memref<128xf32, #tpu.memory_space<vmem>>, vector<128xf32>
    %get3A_7 = arith.constant 0 : index
    %get3A_8 = vector.load %arg4[%get3A_7] : memref<128xf32, #tpu.memory_space<vmem>>, vector<128xf32>
    %reduce_sum3A = arith.constant dense<0.000000e+00> : vector<4000xf32>
    %reduce_sum3A_9 = vector.multi_reduction <add>, %add3A, %reduce_sum3A [1] : vector<4000x128xf32> to vector<4000xf32>
    %broadcast_in_dim3A = vector.shape_cast %reduce_sum3A_9 : vector<4000xf32> to vector<4000x1xf32>
    %div3A = arith.constant 1.280000e+02 : f32
    %div3A_10 = vector.broadcast %div3A : f32 to vector<4000x1xf32>
    %div3A_11 = arith.divf %broadcast_in_dim3A, %div3A_10 : vector<4000x1xf32>
    %sub3A = vector.broadcast %div3A_11 : vector<4000x1xf32> to vector<4000x128xf32>
    %sub3A_12 = arith.subf %add3A, %sub3A : vector<4000x128xf32>
    %sub3A_13 = vector.broadcast %div3A_11 : vector<4000x1xf32> to vector<4000x128xf32>
    %sub3A_14 = arith.subf %add3A, %sub3A_13 : vector<4000x128xf32>
    %mul3A = arith.mulf %sub3A_12, %sub3A_14 : vector<4000x128xf32>
    %reduce_sum3A_15 = arith.constant dense<0.000000e+00> : vector<4000xf32>
    %reduce_sum3A_16 = vector.multi_reduction <add>, %mul3A, %reduce_sum3A_15 [1] : vector<4000x128xf32> to vector<4000xf32>
    %broadcast_in_dim3A_17 = vector.shape_cast %reduce_sum3A_16 : vector<4000xf32> to vector<4000x1xf32>
    %div3A_18 = arith.constant 1.280000e+02 : f32
    %div3A_19 = vector.broadcast %div3A_18 : f32 to vector<4000x1xf32>
    %div3A_20 = arith.divf %broadcast_in_dim3A_17, %div3A_19 : vector<4000x1xf32>
    %sub3A_21 = vector.broadcast %div3A_11 : vector<4000x1xf32> to vector<4000x128xf32>
    %sub3A_22 = arith.subf %add3A, %sub3A_21 : vector<4000x128xf32>
    %add3A_23 = arith.constant 9.99999974E-6 : f32
    %add3A_24 = vector.broadcast %add3A_23 : f32 to vector<4000x1xf32>
    %add3A_25 = arith.addf %div3A_20, %add3A_24 : vector<4000x1xf32>
    %sqrt3A = math.sqrt %add3A_25 : vector<4000x1xf32>
    %div3A_26 = vector.broadcast %sqrt3A : vector<4000x1xf32> to vector<4000x128xf32>
    %div3A_27 = arith.divf %sub3A_22, %div3A_26 : vector<4000x128xf32>
    %broadcast_in_dim3A_28 = vector.shape_cast %get3A_6 : vector<128xf32> to vector<1x128xf32>
    %mul3A_29 = vector.broadcast %broadcast_in_dim3A_28 : vector<1x128xf32> to vector<4000x128xf32>
    %mul3A_30 = arith.mulf %div3A_27, %mul3A_29 : vector<4000x128xf32>
    %broadcast_in_dim3A_31 = vector.shape_cast %get3A_8 : vector<128xf32> to vector<1x128xf32>
    %add3A_32 = vector.broadcast %broadcast_in_dim3A_31 : vector<1x128xf32> to vector<4000x128xf32>
    %add3A_33 = arith.addf %mul3A_30, %add3A_32 : vector<4000x128xf32>
    %swap3A = arith.constant 0 : index
    %swap3A_34 = arith.constant 0 : index
    %swap3A_35 = vector.load %arg5[%swap3A, %swap3A_34] : memref<4000x128xf32, #tpu.memory_space<vmem>>, vector<4000x128xf32>
    tpu.vector_store %arg5[%swap3A, %swap3A_34], %add3A_33 {strides = array<i32>} : memref<4000x128xf32, #tpu.memory_space<vmem>>, vector<4000x128xf32>,
    return
  }
  func.func @transform_0(%arg0: i32) -> (i32, i32) {
    %c0_i32 = arith.constant 0 : i32
    %c0_i32_0 = arith.constant 0 : i32
    return %arg0, %c0_i32 : i32, i32
  }
  func.func @transform_1(%arg0: i32) -> (i32, i32) {
    %c0_i32 = arith.constant 0 : i32
    %c0_i32_0 = arith.constant 0 : i32
    return %arg0, %c0_i32 : i32, i32
  }
  func.func @transform_2(%arg0: i32) -> i32 {
    %c0_i32 = arith.constant 0 : i32
    %c0_i32_0 = arith.constant 0 : i32
    return %c0_i32 : i32
  }
  func.func @transform_3(%arg0: i32) -> i32 {
    %c0_i32 = arith.constant 0 : i32
    %c0_i32_0 = arith.constant 0 : i32
    return %c0_i32 : i32
  }
  func.func @transform_4(%arg0: i32) -> (i32, i32) {
    %c0_i32 = arith.constant 0 : i32
    %c0_i32_0 = arith.constant 0 : i32
    return %arg0, %c0_i32 : i32, i32
  }
}

</mosaic_0001>

<sc_bundles>
// kernel: kernel.12.cloned.1.call-start
scs
__scs_entry_jumppad:
0x0: {  	(pc) =	sbr.rel $0x88, $3  }
0x1: {  	(tag) =	ssettag $0x0;
	lr =	simm.s32 $0x1  }
0x2: {  	[smem:$0x3F8C] =	sst lr;
	_ =	strace $0xD0000000  }
0x3: {  	_ = 	snop  }
0x4: {  	_ = 	snop  }
0x5: {  	_ = 	snop  }
0x6: {  	_ = 	snop  }
0x7: {  	_ = 	snop  }
__scs_overlays_trampoline_lowered:
0x8: {  	[smem:$0x3F9B] =	sst s0  }
0x9: {  	[smem:$0x3F9C] =	sst s1  }
0xa: {  	[smem:$0x3F9D] =	sst s2  }
0xb: {  	[smem:$0x3F9E] =	sst s3  }
0xc: {  	[smem:$0x3F9F] =	sst s4  }
0xd: {  	[smem:$0x3FA0] =	sst s5  }
0xe: {  	[smem:$0x3FA1] =	sst s6  }
0xf: {  	[smem:$0x3FA2] =	sst s7  }
0x10: {  	[smem:$0x3FA3] =	sst s8  }
0x11: {  	[smem:$0x3FA4] =	sst s9;
	s0 =	simm.s32 @!p0 $0x0  }
0x12: {  	s1 =	sld [smem:$0x3F8A];
	s0 =	simm.s32 @p0 $0x1  }
0x13: {  	[smem:$0x3FA5] =	sst s0;
	s0 =	simm.s32 @!p1 $0x0  }
0x14: {  	s2 =	sld [smem:$0x3F89];
	s0 =	simm.s32 @p1 $0x1  }
0x15: {  	[smem:$0x3FA6] =	sst s0;
	s0 =	simm.s32 @!p2 $0x0  }
0x16: {  	s3 =	sld [smem:$0x3FDB];
	s0 =	simm.s32 @p2 $0x1  }
0x17: {  	s4 =	simm.s32 $0x1BF5;
	[smem:$0x3FA8] =	sst s0  }
0x18: {  	s0 =	sld [smem:$0x3F8B];
	_ =	swait.ge [sflag:s4], $0x0  }
0x19: {  	s7 =	sld [smem:$0x3F8C]  }
0x1a: {  	s8 =	sadd.s32 $0xFFFFE003, lr  }
0x1b: {  	s9 =	sadd.s32 $0xFFFFFEF7, lr;
	s5 =	simm.s32 $0xFFFFFFFF;
	p2 =	slt.u32 s8, $0xFFFFF086  }
0x1c: {  	p1 =	slt.u32 s9, $0xF7A;
	s5 =	simm.s32 @!p2 $0x0  }
0x1d: {  	s5 =	simm.s32 @p1 $0x1;
	p0 =	seq.s32 s7, s2  }
0x1e: {  	s7 =	smul.u32 @!p0 $0xF7A, s2;
	p2 =	seq.s32 @!p0 s5, $0x0  }
0x1f: {  	s9 =	smul.u32 $0xF7A, s1;
	s8 =	simm.s32 @!p0 $0x1BF5;
	p2 =	por !p2, p0  }
0x20: {  	[sflag:s8] =	ssyncset.s32 @!p0 $0xFFFFF086;
	s6 =	sadd.s32 @!p0 s3, s7;
	s7 =	simm.s32 @!p0 $0x108  }
0x21: {  	s3 =	sadd.s32 s3, s9;
	s6 =	sadd.s32 @!p0 $0x88, s6;
	s7 =	simm.s32 @p2 $0x1082  }
0x22: {  	[simem:s7], [sflag:s8] =	dma.local @!p0 [hbm:s6], $0xF7A  }
0x23: {  	s9 =	sor.u32 $0xD0000000, s2;
	s6 =	simm.s32 $0x108;
	_ =	swait.ge @!p0 [sflag:s8], $0x0  }
0x24: {  	s3 =	sadd.s32 $0x88, s3;
	s6 =	simm.s32 @!p1 $0x1082;
	[sflag:s4] =	ssyncset.s32 $0xFFFFF086  }
0x25: {  	[simem:s6], [sflag:s4] =	dma.local [hbm:s3], $0xF7A  }
0x26: {  	[smem:$0x3F8C] =	sst s1;
	(tag) =	ssettag s2;
	_ =	strace s9  }
0x27: {  	s1 =	sld [smem:$0x3F9C]  }
0x28: {  	s2 =	sld [smem:$0x3F9D]  }
0x29: {  	s4 =	sld [smem:$0x3F9F]  }
0x2a: {  	p0 =	seq.s32 s5, $0x0;
	s5 =	sld [smem:$0x3FA0]  }
0x2b: {  	s6 =	sld [smem:$0x3FA1]  }
0x2c: {  	s7 =	sld [smem:$0x3FA2]  }
0x2d: {  	s3 =	simm.s32 $0x108;
	s8 =	sld [smem:$0x3FA3]  }
0x2e: {  	s3 =	simm.s32 @!p0 $0x1082;
	s9 =	sld [smem:$0x3FA4]  }
0x2f: {  	lr =	sadd.s32 s0, s3;
	s0 =	sld [smem:$0x3F9B]  }
0x30: {  	s3 =	sld [smem:$0x3F9E]  }
0x31: {  	[smem:$0x3FA7] =	sst s10  }
0x32: {  	s10 =	sld [smem:$0x3FA5];
	_ =	sdelay $0x3  }
0x33: {  	p0 =	seq.s32 s10, $0x1;
	s10 =	sld [smem:$0x3FA7];
	_ =	sdelay $0x3  }
0x34: {  	[smem:$0x3FA7] =	sst s10  }
0x35: {  	s10 =	sld [smem:$0x3FA6];
	_ =	sdelay $0x3  }
0x36: {  	p1 =	seq.s32 s10, $0x1;
	s10 =	sld [smem:$0x3FA7];
	_ =	sdelay $0x3  }
0x37: {  	[smem:$0x3FA7] =	sst s10  }
0x38: {  	s10 =	sld [smem:$0x3FA8]  }
0x39: {  	_ = 	snop;
	(pc) =	sbr.ind lr, $3  }
0x3a: {  	_ = 	snop  }
0x3b: {  	_ = 	snop  }
0x3c: {  	p2 =	seq.s32 s10, $0x1;
	s10 =	sld [smem:$0x3FA7]  }
0x3d: {  	_ =	shalt  }
0x3e: {  	_ =	shalt  }
0x3f: {  	_ =	shalt  }
0x40: {  	_ =	shalt  }
0x41: {  	_ =	shalt  }
0x42: {  	_ =	shalt  }
0x43: {  	_ =	shalt  }
0x44: {  	_ =	shalt  }
0x45: {  	_ =	shalt  }
0x46: {  	_ =	shalt  }
0x47: {  	_ =	shalt  }
0x48: {  	_ =	shalt  }
0x49: {  	_ =	shalt  }
0x4a: {  	_ =	shalt  }
0x4b: {  	_ =	shalt  }
0x4c: {  	_ =	shalt  }
0x4d: {  	_ =	shalt  }
0x4e: {  	_ =	shalt  }
0x4f: {  	_ =	shalt  }
0x50: {  	_ =	shalt  }
0x51: {  	_ =	shalt  }
0x52: {  	_ =	shalt  }
0x53: {  	_ =	shalt  }
0x54: {  	_ =	shalt  }
0x55: {  	_ =	shalt  }
0x56: {  	_ =	shalt  }
0x57: {  	_ =	shalt  }
0x58: {  	_ =	shalt  }
0x59: {  	_ =	shalt  }
0x5a: {  	_ =	shalt  }
0x5b: {  	_ =	shalt  }
0x5c: {  	_ =	shalt  }
0x5d: {  	_ =	shalt  }
0x5e: {  	_ =	shalt  }
0x5f: {  	_ =	shalt  }
0x60: {  	_ =	shalt  }
0x61: {  	_ =	shalt  }
0x62: {  	_ =	shalt  }
0x63: {  	_ =	shalt  }
0x64: {  	_ =	shalt  }
0x65: {  	_ =	shalt  }
0x66: {  	_ =	shalt  }
0x67: {  	_ =	shalt  }
0x68: {  	_ =	shalt  }
0x69: {  	_ =	shalt  }
0x6a: {  	_ =	shalt  }
0x6b: {  	_ =	shalt  }
0x6c: {  	_ =	shalt  }
0x6d: {  	_ =	shalt  }
0x6e: {  	_ =	shalt  }
0x6f: {  	_ =	shalt  }
0x70: {  	_ =	shalt  }
0x71: {  	_ =	shalt  }
0x72: {  	_ =	shalt  }
0x73: {  	_ =	shalt  }
0x74: {  	_ =	shalt  }
0x75: {  	_ =	shalt  }
0x76: {  	_ =	shalt  }
0x77: {  	_ =	shalt  }
0x78: {  	_ =	shalt  }
0x79: {  	_ =	shalt  }
0x7a: {  	_ =	shalt  }
0x7b: {  	_ =	shalt  }
0x7c: {  	_ =	shalt  }
0x7d: {  	_ =	shalt  }
0x7e: {  	_ =	shalt  }
0x7f: {  	_ =	shalt  }
0x80: {  	_ =	shalt  }
0x81: {  	_ =	shalt  }
0x82: {  	_ =	shalt  }
0x83: {  	_ =	shalt  }
0x84: {  	_ =	shalt  }
0x85: {  	_ =	shalt  }
0x86: {  	_ =	shalt  }
0x87: {  	_ =	shalt  }
.Lfunc_end0:
.L_simem_size_0:
called_computation.1_lowered:
.L_overlay_start_0:
0x88: {  	s2 =	sld [smem:$0x3FD9]  }
0x89: {  	s3 =	sld [smem:$0x3FFE];
	_ =	sdelay $0x1  }
0x8a: {  	s1 =	srdreg.scid  }
0x8b: {  	s0 =	sand.u32 $0x1, s1  }
0x8c: {  	s14 =	sshll.u32 s0, $0xA;
	s2 =	sadd.s32 s3, s2  }
0x8d: {  	s2 =	sadd.s32 s2, s14  }
0x8e: {  	[smem:$0x3FB3] =	sst s2  }
0x8f: {  	_ = 	snop  }
0x90: {  	s2 =	sld [smem:$0x3FD0];
	_ =	sdelay $0x2  }
0x91: {  	s15 =	simm.s32 $0xA;
	s4 =	simm.s32 $0x10  }
0x92: {  	[smem:s4], [sflag:s15] =	dma.local [hbm:s2], $0x1  }
0x93: {  	_ =	swait.eq [sflag:s15], $0x1  }
0x94: {  	[sflag:s15] =	ssyncset.done $0x0  }
0x95: {  	s16 =	sld [smem:$0x10];
	[sflag:s15] =	ssyncadd.s32 $0xFFFFFFFF  }
0x96: {  	s17 =	sld [smem:$0x11];
	(tm) =	ssettm $0x1  }
0x97: {  	s18 =	sld [smem:$0x3FFB];
	_ =	sdelay $0x3  }
0x98: {  	_ =	strace s18  }
0x99: {  	s4 =	sld [smem:$0x3FFC];
	_ =	sdelay $0x3  }
0x9a: {  	_ =	strace s4  }
0x9b: {  	s4 =	sld [smem:$0x3FFD];
	_ =	sdelay $0x3  }
0x9c: {  	_ =	strace s4  }
0x9d: {  	_ =	strace $0x8FFFFFFF  }
0x9e: {  	s19 =	sld [smem:$0x3FDB];
	_ =	sdelay $0x1  }
0x9f: {  	s5 =	simm.s32 $_scs_section_size  }
0xa0: {  	s6 =	simm.s32 $_size__tile_overlayer_lowered;
	s7 =	simm.s32 $_tile_overlayer_lowered  }
0xa1: {  	s22 =	simm.s32 $0x1BFF;
	s21 =	sshll.u32 s7, $0x1;
	s4 =	sadd.s32 s5, s19  }
0xa2: {  	s8 =	simm.s32 $0x0;
	s20 =	sshll.u32 s6, $0x1;
	s6 =	sadd.s32 s21, s4  }
0xa3: {  	[timem:s8], [sflag:s22] =	dma.local [hbm:s6], s20  }
0xa4: {  	_ =	swait.ge [sflag:s22], s20  }
0xa5: {  	s5 =	ssub.s32 $0x0, s20;
	[sflag:s22] =	ssyncset.done $0x0  }
0xa6: {  	[sflag:s22] =	ssyncadd.s32 s5;
	_ =	sdelay $0x1  }
0xa7: {  	s23 =	simm.s32 $0x1B8B  }
0xa8: {  	_ =	swait.ge [sflag:s23], $0x1  }
0xa9: {  	[sflag:s23] =	ssyncset.done $0x0  }
0xaa: {  	s25 =	simm.s32 $0x1B8E;
	s24 =	sld [smem:$0x3FFE];
	[sflag:s23] =	ssyncadd.s32 $0xFFFFFFFF  }
0xab: {  	s26 =	simm.s32 $execute0_lowered;
	[smem:$0x3FD2] =	sst s25  }
0xac: {  	s6 =	sshll.u32 s26, $0x1;
	_ =	strace $0x80000049;
	[dreg:$0x1] =	wrdreg $0xFFFFFFFF  }
0xad: {  	s28 =	simm.s32 $_size_execute0_lowered;
	s4 =	sadd.s32 s4, s6;
	[dreg:$0x0] =	wrdreg $0x0  }
0xae: {  	s6 =	sshll.u32 s28, $0x1;
	[dreg:$0x2] =	wrdreg s4  }
0xaf: {  	[dreg:$0x3] =	wrdreg s6  }
0xb0: {  	[dreg:$0x4] =	wrdreg $0xC0  }
0xb1: {  	_ =	task [dreg:s8], $0x5FFFF  }
0xb2: {  	[dreg:$0x1] =	wrdreg $0xFFFFFFFF  }
0xb3: {  	[dreg:$0x0] =	wrdreg $0x60  }
0xb4: {  	[dreg:$0x2] =	wrdreg s16  }
0xb5: {  	[dreg:$0x3] =	wrdreg s24  }
0xb6: {  	[dreg:$0x4] =	wrdreg s17  }
0xb7: {  	[dreg:$0x5] =	wrdreg $0x92000  }
0xb8: {  	[dreg:$0x6] =	wrdreg $0x9  }
0xb9: {  	_ =	task.clear_ibuf [dreg:s8], $0x7FFFF;
	_ =	strace $0x90000049  }
0xba: {  	s29 =	simm.s32 $0x9;
	_ =	strace $0x8000004B  }
0xbb: {  	_ =	swait.ge [sflag:s29], $0x1  }
0xbc: {  	[sflag:s29] =	ssyncadd.s32 $0xFFFFFFFF  }
0xbd: {  	_ =	strace $0x9000004B  }
0xbe: {  	_ =	sfence  }
0xbf: {  	s30 =	sld [smem:$0x0];
	_ =	sdelay $0x2  }
0xc0: {  	s31 =	sshll.u32 s1, $0xD;
	s1 =	sshrl.u32 s1, $0x2  }
0xc1: {  	s3 =	sand.u32 $0x4000, s31;
	s1 =	sadd.s32 s1, s30  }
0xc2: {  	s0 =	sor.u32 s3, s0;
	s1 =	sshll.u32 s1, $0x11  }
0xc3: {  	s0 =	sor.u32 s1, s0  }
0xc4: {  	s0 =	sadd.s32 $0x8F2B, s0  }
0xc5: {  	[sflag:s0] =	ssyncadd.remote.s32 $0x1  }
0xc6: {  	_ =	sfence.sel $0xFFFF  }
0xc7: {  	[dreg:$0x0] =	wrdreg $0xFFFFFFFF;
	(pc) =	sbr.abs _section_cstart, $3  }
0xc8: {  	[dreg:$0x1] =	wrdreg $0xFFFFFFFF  }
0xc9: {  	_ =	task.clear_ibuf [dreg:s8], $0x2FFFF;
	_ =	strace $0x9FFFFFFF  }
0xca: {  	(tm) =	ssettm $0x7FFFFFFF  }
0xcb: {  	_ =	shalt  }
tec
execute0_lowered:
.L_overlay_start_1:
0x0: {  	(tag) =	ssettag $0x1  }
0x1: {  	s1 =	rddreg [dreg:$0x0]  }
0x2: {  	s0 =	rddreg [dreg:$0x1]  }
0x3: {  	s14 =	rddreg [dreg:$0x2]  }
0x4: {  	s3 =	rddreg [dreg:$0x3]  }
0x5: {  	s5 =	simm.s32 $0x0;
	s15 =	stileid.u32;
	s2 =	srdreg.scid  }
0x6: {  	[smem:$0x7FF] =	sst s5;
	s6 =	sadd.s32 $0x64200, s0;
	s4 =	smul.u32 $0x270, s15  }
0x7: {  	s7 =	sadd.s32 $0xC000, s0;
	s8 =	sadd.s32 $0x2200, s0;
	s23 =	smul.u32 $0x4E000, s15  }
0x8: {  	s9 =	sand.u32 $0x1, s2;
	s16 =	sadd.s32 $0x15E00, s0;
	s26 =	smul.u32 $0x2700, s15  }
0x9: {  	p1 =	sne.s32 s15, $0xF;
	p2 =	seq.s32 s15, $0xF;
	s28 =	sshll.u32 s15, $0x1  }
0xa: {  	s29 =	sadd.s32 $0x138000, s3;
	_ =	strace $0x8000004A;
	s24 =	ssub.s32 $0x2, s9  }
0xb: {  	p0 =	seq.s32 s9, $0x1;
	[dreg:$0x5] =	wrdreg s16;
	s10 =	sadd.s32 $0x200, s4  }
0xc: {  	s11 =	sshrl.u32 s24, $0x1;
	s2 =	sshrl.u32 s23, $0x2;
	s17 =	sadd.s32 s14, s26  }
0xd: {  	s20 =	sadd.s32 $0x100, s4;
	s12 =	sshll.u32 s10, $0x7;
	s0 =	ssub.s32 s24, s11  }
0xe: {  	s11 =	sadd.s32 s2, s3;
	s25 =	sshll.u32 s10, $0x4;
	[dreg:$0x9] =	wrdreg s17  }
0xf: {  	s22 =	sshll.u32 s20, $0x7;
	s10 =	sadd.s32 s16, s26;
	s12 =	sadd.s32 s12, s3  }
0x10: {  	s13 =	sadd.s32 s14, s25;
	s2 =	sadd.s32 s16, s25;
	[dreg:$0xf] =	wrdreg s10  }
0x11: {  	s0 =	smax.u32 s0, $0x1;
	s30 =	sadd.s32 $0x4000, s11;
	[dreg:$0x6] =	wrdreg s13  }
0x12: {  	s31 =	sadd.s32 $0x8000, s11;
	[dreg:$0x7] =	wrdreg s2;
	s13 =	sadd.s32 $0x80, s4  }
0x13: {  	[dreg:$0x8] =	wrdreg s0;
	s4 =	sadd.s32 $0x180, s4;
	s2 =	sshll.u32 s20, $0x4  }
0x14: {  	s20 =	simm.s32 $0x6;
	s18 =	sshll.u32 s13, $0x7;
	s19 =	sshll.u32 s13, $0x4  }
0x15: {  	s13 =	sadd.s32 s22, s3;
	s23 =	sshll.u32 s4, $0x7;
	s17 =	sadd.s32 s14, s2  }
0x16: {  	s4 =	sshll.u32 s4, $0x4;
	s24 =	sadd.s32 s16, s2;
	[dreg:$0xc] =	wrdreg s13  }
0x17: {  	s2 =	simm.s32 $0x200;
	s22 =	simm.s32 $0x4;
	[dreg:$0xd] =	wrdreg s17  }
0x18: {  	v0 =	vimm.s32 $0xFEDCBA98;
	s0 =	sadd.s32 s18, s3;
	s21 =	sadd.s32 s14, s19;
	[dreg:$0x11] =	wrdreg s24  }
0x19: {  	v1 =	vimm.s32 $0x76543210;
	v0 =	vunpack.c.l.s4.s8 v0;
	s13 =	sadd.s32 s23, s3;
	s25 =	sadd.s32 s14, s4;
	[dreg:$0xa] =	wrdreg s0  }
.Ltmp0:
0x1a: {  	v1 =	vunpack.c.l.s4.s8 v1;
	s26 =	sadd.s32 s16, s4;
	[dreg:$0xb] =	wrdreg s21;
	(pc) =	sbr.rel .LBB2_1-.Ltmp0, $4  }
0x1b: {  	v0 =	vunpack.c.0.s8.s32 v0;
	s14 =	simm.s32 $0x3;
	s18 =	simm.s32 $0x100;
	[dreg:$0xe] =	wrdreg s13  }
0x1c: {  	v1 =	vunpack.c.0.s8.s32 v1;
	s23 =	simm.s32 $0x180;
	s24 =	simm.s32 $0x4200;
	[dreg:$0x12] =	wrdreg s25  }
0x1d: {  	v2 =	vand.u32 $0xF, v0;
	s0 =	sadd.s32 s16, s19;
	[dreg:$0x13] =	wrdreg s26;
	s13 =	simm.s32 $0x5  }
0x1e: {  	v0 =	vimm.f32 $0.0e+00;
	v1 =	vcombine.low v2, v1;
	s16 =	simm.s32 $0x80;
	[dreg:$0x10] =	wrdreg s0;
	s0 =	sadd.s32 $0xC000, s11  }
.LBB2_16:
0x1f: {  	s10 =	sadd.s32 $0x27000, s10;
	s15 =	sshrl.u32 s29, $0x3  }
0x20: {  	[hbm:s10], [sflag:s4] =	dma.local [spmem:s15], $0x100  }
0x21: {  	_ =	swait.ge [sflag:s13], $0x100  }
0x22: {  	[sflag:s13] =	ssyncset.done $0x0  }
0x23: {  	[sflag:s13] =	ssyncadd.s32 $0xFFFFFF00  }
.LBB2_17:
0x24: {  	s5 =	sadd.s32 $0x1, s5;
	s4 =	rddreg [dreg:$0x8]  }
0x25: {  	p3 =	sne.s32 s5, s4  }
.Ltmp1:
0x26: {  	_ = 	snop;
	(pc) =	sbr.rel @!p3 .LBB2_18-.Ltmp1, $1  }
0x27: {  	_ =	sdelay $0x3  }
.LBB2_1:
0x28: {  	s4 =	simm.s32 $0x0;
	s10 =	simm.s32 $0x200  }
.LBB2_2:
0x29: {  	p3 =	sne.s32 s10, $0xFE00;
	[tilespmem:s4+$0x270] =	vst v0  }
0x2a: {  	[tilespmem:s4+$0x200] =	vst v0  }
0x2b: {  	[tilespmem:s4+$0x210] =	vst v0  }
.Ltmp2:
0x2c: {  	[tilespmem:s4+$0x220] =	vst v0;
	(pc) =	sbr.rel @p3 .LBB2_2-.Ltmp2, $4  }
0x2d: {  	[tilespmem:s4+$0x230] =	vst v0  }
0x2e: {  	[tilespmem:s4+$0x240] =	vst v0  }
0x2f: {  	[tilespmem:s4+$0x250] =	vst v0  }
0x30: {  	[tilespmem:s4+$0x260] =	vst v0;
	s4 =	sshra.s32 s10, $0x2;
	s10 =	sadd.s32 $0x200, s10  }
0x31: {  	[tilespmem:s4+$0x270] =	vst v0  }
0x32: {  	[tilespmem:s4+$0x200] =	vst v0  }
0x33: {  	[tilespmem:s4+$0x210] =	vst v0  }
0x34: {  	[tilespmem:s4+$0x220] =	vst v0  }
0x35: {  	[tilespmem:s4+$0x230] =	vst v0  }
0x36: {  	[tilespmem:s4+$0x240] =	vst v0  }
0x37: {  	[tilespmem:s4+$0x250] =	vst v0  }
0x38: {  	[tilespmem:s4+$0x260] =	vst v0  }
0x39: {  	[spmem:s11] =	stream.linear.scatter [tilespmem:s2], [sflag:$0x5], $0x4000, $0x38;
	[tilespmem:$0x1CA80] =	vst v63  }
0x3a: {  	_ =	swait.ge [sflag:s13], $0x4000  }
0x3b: {  	[sflag:s13] =	ssyncset.done $0x0  }
0x3c: {  	[sflag:s13] =	ssyncadd.s32 $0xFFFFC000  }
0x3d: {  	[spmem:s30] =	stream.linear.scatter [tilespmem:s2], [sflag:$0x5], $0x4000, $0x38;
	[tilespmem:$0x1CA80] =	vst v63  }
0x3e: {  	_ =	swait.ge [sflag:s13], $0x4000  }
0x3f: {  	[sflag:s13] =	ssyncset.done $0x0  }
0x40: {  	[sflag:s13] =	ssyncadd.s32 $0xFFFFC000  }
0x41: {  	[spmem:s31] =	stream.linear.scatter [tilespmem:s2], [sflag:$0x5], $0x4000, $0x38;
	[tilespmem:$0x1CA80] =	vst v63  }
0x42: {  	_ =	swait.ge [sflag:s13], $0x4000  }
0x43: {  	[sflag:s13] =	ssyncset.done $0x0  }
0x44: {  	[sflag:s13] =	ssyncadd.s32 $0xFFFFC000  }
0x45: {  	[spmem:s0] =	stream.linear.scatter [tilespmem:s2], [sflag:$0x5], $0x4000, $0x38;
	[tilespmem:$0x1CA80] =	vst v63  }
0x46: {  	_ =	swait.ge [sflag:s13], $0x4000  }
0x47: {  	[sflag:s13] =	ssyncset.done $0x0  }
0x48: {  	[sflag:s13] =	ssyncadd.s32 $0xFFFFC000  }
0x49: {  	[spmem:s12] =	stream.linear.scatter [tilespmem:s2], [sflag:$0x5], $0x3800, $0x38;
	[tilespmem:$0x1CA80] =	vst v63  }
0x4a: {  	_ =	swait.ge [sflag:s13], $0x3800  }
0x4b: {  	[sflag:s13] =	ssyncset.done $0x0  }
0x4c: {  	s4 =	simm.s32 @!p1 $0x200;
	[sflag:s13] =	ssyncadd.s32 $0xFFFFC800  }
0x4d: {  	[spmem:s29] =	stream.linear.scatter @!p1 [tilespmem:s4], [sflag:$0x5], $0x800, $0x38;
	[tilespmem:$0x1CA80] =	vst v63  }
0x4e: {  	s4 =	simm.s32 @!p1 $0x5  }
.Ltmp3:
0x4f: {  	_ =	swait.ge @!p1 [sflag:s4], $0x800;
	(pc) =	sbr.rel .LBB2_4-.Ltmp3, $4  }
0x50: {  	[sflag:s4] =	ssyncset.done @!p1 $0x0  }
0x51: {  	[sflag:s4] =	ssyncadd.s32 @!p1 $0xFFFFF800  }
0x52: {  	[bflag:$0x0] =	sbarrier.arrive $0xFFFF  }
0x53: {  	s25 =	simm.s32 $0x0  }
.LBB2_12:
0x54: {  	s25 =	sadd.s32 $0x1, s25  }
0x55: {  	p3 =	sne.s32 s25, $0x28  }
.Ltmp4:
0x56: {  	_ = 	snop;
	(pc) =	sbr.rel @!p3 .LBB2_13-.Ltmp4, $1  }
0x57: {  	_ =	sdelay $0x3  }
.LBB2_4:
0x58: {  	s4 =	sshll.u32 s25, $0x6  }
0x59: {  	s4 =	sor.u32 s4, s28  }
0x5a: {  	s17 =	sor.u32 s9, s4;
	p4 =	sgt.u32 s4, $0x9C3  }
0x5b: {  	s4 =	sshll.u32 @!p4 s17, $0x4  }
0x5c: {  	s10 =	simm.s32 @!p4 $0x0;
	s15 =	sadd.s32 @!p4 s7, s4  }
0x5d: {  	[tilespmem:s10], [sflag:$0x1] =	stream.linear.gather @!p4 [hbm4b:s15+s10], $0x80, $0x38;
	[tilespmem:$0x1CA80] =	vst v63  }
0x5e: {  	s4 =	sadd.s32 @!p4 s8, s4;
	s15 =	simm.s32 @!p4 $0x100  }
0x5f: {  	[tilespmem:s15], [sflag:$0x1] =	stream.linear.gather @!p4 [hbm4b:s4+s10], $0x80, $0x38;
	[tilespmem:$0x1CA80] =	vst v63  }
0x60: {  	s4 =	sor.u32 $0x20, s17  }
0x61: {  	p3 =	sgt.u32 s4, $0x9C3  }
0x62: {  	s19 =	sshll.u32 @!p3 s4, $0x4  }
0x63: {  	s26 =	simm.s32 @!p3 $0x0;
	s15 =	simm.s32 @!p3 $0x80;
	s21 =	sadd.s32 @!p3 s7, s19  }
0x64: {  	[tilespmem:s15], [sflag:$0x2] =	stream.linear.gather @!p3 [hbm4b:s21+s26], $0x80, $0x38;
	[tilespmem:$0x1CA80] =	vst v63  }
0x65: {  	s19 =	sadd.s32 @!p3 s8, s19;
	s21 =	simm.s32 @!p3 $0x180  }
0x66: {  	[tilespmem:s21], [sflag:$0x2] =	stream.linear.gather @!p3 [hbm4b:s19+s26], $0x80, $0x38;
	[tilespmem:$0x1CA80] =	vst v63  }
0x67: {  	s19 =	simm.s32 @!p4 $0x1  }
0x68: {  	_ =	swait.ge @!p4 [sflag:s19], $0x80  }
0x69: {  	[sflag:s19] =	ssyncset.done @!p4 $0x0  }
0x6a: {  	[sflag:s19] =	ssyncadd.s32 @!p4 $0xFFFFFF80  }
0x6b: {  	_ =	swait.ge @!p4 [sflag:s19], $0x80  }
0x6c: {  	s17 =	sshll.u32 @!p4 s17, $0x8;
	[sflag:s19] =	ssyncset.done @!p4 $0x0  }
0x6d: {  	s21 =	simm.s32 @!p4 $0x200;
	[sflag:s19] =	ssyncadd.s32 @!p4 $0xFFFFFF80;
	s19 =	simm.s32 @!p4 $0x80  }
0x6e: {  	[tilespmem:s21], [sflag:$0x3] =	stream.indirect.gather @!p4 [hbm4b:s1+s19], $0x80, s10, s19, $0xb8;
	[tilespmem:$0x1CA80] =	vst v63  }
0x6f: {  	s17 =	sadd.s32 @!p4 s6, s17;
	s19 =	simm.s32 @!p4 $0x8200  }
0x70: {  	[tilespmem:s19], [sflag:$0x3] =	stream.linear.gather @!p4 [hbm4b:s17+s10], $0x80, $0x38;
	[tilespmem:$0x1CA80] =	vst v63  }
0x71: {  	s21 =	simm.s32 @!p4 $0x8300;
	s19 =	sadd.s32 @!p4 $0x10, s17  }
0x72: {  	[tilespmem:s21], [sflag:$0x3] =	stream.linear.gather @!p4 [hbm4b:s19+s10], $0x80, $0x38;
	[tilespmem:$0x1CA80] =	vst v63  }
0x73: {  	s19 =	sadd.s32 @!p4 $0x20, s17;
	s21 =	simm.s32 @!p4 $0x8400  }
0x74: {  	[tilespmem:s21], [sflag:$0x3] =	stream.linear.gather @!p4 [hbm4b:s19+s10], $0x80, $0x38;
	[tilespmem:$0x1CA80] =	vst v63  }
0x75: {  	s19 =	sadd.s32 @!p4 $0x30, s17;
	s21 =	simm.s32 @!p4 $0x8500  }
0x76: {  	[tilespmem:s21], [sflag:$0x3] =	stream.linear.gather @!p4 [hbm4b:s19+s10], $0x80, $0x38;
	[tilespmem:$0x1CA80] =	vst v63  }
0x77: {  	s19 =	sadd.s32 @!p4 $0x40, s17;
	s21 =	simm.s32 @!p4 $0x8600  }
0x78: {  	[tilespmem:s21], [sflag:$0x3] =	stream.linear.gather @!p4 [hbm4b:s19+s10], $0x80, $0x38;
	[tilespmem:$0x1CA80] =	vst v63  }
0x79: {  	s19 =	sadd.s32 @!p4 $0x50, s17;
	s21 =	simm.s32 @!p4 $0x8700  }
0x7a: {  	[tilespmem:s21], [sflag:$0x3] =	stream.linear.gather @!p4 [hbm4b:s19+s10], $0x80, $0x38;
	[tilespmem:$0x1CA80] =	vst v63  }
0x7b: {  	s19 =	sadd.s32 @!p4 $0x60, s17;
	s21 =	simm.s32 @!p4 $0x8800  }
0x7c: {  	[tilespmem:s21], [sflag:$0x3] =	stream.linear.gather @!p4 [hbm4b:s19+s10], $0x80, $0x38;
	[tilespmem:$0x1CA80] =	vst v63  }
0x7d: {  	s19 =	sadd.s32 @!p4 $0x70, s17;
	s21 =	simm.s32 @!p4 $0x8900  }
0x7e: {  	[tilespmem:s21], [sflag:$0x3] =	stream.linear.gather @!p4 [hbm4b:s19+s10], $0x80, $0x38;
	[tilespmem:$0x1CA80] =	vst v63  }
0x7f: {  	s19 =	sadd.s32 @!p4 $0x80, s17;
	s21 =	simm.s32 @!p4 $0x8A00  }
0x80: {  	[tilespmem:s21], [sflag:$0x3] =	stream.linear.gather @!p4 [hbm4b:s19+s10], $0x80, $0x38;
	[tilespmem:$0x1CA80] =	vst v63  }
0x81: {  	s19 =	sadd.s32 @!p4 $0x90, s17;
	s21 =	simm.s32 @!p4 $0x8B00  }
0x82: {  	[tilespmem:s21], [sflag:$0x3] =	stream.linear.gather @!p4 [hbm4b:s19+s10], $0x80, $0x38;
	[tilespmem:$0x1CA80] =	vst v63  }
0x83: {  	s19 =	sadd.s32 @!p4 $0xA0, s17;
	s21 =	simm.s32 @!p4 $0x8C00  }
0x84: {  	[tilespmem:s21], [sflag:$0x3] =	stream.linear.gather @!p4 [hbm4b:s19+s10], $0x80, $0x38;
	[tilespmem:$0x1CA80] =	vst v63  }
0x85: {  	s19 =	sadd.s32 @!p4 $0xB0, s17;
	s21 =	simm.s32 @!p4 $0x8D00  }
0x86: {  	[tilespmem:s21], [sflag:$0x3] =	stream.linear.gather @!p4 [hbm4b:s19+s10], $0x80, $0x38;
	[tilespmem:$0x1CA80] =	vst v63  }
0x87: {  	s19 =	sadd.s32 @!p4 $0xC0, s17;
	s21 =	simm.s32 @!p4 $0x8E00  }
0x88: {  	[tilespmem:s21], [sflag:$0x3] =	stream.linear.gather @!p4 [hbm4b:s19+s10], $0x80, $0x38;
	[tilespmem:$0x1CA80] =	vst v63  }
0x89: {  	s19 =	sadd.s32 @!p4 $0xD0, s17;
	s21 =	simm.s32 @!p4 $0x8F00  }
0x8a: {  	[tilespmem:s21], [sflag:$0x3] =	stream.linear.gather @!p4 [hbm4b:s19+s10], $0x80, $0x38;
	[tilespmem:$0x1CA80] =	vst v63  }
0x8b: {  	s19 =	sadd.s32 @!p4 $0xE0, s17;
	s21 =	simm.s32 @!p4 $0x9000  }
0x8c: {  	[tilespmem:s21], [sflag:$0x3] =	stream.linear.gather @!p4 [hbm4b:s19+s10], $0x80, $0x38;
	[tilespmem:$0x1CA80] =	vst v63  }
0x8d: {  	s17 =	sadd.s32 @!p4 $0xF0, s17;
	s19 =	simm.s32 @!p4 $0x9100  }
0x8e: {  	[tilespmem:s19], [sflag:$0x3] =	stream.linear.gather @!p4 [hbm4b:s17+s10], $0x80, $0x38;
	[tilespmem:$0x1CA80] =	vst v63  }
0x8f: {  	s10 =	simm.s32 @!p3 $0x2  }
0x90: {  	_ =	swait.ge @!p3 [sflag:s10], $0x80  }
0x91: {  	[sflag:s10] =	ssyncset.done @!p3 $0x0  }
0x92: {  	[sflag:s10] =	ssyncadd.s32 @!p3 $0xFFFFFF80  }
0x93: {  	_ =	swait.ge @!p3 [sflag:s10], $0x80  }
0x94: {  	[sflag:s10] =	ssyncset.done @!p3 $0x0  }
0x95: {  	s4 =	sshll.u32 @!p3 s4, $0x8;
	[sflag:s10] =	ssyncadd.s32 @!p3 $0xFFFFFF80;
	s10 =	simm.s32 @!p3 $0x4200  }
0x96: {  	[tilespmem:s10], [sflag:$0x4] =	stream.indirect.gather @!p3 [hbm4b:s1+s15], $0x80, s15, s15, $0xb8;
	[tilespmem:$0x1CA80] =	vst v63  }
0x97: {  	s4 =	sadd.s32 @!p3 s6, s4;
	s10 =	simm.s32 @!p3 $0x8280  }
0x98: {  	[tilespmem:s10], [sflag:$0x4] =	stream.linear.gather @!p3 [hbm4b:s4+s26], $0x80, $0x38;
	[tilespmem:$0x1CA80] =	vst v63  }
0x99: {  	s15 =	simm.s32 @!p3 $0x8380;
	s10 =	sadd.s32 @!p3 $0x10, s4  }
0x9a: {  	[tilespmem:s15], [sflag:$0x4] =	stream.linear.gather @!p3 [hbm4b:s10+s26], $0x80, $0x38;
	[tilespmem:$0x1CA80] =	vst v63  }
0x9b: {  	s10 =	sadd.s32 @!p3 $0x20, s4;
	s15 =	simm.s32 @!p3 $0x8480  }
0x9c: {  	[tilespmem:s15], [sflag:$0x4] =	stream.linear.gather @!p3 [hbm4b:s10+s26], $0x80, $0x38;
	[tilespmem:$0x1CA80] =	vst v63  }
0x9d: {  	s10 =	sadd.s32 @!p3 $0x30, s4;
	s15 =	simm.s32 @!p3 $0x8580  }
0x9e: {  	[tilespmem:s15], [sflag:$0x4] =	stream.linear.gather @!p3 [hbm4b:s10+s26], $0x80, $0x38;
	[tilespmem:$0x1CA80] =	vst v63  }
0x9f: {  	s10 =	sadd.s32 @!p3 $0x40, s4;
	s15 =	simm.s32 @!p3 $0x8680  }
0xa0: {  	[tilespmem:s15], [sflag:$0x4] =	stream.linear.gather @!p3 [hbm4b:s10+s26], $0x80, $0x38;
	[tilespmem:$0x1CA80] =	vst v63  }
0xa1: {  	s10 =	sadd.s32 @!p3 $0x50, s4;
	s15 =	simm.s32 @!p3 $0x8780  }
0xa2: {  	[tilespmem:s15], [sflag:$0x4] =	stream.linear.gather @!p3 [hbm4b:s10+s26], $0x80, $0x38;
	[tilespmem:$0x1CA80] =	vst v63  }
0xa3: {  	s10 =	sadd.s32 @!p3 $0x60, s4;
	s15 =	simm.s32 @!p3 $0x8880  }
0xa4: {  	[tilespmem:s15], [sflag:$0x4] =	stream.linear.gather @!p3 [hbm4b:s10+s26], $0x80, $0x38;
	[tilespmem:$0x1CA80] =	vst v63  }
0xa5: {  	s10 =	sadd.s32 @!p3 $0x70, s4;
	s15 =	simm.s32 @!p3 $0x8980  }
0xa6: {  	[tilespmem:s15], [sflag:$0x4] =	stream.linear.gather @!p3 [hbm4b:s10+s26], $0x80, $0x38;
	[tilespmem:$0x1CA80] =	vst v63  }
0xa7: {  	s10 =	sadd.s32 @!p3 $0x80, s4;
	s15 =	simm.s32 @!p3 $0x8A80  }
0xa8: {  	[tilespmem:s15], [sflag:$0x4] =	stream.linear.gather @!p3 [hbm4b:s10+s26], $0x80, $0x38;
	[tilespmem:$0x1CA80] =	vst v63  }
0xa9: {  	s10 =	sadd.s32 @!p3 $0x90, s4;
	s15 =	simm.s32 @!p3 $0x8B80  }
0xaa: {  	[tilespmem:s15], [sflag:$0x4] =	stream.linear.gather @!p3 [hbm4b:s10+s26], $0x80, $0x38;
	[tilespmem:$0x1CA80] =	vst v63  }
0xab: {  	s10 =	sadd.s32 @!p3 $0xA0, s4;
	s15 =	simm.s32 @!p3 $0x8C80  }
0xac: {  	[tilespmem:s15], [sflag:$0x4] =	stream.linear.gather @!p3 [hbm4b:s10+s26], $0x80, $0x38;
	[tilespmem:$0x1CA80] =	vst v63  }
0xad: {  	s10 =	sadd.s32 @!p3 $0xB0, s4;
	s15 =	simm.s32 @!p3 $0x8D80  }
0xae: {  	[tilespmem:s15], [sflag:$0x4] =	stream.linear.gather @!p3 [hbm4b:s10+s26], $0x80, $0x38;
	[tilespmem:$0x1CA80] =	vst v63  }
0xaf: {  	s10 =	sadd.s32 @!p3 $0xC0, s4;
	s15 =	simm.s32 @!p3 $0x8E80  }
0xb0: {  	[tilespmem:s15], [sflag:$0x4] =	stream.linear.gather @!p3 [hbm4b:s10+s26], $0x80, $0x38;
	[tilespmem:$0x1CA80] =	vst v63  }
0xb1: {  	s10 =	sadd.s32 @!p3 $0xD0, s4;
	s15 =	simm.s32 @!p3 $0x8F80  }
0xb2: {  	[tilespmem:s15], [sflag:$0x4] =	stream.linear.gather @!p3 [hbm4b:s10+s26], $0x80, $0x38;
	[tilespmem:$0x1CA80] =	vst v63  }
.Ltmp5:
0xb3: {  	_ = 	snop;
	(pc) =	sbr.rel @p4 .LBB2_8-.Ltmp5, $4  }
0xb4: {  	s10 =	sadd.s32 @!p3 $0xE0, s4;
	s15 =	simm.s32 @!p3 $0x9080  }
0xb5: {  	[tilespmem:s15], [sflag:$0x4] =	stream.linear.gather @!p3 [hbm4b:s10+s26], $0x80, $0x38;
	[tilespmem:$0x1CA80] =	vst v63  }
0xb6: {  	s4 =	sadd.s32 @!p3 $0xF0, s4;
	s10 =	simm.s32 @!p3 $0x9180  }
0xb7: {  	[tilespmem:s10], [sflag:$0x4] =	stream.linear.gather @!p3 [hbm4b:s4+s26], $0x80, $0x38;
	[tilespmem:$0x1CA80] =	vst v63  }
0xb8: {  	_ =	swait.ge [sflag:s14], $0x4000  }
0xb9: {  	[sflag:s14] =	ssyncset.done $0x0  }
0xba: {  	[sflag:s14] =	ssyncadd.s32 $0xFFFFC000  }
0xbb: {  	s4 =	simm.s32 $0x0;
	_ =	swait.ge [sflag:s14], $0x800  }
0xbc: {  	s10 =	sand.u32 $0x70, s4;
	s4 =	sand.u32 $0xF00, s4;
	[sflag:s14] =	ssyncset.done $0x0  }
0xbd: {  	s4 =	sor.u32 s10, s4;
	[sflag:s14] =	ssyncadd.s32 $0xFFFFF800  }
0xbe: {  	v2 =	vld [tilespmem:s4+$0x8200];
	_ =	sdelay $0x2  }
0xbf: {  	s4 =	simm.s32 $0x240  }
0xc0: {  	v3 =	vld [tilespmem:s4+$0xFFFFFFC0]  }
0xc1: {  	v4 =	vld [tilespmem:s4+$0xFFFFFFD0];
	v5 =	vperm.xlane v2, v1  }
0xc2: {  	v6 =	vld [tilespmem:s4+$0xFFFFFFE0]  }
0xc3: {  	v7 =	vld [tilespmem:s4+$0xFFFFFFF0];
	v2 =	vadd.f32 v5, v2  }
0xc4: {  	v60 =	vld [tilespmem:s4+$0x0]  }
0xc5: {  	v8 =	vld [tilespmem:s4+$0x10];
	v3 =	vmul.f32 v2, v3  }
0xc6: {  	v9 =	vld [tilespmem:s4+$0x20];
	v4 =	vmul.f32 v4, v2  }
0xc7: {  	v6 =	vmul.f32 v6, v2;
	[tilespmem:s4+$0xFFFFFFC0] =	vst v3;
	v3 =	vld [tilespmem:s4+$0x30]  }
0xc8: {  	v7 =	vmul.f32 v7, v2;
	[tilespmem:s4+$0xFFFFFFD0] =	vst v4  }
0xc9: {  	v61 =	vmul.f32 v60, v2;
	[tilespmem:s4+$0xFFFFFFE0] =	vst v6  }
0xca: {  	v62 =	vmul.f32 v8, v2;
	[tilespmem:s4+$0xFFFFFFF0] =	vst v7  }
0xcb: {  	v63 =	vmul.f32 v9, v2;
	[tilespmem:s4+$0x0] =	vst v61  }
0xcc: {  	s15 =	simm.s32 $0x10;
	s26 =	simm.s32 $0x2C0;
	s10 =	simm.s32 $0x20;
	[tilespmem:s4+$0x10] =	vst v62;
	v2 =	vmul.f32 v3, v2  }
0xcd: {  	s17 =	sand.u32 $0x70, s15;
	s15 =	simm.s32 $0x20;
	s19 =	sand.u32 $0xF00, s10;
	[tilespmem:s4+$0x20] =	vst v63  }
.LBB2_6:
0xce: {  	p4 =	sne.s32 s15, $0x7F0;
	s17 =	sor.u32 s17, s19;
	v3 =	vld [tilespmem:s26+$0xFFFFFFF0];
	[tilespmem:s4+$0x30] =	vst v2;
	s4 =	smov.u32 s26  }
0xcf: {  	v2 =	vld [tilespmem:s17+$0x8200]  }
0xd0: {  	v4 =	vld [tilespmem:s26+$0x30]  }
0xd1: {  	v5 =	vld [tilespmem:s26+$0x10]  }
0xd2: {  	v6 =	vld [tilespmem:s26+$0xFFFFFFD0]  }
0xd3: {  	v7 =	vld [tilespmem:s26+$0xFFFFFFC0]  }
0xd4: {  	v8 =	vperm.xlane v2, v1;
	v9 =	vld [tilespmem:s26+$0xFFFFFFE0]  }
0xd5: {  	v10 =	vld [tilespmem:s26+$0x0]  }
0xd6: {  	v2 =	vadd.f32 v8, v2;
	v8 =	vld [tilespmem:s26+$0x20];
	_ =	sdelay $0x1  }
0xd7: {  	v7 =	vmul.f32 v2, v7;
	v6 =	vmul.f32 v6, v2  }
0xd8: {  	v3 =	vmul.f32 v3, v2;
	v9 =	vmul.f32 v9, v2  }
0xd9: {  	v5 =	vmul.f32 v5, v2;
	[tilespmem:s26+$0xFFFFFFC0] =	vst v7;
	v7 =	vmul.f32 v10, v2  }
0xda: {  	[tilespmem:s26+$0xFFFFFFD0] =	vst v6;
	v6 =	vmul.f32 v8, v2;
	v2 =	vmul.f32 v4, v2  }
.Ltmp6:
0xdb: {  	[tilespmem:s26+$0xFFFFFFE0] =	vst v9;
	(pc) =	sbr.rel @p4 .LBB2_6-.Ltmp6, $4  }
0xdc: {  	[tilespmem:s26+$0xFFFFFFF0] =	vst v3  }
0xdd: {  	[tilespmem:s26+$0x0] =	vst v7  }
0xde: {  	s10 =	sadd.s32 $0x20, s10;
	s26 =	sadd.s32 $0x80, s26;
	[tilespmem:s4+$0x10] =	vst v5  }
0xdf: {  	s17 =	sand.u32 $0x70, s15;
	s19 =	sand.u32 $0xF00, s10;
	s15 =	sadd.s32 $0x10, s15;
	[tilespmem:s4+$0x20] =	vst v6  }
0xe0: {  	s10 =	sor.u32 s17, s19;
	[tilespmem:s4+$0x30] =	vst v2  }
0xe1: {  	v2 =	vld [tilespmem:s10+$0x8200];
	_ =	sdelay $0x3  }
0xe2: {  	v3 =	vld [tilespmem:s26+$0xFFFFFFC0]  }
0xe3: {  	v4 =	vld [tilespmem:s26+$0xFFFFFFD0];
	v5 =	vperm.xlane v2, v1  }
0xe4: {  	v6 =	vld [tilespmem:s26+$0xFFFFFFE0]  }
0xe5: {  	v61 =	vld [tilespmem:s26+$0x0];
	v2 =	vadd.f32 v5, v2  }
0xe6: {  	v7 =	vld [tilespmem:s26+$0xFFFFFFF0]  }
0xe7: {  	v8 =	vld [tilespmem:s26+$0x10];
	v3 =	vmul.f32 v2, v3  }
0xe8: {  	v9 =	vld [tilespmem:s26+$0x20];
	v4 =	vmul.f32 v4, v2  }
0xe9: {  	v10 =	vld [tilespmem:s26+$0x30];
	v6 =	vmul.f32 v6, v2;
	[tilespmem:s26+$0xFFFFFFC0] =	vst v3  }
0xea: {  	v62 =	vmul.f32 v61, v2;
	[tilespmem:s26+$0xFFFFFFD0] =	vst v4  }
0xeb: {  	v3 =	vmul.f32 v7, v2;
	[tilespmem:s26+$0xFFFFFFE0] =	vst v6  }
0xec: {  	v63 =	vmul.f32 v8, v2;
	[tilespmem:s26+$0x0] =	vst v62  }
0xed: {  	[tilespmem:s26+$0xFFFFFFF0] =	vst v3;
	v3 =	vmul.f32 v9, v2  }
0xee: {  	[tilespmem:s26+$0x10] =	vst v63;
	v2 =	vmul.f32 v10, v2  }
0xef: {  	[tilespmem:s26+$0x20] =	vst v3  }
0xf0: {  	[tilespmem:s26+$0x30] =	vst v2  }
0xf1: {  	[spmem:s3] =	stream.indirect.scatter.add.f32 [tilespmem:s2], [sflag:$0x6], $0x80, s18, s16, $0xb8;
	[tilespmem:$0x1CA80] =	vst v63  }
0xf2: {  	_ =	swait.ge [sflag:s20], $0x4000  }
0xf3: {  	[sflag:s20] =	ssyncset.done $0x0  }
0xf4: {  	[sflag:s20] =	ssyncadd.s32 $0xFFFFC000  }
.LBB2_8:
.Ltmp7:
0xf5: {  	(pc) =	sbr.rel @p3 .LBB2_12-.Ltmp7, $1  }
0xf6: {  	_ =	sdelay $0x3  }
0xf7: {  	_ =	swait.ge [sflag:s22], $0x4000  }
0xf8: {  	[sflag:s22] =	ssyncset.done $0x0  }
0xf9: {  	[sflag:s22] =	ssyncadd.s32 $0xFFFFC000  }
0xfa: {  	s26 =	simm.s32 $0x0;
	_ =	swait.ge [sflag:s22], $0x800  }
0xfb: {  	s4 =	sand.u32 $0x70, s26;
	s10 =	sand.u32 $0xF00, s26;
	[sflag:s22] =	ssyncset.done $0x0  }
0xfc: {  	s10 =	sor.u32 s4, s10;
	[sflag:s22] =	ssyncadd.s32 $0xFFFFF800  }
0xfd: {  	s4 =	simm.s32 $0x0;
	v4 =	vld [tilespmem:s10+$0x8280]  }
0xfe: {  	v2 =	vld [tilespmem:s4+$0x4260]  }
0xff: {  	v7 =	vld [tilespmem:s4+$0x4230]  }
0x100: {  	v6 =	vld [tilespmem:s4+$0x4240]  }
0x101: {  	v9 =	vld [tilespmem:s4+$0x4210]  }
0x102: {  	v8 =	vld [tilespmem:s4+$0x4220];
	v10 =	vperm.xlane v4, v1  }
0x103: {  	v3 =	vld [tilespmem:s4+$0x4200]  }
0x104: {  	s15 =	simm.s32 $0x0;
	s10 =	simm.s32 $0x200;
	v5 =	vld [tilespmem:s4+$0x4270];
	v4 =	vadd.f32 v10, v4  }
.LBB2_10:
0x105: {  	p3 =	sne.s32 s10, $0xFE00;
	s26 =	sadd.s32 $0x20, s26;
	s15 =	sadd.s32 $0x10, s15  }
0x106: {  	s17 =	smov.u32 s10;
	s10 =	sadd.s32 $0x200, s10;
	v9 =	vmul.f32 v9, v4;
	v7 =	vmul.f32 v7, v4;
	v10 =	vld [tilespmem:s4+$0x4250]  }
0x107: {  	v6 =	vmul.f32 v6, v4;
	v8 =	vmul.f32 v8, v4  }
0x108: {  	[tilespmem:s4+$0x4210] =	vst v9  }
0x109: {  	[tilespmem:s4+$0x4230] =	vst v7  }
0x10a: {  	v2 =	vmul.f32 v2, v4;
	v5 =	vmul.f32 v5, v4;
	[tilespmem:s4+$0x4240] =	vst v6  }
0x10b: {  	s19 =	sand.u32 $0x70, s15;
	s21 =	sand.u32 $0xF00, s26;
	v3 =	vmul.f32 v4, v3;
	[tilespmem:s4+$0x4220] =	vst v8;
	v4 =	vmul.f32 v10, v4  }
0x10c: {  	s19 =	sor.u32 s19, s21;
	[tilespmem:s4+$0x4260] =	vst v2  }
0x10d: {  	[tilespmem:s4+$0x4250] =	vst v4  }
0x10e: {  	s17 =	sshra.s32 s17, $0x2;
	[tilespmem:s4+$0x4200] =	vst v3  }
0x10f: {  	v2 =	vld [tilespmem:s17+$0x4260];
	[tilespmem:s4+$0x4270] =	vst v5;
	s4 =	smov.u32 s17  }
0x110: {  	v4 =	vld [tilespmem:s19+$0x8280]  }
0x111: {  	v7 =	vld [tilespmem:s4+$0x4230]  }
0x112: {  	v6 =	vld [tilespmem:s4+$0x4240]  }
.Ltmp8:
0x113: {  	v3 =	vld [tilespmem:s4+$0x4200];
	(pc) =	sbr.rel @p3 .LBB2_10-.Ltmp8, $4  }
0x114: {  	v9 =	vld [tilespmem:s4+$0x4210]  }
0x115: {  	v10 =	vperm.xlane v4, v1;
	v8 =	vld [tilespmem:s4+$0x4220]  }
0x116: {  	v5 =	vld [tilespmem:s4+$0x4270]  }
0x117: {  	v4 =	vadd.f32 v10, v4  }
0x118: {  	_ = 	snop  }
0x119: {  	v9 =	vmul.f32 v9, v4  }
0x11a: {  	v7 =	vmul.f32 v7, v4  }
0x11b: {  	v10 =	vld [tilespmem:s4+$0x4250];
	v6 =	vmul.f32 v6, v4;
	[tilespmem:s4+$0x4210] =	vst v9  }
0x11c: {  	v2 =	vmul.f32 v2, v4;
	[tilespmem:s4+$0x4230] =	vst v7  }
0x11d: {  	v3 =	vmul.f32 v4, v3;
	[tilespmem:s4+$0x4240] =	vst v6  }
0x11e: {  	v8 =	vmul.f32 v8, v4;
	[tilespmem:s4+$0x4260] =	vst v2  }
0x11f: {  	v2 =	vmul.f32 v5, v4;
	[tilespmem:s4+$0x4200] =	vst v3  }
0x120: {  	[tilespmem:s4+$0x4220] =	vst v8;
	v63 =	vmul.f32 v10, v4  }
0x121: {  	[tilespmem:s4+$0x4270] =	vst v2  }
.Ltmp9:
0x122: {  	[tilespmem:s4+$0x4250] =	vst v63;
	(pc) =	sbr.rel .LBB2_12-.Ltmp9, $4  }
0x123: {  	[spmem:s3] =	stream.indirect.scatter.add.f32 [tilespmem:s24], [sflag:$0x5], $0x80, s23, s16, $0xb8;
	[tilespmem:$0x1CA80] =	vst v63  }
0x124: {  	_ =	swait.ge [sflag:s13], $0x4000  }
0x125: {  	[sflag:s13] =	ssyncset.done $0x0  }
0x126: {  	[sflag:s13] =	ssyncadd.s32 $0xFFFFC000  }
.LBB2_13:
.Ltmp10:
0x127: {  	(pc) =	sbr.rel @!p0 .LBB2_14-.Ltmp10, $4  }
0x128: {  	_ = 	snop  }
0x129: {  	s4 =	stileid.u32  }
0x12a: {  	[bflag:$0x0] =	sbarrier.arrive $0xFFFF;
	s15 =	sshll.u32 s4, $0x6  }
0x12b: {  	s10 =	sshrl.u32 s11, $0x3;
	s4 =	sor.u32 $0x1C05, s15  }
0x12c: {  	s4 =	sor.u32 $0x1C05, s15;
	s21 =	rddreg [dreg:$0xf]  }
0x12d: {  	[hbm:s21], [sflag:s4] =	dma.local [spmem:s10], $0x800  }
0x12e: {  	_ =	swait.ge [sflag:s13], $0x800  }
0x12f: {  	[sflag:s13] =	ssyncset.done $0x0;
	s25 =	rddreg [dreg:$0xa]  }
0x130: {  	s26 =	rddreg [dreg:$0x10];
	[sflag:s13] =	ssyncadd.s32 $0xFFFFF800;
	s10 =	sshrl.u32 s25, $0x3  }
0x131: {  	[hbm:s26], [sflag:s4] =	dma.local [spmem:s10], $0x800  }
0x132: {  	_ =	swait.ge [sflag:s13], $0x800  }
0x133: {  	[sflag:s13] =	ssyncset.done $0x0;
	s15 =	rddreg [dreg:$0xc]  }
0x134: {  	s17 =	rddreg [dreg:$0x11];
	[sflag:s13] =	ssyncadd.s32 $0xFFFFF800;
	s10 =	sshrl.u32 s15, $0x3  }
0x135: {  	[hbm:s17], [sflag:s4] =	dma.local [spmem:s10], $0x800  }
0x136: {  	_ =	swait.ge [sflag:s13], $0x800  }
0x137: {  	[sflag:s13] =	ssyncset.done $0x0;
	s19 =	rddreg [dreg:$0xe]  }
0x138: {  	s21 =	rddreg [dreg:$0x13];
	[sflag:s13] =	ssyncadd.s32 $0xFFFFF800;
	s10 =	sshrl.u32 s19, $0x3  }
0x139: {  	[hbm:s21], [sflag:s4] =	dma.local [spmem:s10], $0x800  }
0x13a: {  	_ =	swait.ge [sflag:s13], $0x800  }
0x13b: {  	[sflag:s13] =	ssyncset.done $0x0  }
0x13c: {  	s25 =	sshrl.u32 s12, $0x3;
	s26 =	rddreg [dreg:$0x7];
	[sflag:s13] =	ssyncadd.s32 $0xFFFFF800  }
0x13d: {  	[hbm:s26], [sflag:s4] =	dma.local [spmem:s25], $0x700  }
.Ltmp11:
0x13e: {  	_ = 	snop;
	(pc) =	sbr.rel @p1 .LBB2_17-.Ltmp11, $4  }
.Ltmp12:
0x13f: {  	_ = 	snop;
	(pc) =	sbr.rel @!p1 .LBB2_16-.Ltmp12, $4  }
0x140: {  	_ =	swait.ge [sflag:s13], $0x700  }
0x141: {  	[sflag:s13] =	ssyncset.done $0x0  }
0x142: {  	s10 =	rddreg [dreg:$0x5];
	[sflag:s13] =	ssyncadd.s32 $0xFFFFF900  }
0x143: {  	_ = 	snop  }
.LBB2_14:
0x144: {  	s15 =	rddreg [dreg:$0x9]  }
0x145: {  	[hbm:s15], [sflag:s4] =	dma.local [spmem:s10], $0x800  }
0x146: {  	_ =	swait.ge [sflag:s13], $0x800  }
0x147: {  	[sflag:s13] =	ssyncset.done $0x0;
	s25 =	rddreg [dreg:$0xa]  }
0x148: {  	s26 =	rddreg [dreg:$0xb];
	[sflag:s13] =	ssyncadd.s32 $0xFFFFF800;
	s10 =	sshrl.u32 s25, $0x3  }
0x149: {  	[hbm:s26], [sflag:s4] =	dma.local [spmem:s10], $0x800  }
0x14a: {  	_ =	swait.ge [sflag:s13], $0x800  }
0x14b: {  	[sflag:s13] =	ssyncset.done $0x0;
	s15 =	rddreg [dreg:$0xc]  }
0x14c: {  	s17 =	rddreg [dreg:$0xd];
	[sflag:s13] =	ssyncadd.s32 $0xFFFFF800;
	s10 =	sshrl.u32 s15, $0x3  }
0x14d: {  	[hbm:s17], [sflag:s4] =	dma.local [spmem:s10], $0x800  }
0x14e: {  	_ =	swait.ge [sflag:s13], $0x800  }
0x14f: {  	[sflag:s13] =	ssyncset.done $0x0;
	s19 =	rddreg [dreg:$0xe]  }
0x150: {  	s21 =	rddreg [dreg:$0x12];
	[sflag:s13] =	ssyncadd.s32 $0xFFFFF800;
	s10 =	sshrl.u32 s19, $0x3  }
0x151: {  	[hbm:s21], [sflag:s4] =	dma.local [spmem:s10], $0x800  }
0x152: {  	_ =	swait.ge [sflag:s13], $0x800  }
0x153: {  	[sflag:s13] =	ssyncset.done $0x0  }
0x154: {  	s25 =	sshrl.u32 s12, $0x3;
	s26 =	rddreg [dreg:$0x6];
	[sflag:s13] =	ssyncadd.s32 $0xFFFFF800  }
0x155: {  	[hbm:s26], [sflag:s4] =	dma.local [spmem:s25], $0x700  }
.Ltmp13:
0x156: {  	_ = 	snop;
	(pc) =	sbr.rel @p2 .LBB2_16-.Ltmp13, $4  }
.Ltmp14:
0x157: {  	_ =	swait.ge [sflag:s13], $0x700;
	(pc) =	sbr.rel @!p2 .LBB2_17-.Ltmp14, $4  }
0x158: {  	[sflag:s13] =	ssyncset.done $0x0  }
0x159: {  	[sflag:s13] =	ssyncadd.s32 $0xFFFFF900  }
0x15a: {  	s10 =	rddreg [dreg:$0x2]  }
0x15b: {  	_ = 	snop  }
.LBB2_18:
0x15c: {  	_ =	sfence.sel $0x180000  }
0x15d: {  	[bflag:$0x0] =	sbarrier.arrive $0xFFFF  }
0x15e: {  	_ =	strace $0x9000004A  }
0x15f: {  	s0 =	stileid.u32;
	[bflag:$0x2] =	sbarrier.arrive $0xFFFF  }
0x160: {  	p0 =	sne.s32 s0, $0x0;
	s0 =	rddreg [dreg:$0x4]  }
0x161: {  	s0 =	sadd.s32 @!p0 $0x100000, s0  }
0x162: {  	[sflag:s0] =	ssyncadd.tile.s32 @!p0 $0x1;
	_ =	shalt  }
.Lfunc_end2:
_tile_overlayer_lowered:
.L_overlay_start_2:
0x163: {  	(tag) =	ssettag $0x2  }
0x164: {  	s0 =	rddreg [dreg:$0x0];
	s2 =	stileid.u32  }
0x165: {  	s1 =	rddreg [dreg:$0x1];
	p0 =	sne.s32 s2, $0x0  }
0x166: {  	s3 =	rddreg [dreg:$0x2];
	[bflag:$0x3] =	sbarrier.arrive $0xFFFF;
	s2 =	simm.s32 @!p0 $0x1C05  }
0x167: {  	[timem:s3], [sflag:s2] =	dma.local @!p0 [hbm:s0], s1  }
0x168: {  	s0 =	simm.s32 @!p0 $0x5  }
0x169: {  	_ =	swait.ge @!p0 [sflag:s0], s1  }
0x16a: {  	s1 =	ssub.s32 @!p0 $0x0, s1;
	[sflag:s0] =	ssyncset.done @!p0 $0x0  }
0x16b: {  	[sflag:s0] =	ssyncadd.s32 @!p0 s1  }
0x16c: {  	[bflag:$0x3] =	sbarrier.arrive $0xFFFF  }
0x16d: {  	_ =	shalt  }

// kernel: kernel.15.cloned.1.call-start
scs
__scs_entry_jumppad:
0x0: {  	(pc) =	sbr.rel $0x88, $3  }
0x1: {  	(tag) =	ssettag $0x0;
	lr =	simm.s32 $0x1  }
0x2: {  	[smem:$0x3F8C] =	sst lr;
	_ =	strace $0xD0000000  }
0x3: {  	_ = 	snop  }
0x4: {  	_ = 	snop  }
0x5: {  	_ = 	snop  }
0x6: {  	_ = 	snop  }
0x7: {  	_ = 	snop  }
__scs_overlays_trampoline_lowered:
0x8: {  	[smem:$0x3F9B] =	sst s0  }
0x9: {  	[smem:$0x3F9C] =	sst s1  }
0xa: {  	[smem:$0x3F9D] =	sst s2  }
0xb: {  	[smem:$0x3F9E] =	sst s3  }
0xc: {  	[smem:$0x3F9F] =	sst s4  }
0xd: {  	[smem:$0x3FA0] =	sst s5  }
0xe: {  	[smem:$0x3FA1] =	sst s6  }
0xf: {  	[smem:$0x3FA2] =	sst s7  }
0x10: {  	[smem:$0x3FA3] =	sst s8  }
0x11: {  	[smem:$0x3FA4] =	sst s9;
	s0 =	simm.s32 @!p0 $0x0  }
0x12: {  	s1 =	sld [smem:$0x3F8A];
	s0 =	simm.s32 @p0 $0x1  }
0x13: {  	[smem:$0x3FA5] =	sst s0;
	s0 =	simm.s32 @!p1 $0x0  }
0x14: {  	s2 =	sld [smem:$0x3F89];
	s0 =	simm.s32 @p1 $0x1  }
0x15: {  	[smem:$0x3FA6] =	sst s0;
	s0 =	simm.s32 @!p2 $0x0  }
0x16: {  	s3 =	sld [smem:$0x3FDB];
	s0 =	simm.s32 @p2 $0x1  }
0x17: {  	s4 =	simm.s32 $0x1BF5;
	[smem:$0x3FA8] =	sst s0  }
0x18: {  	s0 =	sld [smem:$0x3F8B];
	_ =	swait.ge [sflag:s4], $0x0  }
0x19: {  	s7 =	sld [smem:$0x3F8C]  }
0x1a: {  	s8 =	sadd.s32 $0xFFFFE003, lr  }
0x1b: {  	s9 =	sadd.s32 $0xFFFFFEF7, lr;
	s5 =	simm.s32 $0xFFFFFFFF;
	p2 =	slt.u32 s8, $0xFFFFF086  }
0x1c: {  	p1 =	slt.u32 s9, $0xF7A;
	s5 =	simm.s32 @!p2 $0x0  }
0x1d: {  	s5 =	simm.s32 @p1 $0x1;
	p0 =	seq.s32 s7, s2  }
0x1e: {  	s7 =	smul.u32 @!p0 $0xF7A, s2;
	p2 =	seq.s32 @!p0 s5, $0x0  }
0x1f: {  	s9 =	smul.u32 $0xF7A, s1;
	s8 =	simm.s32 @!p0 $0x1BF5;
	p2 =	por !p2, p0  }
0x20: {  	[sflag:s8] =	ssyncset.s32 @!p0 $0xFFFFF086;
	s6 =	sadd.s32 @!p0 s3, s7;
	s7 =	simm.s32 @!p0 $0x108  }
0x21: {  	s3 =	sadd.s32 s3, s9;
	s6 =	sadd.s32 @!p0 $0x88, s6;
	s7 =	simm.s32 @p2 $0x1082  }
0x22: {  	[simem:s7], [sflag:s8] =	dma.local @!p0 [hbm:s6], $0xF7A  }
0x23: {  	s9 =	sor.u32 $0xD0000000, s2;
	s6 =	simm.s32 $0x108;
	_ =	swait.ge @!p0 [sflag:s8], $0x0  }
0x24: {  	s3 =	sadd.s32 $0x88, s3;
	s6 =	simm.s32 @!p1 $0x1082;
	[sflag:s4] =	ssyncset.s32 $0xFFFFF086  }
0x25: {  	[simem:s6], [sflag:s4] =	dma.local [hbm:s3], $0xF7A  }
0x26: {  	[smem:$0x3F8C] =	sst s1;
	(tag) =	ssettag s2;
	_ =	strace s9  }
0x27: {  	s1 =	sld [smem:$0x3F9C]  }
0x28: {  	s2 =	sld [smem:$0x3F9D]  }
0x29: {  	s4 =	sld [smem:$0x3F9F]  }
0x2a: {  	p0 =	seq.s32 s5, $0x0;
	s5 =	sld [smem:$0x3FA0]  }
0x2b: {  	s6 =	sld [smem:$0x3FA1]  }
0x2c: {  	s7 =	sld [smem:$0x3FA2]  }
0x2d: {  	s3 =	simm.s32 $0x108;
	s8 =	sld [smem:$0x3FA3]  }
0x2e: {  	s3 =	simm.s32 @!p0 $0x1082;
	s9 =	sld [smem:$0x3FA4]  }
0x2f: {  	lr =	sadd.s32 s0, s3;
	s0 =	sld [smem:$0x3F9B]  }
0x30: {  	s3 =	sld [smem:$0x3F9E]  }
0x31: {  	[smem:$0x3FA7] =	sst s10  }
0x32: {  	s10 =	sld [smem:$0x3FA5];
	_ =	sdelay $0x3  }
0x33: {  	p0 =	seq.s32 s10, $0x1;
	s10 =	sld [smem:$0x3FA7];
	_ =	sdelay $0x3  }
0x34: {  	[smem:$0x3FA7] =	sst s10  }
0x35: {  	s10 =	sld [smem:$0x3FA6];
	_ =	sdelay $0x3  }
0x36: {  	p1 =	seq.s32 s10, $0x1;
	s10 =	sld [smem:$0x3FA7];
	_ =	sdelay $0x3  }
0x37: {  	[smem:$0x3FA7] =	sst s10  }
0x38: {  	s10 =	sld [smem:$0x3FA8]  }
0x39: {  	_ = 	snop;
	(pc) =	sbr.ind lr, $3  }
0x3a: {  	_ = 	snop  }
0x3b: {  	_ = 	snop  }
0x3c: {  	p2 =	seq.s32 s10, $0x1;
	s10 =	sld [smem:$0x3FA7]  }
0x3d: {  	_ =	shalt  }
0x3e: {  	_ =	shalt  }
0x3f: {  	_ =	shalt  }
0x40: {  	_ =	shalt  }
0x41: {  	_ =	shalt  }
0x42: {  	_ =	shalt  }
0x43: {  	_ =	shalt  }
0x44: {  	_ =	shalt  }
0x45: {  	_ =	shalt  }
0x46: {  	_ =	shalt  }
0x47: {  	_ =	shalt  }
0x48: {  	_ =	shalt  }
0x49: {  	_ =	shalt  }
0x4a: {  	_ =	shalt  }
0x4b: {  	_ =	shalt  }
0x4c: {  	_ =	shalt  }
0x4d: {  	_ =	shalt  }
0x4e: {  	_ =	shalt  }
0x4f: {  	_ =	shalt  }
0x50: {  	_ =	shalt  }
0x51: {  	_ =	shalt  }
0x52: {  	_ =	shalt  }
0x53: {  	_ =	shalt  }
0x54: {  	_ =	shalt  }
0x55: {  	_ =	shalt  }
0x56: {  	_ =	shalt  }
0x57: {  	_ =	shalt  }
0x58: {  	_ =	shalt  }
0x59: {  	_ =	shalt  }
0x5a: {  	_ =	shalt  }
0x5b: {  	_ =	shalt  }
0x5c: {  	_ =	shalt  }
0x5d: {  	_ =	shalt  }
0x5e: {  	_ =	shalt  }
0x5f: {  	_ =	shalt  }
0x60: {  	_ =	shalt  }
0x61: {  	_ =	shalt  }
0x62: {  	_ =	shalt  }
0x63: {  	_ =	shalt  }
0x64: {  	_ =	shalt  }
0x65: {  	_ =	shalt  }
0x66: {  	_ =	shalt  }
0x67: {  	_ =	shalt  }
0x68: {  	_ =	shalt  }
0x69: {  	_ =	shalt  }
0x6a: {  	_ =	shalt  }
0x6b: {  	_ =	shalt  }
0x6c: {  	_ =	shalt  }
0x6d: {  	_ =	shalt  }
0x6e: {  	_ =	shalt  }
0x6f: {  	_ =	shalt  }
0x70: {  	_ =	shalt  }
0x71: {  	_ =	shalt  }
0x72: {  	_ =	shalt  }
0x73: {  	_ =	shalt  }
0x74: {  	_ =	shalt  }
0x75: {  	_ =	shalt  }
0x76: {  	_ =	shalt  }
0x77: {  	_ =	shalt  }
0x78: {  	_ =	shalt  }
0x79: {  	_ =	shalt  }
0x7a: {  	_ =	shalt  }
0x7b: {  	_ =	shalt  }
0x7c: {  	_ =	shalt  }
0x7d: {  	_ =	shalt  }
0x7e: {  	_ =	shalt  }
0x7f: {  	_ =	shalt  }
0x80: {  	_ =	shalt  }
0x81: {  	_ =	shalt  }
0x82: {  	_ =	shalt  }
0x83: {  	_ =	shalt  }
0x84: {  	_ =	shalt  }
0x85: {  	_ =	shalt  }
0x86: {  	_ =	shalt  }
0x87: {  	_ =	shalt  }
.Lfunc_end0:
.L_simem_size_0:
called_computation.2_lowered:
.L_overlay_start_0:
0x88: {  	s2 =	sld [smem:$0x3FD9]  }
0x89: {  	s3 =	sld [smem:$0x3FFE];
	_ =	sdelay $0x1  }
0x8a: {  	s1 =	srdreg.scid  }
0x8b: {  	s0 =	sand.u32 $0x1, s1  }
0x8c: {  	s14 =	sshll.u32 s0, $0xA;
	s2 =	sadd.s32 s3, s2  }
0x8d: {  	s2 =	sadd.s32 s2, s14  }
0x8e: {  	[smem:$0x3FB3] =	sst s2  }
0x8f: {  	_ = 	snop  }
0x90: {  	s2 =	sld [smem:$0x3FD0];
	_ =	sdelay $0x2  }
0x91: {  	s15 =	simm.s32 $0xA;
	s4 =	simm.s32 $0x10  }
0x92: {  	[smem:s4], [sflag:s15] =	dma.local [hbm:s2], $0x1  }
0x93: {  	_ =	swait.eq [sflag:s15], $0x1  }
0x94: {  	[sflag:s15] =	ssyncset.done $0x0  }
0x95: {  	[sflag:s15] =	ssyncadd.s32 $0xFFFFFFFF  }
0x96: {  	s16 =	sld [smem:$0x11];
	(tm) =	ssettm $0x1  }
0x97: {  	s17 =	sld [smem:$0x3FFB];
	_ =	sdelay $0x3  }
0x98: {  	_ =	strace s17  }
0x99: {  	s3 =	sld [smem:$0x3FFC];
	_ =	sdelay $0x3  }
0x9a: {  	_ =	strace s3  }
0x9b: {  	s3 =	sld [smem:$0x3FFD];
	_ =	sdelay $0x3  }
0x9c: {  	_ =	strace s3  }
0x9d: {  	_ =	strace $0x8FFFFFFF  }
0x9e: {  	s18 =	sld [smem:$0x3FDB];
	_ =	sdelay $0x1  }
0x9f: {  	s19 =	simm.s32 $_scs_section_size  }
0xa0: {  	s5 =	simm.s32 $_size__tile_overlayer_lowered;
	s6 =	simm.s32 $_tile_overlayer_lowered  }
0xa1: {  	s22 =	simm.s32 $0x1BFF;
	s21 =	sshll.u32 s6, $0x1;
	s3 =	sadd.s32 s19, s18  }
0xa2: {  	s7 =	simm.s32 $0x0;
	s20 =	sshll.u32 s5, $0x1;
	s5 =	sadd.s32 s21, s3  }
0xa3: {  	[timem:s7], [sflag:s22] =	dma.local [hbm:s5], s20  }
0xa4: {  	_ =	swait.ge [sflag:s22], s20  }
0xa5: {  	s4 =	ssub.s32 $0x0, s20;
	[sflag:s22] =	ssyncset.done $0x0  }
0xa6: {  	[sflag:s22] =	ssyncadd.s32 s4;
	_ =	sdelay $0x1  }
0xa7: {  	s23 =	simm.s32 $0x1B8B  }
0xa8: {  	_ =	swait.ge [sflag:s23], $0x1  }
0xa9: {  	[sflag:s23] =	ssyncset.done $0x0  }
0xaa: {  	s25 =	simm.s32 $0x1B8E;
	s24 =	sld [smem:$0x3FFE];
	[sflag:s23] =	ssyncadd.s32 $0xFFFFFFFF  }
0xab: {  	s26 =	simm.s32 $execute0_lowered;
	[smem:$0x3FD2] =	sst s25  }
0xac: {  	s5 =	sshll.u32 s26, $0x1;
	_ =	strace $0x8000004C;
	[dreg:$0x1] =	wrdreg $0xFFFFFFFF  }
0xad: {  	s28 =	simm.s32 $_size_execute0_lowered;
	s3 =	sadd.s32 s3, s5;
	[dreg:$0x0] =	wrdreg $0x0  }
0xae: {  	s5 =	sshll.u32 s28, $0x1;
	[dreg:$0x2] =	wrdreg s3  }
0xaf: {  	[dreg:$0x3] =	wrdreg s5  }
0xb0: {  	[dreg:$0x4] =	wrdreg $0xC0  }
0xb1: {  	_ =	task [dreg:s7], $0x5FFFF  }
0xb2: {  	[dreg:$0x1] =	wrdreg $0xFFFFFFFF  }
0xb3: {  	[dreg:$0x0] =	wrdreg $0x60  }
0xb4: {  	[dreg:$0x2] =	wrdreg s16  }
0xb5: {  	[dreg:$0x3] =	wrdreg s24  }
0xb6: {  	[dreg:$0x4] =	wrdreg $0x9  }
0xb7: {  	_ =	task.clear_ibuf [dreg:s7], $0x5FFFF;
	_ =	strace $0x9000004C  }
0xb8: {  	s29 =	simm.s32 $0x9;
	_ =	strace $0x8000004E  }
0xb9: {  	_ =	swait.ge [sflag:s29], $0x1  }
0xba: {  	[sflag:s29] =	ssyncadd.s32 $0xFFFFFFFF  }
0xbb: {  	_ =	strace $0x9000004E  }
0xbc: {  	_ =	sfence  }
0xbd: {  	s30 =	sld [smem:$0x0];
	_ =	sdelay $0x2  }
0xbe: {  	s31 =	sshll.u32 s1, $0xD;
	s1 =	sshrl.u32 s1, $0x2  }
0xbf: {  	s3 =	sand.u32 $0x4000, s31;
	s1 =	sadd.s32 s1, s30  }
0xc0: {  	s0 =	sor.u32 s3, s0;
	s1 =	sshll.u32 s1, $0x11  }
0xc1: {  	s0 =	sor.u32 s1, s0  }
0xc2: {  	s0 =	sadd.s32 $0x8F2B, s0  }
0xc3: {  	[sflag:s0] =	ssyncadd.remote.s32 $0x1  }
0xc4: {  	_ =	sfence.sel $0xFFFF  }
0xc5: {  	[dreg:$0x0] =	wrdreg $0xFFFFFFFF;
	(pc) =	sbr.abs _section_cstart, $3  }
0xc6: {  	[dreg:$0x1] =	wrdreg $0xFFFFFFFF  }
0xc7: {  	_ =	task.clear_ibuf [dreg:s7], $0x2FFFF;
	_ =	strace $0x9FFFFFFF  }
0xc8: {  	(tm) =	ssettm $0x7FFFFFFF  }
0xc9: {  	_ =	shalt  }
tec
execute0_lowered:
.L_overlay_start_1:
0x0: {  	(tag) =	ssettag $0x1  }
0x1: {  	s1 =	rddreg [dreg:$0x0]  }
0x2: {  	s8 =	rddreg [dreg:$0x1]  }
0x3: {  	s0 =	rddreg [dreg:$0x2];
	s2 =	simm.s32 $0x0  }
0x4: {  	s3 =	srdreg.scid;
	s4 =	stileid.u32;
	s11 =	simm.s32 $0x3  }
0x5: {  	s12 =	simm.s32 $0x200;
	s13 =	simm.s32 $0x4;
	s14 =	simm.s32 $0x4200  }
.Ltmp0:
0x6: {  	s15 =	simm.s32 $0x0;
	s3 =	sand.u32 $0x1, s3;
	(pc) =	sbr.rel .LBB2_1-.Ltmp0, $4  }
0x7: {  	[smem:$0x7FF] =	sst s2;
	s5 =	sadd.s32 $0x15E00, s8;
	s9 =	ssub.s32 $0x2, s3  }
0x8: {  	s6 =	sadd.s32 $0xC000, s8;
	s7 =	sadd.s32 $0x2200, s8;
	s10 =	sshrl.u32 s9, $0x1  }
0x9: {  	s8 =	sadd.s32 $0x3D000, s8;
	p0 =	sgt.u32 s4, $0x1;
	s10 =	ssub.s32 s9, s10  }
0xa: {  	_ =	strace $0x8000004D;
	s9 =	sshll.u32 s4, $0x1;
	s10 =	smax.u32 s10, $0x1  }
.LBB2_11:
0xb: {  	s15 =	sadd.s32 $0x1, s15  }
0xc: {  	p1 =	sne.s32 s15, s10  }
.Ltmp1:
0xd: {  	_ = 	snop;
	(pc) =	sbr.rel @!p1 .LBB2_12-.Ltmp1, $4  }
0xe: {  	s16 =	simm.s32 @!p0 $0x5  }
0xf: {  	_ =	swait.ge @!p0 [sflag:s16], $0x4000  }
0x10: {  	[sflag:s16] =	ssyncset.done @!p0 $0x0  }
0x11: {  	[sflag:s16] =	ssyncadd.s32 @!p0 $0xFFFFC000  }
.LBB2_1:
.Ltmp2:
0x12: {  	(pc) =	sbr.rel .LBB2_2-.Ltmp2, $2  }
0x13: {  	_ =	sdelay $0x2  }
0x14: {  	s16 =	simm.s32 $0x0  }
.LBB2_10:
0x15: {  	s16 =	sadd.s32 $0x1, s16  }
0x16: {  	p1 =	sne.s32 s16, $0x28  }
.Ltmp3:
0x17: {  	_ = 	snop;
	(pc) =	sbr.rel @!p1 .LBB2_11-.Ltmp3, $1  }
0x18: {  	_ =	sdelay $0x3  }
.LBB2_2:
0x19: {  	s17 =	sshll.u32 s16, $0x6  }
0x1a: {  	s17 =	sor.u32 s17, s9  }
0x1b: {  	s18 =	sor.u32 s3, s17;
	p2 =	sgt.u32 s17, $0x9C3  }
0x1c: {  	s17 =	sshll.u32 @!p2 s18, $0x4  }
0x1d: {  	s20 =	simm.s32 @!p2 $0x0;
	s19 =	sadd.s32 @!p2 s6, s17  }
0x1e: {  	[tilespmem:s20], [sflag:$0x1] =	stream.linear.gather @!p2 [hbm4b:s19+s20], $0x80, $0x38;
	[tilespmem:$0x10200] =	vst v63  }
0x1f: {  	s17 =	sadd.s32 @!p2 s7, s17;
	s19 =	simm.s32 @!p2 $0x100  }
0x20: {  	[tilespmem:s19], [sflag:$0x1] =	stream.linear.gather @!p2 [hbm4b:s17+s20], $0x80, $0x38;
	[tilespmem:$0x10200] =	vst v63  }
0x21: {  	s17 =	sor.u32 $0x20, s18  }
0x22: {  	p1 =	sgt.u32 s17, $0x9C3  }
0x23: {  	s21 =	sshll.u32 @!p1 s17, $0x4  }
0x24: {  	s23 =	simm.s32 @!p1 $0x0;
	s24 =	simm.s32 @!p1 $0x80;
	s22 =	sadd.s32 @!p1 s6, s21  }
0x25: {  	[tilespmem:s24], [sflag:$0x2] =	stream.linear.gather @!p1 [hbm4b:s22+s23], $0x80, $0x38;
	[tilespmem:$0x10200] =	vst v63  }
0x26: {  	s21 =	sadd.s32 @!p1 s7, s21;
	s22 =	simm.s32 @!p1 $0x180  }
0x27: {  	[tilespmem:s22], [sflag:$0x2] =	stream.linear.gather @!p1 [hbm4b:s21+s23], $0x80, $0x38;
	[tilespmem:$0x10200] =	vst v63  }
0x28: {  	s21 =	simm.s32 @!p2 $0x1  }
0x29: {  	_ =	swait.ge @!p2 [sflag:s21], $0x80  }
0x2a: {  	[sflag:s21] =	ssyncset.done @!p2 $0x0  }
0x2b: {  	[sflag:s21] =	ssyncadd.s32 @!p2 $0xFFFFFF80  }
0x2c: {  	p3 =	seq.s32 @!p2 s16, $0x0;
	_ =	swait.ge @!p2 [sflag:s21], $0x80  }
0x2d: {  	p3 =	por p3, p2;
	[sflag:s21] =	ssyncset.done @!p2 $0x0  }
0x2e: {  	[sflag:s21] =	ssyncadd.s32 @!p2 $0xFFFFFF80;
	s21 =	simm.s32 @!p3 $0x5  }
0x2f: {  	_ =	swait.ge @!p3 [sflag:s21], $0x4000  }
0x30: {  	[sflag:s21] =	ssyncset.done @!p3 $0x0  }
0x31: {  	s23 =	simm.s32 @!p2 $0x200;
	[sflag:s21] =	ssyncadd.s32 @!p3 $0xFFFFC000;
	s21 =	simm.s32 @!p2 $0x80  }
0x32: {  	[tilespmem:s23], [sflag:$0x3] =	stream.indirect.gather @!p2 [hbm4b:s1+s21], $0x80, s20, s21, $0xb8;
	[tilespmem:$0x10200] =	vst v63  }
0x33: {  	s20 =	simm.s32 @!p2 $0x8200  }
0x34: {  	[tilespmem:s20], [sflag:$0x3] =	stream.indirect.gather @!p2 [hbm4b:s5+s21], $0x80, s19, s21, $0xb8;
	[tilespmem:$0x10200] =	vst v63  }
0x35: {  	s19 =	simm.s32 @!p1 $0x2  }
0x36: {  	_ =	swait.ge @!p1 [sflag:s19], $0x80  }
0x37: {  	[sflag:s19] =	ssyncset.done @!p1 $0x0  }
0x38: {  	[sflag:s19] =	ssyncadd.s32 @!p1 $0xFFFFFF80  }
0x39: {  	p3 =	seq.s32 @!p1 s16, $0x0;
	_ =	swait.ge @!p1 [sflag:s19], $0x80  }
0x3a: {  	p3 =	por p3, p1;
	[sflag:s19] =	ssyncset.done @!p1 $0x0  }
0x3b: {  	[sflag:s19] =	ssyncadd.s32 @!p1 $0xFFFFFF80;
	s19 =	simm.s32 @!p3 $0x6  }
0x3c: {  	_ =	swait.ge @!p3 [sflag:s19], $0x4000  }
.Ltmp4:
0x3d: {  	[sflag:s19] =	ssyncset.done @!p3 $0x0;
	(pc) =	sbr.rel @p2 .LBB2_6-.Ltmp4, $4  }
0x3e: {  	[sflag:s19] =	ssyncadd.s32 @!p3 $0xFFFFC000;
	s19 =	simm.s32 @!p1 $0x4200  }
0x3f: {  	[tilespmem:s19], [sflag:$0x4] =	stream.indirect.gather @!p1 [hbm4b:s1+s24], $0x80, s24, s24, $0xb8;
	[tilespmem:$0x10200] =	vst v63  }
0x40: {  	s19 =	simm.s32 @!p1 $0xC200  }
0x41: {  	[tilespmem:s19], [sflag:$0x4] =	stream.indirect.gather @!p1 [hbm4b:s5+s24], $0x80, s22, s24, $0xb8;
	[tilespmem:$0x10200] =	vst v63  }
0x42: {  	_ =	swait.ge [sflag:s11], $0x4000  }
0x43: {  	[sflag:s11] =	ssyncset.done $0x0  }
0x44: {  	[sflag:s11] =	ssyncadd.s32 $0xFFFFC000  }
0x45: {  	_ =	swait.ge [sflag:s11], $0x4000  }
0x46: {  	[sflag:s11] =	ssyncset.done $0x0  }
0x47: {  	s19 =	simm.s32 $0x0;
	[sflag:s11] =	ssyncadd.s32 $0xFFFFC000  }
0x48: {  	v7 =	vld [tilespmem:s19+$0x8200]  }
0x49: {  	v11 =	vld [tilespmem:s19+$0x8210]  }
0x4a: {  	v5 =	vld [tilespmem:s19+$0x8220]  }
0x4b: {  	v4 =	vld [tilespmem:s19+$0x8230]  }
0x4c: {  	v3 =	vld [tilespmem:s19+$0x8240]  }
0x4d: {  	v2 =	vld [tilespmem:s19+$0x8250]  }
0x4e: {  	v1 =	vld [tilespmem:s19+$0x8260]  }
0x4f: {  	v0 =	vld [tilespmem:s19+$0x8270]  }
0x50: {  	v12 =	vld [tilespmem:s19+$0x200]  }
0x51: {  	v13 =	vld [tilespmem:s19+$0x210]  }
0x52: {  	v10 =	vld [tilespmem:s19+$0x220]  }
0x53: {  	v9 =	vld [tilespmem:s19+$0x230]  }
0x54: {  	v8 =	vld [tilespmem:s19+$0x240]  }
0x55: {  	v6 =	vld [tilespmem:s19+$0x250];
	v12 =	vadd.f32 v7, v12  }
0x56: {  	s20 =	simm.s32 $0x200;
	v11 =	vadd.f32 v11, v13;
	v7 =	vld [tilespmem:s19+$0x260]  }
.LBB2_4:
0x57: {  	s21 =	sshra.s32 s20, $0x2;
	p2 =	sne.s32 s20, $0xFE00;
	[tilespmem:s19+$0x200] =	vst v12;
	v5 =	vadd.f32 v5, v10;
	v10 =	vld [tilespmem:s19+$0x270]  }
0x58: {  	v12 =	vld [tilespmem:s21+$0x8200];
	[tilespmem:s19+$0x210] =	vst v11;
	v4 =	vadd.f32 v4, v9  }
0x59: {  	v11 =	vld [tilespmem:s21+$0x8210];
	[tilespmem:s19+$0x220] =	vst v5;
	v3 =	vadd.f32 v3, v8  }
0x5a: {  	v5 =	vld [tilespmem:s21+$0x8220];
	[tilespmem:s19+$0x230] =	vst v4;
	v2 =	vadd.f32 v2, v6  }
0x5b: {  	v4 =	vld [tilespmem:s21+$0x8230];
	[tilespmem:s19+$0x240] =	vst v3;
	v1 =	vadd.f32 v1, v7  }
0x5c: {  	v3 =	vld [tilespmem:s21+$0x8240];
	[tilespmem:s19+$0x250] =	vst v2;
	v0 =	vadd.f32 v0, v10  }
0x5d: {  	v2 =	vld [tilespmem:s21+$0x8250];
	[tilespmem:s19+$0x260] =	vst v1  }
0x5e: {  	v1 =	vld [tilespmem:s21+$0x8260];
	[tilespmem:s19+$0x270] =	vst v0;
	s19 =	smov.u32 s21  }
0x5f: {  	v0 =	vld [tilespmem:s19+$0x8270]  }
0x60: {  	v6 =	vld [tilespmem:s19+$0x200]  }
0x61: {  	v7 =	vld [tilespmem:s19+$0x210]  }
.Ltmp5:
0x62: {  	v10 =	vld [tilespmem:s19+$0x220];
	(pc) =	sbr.rel @p2 .LBB2_4-.Ltmp5, $4  }
0x63: {  	v9 =	vld [tilespmem:s19+$0x230]  }
0x64: {  	v8 =	vld [tilespmem:s19+$0x240]  }
0x65: {  	v12 =	vadd.f32 v12, v6;
	v6 =	vld [tilespmem:s19+$0x250]  }
0x66: {  	s20 =	sadd.s32 $0x200, s20;
	v11 =	vadd.f32 v11, v7;
	v7 =	vld [tilespmem:s19+$0x260]  }
0x67: {  	[tilespmem:s19+$0x200] =	vst v12;
	v5 =	vadd.f32 v5, v10;
	v63 =	vld [tilespmem:s19+$0x270]  }
0x68: {  	[tilespmem:s19+$0x210] =	vst v11;
	v4 =	vadd.f32 v4, v9  }
0x69: {  	[tilespmem:s19+$0x220] =	vst v5;
	v3 =	vadd.f32 v3, v8  }
0x6a: {  	[tilespmem:s19+$0x230] =	vst v4;
	v2 =	vadd.f32 v2, v6  }
0x6b: {  	[tilespmem:s19+$0x240] =	vst v3;
	v1 =	vadd.f32 v1, v7  }
0x6c: {  	[tilespmem:s19+$0x250] =	vst v2;
	v0 =	vadd.f32 v0, v63  }
0x6d: {  	s18 =	sshll.u32 s18, $0xB;
	[tilespmem:s19+$0x260] =	vst v1  }
0x6e: {  	s18 =	sadd.s32 s8, s18;
	[tilespmem:s19+$0x270] =	vst v0  }
0x6f: {  	[hbm4b:s18+s2] =	stream.linear.scatter [tilespmem:s12], [sflag:$0x5], $0x4000, $0x38;
	[tilespmem:$0x10200] =	vst v63  }
.LBB2_6:
.Ltmp6:
0x70: {  	(pc) =	sbr.rel @p1 .LBB2_10-.Ltmp6, $1  }
0x71: {  	_ =	sdelay $0x3  }
0x72: {  	_ =	swait.ge [sflag:s13], $0x4000  }
0x73: {  	[sflag:s13] =	ssyncset.done $0x0  }
0x74: {  	[sflag:s13] =	ssyncadd.s32 $0xFFFFC000  }
0x75: {  	_ =	swait.ge [sflag:s13], $0x4000  }
0x76: {  	[sflag:s13] =	ssyncset.done $0x0  }
0x77: {  	s18 =	simm.s32 $0x0;
	[sflag:s13] =	ssyncadd.s32 $0xFFFFC000  }
0x78: {  	v7 =	vld [tilespmem:s18+$0xC200]  }
0x79: {  	v11 =	vld [tilespmem:s18+$0xC210]  }
0x7a: {  	v5 =	vld [tilespmem:s18+$0xC220]  }
0x7b: {  	v4 =	vld [tilespmem:s18+$0xC230]  }
0x7c: {  	v3 =	vld [tilespmem:s18+$0xC240]  }
0x7d: {  	v2 =	vld [tilespmem:s18+$0xC250]  }
0x7e: {  	v1 =	vld [tilespmem:s18+$0xC260]  }
0x7f: {  	v0 =	vld [tilespmem:s18+$0xC270]  }
0x80: {  	v12 =	vld [tilespmem:s18+$0x4200]  }
0x81: {  	v13 =	vld [tilespmem:s18+$0x4210]  }
0x82: {  	v10 =	vld [tilespmem:s18+$0x4220]  }
0x83: {  	v9 =	vld [tilespmem:s18+$0x4230]  }
0x84: {  	v8 =	vld [tilespmem:s18+$0x4240]  }
0x85: {  	v6 =	vld [tilespmem:s18+$0x4250];
	v12 =	vadd.f32 v7, v12  }
0x86: {  	s19 =	simm.s32 $0x200;
	v11 =	vadd.f32 v11, v13;
	v7 =	vld [tilespmem:s18+$0x4260]  }
.LBB2_8:
0x87: {  	s20 =	sshra.s32 s19, $0x2;
	p1 =	sne.s32 s19, $0xFE00;
	[tilespmem:s18+$0x4200] =	vst v12;
	v5 =	vadd.f32 v5, v10;
	v10 =	vld [tilespmem:s18+$0x4270]  }
0x88: {  	v12 =	vld [tilespmem:s20+$0xC200];
	[tilespmem:s18+$0x4210] =	vst v11;
	v4 =	vadd.f32 v4, v9  }
0x89: {  	v11 =	vld [tilespmem:s20+$0xC210];
	[tilespmem:s18+$0x4220] =	vst v5;
	v3 =	vadd.f32 v3, v8  }
0x8a: {  	v5 =	vld [tilespmem:s20+$0xC220];
	[tilespmem:s18+$0x4230] =	vst v4;
	v2 =	vadd.f32 v2, v6  }
0x8b: {  	v4 =	vld [tilespmem:s20+$0xC230];
	[tilespmem:s18+$0x4240] =	vst v3;
	v1 =	vadd.f32 v1, v7  }
0x8c: {  	v3 =	vld [tilespmem:s20+$0xC240];
	[tilespmem:s18+$0x4250] =	vst v2;
	v0 =	vadd.f32 v0, v10  }
0x8d: {  	v2 =	vld [tilespmem:s20+$0xC250];
	[tilespmem:s18+$0x4260] =	vst v1  }
0x8e: {  	v1 =	vld [tilespmem:s20+$0xC260];
	[tilespmem:s18+$0x4270] =	vst v0;
	s18 =	smov.u32 s20  }
0x8f: {  	v0 =	vld [tilespmem:s18+$0xC270]  }
0x90: {  	v6 =	vld [tilespmem:s18+$0x4200]  }
0x91: {  	v7 =	vld [tilespmem:s18+$0x4210]  }
.Ltmp7:
0x92: {  	v10 =	vld [tilespmem:s18+$0x4220];
	(pc) =	sbr.rel @p1 .LBB2_8-.Ltmp7, $4  }
0x93: {  	v9 =	vld [tilespmem:s18+$0x4230]  }
0x94: {  	v8 =	vld [tilespmem:s18+$0x4240]  }
0x95: {  	v12 =	vadd.f32 v12, v6;
	v6 =	vld [tilespmem:s18+$0x4250]  }
0x96: {  	s19 =	sadd.s32 $0x200, s19;
	v11 =	vadd.f32 v11, v7;
	v7 =	vld [tilespmem:s18+$0x4260]  }
0x97: {  	[tilespmem:s18+$0x4200] =	vst v12;
	v5 =	vadd.f32 v5, v10;
	v63 =	vld [tilespmem:s18+$0x4270]  }
0x98: {  	[tilespmem:s18+$0x4210] =	vst v11;
	v4 =	vadd.f32 v4, v9  }
0x99: {  	[tilespmem:s18+$0x4220] =	vst v5;
	v3 =	vadd.f32 v3, v8  }
0x9a: {  	[tilespmem:s18+$0x4230] =	vst v4;
	v2 =	vadd.f32 v2, v6  }
.Ltmp8:
0x9b: {  	[tilespmem:s18+$0x4240] =	vst v3;
	v1 =	vadd.f32 v1, v7;
	(pc) =	sbr.rel .LBB2_10-.Ltmp8, $4  }
0x9c: {  	[tilespmem:s18+$0x4250] =	vst v2;
	v0 =	vadd.f32 v0, v63  }
0x9d: {  	s17 =	sshll.u32 s17, $0xB;
	[tilespmem:s18+$0x4260] =	vst v1  }
0x9e: {  	s17 =	sadd.s32 s8, s17;
	[tilespmem:s18+$0x4270] =	vst v0  }
0x9f: {  	[hbm4b:s17+s2] =	stream.linear.scatter [tilespmem:s14], [sflag:$0x6], $0x4000, $0x38;
	[tilespmem:$0x10200] =	vst v63  }
.LBB2_12:
0xa0: {  	_ =	sfence.sel $0x180000  }
0xa1: {  	[bflag:$0x0] =	sbarrier.arrive $0xFFFF  }
0xa2: {  	p0 =	sne.s32 s4, $0x0;
	_ =	strace $0x9000004D  }
0xa3: {  	s0 =	sadd.s32 @!p0 $0x100000, s0;
	[bflag:$0x2] =	sbarrier.arrive $0xFFFF  }
0xa4: {  	[sflag:s0] =	ssyncadd.tile.s32 @!p0 $0x1;
	_ =	shalt  }
.Lfunc_end2:
_tile_overlayer_lowered:
.L_overlay_start_2:
0xa5: {  	(tag) =	ssettag $0x2  }
0xa6: {  	s0 =	rddreg [dreg:$0x0];
	s2 =	stileid.u32  }
0xa7: {  	s1 =	rddreg [dreg:$0x1];
	p0 =	sne.s32 s2, $0x0  }
0xa8: {  	s3 =	rddreg [dreg:$0x2];
	[bflag:$0x3] =	sbarrier.arrive $0xFFFF;
	s2 =	simm.s32 @!p0 $0x1C07  }
0xa9: {  	[timem:s3], [sflag:s2] =	dma.local @!p0 [hbm:s0], s1  }
0xaa: {  	s0 =	simm.s32 @!p0 $0x7  }
0xab: {  	_ =	swait.ge @!p0 [sflag:s0], s1  }
0xac: {  	s1 =	ssub.s32 @!p0 $0x0, s1;
	[sflag:s0] =	ssyncset.done @!p0 $0x0  }
0xad: {  	[sflag:s0] =	ssyncadd.s32 @!p0 s1  }
0xae: {  	[bflag:$0x3] =	sbarrier.arrive $0xFFFF  }
0xaf: {  	_ =	shalt  }

// kernel: kernel.9.cloned.1.call-start
scs
__scs_entry_jumppad:
0x0: {  	(pc) =	sbr.rel $0x88, $3  }
0x1: {  	(tag) =	ssettag $0x0;
	lr =	simm.s32 $0x1  }
0x2: {  	[smem:$0x3F8C] =	sst lr;
	_ =	strace $0xD0000000  }
0x3: {  	_ = 	snop  }
0x4: {  	_ = 	snop  }
0x5: {  	_ = 	snop  }
0x6: {  	_ = 	snop  }
0x7: {  	_ = 	snop  }
__scs_overlays_trampoline_lowered:
0x8: {  	[smem:$0x3F9B] =	sst s0  }
0x9: {  	[smem:$0x3F9C] =	sst s1  }
0xa: {  	[smem:$0x3F9D] =	sst s2  }
0xb: {  	[smem:$0x3F9E] =	sst s3  }
0xc: {  	[smem:$0x3F9F] =	sst s4  }
0xd: {  	[smem:$0x3FA0] =	sst s5  }
0xe: {  	[smem:$0x3FA1] =	sst s6  }
0xf: {  	[smem:$0x3FA2] =	sst s7  }
0x10: {  	[smem:$0x3FA3] =	sst s8  }
0x11: {  	[smem:$0x3FA4] =	sst s9;
	s0 =	simm.s32 @!p0 $0x0  }
0x12: {  	s1 =	sld [smem:$0x3F8A];
	s0 =	simm.s32 @p0 $0x1  }
0x13: {  	[smem:$0x3FA5] =	sst s0;
	s0 =	simm.s32 @!p1 $0x0  }
0x14: {  	s2 =	sld [smem:$0x3F89];
	s0 =	simm.s32 @p1 $0x1  }
0x15: {  	[smem:$0x3FA6] =	sst s0;
	s0 =	simm.s32 @!p2 $0x0  }
0x16: {  	s3 =	sld [smem:$0x3FDB];
	s0 =	simm.s32 @p2 $0x1  }
0x17: {  	s4 =	simm.s32 $0x1BF5;
	[smem:$0x3FA8] =	sst s0  }
0x18: {  	s0 =	sld [smem:$0x3F8B];
	_ =	swait.ge [sflag:s4], $0x0  }
0x19: {  	s7 =	sld [smem:$0x3F8C]  }
0x1a: {  	s8 =	sadd.s32 $0xFFFFE003, lr  }
0x1b: {  	s9 =	sadd.s32 $0xFFFFFEF7, lr;
	s5 =	simm.s32 $0xFFFFFFFF;
	p2 =	slt.u32 s8, $0xFFFFF086  }
0x1c: {  	p1 =	slt.u32 s9, $0xF7A;
	s5 =	simm.s32 @!p2 $0x0  }
0x1d: {  	s5 =	simm.s32 @p1 $0x1;
	p0 =	seq.s32 s7, s2  }
0x1e: {  	s7 =	smul.u32 @!p0 $0xF7A, s2;
	p2 =	seq.s32 @!p0 s5, $0x0  }
0x1f: {  	s9 =	smul.u32 $0xF7A, s1;
	s8 =	simm.s32 @!p0 $0x1BF5;
	p2 =	por !p2, p0  }
0x20: {  	[sflag:s8] =	ssyncset.s32 @!p0 $0xFFFFF086;
	s6 =	sadd.s32 @!p0 s3, s7;
	s7 =	simm.s32 @!p0 $0x108  }
0x21: {  	s3 =	sadd.s32 s3, s9;
	s6 =	sadd.s32 @!p0 $0x88, s6;
	s7 =	simm.s32 @p2 $0x1082  }
0x22: {  	[simem:s7], [sflag:s8] =	dma.local @!p0 [hbm:s6], $0xF7A  }
0x23: {  	s9 =	sor.u32 $0xD0000000, s2;
	s6 =	simm.s32 $0x108;
	_ =	swait.ge @!p0 [sflag:s8], $0x0  }
0x24: {  	s3 =	sadd.s32 $0x88, s3;
	s6 =	simm.s32 @!p1 $0x1082;
	[sflag:s4] =	ssyncset.s32 $0xFFFFF086  }
0x25: {  	[simem:s6], [sflag:s4] =	dma.local [hbm:s3], $0xF7A  }
0x26: {  	[smem:$0x3F8C] =	sst s1;
	(tag) =	ssettag s2;
	_ =	strace s9  }
0x27: {  	s1 =	sld [smem:$0x3F9C]  }
0x28: {  	s2 =	sld [smem:$0x3F9D]  }
0x29: {  	s4 =	sld [smem:$0x3F9F]  }
0x2a: {  	p0 =	seq.s32 s5, $0x0;
	s5 =	sld [smem:$0x3FA0]  }
0x2b: {  	s6 =	sld [smem:$0x3FA1]  }
0x2c: {  	s7 =	sld [smem:$0x3FA2]  }
0x2d: {  	s3 =	simm.s32 $0x108;
	s8 =	sld [smem:$0x3FA3]  }
0x2e: {  	s3 =	simm.s32 @!p0 $0x1082;
	s9 =	sld [smem:$0x3FA4]  }
0x2f: {  	lr =	sadd.s32 s0, s3;
	s0 =	sld [smem:$0x3F9B]  }
0x30: {  	s3 =	sld [smem:$0x3F9E]  }
0x31: {  	[smem:$0x3FA7] =	sst s10  }
0x32: {  	s10 =	sld [smem:$0x3FA5];
	_ =	sdelay $0x3  }
0x33: {  	p0 =	seq.s32 s10, $0x1;
	s10 =	sld [smem:$0x3FA7];
	_ =	sdelay $0x3  }
0x34: {  	[smem:$0x3FA7] =	sst s10  }
0x35: {  	s10 =	sld [smem:$0x3FA6];
	_ =	sdelay $0x3  }
0x36: {  	p1 =	seq.s32 s10, $0x1;
	s10 =	sld [smem:$0x3FA7];
	_ =	sdelay $0x3  }
0x37: {  	[smem:$0x3FA7] =	sst s10  }
0x38: {  	s10 =	sld [smem:$0x3FA8]  }
0x39: {  	_ = 	snop;
	(pc) =	sbr.ind lr, $3  }
0x3a: {  	_ = 	snop  }
0x3b: {  	_ = 	snop  }
0x3c: {  	p2 =	seq.s32 s10, $0x1;
	s10 =	sld [smem:$0x3FA7]  }
0x3d: {  	_ =	shalt  }
0x3e: {  	_ =	shalt  }
0x3f: {  	_ =	shalt  }
0x40: {  	_ =	shalt  }
0x41: {  	_ =	shalt  }
0x42: {  	_ =	shalt  }
0x43: {  	_ =	shalt  }
0x44: {  	_ =	shalt  }
0x45: {  	_ =	shalt  }
0x46: {  	_ =	shalt  }
0x47: {  	_ =	shalt  }
0x48: {  	_ =	shalt  }
0x49: {  	_ =	shalt  }
0x4a: {  	_ =	shalt  }
0x4b: {  	_ =	shalt  }
0x4c: {  	_ =	shalt  }
0x4d: {  	_ =	shalt  }
0x4e: {  	_ =	shalt  }
0x4f: {  	_ =	shalt  }
0x50: {  	_ =	shalt  }
0x51: {  	_ =	shalt  }
0x52: {  	_ =	shalt  }
0x53: {  	_ =	shalt  }
0x54: {  	_ =	shalt  }
0x55: {  	_ =	shalt  }
0x56: {  	_ =	shalt  }
0x57: {  	_ =	shalt  }
0x58: {  	_ =	shalt  }
0x59: {  	_ =	shalt  }
0x5a: {  	_ =	shalt  }
0x5b: {  	_ =	shalt  }
0x5c: {  	_ =	shalt  }
0x5d: {  	_ =	shalt  }
0x5e: {  	_ =	shalt  }
0x5f: {  	_ =	shalt  }
0x60: {  	_ =	shalt  }
0x61: {  	_ =	shalt  }
0x62: {  	_ =	shalt  }
0x63: {  	_ =	shalt  }
0x64: {  	_ =	shalt  }
0x65: {  	_ =	shalt  }
0x66: {  	_ =	shalt  }
0x67: {  	_ =	shalt  }
0x68: {  	_ =	shalt  }
0x69: {  	_ =	shalt  }
0x6a: {  	_ =	shalt  }
0x6b: {  	_ =	shalt  }
0x6c: {  	_ =	shalt  }
0x6d: {  	_ =	shalt  }
0x6e: {  	_ =	shalt  }
0x6f: {  	_ =	shalt  }
0x70: {  	_ =	shalt  }
0x71: {  	_ =	shalt  }
0x72: {  	_ =	shalt  }
0x73: {  	_ =	shalt  }
0x74: {  	_ =	shalt  }
0x75: {  	_ =	shalt  }
0x76: {  	_ =	shalt  }
0x77: {  	_ =	shalt  }
0x78: {  	_ =	shalt  }
0x79: {  	_ =	shalt  }
0x7a: {  	_ =	shalt  }
0x7b: {  	_ =	shalt  }
0x7c: {  	_ =	shalt  }
0x7d: {  	_ =	shalt  }
0x7e: {  	_ =	shalt  }
0x7f: {  	_ =	shalt  }
0x80: {  	_ =	shalt  }
0x81: {  	_ =	shalt  }
0x82: {  	_ =	shalt  }
0x83: {  	_ =	shalt  }
0x84: {  	_ =	shalt  }
0x85: {  	_ =	shalt  }
0x86: {  	_ =	shalt  }
0x87: {  	_ =	shalt  }
.Lfunc_end0:
.L_simem_size_0:
called_computation_lowered:
.L_overlay_start_0:
0x88: {  	s2 =	sld [smem:$0x3FD9]  }
0x89: {  	s3 =	sld [smem:$0x3FFE];
	_ =	sdelay $0x1  }
0x8a: {  	s1 =	srdreg.scid  }
0x8b: {  	s0 =	sand.u32 $0x1, s1  }
0x8c: {  	s14 =	sshll.u32 s0, $0xA;
	s2 =	sadd.s32 s3, s2  }
0x8d: {  	s2 =	sadd.s32 s2, s14  }
0x8e: {  	[smem:$0x3FB3] =	sst s2  }
0x8f: {  	_ = 	snop  }
0x90: {  	s2 =	sld [smem:$0x3FD0];
	_ =	sdelay $0x2  }
0x91: {  	s15 =	simm.s32 $0xA;
	s4 =	simm.s32 $0x10  }
0x92: {  	[smem:s4], [sflag:s15] =	dma.local [hbm:s2], $0x1  }
0x93: {  	_ =	swait.eq [sflag:s15], $0x1  }
0x94: {  	[sflag:s15] =	ssyncset.done $0x0  }
0x95: {  	[sflag:s15] =	ssyncadd.s32 $0xFFFFFFFF  }
0x96: {  	s16 =	sld [smem:$0x11];
	(tm) =	ssettm $0x1  }
0x97: {  	s17 =	sld [smem:$0x3FFB];
	_ =	sdelay $0x3  }
0x98: {  	_ =	strace s17  }
0x99: {  	s3 =	sld [smem:$0x3FFC];
	_ =	sdelay $0x3  }
0x9a: {  	_ =	strace s3  }
0x9b: {  	s3 =	sld [smem:$0x3FFD];
	_ =	sdelay $0x3  }
0x9c: {  	_ =	strace s3  }
0x9d: {  	_ =	strace $0x8FFFFFFF  }
0x9e: {  	s18 =	sld [smem:$0x3FDB];
	_ =	sdelay $0x1  }
0x9f: {  	s19 =	simm.s32 $_scs_section_size  }
0xa0: {  	s5 =	simm.s32 $_size__tile_overlayer_lowered;
	s6 =	simm.s32 $_tile_overlayer_lowered  }
0xa1: {  	s22 =	simm.s32 $0x1BFF;
	s21 =	sshll.u32 s6, $0x1;
	s3 =	sadd.s32 s19, s18  }
0xa2: {  	s7 =	simm.s32 $0x0;
	s20 =	sshll.u32 s5, $0x1;
	s5 =	sadd.s32 s21, s3  }
0xa3: {  	[timem:s7], [sflag:s22] =	dma.local [hbm:s5], s20  }
0xa4: {  	_ =	swait.ge [sflag:s22], s20  }
0xa5: {  	s4 =	ssub.s32 $0x0, s20;
	[sflag:s22] =	ssyncset.done $0x0  }
0xa6: {  	[sflag:s22] =	ssyncadd.s32 s4;
	_ =	sdelay $0x1  }
0xa7: {  	s23 =	simm.s32 $0x1B8B  }
0xa8: {  	_ =	swait.ge [sflag:s23], $0x1  }
0xa9: {  	[sflag:s23] =	ssyncset.done $0x0  }
0xaa: {  	s25 =	simm.s32 $0x1B8E;
	s24 =	sld [smem:$0x3FFE];
	[sflag:s23] =	ssyncadd.s32 $0xFFFFFFFF  }
0xab: {  	s26 =	simm.s32 $execute0_lowered;
	[smem:$0x3FD2] =	sst s25  }
0xac: {  	s5 =	sshll.u32 s26, $0x1;
	_ =	strace $0x80000046;
	[dreg:$0x1] =	wrdreg $0xFFFFFFFF  }
0xad: {  	s28 =	simm.s32 $_size_execute0_lowered;
	s3 =	sadd.s32 s3, s5;
	[dreg:$0x0] =	wrdreg $0x0  }
0xae: {  	s5 =	sshll.u32 s28, $0x1;
	[dreg:$0x2] =	wrdreg s3  }
0xaf: {  	[dreg:$0x3] =	wrdreg s5  }
0xb0: {  	[dreg:$0x4] =	wrdreg $0xC0  }
0xb1: {  	_ =	task [dreg:s7], $0x5FFFF  }
0xb2: {  	[dreg:$0x1] =	wrdreg $0xFFFFFFFF  }
0xb3: {  	[dreg:$0x0] =	wrdreg $0x60  }
0xb4: {  	[dreg:$0x2] =	wrdreg s24  }
0xb5: {  	[dreg:$0x3] =	wrdreg s16  }
0xb6: {  	[dreg:$0x4] =	wrdreg $0xB2000  }
0xb7: {  	[dreg:$0x5] =	wrdreg $0x9  }
0xb8: {  	_ =	task.clear_ibuf [dreg:s7], $0x6FFFF;
	_ =	strace $0x90000046  }
0xb9: {  	s29 =	simm.s32 $0x9;
	_ =	strace $0x80000048  }
0xba: {  	_ =	swait.ge [sflag:s29], $0x1  }
0xbb: {  	[sflag:s29] =	ssyncadd.s32 $0xFFFFFFFF  }
0xbc: {  	_ =	strace $0x90000048  }
0xbd: {  	_ =	sfence  }
0xbe: {  	s30 =	sld [smem:$0x0];
	_ =	sdelay $0x2  }
0xbf: {  	s31 =	sshll.u32 s1, $0xD;
	s1 =	sshrl.u32 s1, $0x2  }
0xc0: {  	s3 =	sand.u32 $0x4000, s31;
	s1 =	sadd.s32 s1, s30  }
0xc1: {  	s0 =	sor.u32 s3, s0;
	s1 =	sshll.u32 s1, $0x11  }
0xc2: {  	s0 =	sor.u32 s1, s0  }
0xc3: {  	s0 =	sadd.s32 $0x8F2B, s0  }
0xc4: {  	[sflag:s0] =	ssyncadd.remote.s32 $0x1  }
0xc5: {  	_ =	sfence.sel $0xFFFF  }
0xc6: {  	[dreg:$0x0] =	wrdreg $0xFFFFFFFF;
	(pc) =	sbr.abs _section_cstart, $3  }
0xc7: {  	[dreg:$0x1] =	wrdreg $0xFFFFFFFF  }
0xc8: {  	_ =	task.clear_ibuf [dreg:s7], $0x2FFFF;
	_ =	strace $0x9FFFFFFF  }
0xc9: {  	(tm) =	ssettm $0x7FFFFFFF  }
tec
execute0_lowered:
.L_overlay_start_1:
0x0: {  	(tag) =	ssettag $0x1  }
0x1: {  	s0 =	rddreg [dreg:$0x0]  }
0x2: {  	s1 =	rddreg [dreg:$0x1]  }
0x3: {  	s2 =	rddreg [dreg:$0x2]  }
0x4: {  	s3 =	simm.s32 $0x0;
	s5 =	srdreg.scid;
	s14 =	stileid.u32  }
0x5: {  	[smem:$0x7FF] =	sst s3;
	s4 =	sadd.s32 $0x15E00, s0;
	s6 =	sadd.s32 $0x3D000, s0  }
0x6: {  	s7 =	sadd.s32 $0xC000, s0;
	s8 =	sadd.s32 $0x2200, s0;
	s26 =	smul.u32 $0x4E000, s14  }
0x7: {  	s9 =	sadd.s32 $0x64200, s0;
	s15 =	sadd.s32 $0x100600, s0;
	s12 =	smul.u32 $0x270, s14  }
0x8: {  	s10 =	sand.u32 $0x1, s5;
	s16 =	sadd.s32 $0x127800, s0;
	s20 =	smul.u32 $0x2700, s14  }
0x9: {  	_ =	strace $0x80000047;
	s11 =	ssub.s32 $0x2, s10;
	[dreg:$0x4] =	wrdreg s15  }
0xa: {  	[dreg:$0x5] =	wrdreg s16;
	s31 =	sshrl.u32 s11, $0x1;
	s5 =	sshrl.u32 s26, $0x2  }
0xb: {  	s13 =	sadd.s32 $0x200, s12;
	s22 =	sadd.s32 s15, s20;
	s0 =	ssub.s32 s11, s31  }
0xc: {  	s19 =	sadd.s32 s5, s2;
	s17 =	sshll.u32 s13, $0x7;
	[dreg:$0xb] =	wrdreg s22  }
0xd: {  	s5 =	sshll.u32 s13, $0x4;
	s11 =	sadd.s32 s17, s2;
	[dreg:$0x6] =	wrdreg s19  }
0xe: {  	s21 =	sadd.s32 $0x80, s12;
	s18 =	sadd.s32 s15, s5;
	[dreg:$0x7] =	wrdreg s11  }
0xf: {  	s23 =	sshll.u32 s21, $0x7;
	s5 =	sadd.s32 s16, s5;
	[dreg:$0x8] =	wrdreg s18  }
0x10: {  	s13 =	sadd.s32 $0x100, s12;
	s0 =	smax.u32 s0, $0x1;
	[dreg:$0x9] =	wrdreg s5  }
0x11: {  	s12 =	sadd.s32 $0x180, s12;
	s17 =	sadd.s32 $0x12000, s19;
	[dreg:$0xa] =	wrdreg s0  }
0x12: {  	s24 =	sshll.u32 s13, $0x7;
	s22 =	sadd.s32 $0x6000, s19;
	[dreg:$0x16] =	wrdreg s17  }
0x13: {  	s25 =	sshll.u32 s12, $0x7;
	s5 =	sadd.s32 s23, s2;
	[dreg:$0x1a] =	wrdreg s22  }
0x14: {  	s13 =	sshll.u32 s13, $0x4;
	s11 =	sadd.s32 s16, s20;
	[dreg:$0xc] =	wrdreg s5  }
0x15: {  	s26 =	sshll.u32 s12, $0x4;
	s12 =	sadd.s32 s15, s13;
	[dreg:$0xf] =	wrdreg s11  }
0x16: {  	s28 =	simm.s32 $0x9200;
	s13 =	sadd.s32 s16, s13;
	[dreg:$0x12] =	wrdreg s12  }
0x17: {  	s29 =	simm.s32 $0x7;
	s18 =	sadd.s32 $0x138000, s2;
	[dreg:$0x13] =	wrdreg s13  }
0x18: {  	p1 =	sne.s32 s14, $0xF;
	s20 =	sadd.s32 $0x2000, s19;
	[dreg:$0x17] =	wrdreg s18  }
0x19: {  	s0 =	sshll.u32 s21, $0x4;
	s21 =	sadd.s32 $0x4000, s19;
	[dreg:$0x18] =	wrdreg s20  }
0x1a: {  	p2 =	sgt.u32 s14, $0x3;
	s23 =	sadd.s32 $0x8000, s19;
	[dreg:$0x19] =	wrdreg s21  }
0x1b: {  	p3 =	seq.s32 s14, $0xF;
	s5 =	sadd.s32 s24, s2;
	[dreg:$0x1b] =	wrdreg s23  }
0x1c: {  	s30 =	sshll.u32 s14, $0x1;
	s31 =	sadd.s32 s15, s0;
	[dreg:$0xd] =	wrdreg s5  }
0x1d: {  	s14 =	simm.s32 $0x9180;
	s0 =	sadd.s32 s16, s0;
	[dreg:$0x10] =	wrdreg s31  }
0x1e: {  	p0 =	seq.s32 s10, $0x1;
	s15 =	sadd.s32 s15, s26;
	[dreg:$0x11] =	wrdreg s0  }
0x1f: {  	v0 =	vimm.s32 $0xFEDCBA98;
	s16 =	sadd.s32 s16, s26;
	s24 =	sadd.s32 $0xA000, s19;
	[dreg:$0x14] =	wrdreg s15  }
0x20: {  	v1 =	vimm.s32 $0x76543210;
	v0 =	vunpack.c.l.s4.s8 v0;
	s26 =	sadd.s32 $0xE000, s19;
	s11 =	simm.s32 $0x40;
	[dreg:$0x15] =	wrdreg s16  }
.Ltmp0:
0x21: {  	v1 =	vunpack.c.l.s4.s8 v1;
	s18 =	simm.s32 $0x4;
	[dreg:$0x1c] =	wrdreg s24;
	(pc) =	sbr.rel .LBB2_1-.Ltmp0, $4  }
0x22: {  	v0 =	vunpack.c.0.s8.s32 v0;
	s13 =	simm.s32 $0x8F80;
	s5 =	sadd.s32 s25, s2;
	[dreg:$0x1e] =	wrdreg s26  }
0x23: {  	v1 =	vunpack.c.0.s8.s32 v1;
	s12 =	simm.s32 $0x9080;
	s25 =	sadd.s32 $0xC000, s19;
	[dreg:$0xe] =	wrdreg s5  }
0x24: {  	v2 =	vand.u32 $0xF, v0;
	s20 =	simm.s32 $0x0;
	s31 =	sadd.s32 $0x10000, s19;
	[dreg:$0x1d] =	wrdreg s25  }
0x25: {  	vm0 =	vmmov $0xff;
	v0 =	vimm.f32 $0.0e+00;
	v1 =	vcombine.low v2, v1;
	s0 =	simm.s32 $0x8E80;
	[dreg:$0x1f] =	wrdreg s31;
	s5 =	simm.s32 $0x3  }
.LBB2_16:
0x26: {  	s17 =	rddreg [dreg:$0x17]  }
0x27: {  	s16 =	sadd.s32 $0x27000, s16;
	s17 =	sshrl.u32 s17, $0x3  }
0x28: {  	[hbm:s16], [sflag:s15] =	dma.local [spmem:s17], $0x100  }
0x29: {  	_ =	swait.ge [sflag:s29], $0x100  }
0x2a: {  	[sflag:s29] =	ssyncset.done $0x0  }
0x2b: {  	[sflag:s29] =	ssyncadd.s32 $0xFFFFFF00  }
.LBB2_17:
0x2c: {  	s20 =	sadd.s32 $0x1, s20;
	s15 =	rddreg [dreg:$0xa]  }
0x2d: {  	p4 =	sne.s32 s20, s15  }
.Ltmp1:
0x2e: {  	_ = 	snop;
	(pc) =	sbr.rel @!p4 .LBB2_18-.Ltmp1, $1  }
0x2f: {  	_ =	sdelay $0x3  }
.LBB2_1:
0x30: {  	[smem:$0x7FD] =	sst s20;
	s15 =	simm.s32 $0x0;
	s16 =	simm.s32 $0x200  }
.LBB2_2:
0x31: {  	p4 =	sne.s32 s16, $0x7E00;
	[tilespmem:s15+$0x9270] =	vst v0  }
0x32: {  	[tilespmem:s15+$0x9200] =	vst v0  }
0x33: {  	[tilespmem:s15+$0x9210] =	vst v0  }
.Ltmp2:
0x34: {  	[tilespmem:s15+$0x9220] =	vst v0;
	(pc) =	sbr.rel @p4 .LBB2_2-.Ltmp2, $4  }
0x35: {  	[tilespmem:s15+$0x9230] =	vst v0  }
0x36: {  	[tilespmem:s15+$0x9240] =	vst v0  }
0x37: {  	[tilespmem:s15+$0x9250] =	vst v0  }
0x38: {  	[tilespmem:s15+$0x9260] =	vst v0;
	s15 =	sshra.s32 s16, $0x2;
	s16 =	sadd.s32 $0x200, s16  }
0x39: {  	[tilespmem:s15+$0x9270] =	vst v0  }
0x3a: {  	[tilespmem:s15+$0x9200] =	vst v0  }
0x3b: {  	[tilespmem:s15+$0x9210] =	vst v0  }
0x3c: {  	[tilespmem:s15+$0x9220] =	vst v0  }
0x3d: {  	[tilespmem:s15+$0x9230] =	vst v0  }
0x3e: {  	[tilespmem:s15+$0x9240] =	vst v0  }
0x3f: {  	[tilespmem:s15+$0x9250] =	vst v0  }
0x40: {  	[tilespmem:s15+$0x9260] =	vst v0  }
0x41: {  	[spmem:s19] =	stream.linear.scatter [tilespmem:s28], [sflag:$0x7], $0x2000, $0x38;
	[tilespmem:$0x1EA80] =	vst v63  }
0x42: {  	_ =	swait.ge [sflag:s29], $0x2000  }
0x43: {  	[sflag:s29] =	ssyncset.done $0x0  }
0x44: {  	s19 =	rddreg [dreg:$0x18];
	[sflag:s29] =	ssyncadd.s32 $0xFFFFE000  }
0x45: {  	[spmem:s19] =	stream.linear.scatter [tilespmem:s28], [sflag:$0x7], $0x2000, $0x38;
	[tilespmem:$0x1EA80] =	vst v63  }
0x46: {  	_ =	swait.ge [sflag:s29], $0x2000  }
0x47: {  	[sflag:s29] =	ssyncset.done $0x0  }
0x48: {  	s20 =	rddreg [dreg:$0x19];
	[sflag:s29] =	ssyncadd.s32 $0xFFFFE000  }
0x49: {  	[spmem:s20] =	stream.linear.scatter [tilespmem:s28], [sflag:$0x7], $0x2000, $0x38;
	[tilespmem:$0x1EA80] =	vst v63  }
0x4a: {  	_ =	swait.ge [sflag:s29], $0x2000  }
0x4b: {  	[sflag:s29] =	ssyncset.done $0x0  }
0x4c: {  	s21 =	rddreg [dreg:$0x1a];
	[sflag:s29] =	ssyncadd.s32 $0xFFFFE000  }
0x4d: {  	[spmem:s21] =	stream.linear.scatter [tilespmem:s28], [sflag:$0x7], $0x2000, $0x38;
	[tilespmem:$0x1EA80] =	vst v63  }
0x4e: {  	_ =	swait.ge [sflag:s29], $0x2000  }
0x4f: {  	[sflag:s29] =	ssyncset.done $0x0  }
0x50: {  	s22 =	rddreg [dreg:$0x1b];
	[sflag:s29] =	ssyncadd.s32 $0xFFFFE000  }
0x51: {  	[spmem:s22] =	stream.linear.scatter [tilespmem:s28], [sflag:$0x7], $0x2000, $0x38;
	[tilespmem:$0x1EA80] =	vst v63  }
0x52: {  	_ =	swait.ge [sflag:s29], $0x2000  }
0x53: {  	[sflag:s29] =	ssyncset.done $0x0  }
0x54: {  	s23 =	rddreg [dreg:$0x1c];
	[sflag:s29] =	ssyncadd.s32 $0xFFFFE000  }
0x55: {  	[spmem:s23] =	stream.linear.scatter [tilespmem:s28], [sflag:$0x7], $0x2000, $0x38;
	[tilespmem:$0x1EA80] =	vst v63  }
0x56: {  	_ =	swait.ge [sflag:s29], $0x2000  }
0x57: {  	[sflag:s29] =	ssyncset.done $0x0  }
0x58: {  	s24 =	rddreg [dreg:$0x1d];
	[sflag:s29] =	ssyncadd.s32 $0xFFFFE000  }
0x59: {  	[spmem:s24] =	stream.linear.scatter [tilespmem:s28], [sflag:$0x7], $0x2000, $0x38;
	[tilespmem:$0x1EA80] =	vst v63  }
0x5a: {  	_ =	swait.ge [sflag:s29], $0x2000  }
0x5b: {  	[sflag:s29] =	ssyncset.done $0x0  }
0x5c: {  	s25 =	rddreg [dreg:$0x1e];
	[sflag:s29] =	ssyncadd.s32 $0xFFFFE000  }
0x5d: {  	[spmem:s25] =	stream.linear.scatter [tilespmem:s28], [sflag:$0x7], $0x2000, $0x38;
	[tilespmem:$0x1EA80] =	vst v63  }
0x5e: {  	_ =	swait.ge [sflag:s29], $0x2000  }
0x5f: {  	[sflag:s29] =	ssyncset.done $0x0  }
0x60: {  	s26 =	rddreg [dreg:$0x1f];
	[sflag:s29] =	ssyncadd.s32 $0xFFFFE000  }
0x61: {  	[spmem:s26] =	stream.linear.scatter [tilespmem:s28], [sflag:$0x7], $0x2000, $0x38;
	[tilespmem:$0x1EA80] =	vst v63  }
0x62: {  	_ =	swait.ge [sflag:s29], $0x2000  }
0x63: {  	[sflag:s29] =	ssyncset.done $0x0  }
0x64: {  	s31 =	rddreg [dreg:$0x16];
	[sflag:s29] =	ssyncadd.s32 $0xFFFFE000  }
0x65: {  	[spmem:s31] =	stream.linear.scatter [tilespmem:s28], [sflag:$0x7], $0x1800, $0x38;
	[tilespmem:$0x1EA80] =	vst v63  }
0x66: {  	_ =	swait.ge [sflag:s29], $0x1800  }
0x67: {  	[sflag:s29] =	ssyncset.done $0x0  }
0x68: {  	s15 =	simm.s32 @!p1 $0x9200;
	s16 =	rddreg [dreg:$0x17];
	[sflag:s29] =	ssyncadd.s32 $0xFFFFE800  }
0x69: {  	[spmem:s16] =	stream.linear.scatter @!p1 [tilespmem:s15], [sflag:$0x7], $0x800, $0x38;
	[tilespmem:$0x1EA80] =	vst v63  }
0x6a: {  	s15 =	simm.s32 @!p1 $0x7  }
.Ltmp3:
0x6b: {  	_ =	swait.ge @!p1 [sflag:s15], $0x800;
	(pc) =	sbr.rel .LBB2_4-.Ltmp3, $4  }
0x6c: {  	[sflag:s15] =	ssyncset.done @!p1 $0x0  }
0x6d: {  	[sflag:s15] =	ssyncadd.s32 @!p1 $0xFFFFF800  }
0x6e: {  	[bflag:$0x0] =	sbarrier.arrive $0xFFFF  }
0x6f: {  	s17 =	simm.s32 $0x0  }
.LBB2_12:
0x70: {  	s17 =	sadd.s32 $0x1, s17  }
0x71: {  	p4 =	sne.s32 s17, $0x4F  }
.Ltmp4:
0x72: {  	_ = 	snop;
	(pc) =	sbr.rel @!p4 .LBB2_13-.Ltmp4, $1  }
0x73: {  	_ =	sdelay $0x3  }
.LBB2_4:
0x74: {  	s15 =	sshll.u32 s17, $0x6  }
0x75: {  	s15 =	sor.u32 s15, s30  }
0x76: {  	s20 =	sor.u32 s10, s15;
	p5 =	sgt.u32 s15, $0x1387  }
0x77: {  	s15 =	sshll.u32 @!p5 s20, $0x3  }
0x78: {  	s21 =	simm.s32 @!p5 $0x0;
	s19 =	sor.u32 $0x20, s20;
	s16 =	sadd.s32 @!p5 s7, s15  }
0x79: {  	[tilespmem:s21], [sflag:$0x1] =	stream.linear.gather @!p5 [hbm4b:s16+s21], $0x40, $0x38;
	[tilespmem:$0x1EA80] =	vst v63  }
0x7a: {  	s15 =	sadd.s32 @!p5 s8, s15;
	p4 =	sgt.u32 s19, $0x1387;
	s16 =	simm.s32 @!p5 $0x100  }
0x7b: {  	[tilespmem:s16], [sflag:$0x1] =	stream.linear.gather @!p5 [hbm4b:s15+s21], $0x40, $0x38;
	[tilespmem:$0x1EA80] =	vst v63  }
0x7c: {  	s15 =	sshll.u32 @!p4 s19, $0x3  }
0x7d: {  	s23 =	simm.s32 @!p4 $0x0;
	s24 =	simm.s32 @!p4 $0x80;
	s22 =	sadd.s32 @!p4 s7, s15  }
0x7e: {  	[tilespmem:s24], [sflag:$0x2] =	stream.linear.gather @!p4 [hbm4b:s22+s23], $0x40, $0x38;
	[tilespmem:$0x1EA80] =	vst v63  }
0x7f: {  	s15 =	sadd.s32 @!p4 s8, s15;
	s22 =	simm.s32 @!p4 $0x180  }
0x80: {  	[tilespmem:s22], [sflag:$0x2] =	stream.linear.gather @!p4 [hbm4b:s15+s23], $0x40, $0x38;
	[tilespmem:$0x1EA80] =	vst v63  }
0x81: {  	s15 =	simm.s32 @!p5 $0x1  }
0x82: {  	_ =	swait.ge @!p5 [sflag:s15], $0x40  }
0x83: {  	[sflag:s15] =	ssyncset.done @!p5 $0x0  }
0x84: {  	[sflag:s15] =	ssyncadd.s32 @!p5 $0xFFFFFFC0  }
0x85: {  	p6 =	seq.s32 @!p5 s17, $0x0;
	_ =	swait.ge @!p5 [sflag:s15], $0x40  }
0x86: {  	p6 =	por p6, p5;
	[sflag:s15] =	ssyncset.done @!p5 $0x0  }
0x87: {  	[sflag:s15] =	ssyncadd.s32 @!p5 $0xFFFFFFC0;
	s15 =	simm.s32 @!p6 $0x5  }
0x88: {  	_ =	swait.ge @!p6 [sflag:s15], $0x400  }
0x89: {  	[sflag:s15] =	ssyncset.done @!p6 $0x0  }
0x8a: {  	s31 =	simm.s32 @!p5 $0x200;
	[sflag:s15] =	ssyncadd.s32 @!p6 $0xFFFFFC00;
	s15 =	simm.s32 @!p5 $0x40  }
0x8b: {  	[tilespmem:s31], [sflag:$0x3] =	stream.indirect.gather @!p5 [hbm4b:s4+s15], $0x80, s16, s15, $0xb8;
	[tilespmem:$0x1EA80] =	vst v63  }
0x8c: {  	s16 =	simm.s32 @!p5 $0x4200  }
0x8d: {  	[tilespmem:s16], [sflag:$0x3] =	stream.indirect.gather @!p5 [hbm4b:s6+s15], $0x80, s21, s15, $0xb8;
	[tilespmem:$0x1EA80] =	vst v63  }
0x8e: {  	s15 =	sshll.u32 @!p5 s20, $0x7  }
0x8f: {  	s16 =	simm.s32 @!p5 $0x8200;
	s15 =	sadd.s32 @!p5 s1, s15  }
0x90: {  	[tilespmem:s16], [sflag:$0x3] =	stream.linear.gather @!p5 [hbm4b:s15+s21], $0x400, $0x38;
	[tilespmem:$0x1EA80] =	vst v63  }
0x91: {  	s15 =	simm.s32 @!p4 $0x2  }
0x92: {  	_ =	swait.ge @!p4 [sflag:s15], $0x40  }
0x93: {  	[sflag:s15] =	ssyncset.done @!p4 $0x0  }
0x94: {  	[sflag:s15] =	ssyncadd.s32 @!p4 $0xFFFFFFC0  }
0x95: {  	p6 =	seq.s32 @!p4 s17, $0x0;
	_ =	swait.ge @!p4 [sflag:s15], $0x40  }
0x96: {  	p6 =	por p6, p4;
	[sflag:s15] =	ssyncset.done @!p4 $0x0  }
0x97: {  	[sflag:s15] =	ssyncadd.s32 @!p4 $0xFFFFFFC0;
	s15 =	simm.s32 @!p6 $0x6  }
0x98: {  	_ =	swait.ge @!p6 [sflag:s15], $0x400  }
0x99: {  	[sflag:s15] =	ssyncset.done @!p6 $0x0  }
0x9a: {  	s16 =	simm.s32 @!p4 $0x2200;
	[sflag:s15] =	ssyncadd.s32 @!p6 $0xFFFFFC00;
	s15 =	simm.s32 @!p4 $0x40  }
0x9b: {  	[tilespmem:s16], [sflag:$0x4] =	stream.indirect.gather @!p4 [hbm4b:s4+s15], $0x80, s22, s15, $0xb8;
	[tilespmem:$0x1EA80] =	vst v63  }
.Ltmp5:
0x9c: {  	s16 =	simm.s32 @!p4 $0x6200;
	(pc) =	sbr.rel @p5 .LBB2_8-.Ltmp5, $4  }
0x9d: {  	[tilespmem:s16], [sflag:$0x4] =	stream.indirect.gather @!p4 [hbm4b:s6+s15], $0x80, s24, s15, $0xb8;
	[tilespmem:$0x1EA80] =	vst v63  }
0x9e: {  	s15 =	sshll.u32 @!p4 s19, $0x7  }
0x9f: {  	s16 =	simm.s32 @!p4 $0x8600;
	s15 =	sadd.s32 @!p4 s1, s15  }
0xa0: {  	[tilespmem:s16], [sflag:$0x4] =	stream.linear.gather @!p4 [hbm4b:s15+s23], $0x400, $0x38;
	[tilespmem:$0x1EA80] =	vst v63  }
0xa1: {  	_ =	swait.ge [sflag:s5], $0x2000  }
0xa2: {  	[sflag:s5] =	ssyncset.done $0x0  }
0xa3: {  	[sflag:s5] =	ssyncadd.s32 $0xFFFFE000  }
0xa4: {  	_ =	swait.ge [sflag:s5], $0x2000  }
0xa5: {  	[sflag:s5] =	ssyncset.done $0x0  }
0xa6: {  	[sflag:s5] =	ssyncadd.s32 $0xFFFFE000  }
0xa7: {  	_ =	swait.ge [sflag:s5], $0x400  }
0xa8: {  	[sflag:s5] =	ssyncset.done $0x0  }
0xa9: {  	s15 =	simm.s32 $0x4240;
	[sflag:s5] =	ssyncadd.s32 $0xFFFFFC00  }
0xaa: {  	s16 =	simm.s32 $0x240;
	v2 =	vld [tilespmem:s15+$0xFFFFFFC0]  }
0xab: {  	v3 =	vld [tilespmem:s16+$0xFFFFFFC0]  }
0xac: {  	v4 =	vld [tilespmem:s16+$0xFFFFFFD0]  }
0xad: {  	v5 =	vld [tilespmem:s15+$0xFFFFFFD0]  }
0xae: {  	v6 =	vld [tilespmem:s16+$0xFFFFFFE0]  }
0xaf: {  	v7 =	vld [tilespmem:s15+$0xFFFFFFE0]  }
0xb0: {  	v8 =	vld [tilespmem:s16+$0xFFFFFFF0]  }
0xb1: {  	v9 =	vld [tilespmem:s15+$0xFFFFFFF0]  }
0xb2: {  	v2 =	vmul.f32 v2, v3;
	v3 =	vmul.f32 v5, v4;
	v4 =	vld [tilespmem:s16+$0x0]  }
0xb3: {  	v5 =	vld [tilespmem:s15+$0x0]  }
0xb4: {  	v2 =	vadd.f32 v3, v2;
	v3 =	vmul.f32 v7, v6;
	v6 =	vld [tilespmem:s16+$0x10]  }
0xb5: {  	v7 =	vld [tilespmem:s15+$0x10]  }
0xb6: {  	v63 =	vld [tilespmem:s15+$0x20];
	v2 =	vadd.f32 v3, v2;
	v3 =	vmul.f32 v9, v8  }
0xb7: {  	v8 =	vld [tilespmem:s16+$0x20]  }
0xb8: {  	v2 =	vadd.f32 v3, v2;
	v3 =	vmul.f32 v5, v4;
	v4 =	vld [tilespmem:s16+$0x30]  }
0xb9: {  	v5 =	vld [tilespmem:s15+$0x30]  }
0xba: {  	v2 =	vadd.f32 v3, v2;
	v3 =	vmul.f32 v7, v6;
	_ =	sdelay $0x1  }
0xbb: {  	v2 =	vadd.f32 v3, v2;
	v3 =	vmul.f32 v63, v8;
	_ =	sdelay $0x1  }
0xbc: {  	v2 =	vadd.f32 v3, v2;
	v3 =	vmul.f32 v5, v4  }
0xbd: {  	s21 =	simm.s32 $0x0  }
0xbe: {  	s24 =	sand.u32 $0xE00, s21;
	v2 =	vadd.f32 v3, v2  }
0xbf: {  	s25 =	sand.u32 $0x70, s21;
	s15 =	sshrl.u32 s24, $0x2  }
0xc0: {  	s15 =	sor.u32 s25, s15;
	v3 =	vperm.xlane v2, v1  }
0xc1: {  	v4 =	vld [tilespmem:s15+$0x8200]  }
0xc2: {  	v2 =	vadd.f32 v2, v3;
	_ =	sdelay $0x1  }
0xc3: {  	v2 =	vmul.f32 $2.500000000e-01, v2;
	_ =	sdelay $0x1  }
0xc4: {  	v2 =	vadd.f32 v2, v4;
	_ =	sdelay $0x1  }
0xc5: {  	v2 =	vmul.f32 $1.442695020e+00, v2;
	_ =	sdelay $0x1  }
0xc6: {  	(erf) = vpow2.f32 v2;
	_ =	sdelay $0x8  }
0xc7: {  	s26 =	sand.u32 $0x700, s21;
	v2 =	vpop (erf)  }
0xc8: {  	s15 =	sor.u32 s25, s26;
	v2 =	vnsel vm0, $0x0, v2  }
0xc9: {  	s31 =	simm.s32 $0x9200;
	[tilespmem:s15+$0x8A00] =	vst v2  }
0xca: {  	s22 =	simm.s32 $0x42C0;
	[tilespmem:s31+$0x0] =	vst v2  }
0xcb: {  	s23 =	simm.s32 $0x2C0;
	v2 =	vld [tilespmem:s22+$0xFFFFFFC0]  }
0xcc: {  	v4 =	vld [tilespmem:s23+$0xFFFFFFC0]  }
0xcd: {  	v5 =	vld [tilespmem:s23+$0xFFFFFFD0]  }
0xce: {  	v6 =	vld [tilespmem:s22+$0xFFFFFFD0]  }
0xcf: {  	s16 =	simm.s32 $0x40;
	s24 =	simm.s32 $0x80;
	s15 =	simm.s32 $0x0;
	v3 =	vld [tilespmem:s23+$0xFFFFFFE0]  }
.LBB2_6:
0xd0: {  	p5 =	sne.s32 s24, $0xFC0;
	v7 =	vld [tilespmem:s22+$0xFFFFFFE0]  }
0xd1: {  	v8 =	vld [tilespmem:s23+$0xFFFFFFF0]  }
0xd2: {  	v9 =	vld [tilespmem:s22+$0xFFFFFFF0]  }
0xd3: {  	v2 =	vmul.f32 v2, v4;
	v4 =	vmul.f32 v6, v5;
	v5 =	vld [tilespmem:s23+$0x0]  }
0xd4: {  	v6 =	vld [tilespmem:s22+$0x0]  }
0xd5: {  	v2 =	vadd.f32 v4, v2;
	v3 =	vmul.f32 v7, v3;
	v4 =	vld [tilespmem:s23+$0x10]  }
0xd6: {  	v7 =	vld [tilespmem:s22+$0x10]  }
0xd7: {  	v2 =	vadd.f32 v3, v2;
	v3 =	vmul.f32 v9, v8;
	v8 =	vld [tilespmem:s23+$0x20]  }
0xd8: {  	v9 =	vld [tilespmem:s22+$0x20]  }
0xd9: {  	v2 =	vadd.f32 v3, v2;
	v3 =	vmul.f32 v6, v5;
	v5 =	vld [tilespmem:s23+$0x30]  }
0xda: {  	v6 =	vld [tilespmem:s22+$0x30]  }
0xdb: {  	v2 =	vadd.f32 v3, v2;
	v3 =	vmul.f32 v7, v4;
	_ =	sdelay $0x1  }
0xdc: {  	v2 =	vadd.f32 v3, v2;
	v3 =	vmul.f32 v9, v8;
	_ =	sdelay $0x1  }
0xdd: {  	v2 =	vadd.f32 v3, v2;
	v3 =	vmul.f32 v6, v5;
	_ =	sdelay $0x1  }
0xde: {  	s25 =	sand.u32 $0xE00, s16;
	s21 =	sadd.s32 $0x10, s21;
	s16 =	smov.u32 s24;
	v2 =	vadd.f32 v3, v2  }
0xdf: {  	s26 =	sand.u32 $0x70, s21;
	s25 =	sshrl.u32 s25, $0x2  }
0xe0: {  	s25 =	sor.u32 s26, s25;
	v3 =	vperm.xlane v2, v1  }
0xe1: {  	v4 =	vld [tilespmem:s25+$0x8200]  }
0xe2: {  	v2 =	vadd.f32 v2, v3;
	_ =	sdelay $0x1  }
0xe3: {  	v2 =	vmul.f32 $2.500000000e-01, v2;
	_ =	sdelay $0x1  }
0xe4: {  	v2 =	vadd.f32 v2, v4;
	_ =	sdelay $0x1  }
0xe5: {  	v2 =	vmul.f32 $1.442695020e+00, v2;
	_ =	sdelay $0x1  }
0xe6: {  	(erf) = vpow2.f32 v2;
	_ =	sdelay $0x7  }
0xe7: {  	s15 =	sadd.s32 $0x20, s15  }
0xe8: {  	s25 =	sand.u32 $0x700, s15;
	v2 =	vpop (erf)  }
0xe9: {  	s25 =	sor.u32 s26, s25;
	v2 =	vnsel vm0, $0x0, v2  }
0xea: {  	s31 =	sadd.s32 $0x80, s31;
	[tilespmem:s25+$0x8A00] =	vst v2  }
0xeb: {  	s22 =	sadd.s32 $0x80, s22;
	[tilespmem:s31+$0x0] =	vst v2  }
.Ltmp6:
0xec: {  	s23 =	sadd.s32 $0x80, s23;
	v2 =	vld [tilespmem:s22+$0xFFFFFFC0];
	(pc) =	sbr.rel @p5 .LBB2_6-.Ltmp6, $4  }
0xed: {  	v4 =	vld [tilespmem:s23+$0xFFFFFFC0]  }
0xee: {  	v5 =	vld [tilespmem:s23+$0xFFFFFFD0]  }
0xef: {  	v6 =	vld [tilespmem:s22+$0xFFFFFFD0]  }
0xf0: {  	s24 =	sadd.s32 $0x40, s24;
	v3 =	vld [tilespmem:s23+$0xFFFFFFE0]  }
0xf1: {  	v7 =	vld [tilespmem:s22+$0xFFFFFFE0]  }
0xf2: {  	v8 =	vld [tilespmem:s23+$0xFFFFFFF0]  }
0xf3: {  	v9 =	vld [tilespmem:s22+$0xFFFFFFF0]  }
0xf4: {  	v55 =	vld [tilespmem:s23+$0x0];
	v2 =	vmul.f32 v2, v4;
	v54 =	vmul.f32 v6, v5  }
0xf5: {  	v56 =	vld [tilespmem:s22+$0x0]  }
0xf6: {  	v57 =	vld [tilespmem:s23+$0x10];
	v2 =	vadd.f32 v54, v2;
	v3 =	vmul.f32 v7, v3  }
0xf7: {  	v58 =	vld [tilespmem:s22+$0x10]  }
0xf8: {  	v59 =	vld [tilespmem:s23+$0x20];
	v2 =	vadd.f32 v3, v2;
	v3 =	vmul.f32 v9, v8  }
0xf9: {  	v60 =	vld [tilespmem:s22+$0x20]  }
0xfa: {  	v61 =	vld [tilespmem:s23+$0x30];
	v2 =	vadd.f32 v3, v2;
	v3 =	vmul.f32 v56, v55  }
0xfb: {  	v62 =	vld [tilespmem:s22+$0x30]  }
0xfc: {  	v2 =	vadd.f32 v3, v2;
	v3 =	vmul.f32 v58, v57;
	_ =	sdelay $0x1  }
0xfd: {  	v2 =	vadd.f32 v3, v2;
	v3 =	vmul.f32 v60, v59;
	_ =	sdelay $0x1  }
0xfe: {  	v2 =	vadd.f32 v3, v2;
	v3 =	vmul.f32 v62, v61;
	_ =	sdelay $0x1  }
0xff: {  	s16 =	sand.u32 $0xE00, s16;
	s21 =	sadd.s32 $0x10, s21;
	v2 =	vadd.f32 v3, v2  }
0x100: {  	s21 =	sand.u32 $0x70, s21;
	s16 =	sshrl.u32 s16, $0x2  }
0x101: {  	s16 =	sor.u32 s21, s16;
	v3 =	vperm.xlane v2, v1  }
0x102: {  	v63 =	vld [tilespmem:s16+$0x8200]  }
0x103: {  	v2 =	vadd.f32 v2, v3;
	_ =	sdelay $0x1  }
0x104: {  	v2 =	vmul.f32 $2.500000000e-01, v2;
	_ =	sdelay $0x1  }
0x105: {  	v2 =	vadd.f32 v2, v63;
	_ =	sdelay $0x1  }
0x106: {  	v2 =	vmul.f32 $1.442695020e+00, v2;
	_ =	sdelay $0x1  }
0x107: {  	(erf) = vpow2.f32 v2;
	_ =	sdelay $0x7  }
0x108: {  	s15 =	sadd.s32 $0x20, s15  }
0x109: {  	s15 =	sand.u32 $0x700, s15;
	v2 =	vpop (erf)  }
0x10a: {  	s15 =	sor.u32 s21, s15;
	v2 =	vnsel vm0, $0x0, v2  }
0x10b: {  	s31 =	sadd.s32 $0x80, s31;
	[tilespmem:s15+$0x8A00] =	vst v2  }
0x10c: {  	s16 =	simm.s32 $0x100;
	[tilespmem:s31+$0x0] =	vst v2  }
0x10d: {  	[spmem:s2] =	stream.indirect.scatter.add.f32 [tilespmem:s28], [sflag:$0x7], $0x80, s16, s11, $0xb8;
	[tilespmem:$0x1EA80] =	vst v63  }
0x10e: {  	_ =	swait.ge [sflag:s29], $0x2000  }
0x10f: {  	s20 =	sshll.u32 s20, $0x7;
	[sflag:s29] =	ssyncset.done $0x0  }
0x110: {  	s21 =	simm.s32 $0x8A00;
	s15 =	sadd.s32 s9, s20;
	[sflag:s29] =	ssyncadd.s32 $0xFFFFE000  }
0x111: {  	[hbm4b:s15+s3] =	stream.linear.scatter [tilespmem:s21], [sflag:$0x5], $0x80, $0x38;
	[tilespmem:$0x1EA80] =	vst v63  }
0x112: {  	s23 =	simm.s32 $0x8B00;
	s22 =	sadd.s32 $0x10, s15  }
0x113: {  	[hbm4b:s22+s3] =	stream.linear.scatter [tilespmem:s23], [sflag:$0x5], $0x80, $0x38;
	[tilespmem:$0x1EA80] =	vst v63  }
0x114: {  	s25 =	simm.s32 $0x8C00;
	s24 =	sadd.s32 $0x20, s15  }
0x115: {  	[hbm4b:s24+s3] =	stream.linear.scatter [tilespmem:s25], [sflag:$0x5], $0x80, $0x38;
	[tilespmem:$0x1EA80] =	vst v63  }
0x116: {  	s26 =	sadd.s32 $0x30, s15;
	s31 =	simm.s32 $0x8D00  }
0x117: {  	[hbm4b:s26+s3] =	stream.linear.scatter [tilespmem:s31], [sflag:$0x5], $0x80, $0x38;
	[tilespmem:$0x1EA80] =	vst v63  }
0x118: {  	s21 =	sadd.s32 $0x40, s15;
	s22 =	simm.s32 $0x8E00  }
0x119: {  	[hbm4b:s21+s3] =	stream.linear.scatter [tilespmem:s22], [sflag:$0x5], $0x80, $0x38;
	[tilespmem:$0x1EA80] =	vst v63  }
0x11a: {  	s23 =	sadd.s32 $0x50, s15;
	s24 =	simm.s32 $0x8F00  }
0x11b: {  	[hbm4b:s23+s3] =	stream.linear.scatter [tilespmem:s24], [sflag:$0x5], $0x80, $0x38;
	[tilespmem:$0x1EA80] =	vst v63  }
0x11c: {  	s25 =	sadd.s32 $0x60, s15;
	s26 =	simm.s32 $0x9000  }
0x11d: {  	[hbm4b:s25+s3] =	stream.linear.scatter [tilespmem:s26], [sflag:$0x5], $0x80, $0x38;
	[tilespmem:$0x1EA80] =	vst v63  }
0x11e: {  	s15 =	sadd.s32 $0x70, s15;
	s31 =	simm.s32 $0x9100  }
0x11f: {  	[hbm4b:s15+s3] =	stream.linear.scatter [tilespmem:s31], [sflag:$0x5], $0x80, $0x38;
	[tilespmem:$0x1EA80] =	vst v63  }
.LBB2_8:
.Ltmp7:
0x120: {  	(pc) =	sbr.rel @p4 .LBB2_12-.Ltmp7, $1  }
0x121: {  	_ =	sdelay $0x3  }
0x122: {  	_ =	swait.ge [sflag:s18], $0x2000  }
0x123: {  	[sflag:s18] =	ssyncset.done $0x0  }
0x124: {  	[sflag:s18] =	ssyncadd.s32 $0xFFFFE000  }
0x125: {  	_ =	swait.ge [sflag:s18], $0x2000  }
0x126: {  	[sflag:s18] =	ssyncset.done $0x0  }
0x127: {  	[sflag:s18] =	ssyncadd.s32 $0xFFFFE000  }
0x128: {  	_ =	swait.ge [sflag:s18], $0x400  }
0x129: {  	[sflag:s18] =	ssyncset.done $0x0  }
0x12a: {  	s15 =	simm.s32 $0x6270;
	[sflag:s18] =	ssyncadd.s32 $0xFFFFFC00  }
0x12b: {  	s16 =	simm.s32 $0x2270;
	v2 =	vld [tilespmem:s15+$0xFFFFFF90]  }
0x12c: {  	v3 =	vld [tilespmem:s16+$0xFFFFFF90]  }
0x12d: {  	v4 =	vld [tilespmem:s16+$0xFFFFFFA0]  }
0x12e: {  	v5 =	vld [tilespmem:s15+$0xFFFFFFA0]  }
0x12f: {  	v6 =	vld [tilespmem:s16+$0xFFFFFFB0]  }
0x130: {  	v7 =	vld [tilespmem:s15+$0xFFFFFFB0]  }
0x131: {  	v8 =	vld [tilespmem:s16+$0xFFFFFFC0]  }
0x132: {  	v9 =	vld [tilespmem:s15+$0xFFFFFFC0]  }
0x133: {  	v2 =	vmul.f32 v2, v3;
	v3 =	vmul.f32 v5, v4;
	v4 =	vld [tilespmem:s16+$0xFFFFFFD0]  }
0x134: {  	v5 =	vld [tilespmem:s15+$0xFFFFFFD0]  }
0x135: {  	v2 =	vadd.f32 v3, v2;
	v3 =	vmul.f32 v7, v6;
	v6 =	vld [tilespmem:s16+$0xFFFFFFE0]  }
0x136: {  	v7 =	vld [tilespmem:s15+$0xFFFFFFE0]  }
0x137: {  	v63 =	vld [tilespmem:s15+$0xFFFFFFF0];
	v2 =	vadd.f32 v3, v2;
	v3 =	vmul.f32 v9, v8  }
0x138: {  	v8 =	vld [tilespmem:s16+$0xFFFFFFF0]  }
0x139: {  	v2 =	vadd.f32 v3, v2;
	v3 =	vmul.f32 v5, v4;
	v4 =	vld [tilespmem:s16+$0x0]  }
0x13a: {  	v5 =	vld [tilespmem:s15+$0x0]  }
0x13b: {  	v2 =	vadd.f32 v3, v2;
	v3 =	vmul.f32 v7, v6;
	_ =	sdelay $0x1  }
0x13c: {  	v2 =	vadd.f32 v3, v2;
	v3 =	vmul.f32 v63, v8;
	_ =	sdelay $0x1  }
0x13d: {  	v2 =	vadd.f32 v3, v2;
	v3 =	vmul.f32 v5, v4  }
0x13e: {  	s20 =	simm.s32 $0x0  }
0x13f: {  	s25 =	sand.u32 $0xE00, s20;
	v2 =	vadd.f32 v3, v2  }
0x140: {  	s26 =	sand.u32 $0x70, s20;
	s15 =	sshrl.u32 s25, $0x2  }
0x141: {  	s15 =	sor.u32 s26, s15;
	v3 =	vperm.xlane v2, v1  }
0x142: {  	v4 =	vld [tilespmem:s15+$0x8600]  }
0x143: {  	v2 =	vadd.f32 v2, v3;
	_ =	sdelay $0x1  }
0x144: {  	v2 =	vmul.f32 $2.500000000e-01, v2;
	_ =	sdelay $0x1  }
0x145: {  	v2 =	vadd.f32 v2, v4;
	_ =	sdelay $0x1  }
0x146: {  	v2 =	vmul.f32 $1.442695020e+00, v2;
	_ =	sdelay $0x1  }
0x147: {  	(erf) = vpow2.f32 v2;
	_ =	sdelay $0x8  }
0x148: {  	s31 =	sand.u32 $0x700, s20;
	v2 =	vpop (erf)  }
0x149: {  	s15 =	sor.u32 s26, s31;
	v2 =	vnsel vm0, $0x0, v2  }
0x14a: {  	s21 =	simm.s32 $0x9200;
	[tilespmem:s15+$0x8A80] =	vst v2  }
0x14b: {  	s22 =	simm.s32 $0x62F0;
	[tilespmem:s21+$0x0] =	vst v2  }
0x14c: {  	s23 =	simm.s32 $0x22F0;
	v2 =	vld [tilespmem:s22+$0xFFFFFF90]  }
0x14d: {  	v4 =	vld [tilespmem:s23+$0xFFFFFF90]  }
0x14e: {  	v5 =	vld [tilespmem:s23+$0xFFFFFFA0]  }
0x14f: {  	v6 =	vld [tilespmem:s22+$0xFFFFFFA0]  }
0x150: {  	s24 =	simm.s32 $0x80;
	s16 =	simm.s32 $0x40;
	s15 =	simm.s32 $0x0;
	v3 =	vld [tilespmem:s23+$0xFFFFFFB0]  }
.LBB2_10:
0x151: {  	p4 =	sne.s32 s24, $0xFC0;
	v7 =	vld [tilespmem:s22+$0xFFFFFFB0]  }
0x152: {  	v8 =	vld [tilespmem:s23+$0xFFFFFFC0]  }
0x153: {  	v9 =	vld [tilespmem:s22+$0xFFFFFFC0]  }
0x154: {  	v2 =	vmul.f32 v2, v4;
	v4 =	vmul.f32 v6, v5;
	v5 =	vld [tilespmem:s23+$0xFFFFFFD0]  }
0x155: {  	v6 =	vld [tilespmem:s22+$0xFFFFFFD0]  }
0x156: {  	v2 =	vadd.f32 v4, v2;
	v3 =	vmul.f32 v7, v3;
	v4 =	vld [tilespmem:s23+$0xFFFFFFE0]  }
0x157: {  	v7 =	vld [tilespmem:s22+$0xFFFFFFE0]  }
0x158: {  	v2 =	vadd.f32 v3, v2;
	v3 =	vmul.f32 v9, v8;
	v8 =	vld [tilespmem:s23+$0xFFFFFFF0]  }
0x159: {  	v9 =	vld [tilespmem:s22+$0xFFFFFFF0]  }
0x15a: {  	v2 =	vadd.f32 v3, v2;
	v3 =	vmul.f32 v6, v5;
	v5 =	vld [tilespmem:s23+$0x0]  }
0x15b: {  	v6 =	vld [tilespmem:s22+$0x0]  }
0x15c: {  	v2 =	vadd.f32 v3, v2;
	v3 =	vmul.f32 v7, v4;
	_ =	sdelay $0x1  }
0x15d: {  	v2 =	vadd.f32 v3, v2;
	v3 =	vmul.f32 v9, v8;
	_ =	sdelay $0x1  }
0x15e: {  	v2 =	vadd.f32 v3, v2;
	v3 =	vmul.f32 v6, v5;
	_ =	sdelay $0x1  }
0x15f: {  	s25 =	sand.u32 $0xE00, s16;
	s20 =	sadd.s32 $0x10, s20;
	s16 =	smov.u32 s24;
	v2 =	vadd.f32 v3, v2  }
0x160: {  	s26 =	sand.u32 $0x70, s20;
	s25 =	sshrl.u32 s25, $0x2  }
0x161: {  	s25 =	sor.u32 s26, s25;
	v3 =	vperm.xlane v2, v1  }
0x162: {  	v4 =	vld [tilespmem:s25+$0x8600]  }
0x163: {  	v2 =	vadd.f32 v2, v3;
	_ =	sdelay $0x1  }
0x164: {  	v2 =	vmul.f32 $2.500000000e-01, v2;
	_ =	sdelay $0x1  }
0x165: {  	v2 =	vadd.f32 v2, v4;
	_ =	sdelay $0x1  }
0x166: {  	v2 =	vmul.f32 $1.442695020e+00, v2;
	_ =	sdelay $0x1  }
0x167: {  	(erf) = vpow2.f32 v2;
	_ =	sdelay $0x7  }
0x168: {  	s15 =	sadd.s32 $0x20, s15  }
0x169: {  	s25 =	sand.u32 $0x700, s15;
	v2 =	vpop (erf)  }
0x16a: {  	s25 =	sor.u32 s26, s25;
	v2 =	vnsel vm0, $0x0, v2  }
0x16b: {  	s21 =	sadd.s32 $0x80, s21;
	[tilespmem:s25+$0x8A80] =	vst v2  }
0x16c: {  	s22 =	sadd.s32 $0x80, s22;
	[tilespmem:s21+$0x0] =	vst v2  }
.Ltmp8:
0x16d: {  	s23 =	sadd.s32 $0x80, s23;
	v2 =	vld [tilespmem:s22+$0xFFFFFF90];
	(pc) =	sbr.rel @p4 .LBB2_10-.Ltmp8, $4  }
0x16e: {  	v4 =	vld [tilespmem:s23+$0xFFFFFF90]  }
0x16f: {  	v5 =	vld [tilespmem:s23+$0xFFFFFFA0]  }
0x170: {  	v6 =	vld [tilespmem:s22+$0xFFFFFFA0]  }
0x171: {  	s24 =	sadd.s32 $0x40, s24;
	v3 =	vld [tilespmem:s23+$0xFFFFFFB0]  }
0x172: {  	v7 =	vld [tilespmem:s22+$0xFFFFFFB0]  }
0x173: {  	v8 =	vld [tilespmem:s23+$0xFFFFFFC0]  }
0x174: {  	v9 =	vld [tilespmem:s22+$0xFFFFFFC0]  }
0x175: {  	v55 =	vld [tilespmem:s23+$0xFFFFFFD0];
	v2 =	vmul.f32 v2, v4;
	v54 =	vmul.f32 v6, v5  }
0x176: {  	v56 =	vld [tilespmem:s22+$0xFFFFFFD0]  }
0x177: {  	v57 =	vld [tilespmem:s23+$0xFFFFFFE0];
	v2 =	vadd.f32 v54, v2;
	v3 =	vmul.f32 v7, v3  }
0x178: {  	v58 =	vld [tilespmem:s22+$0xFFFFFFE0]  }
0x179: {  	v59 =	vld [tilespmem:s23+$0xFFFFFFF0];
	v2 =	vadd.f32 v3, v2;
	v3 =	vmul.f32 v9, v8  }
0x17a: {  	v60 =	vld [tilespmem:s22+$0xFFFFFFF0]  }
0x17b: {  	v61 =	vld [tilespmem:s23+$0x0];
	v2 =	vadd.f32 v3, v2;
	v3 =	vmul.f32 v56, v55  }
0x17c: {  	v62 =	vld [tilespmem:s22+$0x0]  }
0x17d: {  	v2 =	vadd.f32 v3, v2;
	v3 =	vmul.f32 v58, v57;
	_ =	sdelay $0x1  }
0x17e: {  	v2 =	vadd.f32 v3, v2;
	v3 =	vmul.f32 v60, v59;
	_ =	sdelay $0x1  }
0x17f: {  	v2 =	vadd.f32 v3, v2;
	v3 =	vmul.f32 v62, v61;
	_ =	sdelay $0x1  }
0x180: {  	s16 =	sand.u32 $0xE00, s16;
	s20 =	sadd.s32 $0x10, s20;
	v2 =	vadd.f32 v3, v2  }
0x181: {  	s20 =	sand.u32 $0x70, s20;
	s16 =	sshrl.u32 s16, $0x2  }
0x182: {  	s16 =	sor.u32 s20, s16;
	v3 =	vperm.xlane v2, v1  }
0x183: {  	v63 =	vld [tilespmem:s16+$0x8600]  }
0x184: {  	v2 =	vadd.f32 v2, v3;
	_ =	sdelay $0x1  }
0x185: {  	v2 =	vmul.f32 $2.500000000e-01, v2;
	_ =	sdelay $0x1  }
0x186: {  	v2 =	vadd.f32 v2, v63;
	_ =	sdelay $0x1  }
0x187: {  	v2 =	vmul.f32 $1.442695020e+00, v2;
	_ =	sdelay $0x1  }
0x188: {  	(erf) = vpow2.f32 v2;
	_ =	sdelay $0x7  }
0x189: {  	s15 =	sadd.s32 $0x20, s15  }
0x18a: {  	s15 =	sand.u32 $0x700, s15;
	v2 =	vpop (erf)  }
0x18b: {  	s15 =	sor.u32 s20, s15;
	v2 =	vnsel vm0, $0x0, v2  }
0x18c: {  	s24 =	sadd.s32 $0x80, s21;
	[tilespmem:s15+$0x8A80] =	vst v2  }
0x18d: {  	s25 =	simm.s32 $0x180;
	[tilespmem:s24+$0x0] =	vst v2  }
0x18e: {  	[spmem:s2] =	stream.indirect.scatter.add.f32 [tilespmem:s28], [sflag:$0x7], $0x80, s25, s11, $0xb8;
	[tilespmem:$0x1EA80] =	vst v63  }
0x18f: {  	_ =	swait.ge [sflag:s29], $0x2000  }
0x190: {  	s26 =	sshll.u32 s19, $0x7;
	[sflag:s29] =	ssyncset.done $0x0  }
0x191: {  	s31 =	simm.s32 $0x8A80;
	s15 =	sadd.s32 s9, s26;
	[sflag:s29] =	ssyncadd.s32 $0xFFFFE000  }
0x192: {  	[hbm4b:s15+s3] =	stream.linear.scatter [tilespmem:s31], [sflag:$0x6], $0x80, $0x38;
	[tilespmem:$0x1EA80] =	vst v63  }
0x193: {  	s20 =	simm.s32 $0x8B80;
	s19 =	sadd.s32 $0x10, s15  }
0x194: {  	[hbm4b:s19+s3] =	stream.linear.scatter [tilespmem:s20], [sflag:$0x6], $0x80, $0x38;
	[tilespmem:$0x1EA80] =	vst v63  }
0x195: {  	s22 =	simm.s32 $0x8C80;
	s21 =	sadd.s32 $0x20, s15  }
0x196: {  	[hbm4b:s21+s3] =	stream.linear.scatter [tilespmem:s22], [sflag:$0x6], $0x80, $0x38;
	[tilespmem:$0x1EA80] =	vst v63  }
0x197: {  	s23 =	sadd.s32 $0x30, s15;
	s24 =	simm.s32 $0x8D80  }
0x198: {  	[hbm4b:s23+s3] =	stream.linear.scatter [tilespmem:s24], [sflag:$0x6], $0x80, $0x38;
	[tilespmem:$0x1EA80] =	vst v63  }
0x199: {  	s25 =	sadd.s32 $0x40, s15  }
0x19a: {  	[hbm4b:s25+s3] =	stream.linear.scatter [tilespmem:s0], [sflag:$0x6], $0x80, $0x38;
	[tilespmem:$0x1EA80] =	vst v63  }
0x19b: {  	s26 =	sadd.s32 $0x50, s15  }
0x19c: {  	[hbm4b:s26+s3] =	stream.linear.scatter [tilespmem:s13], [sflag:$0x6], $0x80, $0x38;
	[tilespmem:$0x1EA80] =	vst v63  }
.Ltmp9:
0x19d: {  	_ = 	snop;
	(pc) =	sbr.rel .LBB2_12-.Ltmp9, $4  }
0x19e: {  	s31 =	sadd.s32 $0x60, s15  }
0x19f: {  	[hbm4b:s31+s3] =	stream.linear.scatter [tilespmem:s12], [sflag:$0x6], $0x80, $0x38;
	[tilespmem:$0x1EA80] =	vst v63  }
0x1a0: {  	s15 =	sadd.s32 $0x70, s15  }
0x1a1: {  	[hbm4b:s15+s3] =	stream.linear.scatter [tilespmem:s14], [sflag:$0x6], $0x80, $0x38;
	[tilespmem:$0x1EA80] =	vst v63  }
.LBB2_13:
0x1a2: {  	s15 =	simm.s32 @!p2 $0x5  }
0x1a3: {  	_ =	swait.ge @!p2 [sflag:s15], $0x400  }
.Ltmp10:
0x1a4: {  	[sflag:s15] =	ssyncset.done @!p2 $0x0;
	(pc) =	sbr.rel @!p0 .LBB2_14-.Ltmp10, $4  }
0x1a5: {  	[sflag:s15] =	ssyncadd.s32 @!p2 $0xFFFFFC00  }
0x1a6: {  	s31 =	stileid.u32;
	[bflag:$0x0] =	sbarrier.arrive $0xFFFF  }
0x1a7: {  	s17 =	sshll.u32 s31, $0x6;
	s19 =	rddreg [dreg:$0x6]  }
0x1a8: {  	s15 =	sor.u32 $0x1C07, s17;
	s16 =	sshrl.u32 s19, $0x3  }
0x1a9: {  	s15 =	sor.u32 $0x1C07, s17;
	s31 =	rddreg [dreg:$0xf]  }
0x1aa: {  	[hbm:s31], [sflag:s15] =	dma.local [spmem:s16], $0x800  }
0x1ab: {  	_ =	swait.ge [sflag:s29], $0x800  }
0x1ac: {  	[sflag:s29] =	ssyncset.done $0x0;
	s20 =	rddreg [dreg:$0xc]  }
0x1ad: {  	s21 =	rddreg [dreg:$0x11];
	[sflag:s29] =	ssyncadd.s32 $0xFFFFF800;
	s16 =	sshrl.u32 s20, $0x3  }
0x1ae: {  	[hbm:s21], [sflag:s15] =	dma.local [spmem:s16], $0x800  }
0x1af: {  	_ =	swait.ge [sflag:s29], $0x800  }
0x1b0: {  	[sflag:s29] =	ssyncset.done $0x0;
	s22 =	rddreg [dreg:$0xd]  }
0x1b1: {  	s23 =	rddreg [dreg:$0x13];
	[sflag:s29] =	ssyncadd.s32 $0xFFFFF800;
	s16 =	sshrl.u32 s22, $0x3  }
0x1b2: {  	[hbm:s23], [sflag:s15] =	dma.local [spmem:s16], $0x800  }
0x1b3: {  	_ =	swait.ge [sflag:s29], $0x800  }
0x1b4: {  	[sflag:s29] =	ssyncset.done $0x0;
	s24 =	rddreg [dreg:$0xe]  }
0x1b5: {  	s25 =	rddreg [dreg:$0x15];
	[sflag:s29] =	ssyncadd.s32 $0xFFFFF800;
	s16 =	sshrl.u32 s24, $0x3  }
0x1b6: {  	[hbm:s25], [sflag:s15] =	dma.local [spmem:s16], $0x800  }
0x1b7: {  	_ =	swait.ge [sflag:s29], $0x800  }
0x1b8: {  	[sflag:s29] =	ssyncset.done $0x0;
	s26 =	rddreg [dreg:$0x7]  }
0x1b9: {  	s31 =	rddreg [dreg:$0x9];
	[sflag:s29] =	ssyncadd.s32 $0xFFFFF800;
	s16 =	sshrl.u32 s26, $0x3  }
0x1ba: {  	[hbm:s31], [sflag:s15] =	dma.local [spmem:s16], $0x700  }
.Ltmp11:
0x1bb: {  	_ = 	snop;
	(pc) =	sbr.rel @p1 .LBB2_17-.Ltmp11, $4  }
.Ltmp12:
0x1bc: {  	_ = 	snop;
	(pc) =	sbr.rel @!p1 .LBB2_16-.Ltmp12, $4  }
0x1bd: {  	_ =	swait.ge [sflag:s29], $0x700  }
0x1be: {  	[sflag:s29] =	ssyncset.done $0x0;
	s20 =	sld [smem:$0x7FD]  }
0x1bf: {  	s16 =	rddreg [dreg:$0x5];
	[sflag:s29] =	ssyncadd.s32 $0xFFFFF900  }
0x1c0: {  	_ = 	snop  }
.LBB2_14:
0x1c1: {  	s17 =	rddreg [dreg:$0xb]  }
0x1c2: {  	[hbm:s17], [sflag:s15] =	dma.local [spmem:s16], $0x800  }
0x1c3: {  	_ =	swait.ge [sflag:s29], $0x800  }
0x1c4: {  	[sflag:s29] =	ssyncset.done $0x0;
	s20 =	rddreg [dreg:$0xc]  }
0x1c5: {  	s21 =	rddreg [dreg:$0x10];
	[sflag:s29] =	ssyncadd.s32 $0xFFFFF800;
	s16 =	sshrl.u32 s20, $0x3  }
0x1c6: {  	[hbm:s21], [sflag:s15] =	dma.local [spmem:s16], $0x800  }
0x1c7: {  	_ =	swait.ge [sflag:s29], $0x800  }
0x1c8: {  	[sflag:s29] =	ssyncset.done $0x0;
	s22 =	rddreg [dreg:$0xd]  }
0x1c9: {  	s23 =	rddreg [dreg:$0x12];
	[sflag:s29] =	ssyncadd.s32 $0xFFFFF800;
	s16 =	sshrl.u32 s22, $0x3  }
0x1ca: {  	[hbm:s23], [sflag:s15] =	dma.local [spmem:s16], $0x800  }
0x1cb: {  	_ =	swait.ge [sflag:s29], $0x800  }
0x1cc: {  	[sflag:s29] =	ssyncset.done $0x0;
	s24 =	rddreg [dreg:$0xe]  }
0x1cd: {  	s25 =	rddreg [dreg:$0x14];
	[sflag:s29] =	ssyncadd.s32 $0xFFFFF800;
	s16 =	sshrl.u32 s24, $0x3  }
0x1ce: {  	[hbm:s25], [sflag:s15] =	dma.local [spmem:s16], $0x800  }
0x1cf: {  	_ =	swait.ge [sflag:s29], $0x800  }
0x1d0: {  	[sflag:s29] =	ssyncset.done $0x0;
	s26 =	rddreg [dreg:$0x7]  }
0x1d1: {  	s31 =	rddreg [dreg:$0x8];
	[sflag:s29] =	ssyncadd.s32 $0xFFFFF800;
	s16 =	sshrl.u32 s26, $0x3  }
0x1d2: {  	[hbm:s31], [sflag:s15] =	dma.local [spmem:s16], $0x700  }
.Ltmp13:
0x1d3: {  	_ = 	snop;
	(pc) =	sbr.rel @p3 .LBB2_16-.Ltmp13, $4  }
.Ltmp14:
0x1d4: {  	_ = 	snop;
	(pc) =	sbr.rel @!p3 .LBB2_17-.Ltmp14, $4  }
0x1d5: {  	_ =	swait.ge [sflag:s29], $0x700  }
0x1d6: {  	[sflag:s29] =	ssyncset.done $0x0;
	s20 =	sld [smem:$0x7FD]  }
0x1d7: {  	s16 =	rddreg [dreg:$0x4];
	[sflag:s29] =	ssyncadd.s32 $0xFFFFF900  }
0x1d8: {  	_ = 	snop  }
.LBB2_18:
0x1d9: {  	_ =	sfence.sel $0x180000  }
0x1da: {  	[bflag:$0x0] =	sbarrier.arrive $0xFFFF  }
0x1db: {  	_ =	strace $0x90000047  }
0x1dc: {  	s0 =	stileid.u32;
	[bflag:$0x2] =	sbarrier.arrive $0xFFFF  }
0x1dd: {  	p0 =	sne.s32 s0, $0x0;
	s0 =	rddreg [dreg:$0x3]  }
0x1de: {  	s0 =	sadd.s32 @!p0 $0x100000, s0  }
0x1df: {  	[sflag:s0] =	ssyncadd.tile.s32 @!p0 $0x1;
	_ =	shalt  }
.Lfunc_end2:
_tile_overlayer_lowered:
.L_overlay_start_2:
0x1e0: {  	(tag) =	ssettag $0x2  }
0x1e1: {  	s0 =	rddreg [dreg:$0x0];
	s2 =	stileid.u32  }
0x1e2: {  	s1 =	rddreg [dreg:$0x1];
	p0 =	sne.s32 s2, $0x0  }
0x1e3: {  	s3 =	rddreg [dreg:$0x2];
	[bflag:$0x3] =	sbarrier.arrive $0xFFFF;
	s2 =	simm.s32 @!p0 $0x1C07  }
0x1e4: {  	[timem:s3], [sflag:s2] =	dma.local @!p0 [hbm:s0], s1  }
0x1e5: {  	s0 =	simm.s32 @!p0 $0x7  }
0x1e6: {  	_ =	swait.ge @!p0 [sflag:s0], s1  }
0x1e7: {  	s1 =	ssub.s32 @!p0 $0x0, s1;
	[sflag:s0] =	ssyncset.done @!p0 $0x0  }
0x1e8: {  	[sflag:s0] =	ssyncadd.s32 @!p0 s1  }
0x1e9: {  	[bflag:$0x3] =	sbarrier.arrive $0xFFFF  }
0x1ea: {  	_ =	shalt  }

</sc_bundles>
